<compile_context>
chip_gen: v7x
topology: tpu7x:2x2x1
jax: 0.10.2.dev20260603
libtpu: 0.0.44.dev20260713+nightly
codegen_flags: <defaults>
</compile_context>

<pallas_src>
import functools

import jax
import jax.numpy as jnp
from jax import lax
from jax.experimental import pallas as pl
from jax.experimental.pallas import tpu as pltpu
from jax.experimental.pallas import tpu_sc as plsc

E = 8
PHM = 4
D = 1024
PER = D // PHM

RB = 512
T = 256
NW = 32
CH = 64
NCH = RB // CH

def _sc_mesh():
    return plsc.VectorSubcoreMesh(core_axis_name="c", subcore_axis_name="s")


def _router_body(x_ref, gw_ref, xsc_ref, gate_ref, intra_ref, cnt_ref, ps_ref):
    x = x_ref[...]
    gw = gw_ref[...]
    logits = lax.dot_general(x, gw, (((1,), (1,)), ((), ())),
                             precision=lax.Precision.HIGHEST,
                             preferred_element_type=jnp.float32)
    m = jnp.max(logits, axis=1, keepdims=True)
    ex = jnp.exp(logits - m)
    prob = ex / jnp.sum(ex, axis=1, keepdims=True)
    pmax = jnp.max(prob, axis=1)
    iota_e = lax.broadcasted_iota(jnp.int32, (RB, E), 1)
    gate = jnp.min(jnp.where(prob == pmax[:, None], iota_e, E), axis=1)
    onehot = (iota_e == gate[:, None]).astype(jnp.float32)
    ri = lax.broadcasted_iota(jnp.int32, (RB, RB), 0)
    ci = lax.broadcasted_iota(jnp.int32, (RB, RB), 1)
    lt = (ri > ci).astype(jnp.float32)
    pre = lax.dot_general(lt, onehot, (((1,), (0,)), ((), ())),
                          preferred_element_type=jnp.float32)
    intra = jnp.sum(pre * onehot, axis=1).astype(jnp.int32)
    xsc_ref[...] = x * pmax[:, None]
    gate_ref[...] = gate.reshape(1, 1, RB)
    intra_ref[...] = intra.reshape(1, 1, RB)
    cnt_ref[...] = jnp.sum(onehot, axis=0).reshape(1, 1, E)
    ps_ref[...] = jnp.sum(prob, axis=0).reshape(1, 1, E)


def _router(xf, gate_w):
    ntok = xf.shape[0]
    nrb = ntok // RB
    return pl.pallas_call(
        _router_body,
        grid=(nrb,),
        in_specs=[
            pl.BlockSpec((RB, D), lambda i: (i, 0)),
            pl.BlockSpec((E, D), lambda i: (0, 0)),
        ],
        out_specs=[
            pl.BlockSpec((RB, D), lambda i: (i, 0)),
            pl.BlockSpec((1, 1, RB), lambda i: (i, 0, 0)),
            pl.BlockSpec((1, 1, RB), lambda i: (i, 0, 0)),
            pl.BlockSpec((1, 1, E), lambda i: (i, 0, 0)),
            pl.BlockSpec((1, 1, E), lambda i: (i, 0, 0)),
        ],
        out_shape=[
            jax.ShapeDtypeStruct((ntok, D), jnp.float32),
            jax.ShapeDtypeStruct((nrb, 1, RB), jnp.int32),
            jax.ShapeDtypeStruct((nrb, 1, RB), jnp.int32),
            jax.ShapeDtypeStruct((nrb, 1, E), jnp.float32),
            jax.ShapeDtypeStruct((nrb, 1, E), jnp.float32),
        ],
    )(xf, gate_w)


def _hbuild_body(rule_ref, w_ref, h_ref):
    e = pl.program_id(0)
    for i in range(PHM):
        for k in range(PHM):
            acc = rule_ref[e, 0, i, k] * w_ref[0, 0]
            for a in range(1, PHM):
                acc = acc + rule_ref[e, a, i, k] * w_ref[0, a]
            h_ref[0, pl.ds(i * PER, PER), pl.ds(k * PER, PER)] = acc


def _hbuild(phm_rule, W):
    return pl.pallas_call(
        _hbuild_body,
        grid=(E,),
        in_specs=[
            pl.BlockSpec(memory_space=pltpu.SMEM),
            pl.BlockSpec((1, PHM, PER, PER), lambda e: (e, 0, 0, 0)),
        ],
        out_specs=pl.BlockSpec((1, D, D), lambda e: (e, 0, 0)),
        out_shape=jax.ShapeDtypeStruct((E, D, D), jnp.float32),
    )(phm_rule, W)


def _sc_dispatch(xsc, gate, intra, base16, npad):
    ntok = xsc.shape[0]

    @functools.partial(
        pl.kernel,
        out_type=[
            jax.ShapeDtypeStruct((npad, D), jnp.float32),
            jax.ShapeDtypeStruct((NW, NCH, CH), jnp.int32),
        ],
        mesh=_sc_mesh(),
        compiler_params=pltpu.CompilerParams(needs_layout_passes=False),
        scratch_types=[
            pltpu.VMEM((16,), jnp.int32),
            pltpu.VMEM((RB,), jnp.int32),
            pltpu.VMEM((RB,), jnp.int32),
            pltpu.VMEM((NCH, CH), jnp.int32),
            pltpu.VMEM((CH, D), jnp.float32),
            pltpu.SemaphoreType.DMA,
        ],
    )
    def k(xsc_h, gate_h, intra_h, base_h, xs_h, dst3_h,
          base_v, gate_v, intra_v, dstm_v, rows_v, sem):
        wid = lax.axis_index("s") * 2 + lax.axis_index("c")
        tok0 = wid * RB
        pltpu.sync_copy(base_h.at[wid], base_v)
        pltpu.sync_copy(gate_h.at[pl.ds(tok0, RB)], gate_v)
        pltpu.sync_copy(intra_h.at[pl.ds(tok0, RB)], intra_v)
        for i in range(RB // 16):
            g = gate_v[pl.ds(i * 16, 16)]
            r = intra_v[pl.ds(i * 16, 16)]
            d = plsc.load_gather(base_v, [g]) + r
            dstm_v[i // (CH // 16), pl.ds((i % (CH // 16)) * 16, 16)] = d
        pltpu.sync_copy(dstm_v, dst3_h.at[wid])
        for ch in range(NCH):
            pltpu.sync_copy(xsc_h.at[pl.ds(tok0 + ch * CH, CH)], rows_v)
            pltpu.async_copy(rows_v, xs_h.at[dstm_v.at[ch]], sem).wait()

    return k(xsc, gate, intra, base16)


def _mm_body(be_ref, xs_ref, h_ref, o_ref):
    o_ref[...] = jnp.dot(xs_ref[...], h_ref[0],
                         preferred_element_type=jnp.float32)


def _expert_mm(be, xs, H):
    npad = xs.shape[0]
    nbx = npad // T
    grid_spec = pltpu.PrefetchScalarGridSpec(
        num_scalar_prefetch=1,
        grid=(nbx,),
        in_specs=[
            pl.BlockSpec((T, D), lambda i, be_s: (i, 0)),
            pl.BlockSpec((1, D, D), lambda i, be_s: (be_s[i], 0, 0)),
        ],
        out_specs=pl.BlockSpec((T, D), lambda i, be_s: (i, 0)),
    )
    return pl.pallas_call(
        _mm_body,
        grid_spec=grid_spec,
        out_shape=jax.ShapeDtypeStruct((npad, D), jnp.float32),
    )(be, xs, H)


def _sc_combine(ys, dst3, ntok):
    @functools.partial(
        pl.kernel,
        out_type=jax.ShapeDtypeStruct((ntok, D), jnp.float32),
        mesh=_sc_mesh(),
        scratch_types=[
            pltpu.VMEM((NCH, CH), jnp.int32),
            pltpu.VMEM((CH, D), jnp.float32),
            pltpu.SemaphoreType.DMA,
        ],
    )
    def k(ys_h, dst3_h, y_h, dstm_v, rows_v, sem):
        wid = lax.axis_index("s") * 2 + lax.axis_index("c")
        tok0 = wid * RB
        pltpu.sync_copy(dst3_h.at[wid], dstm_v)
        for ch in range(NCH):
            pltpu.async_copy(ys_h.at[dstm_v.at[ch]], rows_v, sem).wait()
            pltpu.sync_copy(rows_v, y_h.at[pl.ds(tok0 + ch * CH, CH)])

    return k(ys, dst3)


def kernel(hidden_states, gate_w, phm_rule, W, b):
    bsz, seq_len, dim = hidden_states.shape
    ntok = bsz * seq_len
    nrb = ntok // RB
    nbx = ntok // T + E
    npad = nbx * T
    xf = hidden_states.reshape(ntok, dim)

    xsc, gate3, intra3, cnt3, ps3 = _router(xf, gate_w)
    gate = gate3.reshape(ntok)
    intra = intra3.reshape(ntok)
    cnt = cnt3.reshape(nrb, E)
    ps = ps3.reshape(nrb, E)

    counts = jnp.sum(cnt, axis=0)
    num_tokens = counts.astype(jnp.int32)
    P = jnp.sum(ps, axis=0) / ntok
    f = counts / ntok
    balance_loss = E * jnp.sum(P * f)

    blockcum = (jnp.cumsum(cnt, axis=0) - cnt).astype(jnp.int32)
    padded = ((num_tokens + (T - 1)) // T) * T
    offsets = jnp.cumsum(padded) - padded
    base = offsets[None, :] + blockcum
    base16 = jnp.concatenate(
        [base, jnp.zeros((NW, 16 - E), jnp.int32)], axis=1)
    sb = offsets // T
    bi = jnp.arange(nbx, dtype=jnp.int32)
    be = jnp.sum((bi[:, None] >= sb[None, :]).astype(jnp.int32), axis=1) - 1

    xs, dst3 = _sc_dispatch(xsc, gate, intra, base16, npad)
    H = _hbuild(phm_rule, W)
    ys = _expert_mm(be, xs, H)
    y = _sc_combine(ys, dst3, ntok).reshape(bsz, seq_len, dim)
    return y, balance_loss, num_tokens

# --- scband reference (transcript-rebuilt; emitter-appended) ---
"""Pipeline reference for scband-phmexpert-26680336843014 (READ-ONLY COPY).

The authoritative reference and input builder live on the scoring server;
editing this copy changes nothing except your own understanding.
"""

import jax, jax.numpy as jnp
import numpy as np

E = 8
PHM = 4
D_IN = 1024
D_OUT = 1024
IN_PER = D_IN // PHM
OUT_PER = D_OUT // PHM


def setup_inputs(seed: int = 0) -> dict:
    key = jax.random.key(seed)
    ks = jax.random.split(key, 5)
    hidden_states = jax.random.normal(ks[0], (2, 8192, D_IN), dtype=jnp.float32)
    gate_w = jax.random.normal(ks[1], (E, D_IN), dtype=jnp.float32) * 0.02
    phm_rule = jax.random.normal(ks[2], (E, PHM, PHM, PHM), dtype=jnp.float32) * 0.5
    W = jax.random.normal(ks[3], (E, PHM, IN_PER, OUT_PER), dtype=jnp.float32) * (1.0 / np.sqrt(IN_PER))
    b = jnp.zeros((E, D_OUT), dtype=jnp.float32)
    return {"hidden_states": hidden_states, "gate_w": gate_w, "phm_rule": phm_rule, "W": W, "b": b}


def _phm_linear(seg, rule, w, bias):
    # PHM linear: H = sum_a kron(rule[a], w[a]); y = seg @ H + bias
    # rule: [PHM, PHM, PHM], w: [PHM, IN_PER, OUT_PER]
    H = jnp.einsum('aik,ajl->ijkl', rule, w)
    H = H.reshape(rule.shape[1] * w.shape[1], rule.shape[2] * w.shape[2])
    return seg @ H + bias


def reference(hidden_states, gate_w, phm_rule, W, b):
    bsz, seq_len, dim = hidden_states.shape
    xf = hidden_states.reshape(-1, dim)
    logits = xf @ gate_w.T
    prob = jax.nn.softmax(logits, axis=-1)
    gate = jnp.argmax(prob, axis=-1)
    num_tokens = jnp.bincount(gate, length=E)
    prob_sel = jnp.take_along_axis(prob, gate[:, None], axis=1)
    P = prob.mean(0)
    f = num_tokens.astype(jnp.float32)
    f = f / f.sum()
    balance_loss = E * jnp.sum(P * f)
    y = jnp.zeros((xf.shape[0], b.shape[1]), dtype=xf.dtype)
    for i in range(E):
        out_i = _phm_linear(xf, phm_rule[i], W[i], b[i]) * prob_sel
        y = jnp.where((gate == i)[:, None], out_i, y)
    y = y.reshape(bsz, seq_len, -1)
    return y, balance_loss, num_tokens

if __name__ == "__main__":
    import jax
    _d = setup_inputs()
    print(jax.jit(kernel)(*tuple(_d.values())))

</pallas_src>

<mosaic_0001>
#map = affine_map<(d0, d1) -> (0, 0)>
#map1 = affine_map<(d0, d1) -> (0, 0, 0)>
module attributes {stable_mosaic.version = 14 : i64} {
  func.func @k(%arg0: i32, %arg1: i32, %arg2: memref<18432x1024xf32, #tpu.memory_space<hbm>>, %arg3: memref<32x8x64xi32, #tpu.memory_space<hbm>>, %arg4: memref<16384x1024xf32, #tpu.memory_space<hbm>>, %arg5: memref<8x64xi32, #tpu.memory_space<vmem>>, %arg6: memref<64x1024xf32, #tpu.memory_space<vmem>>, %arg7: memref<!tpu.dma_semaphore, #tpu.memory_space<semaphore_mem>>) attributes {dimension_semantics = [#tpu.dimension_semantics<core_parallel>, #tpu.dimension_semantics<subcore_parallel>], iteration_bounds = array<i64: 2, 16>, scalar_prefetch = 0 : i64, scratch_operands = 3 : i64, tpu.core_type = #tpu.core_type<sc_vector_subcore>, window_params = [{transform_indices = #map}, {transform_indices = #map1}, {transform_indices = #map}]} {
    %mul3A = arith.constant 2 : i32
    %mul3A_0 = arith.muli %arg1, %mul3A : i32
    %add3A = arith.addi %mul3A_0, %arg0 : i32
    %mul3A_1 = arith.constant 512 : i32
    %mul3A_2 = arith.muli %add3A, %mul3A_1 : i32
    "tpu.region"() ({
      %run_scoped3A = tpu.sem_alloc : memref<!tpu.dma_semaphore, #tpu.memory_space<semaphore_mem>>
      %dma_start3A_129 = arith.constant 0 : i32
      %dma_start3A_130 = arith.constant 0 : i32
      %dma_start3A_131 = tpu.memref_slice %arg3[%add3A, %dma_start3A_129, %dma_start3A_130] : memref<32x8x64xi32, #tpu.memory_space<hbm>> -> memref<1x8x64xi32, #tpu.memory_space<hbm>>
      %dma_start3A_132 = tpu.memref_squeeze %dma_start3A_131 : memref<1x8x64xi32, #tpu.memory_space<hbm>> -> memref<8x64xi32, #tpu.memory_space<hbm>>
      %dma_start3A_133 = arith.constant 0 : i32
      %dma_start3A_134 = arith.constant 0 : i32
      %dma_start3A_135 = tpu.memref_slice %arg3[%add3A, %dma_start3A_133, %dma_start3A_134] : memref<32x8x64xi32, #tpu.memory_space<hbm>> -> memref<1x8x64xi32, #tpu.memory_space<hbm>>
      %dma_start3A_136 = tpu.memref_squeeze %dma_start3A_135 : memref<1x8x64xi32, #tpu.memory_space<hbm>> -> memref<8x64xi32, #tpu.memory_space<hbm>>
      tpu.enqueue_dma source(%dma_start3A_136 : memref<8x64xi32, #tpu.memory_space<hbm>>) target(%arg5 : memref<8x64xi32, #tpu.memory_space<vmem>>) target_semaphore(%run_scoped3A : memref<!tpu.dma_semaphore, #tpu.memory_space<semaphore_mem>>)
      %dma_wait3A_137 = arith.constant 0 : i32
      %dma_wait3A_138 = arith.constant 0 : i32
      %dma_wait3A_139 = tpu.memref_slice %arg3[%add3A, %dma_wait3A_137, %dma_wait3A_138] : memref<32x8x64xi32, #tpu.memory_space<hbm>> -> memref<1x8x64xi32, #tpu.memory_space<hbm>>
      %dma_wait3A_140 = tpu.memref_squeeze %dma_wait3A_139 : memref<1x8x64xi32, #tpu.memory_space<hbm>> -> memref<8x64xi32, #tpu.memory_space<hbm>>
      %dma_wait3A_141 = arith.constant 0 : i32
      %dma_wait3A_142 = arith.constant 0 : i32
      %dma_wait3A_143 = tpu.memref_slice %arg3[%add3A, %dma_wait3A_141, %dma_wait3A_142] : memref<32x8x64xi32, #tpu.memory_space<hbm>> -> memref<1x8x64xi32, #tpu.memory_space<hbm>>
      %dma_wait3A_144 = tpu.memref_squeeze %dma_wait3A_143 : memref<1x8x64xi32, #tpu.memory_space<hbm>> -> memref<8x64xi32, #tpu.memory_space<hbm>>
      tpu.wait_dma2 semaphore(%run_scoped3A : memref<!tpu.dma_semaphore, #tpu.memory_space<semaphore_mem>>) src(%dma_wait3A_144 : memref<8x64xi32, #tpu.memory_space<hbm>>) dst(%arg5 : memref<8x64xi32, #tpu.memory_space<vmem>>)
      tpu.yield
    }) : () -> ()
    %dma_start3A = arith.constant 0 : i32
    %dma_start3A_3 = arith.constant 0 : i32
    %dma_start3A_4 = tpu.memref_slice %arg5[%dma_start3A, %dma_start3A_3] : memref<8x64xi32, #tpu.memory_space<vmem>> -> memref<1x64xi32, #tpu.memory_space<vmem>>
    %dma_start3A_5 = tpu.memref_squeeze %dma_start3A_4 : memref<1x64xi32, #tpu.memory_space<vmem>> -> memref<64xi32, #tpu.memory_space<vmem>>
    %dma_start3A_6 = arith.constant 0 : i32
    %dma_start3A_7 = arith.constant 0 : i32
    %dma_start3A_8 = tpu.memref_slice %arg2[%dma_start3A_6, %dma_start3A_7] : memref<18432x1024xf32, #tpu.memory_space<hbm>> -> memref<18432x1024xf32, #tpu.memory_space<hbm>>
    tpu.enqueue_indirect_dma source(%dma_start3A_8 : memref<18432x1024xf32, #tpu.memory_space<hbm>>) target(%arg6 : memref<64x1024xf32, #tpu.memory_space<vmem>>) offsets(%dma_start3A_5 : memref<64xi32, #tpu.memory_space<vmem>>) semaphore(%arg7 : memref<!tpu.dma_semaphore, #tpu.memory_space<semaphore_mem>>)
    %dma_wait3A = arith.constant 0 : i32
    %dma_wait3A_9 = arith.constant 0 : i32
    %dma_wait3A_10 = tpu.memref_slice %arg5[%dma_wait3A, %dma_wait3A_9] : memref<8x64xi32, #tpu.memory_space<vmem>> -> memref<1x64xi32, #tpu.memory_space<vmem>>
    %dma_wait3A_11 = tpu.memref_squeeze %dma_wait3A_10 : memref<1x64xi32, #tpu.memory_space<vmem>> -> memref<64xi32, #tpu.memory_space<vmem>>
    %dma_wait3A_12 = arith.constant 0 : i32
    %dma_wait3A_13 = arith.constant 0 : i32
    %dma_wait3A_14 = tpu.memref_slice %arg2[%dma_wait3A_12, %dma_wait3A_13] : memref<18432x1024xf32, #tpu.memory_space<hbm>> -> memref<18432x1024xf32, #tpu.memory_space<hbm>>
    tpu.wait_indirect_dma semaphore(%arg7 : memref<!tpu.dma_semaphore, #tpu.memory_space<semaphore_mem>>) src(%dma_wait3A_14 : memref<18432x1024xf32, #tpu.memory_space<hbm>>) dst(%arg6 : memref<64x1024xf32, #tpu.memory_space<vmem>>)
    %add3A_15 = arith.constant 0 : i32
    %add3A_16 = arith.addi %mul3A_2, %add3A_15 : i32
    "tpu.region"() ({
      %run_scoped3A = tpu.sem_alloc : memref<!tpu.dma_semaphore, #tpu.memory_space<semaphore_mem>>
      %dma_start3A_129 = arith.constant 0 : i32
      %dma_start3A_130 = tpu.memref_slice %arg4[%add3A_16, %dma_start3A_129] : memref<16384x1024xf32, #tpu.memory_space<hbm>> -> memref<64x1024xf32, #tpu.memory_space<hbm>>
      %dma_start3A_131 = arith.constant 0 : i32
      %dma_start3A_132 = tpu.memref_slice %arg4[%add3A_16, %dma_start3A_131] : memref<16384x1024xf32, #tpu.memory_space<hbm>> -> memref<64x1024xf32, #tpu.memory_space<hbm>>
      tpu.enqueue_dma source(%arg6 : memref<64x1024xf32, #tpu.memory_space<vmem>>) target(%dma_start3A_132 : memref<64x1024xf32, #tpu.memory_space<hbm>>) target_semaphore(%run_scoped3A : memref<!tpu.dma_semaphore, #tpu.memory_space<semaphore_mem>>)
      %dma_wait3A_133 = arith.constant 0 : i32
      %dma_wait3A_134 = tpu.memref_slice %arg4[%add3A_16, %dma_wait3A_133] : memref<16384x1024xf32, #tpu.memory_space<hbm>> -> memref<64x1024xf32, #tpu.memory_space<hbm>>
      %dma_wait3A_135 = arith.constant 0 : i32
      %dma_wait3A_136 = tpu.memref_slice %arg4[%add3A_16, %dma_wait3A_135] : memref<16384x1024xf32, #tpu.memory_space<hbm>> -> memref<64x1024xf32, #tpu.memory_space<hbm>>
      tpu.wait_dma2 semaphore(%run_scoped3A : memref<!tpu.dma_semaphore, #tpu.memory_space<semaphore_mem>>) src(%arg6 : memref<64x1024xf32, #tpu.memory_space<vmem>>) dst(%dma_wait3A_136 : memref<64x1024xf32, #tpu.memory_space<hbm>>)
      tpu.yield
    }) : () -> ()
    %dma_start3A_17 = arith.constant 1 : i32
    %dma_start3A_18 = arith.constant 0 : i32
    %dma_start3A_19 = tpu.memref_slice %arg5[%dma_start3A_17, %dma_start3A_18] : memref<8x64xi32, #tpu.memory_space<vmem>> -> memref<1x64xi32, #tpu.memory_space<vmem>>
    %dma_start3A_20 = tpu.memref_squeeze %dma_start3A_19 : memref<1x64xi32, #tpu.memory_space<vmem>> -> memref<64xi32, #tpu.memory_space<vmem>>
    %dma_start3A_21 = arith.constant 0 : i32
    %dma_start3A_22 = arith.constant 0 : i32
    %dma_start3A_23 = tpu.memref_slice %arg2[%dma_start3A_21, %dma_start3A_22] : memref<18432x1024xf32, #tpu.memory_space<hbm>> -> memref<18432x1024xf32, #tpu.memory_space<hbm>>
    tpu.enqueue_indirect_dma source(%dma_start3A_23 : memref<18432x1024xf32, #tpu.memory_space<hbm>>) target(%arg6 : memref<64x1024xf32, #tpu.memory_space<vmem>>) offsets(%dma_start3A_20 : memref<64xi32, #tpu.memory_space<vmem>>) semaphore(%arg7 : memref<!tpu.dma_semaphore, #tpu.memory_space<semaphore_mem>>)
    %dma_wait3A_24 = arith.constant 1 : i32
    %dma_wait3A_25 = arith.constant 0 : i32
    %dma_wait3A_26 = tpu.memref_slice %arg5[%dma_wait3A_24, %dma_wait3A_25] : memref<8x64xi32, #tpu.memory_space<vmem>> -> memref<1x64xi32, #tpu.memory_space<vmem>>
    %dma_wait3A_27 = tpu.memref_squeeze %dma_wait3A_26 : memref<1x64xi32, #tpu.memory_space<vmem>> -> memref<64xi32, #tpu.memory_space<vmem>>
    %dma_wait3A_28 = arith.constant 0 : i32
    %dma_wait3A_29 = arith.constant 0 : i32
    %dma_wait3A_30 = tpu.memref_slice %arg2[%dma_wait3A_28, %dma_wait3A_29] : memref<18432x1024xf32, #tpu.memory_space<hbm>> -> memref<18432x1024xf32, #tpu.memory_space<hbm>>
    tpu.wait_indirect_dma semaphore(%arg7 : memref<!tpu.dma_semaphore, #tpu.memory_space<semaphore_mem>>) src(%dma_wait3A_30 : memref<18432x1024xf32, #tpu.memory_space<hbm>>) dst(%arg6 : memref<64x1024xf32, #tpu.memory_space<vmem>>)
    %add3A_31 = arith.constant 64 : i32
    %add3A_32 = arith.addi %mul3A_2, %add3A_31 : i32
    "tpu.region"() ({
      %run_scoped3A = tpu.sem_alloc : memref<!tpu.dma_semaphore, #tpu.memory_space<semaphore_mem>>
      %dma_start3A_129 = arith.constant 0 : i32
      %dma_start3A_130 = tpu.memref_slice %arg4[%add3A_32, %dma_start3A_129] : memref<16384x1024xf32, #tpu.memory_space<hbm>> -> memref<64x1024xf32, #tpu.memory_space<hbm>>
      %dma_start3A_131 = arith.constant 0 : i32
      %dma_start3A_132 = tpu.memref_slice %arg4[%add3A_32, %dma_start3A_131] : memref<16384x1024xf32, #tpu.memory_space<hbm>> -> memref<64x1024xf32, #tpu.memory_space<hbm>>
      tpu.enqueue_dma source(%arg6 : memref<64x1024xf32, #tpu.memory_space<vmem>>) target(%dma_start3A_132 : memref<64x1024xf32, #tpu.memory_space<hbm>>) target_semaphore(%run_scoped3A : memref<!tpu.dma_semaphore, #tpu.memory_space<semaphore_mem>>)
      %dma_wait3A_133 = arith.constant 0 : i32
      %dma_wait3A_134 = tpu.memref_slice %arg4[%add3A_32, %dma_wait3A_133] : memref<16384x1024xf32, #tpu.memory_space<hbm>> -> memref<64x1024xf32, #tpu.memory_space<hbm>>
      %dma_wait3A_135 = arith.constant 0 : i32
      %dma_wait3A_136 = tpu.memref_slice %arg4[%add3A_32, %dma_wait3A_135] : memref<16384x1024xf32, #tpu.memory_space<hbm>> -> memref<64x1024xf32, #tpu.memory_space<hbm>>
      tpu.wait_dma2 semaphore(%run_scoped3A : memref<!tpu.dma_semaphore, #tpu.memory_space<semaphore_mem>>) src(%arg6 : memref<64x1024xf32, #tpu.memory_space<vmem>>) dst(%dma_wait3A_136 : memref<64x1024xf32, #tpu.memory_space<hbm>>)
      tpu.yield
    }) : () -> ()
    %dma_start3A_33 = arith.constant 2 : i32
    %dma_start3A_34 = arith.constant 0 : i32
    %dma_start3A_35 = tpu.memref_slice %arg5[%dma_start3A_33, %dma_start3A_34] : memref<8x64xi32, #tpu.memory_space<vmem>> -> memref<1x64xi32, #tpu.memory_space<vmem>>
    %dma_start3A_36 = tpu.memref_squeeze %dma_start3A_35 : memref<1x64xi32, #tpu.memory_space<vmem>> -> memref<64xi32, #tpu.memory_space<vmem>>
    %dma_start3A_37 = arith.constant 0 : i32
    %dma_start3A_38 = arith.constant 0 : i32
    %dma_start3A_39 = tpu.memref_slice %arg2[%dma_start3A_37, %dma_start3A_38] : memref<18432x1024xf32, #tpu.memory_space<hbm>> -> memref<18432x1024xf32, #tpu.memory_space<hbm>>
    tpu.enqueue_indirect_dma source(%dma_start3A_39 : memref<18432x1024xf32, #tpu.memory_space<hbm>>) target(%arg6 : memref<64x1024xf32, #tpu.memory_space<vmem>>) offsets(%dma_start3A_36 : memref<64xi32, #tpu.memory_space<vmem>>) semaphore(%arg7 : memref<!tpu.dma_semaphore, #tpu.memory_space<semaphore_mem>>)
    %dma_wait3A_40 = arith.constant 2 : i32
    %dma_wait3A_41 = arith.constant 0 : i32
    %dma_wait3A_42 = tpu.memref_slice %arg5[%dma_wait3A_40, %dma_wait3A_41] : memref<8x64xi32, #tpu.memory_space<vmem>> -> memref<1x64xi32, #tpu.memory_space<vmem>>
    %dma_wait3A_43 = tpu.memref_squeeze %dma_wait3A_42 : memref<1x64xi32, #tpu.memory_space<vmem>> -> memref<64xi32, #tpu.memory_space<vmem>>
    %dma_wait3A_44 = arith.constant 0 : i32
    %dma_wait3A_45 = arith.constant 0 : i32
    %dma_wait3A_46 = tpu.memref_slice %arg2[%dma_wait3A_44, %dma_wait3A_45] : memref<18432x1024xf32, #tpu.memory_space<hbm>> -> memref<18432x1024xf32, #tpu.memory_space<hbm>>
    tpu.wait_indirect_dma semaphore(%arg7 : memref<!tpu.dma_semaphore, #tpu.memory_space<semaphore_mem>>) src(%dma_wait3A_46 : memref<18432x1024xf32, #tpu.memory_space<hbm>>) dst(%arg6 : memref<64x1024xf32, #tpu.memory_space<vmem>>)
    %add3A_47 = arith.constant 128 : i32
    %add3A_48 = arith.addi %mul3A_2, %add3A_47 : i32
    "tpu.region"() ({
      %run_scoped3A = tpu.sem_alloc : memref<!tpu.dma_semaphore, #tpu.memory_space<semaphore_mem>>
      %dma_start3A_129 = arith.constant 0 : i32
      %dma_start3A_130 = tpu.memref_slice %arg4[%add3A_48, %dma_start3A_129] : memref<16384x1024xf32, #tpu.memory_space<hbm>> -> memref<64x1024xf32, #tpu.memory_space<hbm>>
      %dma_start3A_131 = arith.constant 0 : i32
      %dma_start3A_132 = tpu.memref_slice %arg4[%add3A_48, %dma_start3A_131] : memref<16384x1024xf32, #tpu.memory_space<hbm>> -> memref<64x1024xf32, #tpu.memory_space<hbm>>
      tpu.enqueue_dma source(%arg6 : memref<64x1024xf32, #tpu.memory_space<vmem>>) target(%dma_start3A_132 : memref<64x1024xf32, #tpu.memory_space<hbm>>) target_semaphore(%run_scoped3A : memref<!tpu.dma_semaphore, #tpu.memory_space<semaphore_mem>>)
      %dma_wait3A_133 = arith.constant 0 : i32
      %dma_wait3A_134 = tpu.memref_slice %arg4[%add3A_48, %dma_wait3A_133] : memref<16384x1024xf32, #tpu.memory_space<hbm>> -> memref<64x1024xf32, #tpu.memory_space<hbm>>
      %dma_wait3A_135 = arith.constant 0 : i32
      %dma_wait3A_136 = tpu.memref_slice %arg4[%add3A_48, %dma_wait3A_135] : memref<16384x1024xf32, #tpu.memory_space<hbm>> -> memref<64x1024xf32, #tpu.memory_space<hbm>>
      tpu.wait_dma2 semaphore(%run_scoped3A : memref<!tpu.dma_semaphore, #tpu.memory_space<semaphore_mem>>) src(%arg6 : memref<64x1024xf32, #tpu.memory_space<vmem>>) dst(%dma_wait3A_136 : memref<64x1024xf32, #tpu.memory_space<hbm>>)
      tpu.yield
    }) : () -> ()
    %dma_start3A_49 = arith.constant 3 : i32
    %dma_start3A_50 = arith.constant 0 : i32
    %dma_start3A_51 = tpu.memref_slice %arg5[%dma_start3A_49, %dma_start3A_50] : memref<8x64xi32, #tpu.memory_space<vmem>> -> memref<1x64xi32, #tpu.memory_space<vmem>>
    %dma_start3A_52 = tpu.memref_squeeze %dma_start3A_51 : memref<1x64xi32, #tpu.memory_space<vmem>> -> memref<64xi32, #tpu.memory_space<vmem>>
    %dma_start3A_53 = arith.constant 0 : i32
    %dma_start3A_54 = arith.constant 0 : i32
    %dma_start3A_55 = tpu.memref_slice %arg2[%dma_start3A_53, %dma_start3A_54] : memref<18432x1024xf32, #tpu.memory_space<hbm>> -> memref<18432x1024xf32, #tpu.memory_space<hbm>>
    tpu.enqueue_indirect_dma source(%dma_start3A_55 : memref<18432x1024xf32, #tpu.memory_space<hbm>>) target(%arg6 : memref<64x1024xf32, #tpu.memory_space<vmem>>) offsets(%dma_start3A_52 : memref<64xi32, #tpu.memory_space<vmem>>) semaphore(%arg7 : memref<!tpu.dma_semaphore, #tpu.memory_space<semaphore_mem>>)
    %dma_wait3A_56 = arith.constant 3 : i32
    %dma_wait3A_57 = arith.constant 0 : i32
    %dma_wait3A_58 = tpu.memref_slice %arg5[%dma_wait3A_56, %dma_wait3A_57] : memref<8x64xi32, #tpu.memory_space<vmem>> -> memref<1x64xi32, #tpu.memory_space<vmem>>
    %dma_wait3A_59 = tpu.memref_squeeze %dma_wait3A_58 : memref<1x64xi32, #tpu.memory_space<vmem>> -> memref<64xi32, #tpu.memory_space<vmem>>
    %dma_wait3A_60 = arith.constant 0 : i32
    %dma_wait3A_61 = arith.constant 0 : i32
    %dma_wait3A_62 = tpu.memref_slice %arg2[%dma_wait3A_60, %dma_wait3A_61] : memref<18432x1024xf32, #tpu.memory_space<hbm>> -> memref<18432x1024xf32, #tpu.memory_space<hbm>>
    tpu.wait_indirect_dma semaphore(%arg7 : memref<!tpu.dma_semaphore, #tpu.memory_space<semaphore_mem>>) src(%dma_wait3A_62 : memref<18432x1024xf32, #tpu.memory_space<hbm>>) dst(%arg6 : memref<64x1024xf32, #tpu.memory_space<vmem>>)
    %add3A_63 = arith.constant 192 : i32
    %add3A_64 = arith.addi %mul3A_2, %add3A_63 : i32
    "tpu.region"() ({
      %run_scoped3A = tpu.sem_alloc : memref<!tpu.dma_semaphore, #tpu.memory_space<semaphore_mem>>
      %dma_start3A_129 = arith.constant 0 : i32
      %dma_start3A_130 = tpu.memref_slice %arg4[%add3A_64, %dma_start3A_129] : memref<16384x1024xf32, #tpu.memory_space<hbm>> -> memref<64x1024xf32, #tpu.memory_space<hbm>>
      %dma_start3A_131 = arith.constant 0 : i32
      %dma_start3A_132 = tpu.memref_slice %arg4[%add3A_64, %dma_start3A_131] : memref<16384x1024xf32, #tpu.memory_space<hbm>> -> memref<64x1024xf32, #tpu.memory_space<hbm>>
      tpu.enqueue_dma source(%arg6 : memref<64x1024xf32, #tpu.memory_space<vmem>>) target(%dma_start3A_132 : memref<64x1024xf32, #tpu.memory_space<hbm>>) target_semaphore(%run_scoped3A : memref<!tpu.dma_semaphore, #tpu.memory_space<semaphore_mem>>)
      %dma_wait3A_133 = arith.constant 0 : i32
      %dma_wait3A_134 = tpu.memref_slice %arg4[%add3A_64, %dma_wait3A_133] : memref<16384x1024xf32, #tpu.memory_space<hbm>> -> memref<64x1024xf32, #tpu.memory_space<hbm>>
      %dma_wait3A_135 = arith.constant 0 : i32
      %dma_wait3A_136 = tpu.memref_slice %arg4[%add3A_64, %dma_wait3A_135] : memref<16384x1024xf32, #tpu.memory_space<hbm>> -> memref<64x1024xf32, #tpu.memory_space<hbm>>
      tpu.wait_dma2 semaphore(%run_scoped3A : memref<!tpu.dma_semaphore, #tpu.memory_space<semaphore_mem>>) src(%arg6 : memref<64x1024xf32, #tpu.memory_space<vmem>>) dst(%dma_wait3A_136 : memref<64x1024xf32, #tpu.memory_space<hbm>>)
      tpu.yield
    }) : () -> ()
    %dma_start3A_65 = arith.constant 4 : i32
    %dma_start3A_66 = arith.constant 0 : i32
    %dma_start3A_67 = tpu.memref_slice %arg5[%dma_start3A_65, %dma_start3A_66] : memref<8x64xi32, #tpu.memory_space<vmem>> -> memref<1x64xi32, #tpu.memory_space<vmem>>
    %dma_start3A_68 = tpu.memref_squeeze %dma_start3A_67 : memref<1x64xi32, #tpu.memory_space<vmem>> -> memref<64xi32, #tpu.memory_space<vmem>>
    %dma_start3A_69 = arith.constant 0 : i32
    %dma_start3A_70 = arith.constant 0 : i32
    %dma_start3A_71 = tpu.memref_slice %arg2[%dma_start3A_69, %dma_start3A_70] : memref<18432x1024xf32, #tpu.memory_space<hbm>> -> memref<18432x1024xf32, #tpu.memory_space<hbm>>
    tpu.enqueue_indirect_dma source(%dma_start3A_71 : memref<18432x1024xf32, #tpu.memory_space<hbm>>) target(%arg6 : memref<64x1024xf32, #tpu.memory_space<vmem>>) offsets(%dma_start3A_68 : memref<64xi32, #tpu.memory_space<vmem>>) semaphore(%arg7 : memref<!tpu.dma_semaphore, #tpu.memory_space<semaphore_mem>>)
    %dma_wait3A_72 = arith.constant 4 : i32
    %dma_wait3A_73 = arith.constant 0 : i32
    %dma_wait3A_74 = tpu.memref_slice %arg5[%dma_wait3A_72, %dma_wait3A_73] : memref<8x64xi32, #tpu.memory_space<vmem>> -> memref<1x64xi32, #tpu.memory_space<vmem>>
    %dma_wait3A_75 = tpu.memref_squeeze %dma_wait3A_74 : memref<1x64xi32, #tpu.memory_space<vmem>> -> memref<64xi32, #tpu.memory_space<vmem>>
    %dma_wait3A_76 = arith.constant 0 : i32
    %dma_wait3A_77 = arith.constant 0 : i32
    %dma_wait3A_78 = tpu.memref_slice %arg2[%dma_wait3A_76, %dma_wait3A_77] : memref<18432x1024xf32, #tpu.memory_space<hbm>> -> memref<18432x1024xf32, #tpu.memory_space<hbm>>
    tpu.wait_indirect_dma semaphore(%arg7 : memref<!tpu.dma_semaphore, #tpu.memory_space<semaphore_mem>>) src(%dma_wait3A_78 : memref<18432x1024xf32, #tpu.memory_space<hbm>>) dst(%arg6 : memref<64x1024xf32, #tpu.memory_space<vmem>>)
    %add3A_79 = arith.constant 256 : i32
    %add3A_80 = arith.addi %mul3A_2, %add3A_79 : i32
    "tpu.region"() ({
      %run_scoped3A = tpu.sem_alloc : memref<!tpu.dma_semaphore, #tpu.memory_space<semaphore_mem>>
      %dma_start3A_129 = arith.constant 0 : i32
      %dma_start3A_130 = tpu.memref_slice %arg4[%add3A_80, %dma_start3A_129] : memref<16384x1024xf32, #tpu.memory_space<hbm>> -> memref<64x1024xf32, #tpu.memory_space<hbm>>
      %dma_start3A_131 = arith.constant 0 : i32
      %dma_start3A_132 = tpu.memref_slice %arg4[%add3A_80, %dma_start3A_131] : memref<16384x1024xf32, #tpu.memory_space<hbm>> -> memref<64x1024xf32, #tpu.memory_space<hbm>>
      tpu.enqueue_dma source(%arg6 : memref<64x1024xf32, #tpu.memory_space<vmem>>) target(%dma_start3A_132 : memref<64x1024xf32, #tpu.memory_space<hbm>>) target_semaphore(%run_scoped3A : memref<!tpu.dma_semaphore, #tpu.memory_space<semaphore_mem>>)
      %dma_wait3A_133 = arith.constant 0 : i32
      %dma_wait3A_134 = tpu.memref_slice %arg4[%add3A_80, %dma_wait3A_133] : memref<16384x1024xf32, #tpu.memory_space<hbm>> -> memref<64x1024xf32, #tpu.memory_space<hbm>>
      %dma_wait3A_135 = arith.constant 0 : i32
      %dma_wait3A_136 = tpu.memref_slice %arg4[%add3A_80, %dma_wait3A_135] : memref<16384x1024xf32, #tpu.memory_space<hbm>> -> memref<64x1024xf32, #tpu.memory_space<hbm>>
      tpu.wait_dma2 semaphore(%run_scoped3A : memref<!tpu.dma_semaphore, #tpu.memory_space<semaphore_mem>>) src(%arg6 : memref<64x1024xf32, #tpu.memory_space<vmem>>) dst(%dma_wait3A_136 : memref<64x1024xf32, #tpu.memory_space<hbm>>)
      tpu.yield
    }) : () -> ()
    %dma_start3A_81 = arith.constant 5 : i32
    %dma_start3A_82 = arith.constant 0 : i32
    %dma_start3A_83 = tpu.memref_slice %arg5[%dma_start3A_81, %dma_start3A_82] : memref<8x64xi32, #tpu.memory_space<vmem>> -> memref<1x64xi32, #tpu.memory_space<vmem>>
    %dma_start3A_84 = tpu.memref_squeeze %dma_start3A_83 : memref<1x64xi32, #tpu.memory_space<vmem>> -> memref<64xi32, #tpu.memory_space<vmem>>
    %dma_start3A_85 = arith.constant 0 : i32
    %dma_start3A_86 = arith.constant 0 : i32
    %dma_start3A_87 = tpu.memref_slice %arg2[%dma_start3A_85, %dma_start3A_86] : memref<18432x1024xf32, #tpu.memory_space<hbm>> -> memref<18432x1024xf32, #tpu.memory_space<hbm>>
    tpu.enqueue_indirect_dma source(%dma_start3A_87 : memref<18432x1024xf32, #tpu.memory_space<hbm>>) target(%arg6 : memref<64x1024xf32, #tpu.memory_space<vmem>>) offsets(%dma_start3A_84 : memref<64xi32, #tpu.memory_space<vmem>>) semaphore(%arg7 : memref<!tpu.dma_semaphore, #tpu.memory_space<semaphore_mem>>)
    %dma_wait3A_88 = arith.constant 5 : i32
    %dma_wait3A_89 = arith.constant 0 : i32
    %dma_wait3A_90 = tpu.memref_slice %arg5[%dma_wait3A_88, %dma_wait3A_89] : memref<8x64xi32, #tpu.memory_space<vmem>> -> memref<1x64xi32, #tpu.memory_space<vmem>>
    %dma_wait3A_91 = tpu.memref_squeeze %dma_wait3A_90 : memref<1x64xi32, #tpu.memory_space<vmem>> -> memref<64xi32, #tpu.memory_space<vmem>>
    %dma_wait3A_92 = arith.constant 0 : i32
    %dma_wait3A_93 = arith.constant 0 : i32
    %dma_wait3A_94 = tpu.memref_slice %arg2[%dma_wait3A_92, %dma_wait3A_93] : memref<18432x1024xf32, #tpu.memory_space<hbm>> -> memref<18432x1024xf32, #tpu.memory_space<hbm>>
    tpu.wait_indirect_dma semaphore(%arg7 : memref<!tpu.dma_semaphore, #tpu.memory_space<semaphore_mem>>) src(%dma_wait3A_94 : memref<18432x1024xf32, #tpu.memory_space<hbm>>) dst(%arg6 : memref<64x1024xf32, #tpu.memory_space<vmem>>)
    %add3A_95 = arith.constant 320 : i32
    %add3A_96 = arith.addi %mul3A_2, %add3A_95 : i32
    "tpu.region"() ({
      %run_scoped3A = tpu.sem_alloc : memref<!tpu.dma_semaphore, #tpu.memory_space<semaphore_mem>>
      %dma_start3A_129 = arith.constant 0 : i32
      %dma_start3A_130 = tpu.memref_slice %arg4[%add3A_96, %dma_start3A_129] : memref<16384x1024xf32, #tpu.memory_space<hbm>> -> memref<64x1024xf32, #tpu.memory_space<hbm>>
      %dma_start3A_131 = arith.constant 0 : i32
      %dma_start3A_132 = tpu.memref_slice %arg4[%add3A_96, %dma_start3A_131] : memref<16384x1024xf32, #tpu.memory_space<hbm>> -> memref<64x1024xf32, #tpu.memory_space<hbm>>
      tpu.enqueue_dma source(%arg6 : memref<64x1024xf32, #tpu.memory_space<vmem>>) target(%dma_start3A_132 : memref<64x1024xf32, #tpu.memory_space<hbm>>) target_semaphore(%run_scoped3A : memref<!tpu.dma_semaphore, #tpu.memory_space<semaphore_mem>>)
      %dma_wait3A_133 = arith.constant 0 : i32
      %dma_wait3A_134 = tpu.memref_slice %arg4[%add3A_96, %dma_wait3A_133] : memref<16384x1024xf32, #tpu.memory_space<hbm>> -> memref<64x1024xf32, #tpu.memory_space<hbm>>
      %dma_wait3A_135 = arith.constant 0 : i32
      %dma_wait3A_136 = tpu.memref_slice %arg4[%add3A_96, %dma_wait3A_135] : memref<16384x1024xf32, #tpu.memory_space<hbm>> -> memref<64x1024xf32, #tpu.memory_space<hbm>>
      tpu.wait_dma2 semaphore(%run_scoped3A : memref<!tpu.dma_semaphore, #tpu.memory_space<semaphore_mem>>) src(%arg6 : memref<64x1024xf32, #tpu.memory_space<vmem>>) dst(%dma_wait3A_136 : memref<64x1024xf32, #tpu.memory_space<hbm>>)
      tpu.yield
    }) : () -> ()
    %dma_start3A_97 = arith.constant 6 : i32
    %dma_start3A_98 = arith.constant 0 : i32
    %dma_start3A_99 = tpu.memref_slice %arg5[%dma_start3A_97, %dma_start3A_98] : memref<8x64xi32, #tpu.memory_space<vmem>> -> memref<1x64xi32, #tpu.memory_space<vmem>>
    %dma_start3A_100 = tpu.memref_squeeze %dma_start3A_99 : memref<1x64xi32, #tpu.memory_space<vmem>> -> memref<64xi32, #tpu.memory_space<vmem>>
    %dma_start3A_101 = arith.constant 0 : i32
    %dma_start3A_102 = arith.constant 0 : i32
    %dma_start3A_103 = tpu.memref_slice %arg2[%dma_start3A_101, %dma_start3A_102] : memref<18432x1024xf32, #tpu.memory_space<hbm>> -> memref<18432x1024xf32, #tpu.memory_space<hbm>>
    tpu.enqueue_indirect_dma source(%dma_start3A_103 : memref<18432x1024xf32, #tpu.memory_space<hbm>>) target(%arg6 : memref<64x1024xf32, #tpu.memory_space<vmem>>) offsets(%dma_start3A_100 : memref<64xi32, #tpu.memory_space<vmem>>) semaphore(%arg7 : memref<!tpu.dma_semaphore, #tpu.memory_space<semaphore_mem>>)
    %dma_wait3A_104 = arith.constant 6 : i32
    %dma_wait3A_105 = arith.constant 0 : i32
    %dma_wait3A_106 = tpu.memref_slice %arg5[%dma_wait3A_104, %dma_wait3A_105] : memref<8x64xi32, #tpu.memory_space<vmem>> -> memref<1x64xi32, #tpu.memory_space<vmem>>
    %dma_wait3A_107 = tpu.memref_squeeze %dma_wait3A_106 : memref<1x64xi32, #tpu.memory_space<vmem>> -> memref<64xi32, #tpu.memory_space<vmem>>
    %dma_wait3A_108 = arith.constant 0 : i32
    %dma_wait3A_109 = arith.constant 0 : i32
    %dma_wait3A_110 = tpu.memref_slice %arg2[%dma_wait3A_108, %dma_wait3A_109] : memref<18432x1024xf32, #tpu.memory_space<hbm>> -> memref<18432x1024xf32, #tpu.memory_space<hbm>>
    tpu.wait_indirect_dma semaphore(%arg7 : memref<!tpu.dma_semaphore, #tpu.memory_space<semaphore_mem>>) src(%dma_wait3A_110 : memref<18432x1024xf32, #tpu.memory_space<hbm>>) dst(%arg6 : memref<64x1024xf32, #tpu.memory_space<vmem>>)
    %add3A_111 = arith.constant 384 : i32
    %add3A_112 = arith.addi %mul3A_2, %add3A_111 : i32
    "tpu.region"() ({
      %run_scoped3A = tpu.sem_alloc : memref<!tpu.dma_semaphore, #tpu.memory_space<semaphore_mem>>
      %dma_start3A_129 = arith.constant 0 : i32
      %dma_start3A_130 = tpu.memref_slice %arg4[%add3A_112, %dma_start3A_129] : memref<16384x1024xf32, #tpu.memory_space<hbm>> -> memref<64x1024xf32, #tpu.memory_space<hbm>>
      %dma_start3A_131 = arith.constant 0 : i32
      %dma_start3A_132 = tpu.memref_slice %arg4[%add3A_112, %dma_start3A_131] : memref<16384x1024xf32, #tpu.memory_space<hbm>> -> memref<64x1024xf32, #tpu.memory_space<hbm>>
      tpu.enqueue_dma source(%arg6 : memref<64x1024xf32, #tpu.memory_space<vmem>>) target(%dma_start3A_132 : memref<64x1024xf32, #tpu.memory_space<hbm>>) target_semaphore(%run_scoped3A : memref<!tpu.dma_semaphore, #tpu.memory_space<semaphore_mem>>)
      %dma_wait3A_133 = arith.constant 0 : i32
      %dma_wait3A_134 = tpu.memref_slice %arg4[%add3A_112, %dma_wait3A_133] : memref<16384x1024xf32, #tpu.memory_space<hbm>> -> memref<64x1024xf32, #tpu.memory_space<hbm>>
      %dma_wait3A_135 = arith.constant 0 : i32
      %dma_wait3A_136 = tpu.memref_slice %arg4[%add3A_112, %dma_wait3A_135] : memref<16384x1024xf32, #tpu.memory_space<hbm>> -> memref<64x1024xf32, #tpu.memory_space<hbm>>
      tpu.wait_dma2 semaphore(%run_scoped3A : memref<!tpu.dma_semaphore, #tpu.memory_space<semaphore_mem>>) src(%arg6 : memref<64x1024xf32, #tpu.memory_space<vmem>>) dst(%dma_wait3A_136 : memref<64x1024xf32, #tpu.memory_space<hbm>>)
      tpu.yield
    }) : () -> ()
    %dma_start3A_113 = arith.constant 7 : i32
    %dma_start3A_114 = arith.constant 0 : i32
    %dma_start3A_115 = tpu.memref_slice %arg5[%dma_start3A_113, %dma_start3A_114] : memref<8x64xi32, #tpu.memory_space<vmem>> -> memref<1x64xi32, #tpu.memory_space<vmem>>
    %dma_start3A_116 = tpu.memref_squeeze %dma_start3A_115 : memref<1x64xi32, #tpu.memory_space<vmem>> -> memref<64xi32, #tpu.memory_space<vmem>>
    %dma_start3A_117 = arith.constant 0 : i32
    %dma_start3A_118 = arith.constant 0 : i32
    %dma_start3A_119 = tpu.memref_slice %arg2[%dma_start3A_117, %dma_start3A_118] : memref<18432x1024xf32, #tpu.memory_space<hbm>> -> memref<18432x1024xf32, #tpu.memory_space<hbm>>
    tpu.enqueue_indirect_dma source(%dma_start3A_119 : memref<18432x1024xf32, #tpu.memory_space<hbm>>) target(%arg6 : memref<64x1024xf32, #tpu.memory_space<vmem>>) offsets(%dma_start3A_116 : memref<64xi32, #tpu.memory_space<vmem>>) semaphore(%arg7 : memref<!tpu.dma_semaphore, #tpu.memory_space<semaphore_mem>>)
    %dma_wait3A_120 = arith.constant 7 : i32
    %dma_wait3A_121 = arith.constant 0 : i32
    %dma_wait3A_122 = tpu.memref_slice %arg5[%dma_wait3A_120, %dma_wait3A_121] : memref<8x64xi32, #tpu.memory_space<vmem>> -> memref<1x64xi32, #tpu.memory_space<vmem>>
    %dma_wait3A_123 = tpu.memref_squeeze %dma_wait3A_122 : memref<1x64xi32, #tpu.memory_space<vmem>> -> memref<64xi32, #tpu.memory_space<vmem>>
    %dma_wait3A_124 = arith.constant 0 : i32
    %dma_wait3A_125 = arith.constant 0 : i32
    %dma_wait3A_126 = tpu.memref_slice %arg2[%dma_wait3A_124, %dma_wait3A_125] : memref<18432x1024xf32, #tpu.memory_space<hbm>> -> memref<18432x1024xf32, #tpu.memory_space<hbm>>
    tpu.wait_indirect_dma semaphore(%arg7 : memref<!tpu.dma_semaphore, #tpu.memory_space<semaphore_mem>>) src(%dma_wait3A_126 : memref<18432x1024xf32, #tpu.memory_space<hbm>>) dst(%arg6 : memref<64x1024xf32, #tpu.memory_space<vmem>>)
    %add3A_127 = arith.constant 448 : i32
    %add3A_128 = arith.addi %mul3A_2, %add3A_127 : i32
    "tpu.region"() ({
      %run_scoped3A = tpu.sem_alloc : memref<!tpu.dma_semaphore, #tpu.memory_space<semaphore_mem>>
      %dma_start3A_129 = arith.constant 0 : i32
      %dma_start3A_130 = tpu.memref_slice %arg4[%add3A_128, %dma_start3A_129] : memref<16384x1024xf32, #tpu.memory_space<hbm>> -> memref<64x1024xf32, #tpu.memory_space<hbm>>
      %dma_start3A_131 = arith.constant 0 : i32
      %dma_start3A_132 = tpu.memref_slice %arg4[%add3A_128, %dma_start3A_131] : memref<16384x1024xf32, #tpu.memory_space<hbm>> -> memref<64x1024xf32, #tpu.memory_space<hbm>>
      tpu.enqueue_dma source(%arg6 : memref<64x1024xf32, #tpu.memory_space<vmem>>) target(%dma_start3A_132 : memref<64x1024xf32, #tpu.memory_space<hbm>>) target_semaphore(%run_scoped3A : memref<!tpu.dma_semaphore, #tpu.memory_space<semaphore_mem>>)
      %dma_wait3A_133 = arith.constant 0 : i32
      %dma_wait3A_134 = tpu.memref_slice %arg4[%add3A_128, %dma_wait3A_133] : memref<16384x1024xf32, #tpu.memory_space<hbm>> -> memref<64x1024xf32, #tpu.memory_space<hbm>>
      %dma_wait3A_135 = arith.constant 0 : i32
      %dma_wait3A_136 = tpu.memref_slice %arg4[%add3A_128, %dma_wait3A_135] : memref<16384x1024xf32, #tpu.memory_space<hbm>> -> memref<64x1024xf32, #tpu.memory_space<hbm>>
      tpu.wait_dma2 semaphore(%run_scoped3A : memref<!tpu.dma_semaphore, #tpu.memory_space<semaphore_mem>>) src(%arg6 : memref<64x1024xf32, #tpu.memory_space<vmem>>) dst(%dma_wait3A_136 : memref<64x1024xf32, #tpu.memory_space<hbm>>)
      tpu.yield
    }) : () -> ()
    return
  }
}

#map = affine_map<(d0, d1) -> (0, 0)>
#map1 = affine_map<(d0, d1) -> (0)>
#map2 = affine_map<(d0, d1) -> (0, 0, 0)>
module attributes {stable_mosaic.version = 14 : i64} {
  func.func @k(%arg0: i32, %arg1: i32, %arg2: memref<16384x1024xf32, #tpu.memory_space<hbm>>, %arg3: memref<16384xi32, #tpu.memory_space<hbm>>, %arg4: memref<16384xi32, #tpu.memory_space<hbm>>, %arg5: memref<32x16xi32, #tpu.memory_space<hbm>>, %arg6: memref<18432x1024xf32, #tpu.memory_space<hbm>>, %arg7: memref<32x8x64xi32, #tpu.memory_space<hbm>>, %arg8: memref<16xi32, #tpu.memory_space<vmem>>, %arg9: memref<512xi32, #tpu.memory_space<vmem>>, %arg10: memref<512xi32, #tpu.memory_space<vmem>>, %arg11: memref<8x64xi32, #tpu.memory_space<vmem>>, %arg12: memref<64x1024xf32, #tpu.memory_space<vmem>>, %arg13: memref<!tpu.dma_semaphore, #tpu.memory_space<semaphore_mem>>) attributes {dimension_semantics = [#tpu.dimension_semantics<core_parallel>, #tpu.dimension_semantics<subcore_parallel>], iteration_bounds = array<i64: 2, 16>, scalar_prefetch = 0 : i64, scratch_operands = 6 : i64, tpu.core_type = #tpu.core_type<sc_vector_subcore>, window_params = [{transform_indices = #map}, {transform_indices = #map1}, {transform_indices = #map1}, {transform_indices = #map}, {transform_indices = #map}, {transform_indices = #map2}]} {
    %mul3A = arith.constant 2 : i32
    %mul3A_0 = arith.muli %arg1, %mul3A : i32
    %add3A = arith.addi %mul3A_0, %arg0 : i32
    %mul3A_1 = arith.constant 512 : i32
    %mul3A_2 = arith.muli %add3A, %mul3A_1 : i32
    "tpu.region"() ({
      %run_scoped3A = tpu.sem_alloc : memref<!tpu.dma_semaphore, #tpu.memory_space<semaphore_mem>>
      %dma_start3A_446 = arith.constant 0 : i32
      %dma_start3A_447 = tpu.memref_slice %arg5[%add3A, %dma_start3A_446] : memref<32x16xi32, #tpu.memory_space<hbm>> -> memref<1x16xi32, #tpu.memory_space<hbm>>
      %dma_start3A_448 = tpu.memref_squeeze %dma_start3A_447 : memref<1x16xi32, #tpu.memory_space<hbm>> -> memref<16xi32, #tpu.memory_space<hbm>>
      %dma_start3A_449 = arith.constant 0 : i32
      %dma_start3A_450 = tpu.memref_slice %arg5[%add3A, %dma_start3A_449] : memref<32x16xi32, #tpu.memory_space<hbm>> -> memref<1x16xi32, #tpu.memory_space<hbm>>
      %dma_start3A_451 = tpu.memref_squeeze %dma_start3A_450 : memref<1x16xi32, #tpu.memory_space<hbm>> -> memref<16xi32, #tpu.memory_space<hbm>>
      tpu.enqueue_dma source(%dma_start3A_451 : memref<16xi32, #tpu.memory_space<hbm>>) target(%arg8 : memref<16xi32, #tpu.memory_space<vmem>>) target_semaphore(%run_scoped3A : memref<!tpu.dma_semaphore, #tpu.memory_space<semaphore_mem>>)
      %dma_wait3A_452 = arith.constant 0 : i32
      %dma_wait3A_453 = tpu.memref_slice %arg5[%add3A, %dma_wait3A_452] : memref<32x16xi32, #tpu.memory_space<hbm>> -> memref<1x16xi32, #tpu.memory_space<hbm>>
      %dma_wait3A_454 = tpu.memref_squeeze %dma_wait3A_453 : memref<1x16xi32, #tpu.memory_space<hbm>> -> memref<16xi32, #tpu.memory_space<hbm>>
      %dma_wait3A_455 = arith.constant 0 : i32
      %dma_wait3A_456 = tpu.memref_slice %arg5[%add3A, %dma_wait3A_455] : memref<32x16xi32, #tpu.memory_space<hbm>> -> memref<1x16xi32, #tpu.memory_space<hbm>>
      %dma_wait3A_457 = tpu.memref_squeeze %dma_wait3A_456 : memref<1x16xi32, #tpu.memory_space<hbm>> -> memref<16xi32, #tpu.memory_space<hbm>>
      tpu.wait_dma2 semaphore(%run_scoped3A : memref<!tpu.dma_semaphore, #tpu.memory_space<semaphore_mem>>) src(%dma_wait3A_457 : memref<16xi32, #tpu.memory_space<hbm>>) dst(%arg8 : memref<16xi32, #tpu.memory_space<vmem>>)
      tpu.yield
    }) : () -> ()
    "tpu.region"() ({
      %run_scoped3A = tpu.sem_alloc : memref<!tpu.dma_semaphore, #tpu.memory_space<semaphore_mem>>
      %dma_start3A_446 = tpu.memref_slice %arg3[%mul3A_2] : memref<16384xi32, #tpu.memory_space<hbm>> -> memref<512xi32, #tpu.memory_space<hbm>>
      %dma_start3A_447 = tpu.memref_slice %arg3[%mul3A_2] : memref<16384xi32, #tpu.memory_space<hbm>> -> memref<512xi32, #tpu.memory_space<hbm>>
      tpu.enqueue_dma source(%dma_start3A_447 : memref<512xi32, #tpu.memory_space<hbm>>) target(%arg9 : memref<512xi32, #tpu.memory_space<vmem>>) target_semaphore(%run_scoped3A : memref<!tpu.dma_semaphore, #tpu.memory_space<semaphore_mem>>)
      %dma_wait3A_448 = tpu.memref_slice %arg3[%mul3A_2] : memref<16384xi32, #tpu.memory_space<hbm>> -> memref<512xi32, #tpu.memory_space<hbm>>
      %dma_wait3A_449 = tpu.memref_slice %arg3[%mul3A_2] : memref<16384xi32, #tpu.memory_space<hbm>> -> memref<512xi32, #tpu.memory_space<hbm>>
      tpu.wait_dma2 semaphore(%run_scoped3A : memref<!tpu.dma_semaphore, #tpu.memory_space<semaphore_mem>>) src(%dma_wait3A_449 : memref<512xi32, #tpu.memory_space<hbm>>) dst(%arg9 : memref<512xi32, #tpu.memory_space<vmem>>)
      tpu.yield
    }) : () -> ()
    "tpu.region"() ({
      %run_scoped3A = tpu.sem_alloc : memref<!tpu.dma_semaphore, #tpu.memory_space<semaphore_mem>>
      %dma_start3A_446 = tpu.memref_slice %arg4[%mul3A_2] : memref<16384xi32, #tpu.memory_space<hbm>> -> memref<512xi32, #tpu.memory_space<hbm>>
      %dma_start3A_447 = tpu.memref_slice %arg4[%mul3A_2] : memref<16384xi32, #tpu.memory_space<hbm>> -> memref<512xi32, #tpu.memory_space<hbm>>
      tpu.enqueue_dma source(%dma_start3A_447 : memref<512xi32, #tpu.memory_space<hbm>>) target(%arg10 : memref<512xi32, #tpu.memory_space<vmem>>) target_semaphore(%run_scoped3A : memref<!tpu.dma_semaphore, #tpu.memory_space<semaphore_mem>>)
      %dma_wait3A_448 = tpu.memref_slice %arg4[%mul3A_2] : memref<16384xi32, #tpu.memory_space<hbm>> -> memref<512xi32, #tpu.memory_space<hbm>>
      %dma_wait3A_449 = tpu.memref_slice %arg4[%mul3A_2] : memref<16384xi32, #tpu.memory_space<hbm>> -> memref<512xi32, #tpu.memory_space<hbm>>
      tpu.wait_dma2 semaphore(%run_scoped3A : memref<!tpu.dma_semaphore, #tpu.memory_space<semaphore_mem>>) src(%dma_wait3A_449 : memref<512xi32, #tpu.memory_space<hbm>>) dst(%arg10 : memref<512xi32, #tpu.memory_space<vmem>>)
      tpu.yield
    }) : () -> ()
    %get3A = arith.constant 0 : index
    %get3A_3 = tpu.vector_load %arg9[%get3A] {strides = array<i32>} : memref<512xi32, #tpu.memory_space<vmem>>, vector<16xi32>,
    %get3A_4 = arith.constant 0 : index
    %get3A_5 = tpu.vector_load %arg10[%get3A_4] {strides = array<i32>} : memref<512xi32, #tpu.memory_space<vmem>>, vector<16xi32>,
    %gather3A = tpu.vector_load_idx %arg8[%get3A_3] : memref<16xi32, #tpu.memory_space<vmem>>[vector<16xi32>], vector<16xi32>,
    %add3A_6 = arith.addi %gather3A, %get3A_5 : vector<16xi32>
    %swap3A = arith.constant 0 : i32
    %swap3A_7 = arith.index_cast %swap3A : i32 to index
    %swap3A_8 = arith.constant 0 : index
    %swap3A_9 = tpu.vector_load %arg11[%swap3A_7, %swap3A_8] {strides = array<i32>} : memref<8x64xi32, #tpu.memory_space<vmem>>, vector<16xi32>,
    tpu.vector_store %arg11[%swap3A_7, %swap3A_8], %add3A_6 {strides = array<i32>} : memref<8x64xi32, #tpu.memory_space<vmem>>, vector<16xi32>,
    %get3A_10 = arith.constant 16 : index
    %get3A_11 = tpu.vector_load %arg9[%get3A_10] {strides = array<i32>} : memref<512xi32, #tpu.memory_space<vmem>>, vector<16xi32>,
    %get3A_12 = arith.constant 16 : index
    %get3A_13 = tpu.vector_load %arg10[%get3A_12] {strides = array<i32>} : memref<512xi32, #tpu.memory_space<vmem>>, vector<16xi32>,
    %gather3A_14 = tpu.vector_load_idx %arg8[%get3A_11] : memref<16xi32, #tpu.memory_space<vmem>>[vector<16xi32>], vector<16xi32>,
    %add3A_15 = arith.addi %gather3A_14, %get3A_13 : vector<16xi32>
    %swap3A_16 = arith.constant 0 : i32
    %swap3A_17 = arith.index_cast %swap3A_16 : i32 to index
    %swap3A_18 = arith.constant 16 : index
    %swap3A_19 = tpu.vector_load %arg11[%swap3A_17, %swap3A_18] {strides = array<i32>} : memref<8x64xi32, #tpu.memory_space<vmem>>, vector<16xi32>,
    tpu.vector_store %arg11[%swap3A_17, %swap3A_18], %add3A_15 {strides = array<i32>} : memref<8x64xi32, #tpu.memory_space<vmem>>, vector<16xi32>,
    %get3A_20 = arith.constant 32 : index
    %get3A_21 = tpu.vector_load %arg9[%get3A_20] {strides = array<i32>} : memref<512xi32, #tpu.memory_space<vmem>>, vector<16xi32>,
    %get3A_22 = arith.constant 32 : index
    %get3A_23 = tpu.vector_load %arg10[%get3A_22] {strides = array<i32>} : memref<512xi32, #tpu.memory_space<vmem>>, vector<16xi32>,
    %gather3A_24 = tpu.vector_load_idx %arg8[%get3A_21] : memref<16xi32, #tpu.memory_space<vmem>>[vector<16xi32>], vector<16xi32>,
    %add3A_25 = arith.addi %gather3A_24, %get3A_23 : vector<16xi32>
    %swap3A_26 = arith.constant 0 : i32
    %swap3A_27 = arith.index_cast %swap3A_26 : i32 to index
    %swap3A_28 = arith.constant 32 : index
    %swap3A_29 = tpu.vector_load %arg11[%swap3A_27, %swap3A_28] {strides = array<i32>} : memref<8x64xi32, #tpu.memory_space<vmem>>, vector<16xi32>,
    tpu.vector_store %arg11[%swap3A_27, %swap3A_28], %add3A_25 {strides = array<i32>} : memref<8x64xi32, #tpu.memory_space<vmem>>, vector<16xi32>,
    %get3A_30 = arith.constant 48 : index
    %get3A_31 = tpu.vector_load %arg9[%get3A_30] {strides = array<i32>} : memref<512xi32, #tpu.memory_space<vmem>>, vector<16xi32>,
    %get3A_32 = arith.constant 48 : index
    %get3A_33 = tpu.vector_load %arg10[%get3A_32] {strides = array<i32>} : memref<512xi32, #tpu.memory_space<vmem>>, vector<16xi32>,
    %gather3A_34 = tpu.vector_load_idx %arg8[%get3A_31] : memref<16xi32, #tpu.memory_space<vmem>>[vector<16xi32>], vector<16xi32>,
    %add3A_35 = arith.addi %gather3A_34, %get3A_33 : vector<16xi32>
    %swap3A_36 = arith.constant 0 : i32
    %swap3A_37 = arith.index_cast %swap3A_36 : i32 to index
    %swap3A_38 = arith.constant 48 : index
    %swap3A_39 = tpu.vector_load %arg11[%swap3A_37, %swap3A_38] {strides = array<i32>} : memref<8x64xi32, #tpu.memory_space<vmem>>, vector<16xi32>,
    tpu.vector_store %arg11[%swap3A_37, %swap3A_38], %add3A_35 {strides = array<i32>} : memref<8x64xi32, #tpu.memory_space<vmem>>, vector<16xi32>,
    %get3A_40 = arith.constant 64 : index
    %get3A_41 = tpu.vector_load %arg9[%get3A_40] {strides = array<i32>} : memref<512xi32, #tpu.memory_space<vmem>>, vector<16xi32>,
    %get3A_42 = arith.constant 64 : index
    %get3A_43 = tpu.vector_load %arg10[%get3A_42] {strides = array<i32>} : memref<512xi32, #tpu.memory_space<vmem>>, vector<16xi32>,
    %gather3A_44 = tpu.vector_load_idx %arg8[%get3A_41] : memref<16xi32, #tpu.memory_space<vmem>>[vector<16xi32>], vector<16xi32>,
    %add3A_45 = arith.addi %gather3A_44, %get3A_43 : vector<16xi32>
    %swap3A_46 = arith.constant 1 : i32
    %swap3A_47 = arith.index_cast %swap3A_46 : i32 to index
    %swap3A_48 = arith.constant 0 : index
    %swap3A_49 = tpu.vector_load %arg11[%swap3A_47, %swap3A_48] {strides = array<i32>} : memref<8x64xi32, #tpu.memory_space<vmem>>, vector<16xi32>,
    tpu.vector_store %arg11[%swap3A_47, %swap3A_48], %add3A_45 {strides = array<i32>} : memref<8x64xi32, #tpu.memory_space<vmem>>, vector<16xi32>,
    %get3A_50 = arith.constant 80 : index
    %get3A_51 = tpu.vector_load %arg9[%get3A_50] {strides = array<i32>} : memref<512xi32, #tpu.memory_space<vmem>>, vector<16xi32>,
    %get3A_52 = arith.constant 80 : index
    %get3A_53 = tpu.vector_load %arg10[%get3A_52] {strides = array<i32>} : memref<512xi32, #tpu.memory_space<vmem>>, vector<16xi32>,
    %gather3A_54 = tpu.vector_load_idx %arg8[%get3A_51] : memref<16xi32, #tpu.memory_space<vmem>>[vector<16xi32>], vector<16xi32>,
    %add3A_55 = arith.addi %gather3A_54, %get3A_53 : vector<16xi32>
    %swap3A_56 = arith.constant 1 : i32
    %swap3A_57 = arith.index_cast %swap3A_56 : i32 to index
    %swap3A_58 = arith.constant 16 : index
    %swap3A_59 = tpu.vector_load %arg11[%swap3A_57, %swap3A_58] {strides = array<i32>} : memref<8x64xi32, #tpu.memory_space<vmem>>, vector<16xi32>,
    tpu.vector_store %arg11[%swap3A_57, %swap3A_58], %add3A_55 {strides = array<i32>} : memref<8x64xi32, #tpu.memory_space<vmem>>, vector<16xi32>,
    %get3A_60 = arith.constant 96 : index
    %get3A_61 = tpu.vector_load %arg9[%get3A_60] {strides = array<i32>} : memref<512xi32, #tpu.memory_space<vmem>>, vector<16xi32>,
    %get3A_62 = arith.constant 96 : index
    %get3A_63 = tpu.vector_load %arg10[%get3A_62] {strides = array<i32>} : memref<512xi32, #tpu.memory_space<vmem>>, vector<16xi32>,
    %gather3A_64 = tpu.vector_load_idx %arg8[%get3A_61] : memref<16xi32, #tpu.memory_space<vmem>>[vector<16xi32>], vector<16xi32>,
    %add3A_65 = arith.addi %gather3A_64, %get3A_63 : vector<16xi32>
    %swap3A_66 = arith.constant 1 : i32
    %swap3A_67 = arith.index_cast %swap3A_66 : i32 to index
    %swap3A_68 = arith.constant 32 : index
    %swap3A_69 = tpu.vector_load %arg11[%swap3A_67, %swap3A_68] {strides = array<i32>} : memref<8x64xi32, #tpu.memory_space<vmem>>, vector<16xi32>,
    tpu.vector_store %arg11[%swap3A_67, %swap3A_68], %add3A_65 {strides = array<i32>} : memref<8x64xi32, #tpu.memory_space<vmem>>, vector<16xi32>,
    %get3A_70 = arith.constant 112 : index
    %get3A_71 = tpu.vector_load %arg9[%get3A_70] {strides = array<i32>} : memref<512xi32, #tpu.memory_space<vmem>>, vector<16xi32>,
    %get3A_72 = arith.constant 112 : index
    %get3A_73 = tpu.vector_load %arg10[%get3A_72] {strides = array<i32>} : memref<512xi32, #tpu.memory_space<vmem>>, vector<16xi32>,
    %gather3A_74 = tpu.vector_load_idx %arg8[%get3A_71] : memref<16xi32, #tpu.memory_space<vmem>>[vector<16xi32>], vector<16xi32>,
    %add3A_75 = arith.addi %gather3A_74, %get3A_73 : vector<16xi32>
    %swap3A_76 = arith.constant 1 : i32
    %swap3A_77 = arith.index_cast %swap3A_76 : i32 to index
    %swap3A_78 = arith.constant 48 : index
    %swap3A_79 = tpu.vector_load %arg11[%swap3A_77, %swap3A_78] {strides = array<i32>} : memref<8x64xi32, #tpu.memory_space<vmem>>, vector<16xi32>,
    tpu.vector_store %arg11[%swap3A_77, %swap3A_78], %add3A_75 {strides = array<i32>} : memref<8x64xi32, #tpu.memory_space<vmem>>, vector<16xi32>,
    %get3A_80 = arith.constant 128 : index
    %get3A_81 = tpu.vector_load %arg9[%get3A_80] {strides = array<i32>} : memref<512xi32, #tpu.memory_space<vmem>>, vector<16xi32>,
    %get3A_82 = arith.constant 128 : index
    %get3A_83 = tpu.vector_load %arg10[%get3A_82] {strides = array<i32>} : memref<512xi32, #tpu.memory_space<vmem>>, vector<16xi32>,
    %gather3A_84 = tpu.vector_load_idx %arg8[%get3A_81] : memref<16xi32, #tpu.memory_space<vmem>>[vector<16xi32>], vector<16xi32>,
    %add3A_85 = arith.addi %gather3A_84, %get3A_83 : vector<16xi32>
    %swap3A_86 = arith.constant 2 : i32
    %swap3A_87 = arith.index_cast %swap3A_86 : i32 to index
    %swap3A_88 = arith.constant 0 : index
    %swap3A_89 = tpu.vector_load %arg11[%swap3A_87, %swap3A_88] {strides = array<i32>} : memref<8x64xi32, #tpu.memory_space<vmem>>, vector<16xi32>,
    tpu.vector_store %arg11[%swap3A_87, %swap3A_88], %add3A_85 {strides = array<i32>} : memref<8x64xi32, #tpu.memory_space<vmem>>, vector<16xi32>,
    %get3A_90 = arith.constant 144 : index
    %get3A_91 = tpu.vector_load %arg9[%get3A_90] {strides = array<i32>} : memref<512xi32, #tpu.memory_space<vmem>>, vector<16xi32>,
    %get3A_92 = arith.constant 144 : index
    %get3A_93 = tpu.vector_load %arg10[%get3A_92] {strides = array<i32>} : memref<512xi32, #tpu.memory_space<vmem>>, vector<16xi32>,
    %gather3A_94 = tpu.vector_load_idx %arg8[%get3A_91] : memref<16xi32, #tpu.memory_space<vmem>>[vector<16xi32>], vector<16xi32>,
    %add3A_95 = arith.addi %gather3A_94, %get3A_93 : vector<16xi32>
    %swap3A_96 = arith.constant 2 : i32
    %swap3A_97 = arith.index_cast %swap3A_96 : i32 to index
    %swap3A_98 = arith.constant 16 : index
    %swap3A_99 = tpu.vector_load %arg11[%swap3A_97, %swap3A_98] {strides = array<i32>} : memref<8x64xi32, #tpu.memory_space<vmem>>, vector<16xi32>,
    tpu.vector_store %arg11[%swap3A_97, %swap3A_98], %add3A_95 {strides = array<i32>} : memref<8x64xi32, #tpu.memory_space<vmem>>, vector<16xi32>,
    %get3A_100 = arith.constant 160 : index
    %get3A_101 = tpu.vector_load %arg9[%get3A_100] {strides = array<i32>} : memref<512xi32, #tpu.memory_space<vmem>>, vector<16xi32>,
    %get3A_102 = arith.constant 160 : index
    %get3A_103 = tpu.vector_load %arg10[%get3A_102] {strides = array<i32>} : memref<512xi32, #tpu.memory_space<vmem>>, vector<16xi32>,
    %gather3A_104 = tpu.vector_load_idx %arg8[%get3A_101] : memref<16xi32, #tpu.memory_space<vmem>>[vector<16xi32>], vector<16xi32>,
    %add3A_105 = arith.addi %gather3A_104, %get3A_103 : vector<16xi32>
    %swap3A_106 = arith.constant 2 : i32
    %swap3A_107 = arith.index_cast %swap3A_106 : i32 to index
    %swap3A_108 = arith.constant 32 : index
    %swap3A_109 = tpu.vector_load %arg11[%swap3A_107, %swap3A_108] {strides = array<i32>} : memref<8x64xi32, #tpu.memory_space<vmem>>, vector<16xi32>,
    tpu.vector_store %arg11[%swap3A_107, %swap3A_108], %add3A_105 {strides = array<i32>} : memref<8x64xi32, #tpu.memory_space<vmem>>, vector<16xi32>,
    %get3A_110 = arith.constant 176 : index
    %get3A_111 = tpu.vector_load %arg9[%get3A_110] {strides = array<i32>} : memref<512xi32, #tpu.memory_space<vmem>>, vector<16xi32>,
    %get3A_112 = arith.constant 176 : index
    %get3A_113 = tpu.vector_load %arg10[%get3A_112] {strides = array<i32>} : memref<512xi32, #tpu.memory_space<vmem>>, vector<16xi32>,
    %gather3A_114 = tpu.vector_load_idx %arg8[%get3A_111] : memref<16xi32, #tpu.memory_space<vmem>>[vector<16xi32>], vector<16xi32>,
    %add3A_115 = arith.addi %gather3A_114, %get3A_113 : vector<16xi32>
    %swap3A_116 = arith.constant 2 : i32
    %swap3A_117 = arith.index_cast %swap3A_116 : i32 to index
    %swap3A_118 = arith.constant 48 : index
    %swap3A_119 = tpu.vector_load %arg11[%swap3A_117, %swap3A_118] {strides = array<i32>} : memref<8x64xi32, #tpu.memory_space<vmem>>, vector<16xi32>,
    tpu.vector_store %arg11[%swap3A_117, %swap3A_118], %add3A_115 {strides = array<i32>} : memref<8x64xi32, #tpu.memory_space<vmem>>, vector<16xi32>,
    %get3A_120 = arith.constant 192 : index
    %get3A_121 = tpu.vector_load %arg9[%get3A_120] {strides = array<i32>} : memref<512xi32, #tpu.memory_space<vmem>>, vector<16xi32>,
    %get3A_122 = arith.constant 192 : index
    %get3A_123 = tpu.vector_load %arg10[%get3A_122] {strides = array<i32>} : memref<512xi32, #tpu.memory_space<vmem>>, vector<16xi32>,
    %gather3A_124 = tpu.vector_load_idx %arg8[%get3A_121] : memref<16xi32, #tpu.memory_space<vmem>>[vector<16xi32>], vector<16xi32>,
    %add3A_125 = arith.addi %gather3A_124, %get3A_123 : vector<16xi32>
    %swap3A_126 = arith.constant 3 : i32
    %swap3A_127 = arith.index_cast %swap3A_126 : i32 to index
    %swap3A_128 = arith.constant 0 : index
    %swap3A_129 = tpu.vector_load %arg11[%swap3A_127, %swap3A_128] {strides = array<i32>} : memref<8x64xi32, #tpu.memory_space<vmem>>, vector<16xi32>,
    tpu.vector_store %arg11[%swap3A_127, %swap3A_128], %add3A_125 {strides = array<i32>} : memref<8x64xi32, #tpu.memory_space<vmem>>, vector<16xi32>,
    %get3A_130 = arith.constant 208 : index
    %get3A_131 = tpu.vector_load %arg9[%get3A_130] {strides = array<i32>} : memref<512xi32, #tpu.memory_space<vmem>>, vector<16xi32>,
    %get3A_132 = arith.constant 208 : index
    %get3A_133 = tpu.vector_load %arg10[%get3A_132] {strides = array<i32>} : memref<512xi32, #tpu.memory_space<vmem>>, vector<16xi32>,
    %gather3A_134 = tpu.vector_load_idx %arg8[%get3A_131] : memref<16xi32, #tpu.memory_space<vmem>>[vector<16xi32>], vector<16xi32>,
    %add3A_135 = arith.addi %gather3A_134, %get3A_133 : vector<16xi32>
    %swap3A_136 = arith.constant 3 : i32
    %swap3A_137 = arith.index_cast %swap3A_136 : i32 to index
    %swap3A_138 = arith.constant 16 : index
    %swap3A_139 = tpu.vector_load %arg11[%swap3A_137, %swap3A_138] {strides = array<i32>} : memref<8x64xi32, #tpu.memory_space<vmem>>, vector<16xi32>,
    tpu.vector_store %arg11[%swap3A_137, %swap3A_138], %add3A_135 {strides = array<i32>} : memref<8x64xi32, #tpu.memory_space<vmem>>, vector<16xi32>,
    %get3A_140 = arith.constant 224 : index
    %get3A_141 = tpu.vector_load %arg9[%get3A_140] {strides = array<i32>} : memref<512xi32, #tpu.memory_space<vmem>>, vector<16xi32>,
    %get3A_142 = arith.constant 224 : index
    %get3A_143 = tpu.vector_load %arg10[%get3A_142] {strides = array<i32>} : memref<512xi32, #tpu.memory_space<vmem>>, vector<16xi32>,
    %gather3A_144 = tpu.vector_load_idx %arg8[%get3A_141] : memref<16xi32, #tpu.memory_space<vmem>>[vector<16xi32>], vector<16xi32>,
    %add3A_145 = arith.addi %gather3A_144, %get3A_143 : vector<16xi32>
    %swap3A_146 = arith.constant 3 : i32
    %swap3A_147 = arith.index_cast %swap3A_146 : i32 to index
    %swap3A_148 = arith.constant 32 : index
    %swap3A_149 = tpu.vector_load %arg11[%swap3A_147, %swap3A_148] {strides = array<i32>} : memref<8x64xi32, #tpu.memory_space<vmem>>, vector<16xi32>,
    tpu.vector_store %arg11[%swap3A_147, %swap3A_148], %add3A_145 {strides = array<i32>} : memref<8x64xi32, #tpu.memory_space<vmem>>, vector<16xi32>,
    %get3A_150 = arith.constant 240 : index
    %get3A_151 = tpu.vector_load %arg9[%get3A_150] {strides = array<i32>} : memref<512xi32, #tpu.memory_space<vmem>>, vector<16xi32>,
    %get3A_152 = arith.constant 240 : index
    %get3A_153 = tpu.vector_load %arg10[%get3A_152] {strides = array<i32>} : memref<512xi32, #tpu.memory_space<vmem>>, vector<16xi32>,
    %gather3A_154 = tpu.vector_load_idx %arg8[%get3A_151] : memref<16xi32, #tpu.memory_space<vmem>>[vector<16xi32>], vector<16xi32>,
    %add3A_155 = arith.addi %gather3A_154, %get3A_153 : vector<16xi32>
    %swap3A_156 = arith.constant 3 : i32
    %swap3A_157 = arith.index_cast %swap3A_156 : i32 to index
    %swap3A_158 = arith.constant 48 : index
    %swap3A_159 = tpu.vector_load %arg11[%swap3A_157, %swap3A_158] {strides = array<i32>} : memref<8x64xi32, #tpu.memory_space<vmem>>, vector<16xi32>,
    tpu.vector_store %arg11[%swap3A_157, %swap3A_158], %add3A_155 {strides = array<i32>} : memref<8x64xi32, #tpu.memory_space<vmem>>, vector<16xi32>,
    %get3A_160 = arith.constant 256 : index
    %get3A_161 = tpu.vector_load %arg9[%get3A_160] {strides = array<i32>} : memref<512xi32, #tpu.memory_space<vmem>>, vector<16xi32>,
    %get3A_162 = arith.constant 256 : index
    %get3A_163 = tpu.vector_load %arg10[%get3A_162] {strides = array<i32>} : memref<512xi32, #tpu.memory_space<vmem>>, vector<16xi32>,
    %gather3A_164 = tpu.vector_load_idx %arg8[%get3A_161] : memref<16xi32, #tpu.memory_space<vmem>>[vector<16xi32>], vector<16xi32>,
    %add3A_165 = arith.addi %gather3A_164, %get3A_163 : vector<16xi32>
    %swap3A_166 = arith.constant 4 : i32
    %swap3A_167 = arith.index_cast %swap3A_166 : i32 to index
    %swap3A_168 = arith.constant 0 : index
    %swap3A_169 = tpu.vector_load %arg11[%swap3A_167, %swap3A_168] {strides = array<i32>} : memref<8x64xi32, #tpu.memory_space<vmem>>, vector<16xi32>,
    tpu.vector_store %arg11[%swap3A_167, %swap3A_168], %add3A_165 {strides = array<i32>} : memref<8x64xi32, #tpu.memory_space<vmem>>, vector<16xi32>,
    %get3A_170 = arith.constant 272 : index
    %get3A_171 = tpu.vector_load %arg9[%get3A_170] {strides = array<i32>} : memref<512xi32, #tpu.memory_space<vmem>>, vector<16xi32>,
    %get3A_172 = arith.constant 272 : index
    %get3A_173 = tpu.vector_load %arg10[%get3A_172] {strides = array<i32>} : memref<512xi32, #tpu.memory_space<vmem>>, vector<16xi32>,
    %gather3A_174 = tpu.vector_load_idx %arg8[%get3A_171] : memref<16xi32, #tpu.memory_space<vmem>>[vector<16xi32>], vector<16xi32>,
    %add3A_175 = arith.addi %gather3A_174, %get3A_173 : vector<16xi32>
    %swap3A_176 = arith.constant 4 : i32
    %swap3A_177 = arith.index_cast %swap3A_176 : i32 to index
    %swap3A_178 = arith.constant 16 : index
    %swap3A_179 = tpu.vector_load %arg11[%swap3A_177, %swap3A_178] {strides = array<i32>} : memref<8x64xi32, #tpu.memory_space<vmem>>, vector<16xi32>,
    tpu.vector_store %arg11[%swap3A_177, %swap3A_178], %add3A_175 {strides = array<i32>} : memref<8x64xi32, #tpu.memory_space<vmem>>, vector<16xi32>,
    %get3A_180 = arith.constant 288 : index
    %get3A_181 = tpu.vector_load %arg9[%get3A_180] {strides = array<i32>} : memref<512xi32, #tpu.memory_space<vmem>>, vector<16xi32>,
    %get3A_182 = arith.constant 288 : index
    %get3A_183 = tpu.vector_load %arg10[%get3A_182] {strides = array<i32>} : memref<512xi32, #tpu.memory_space<vmem>>, vector<16xi32>,
    %gather3A_184 = tpu.vector_load_idx %arg8[%get3A_181] : memref<16xi32, #tpu.memory_space<vmem>>[vector<16xi32>], vector<16xi32>,
    %add3A_185 = arith.addi %gather3A_184, %get3A_183 : vector<16xi32>
    %swap3A_186 = arith.constant 4 : i32
    %swap3A_187 = arith.index_cast %swap3A_186 : i32 to index
    %swap3A_188 = arith.constant 32 : index
    %swap3A_189 = tpu.vector_load %arg11[%swap3A_187, %swap3A_188] {strides = array<i32>} : memref<8x64xi32, #tpu.memory_space<vmem>>, vector<16xi32>,
    tpu.vector_store %arg11[%swap3A_187, %swap3A_188], %add3A_185 {strides = array<i32>} : memref<8x64xi32, #tpu.memory_space<vmem>>, vector<16xi32>,
    %get3A_190 = arith.constant 304 : index
    %get3A_191 = tpu.vector_load %arg9[%get3A_190] {strides = array<i32>} : memref<512xi32, #tpu.memory_space<vmem>>, vector<16xi32>,
    %get3A_192 = arith.constant 304 : index
    %get3A_193 = tpu.vector_load %arg10[%get3A_192] {strides = array<i32>} : memref<512xi32, #tpu.memory_space<vmem>>, vector<16xi32>,
    %gather3A_194 = tpu.vector_load_idx %arg8[%get3A_191] : memref<16xi32, #tpu.memory_space<vmem>>[vector<16xi32>], vector<16xi32>,
    %add3A_195 = arith.addi %gather3A_194, %get3A_193 : vector<16xi32>
    %swap3A_196 = arith.constant 4 : i32
    %swap3A_197 = arith.index_cast %swap3A_196 : i32 to index
    %swap3A_198 = arith.constant 48 : index
    %swap3A_199 = tpu.vector_load %arg11[%swap3A_197, %swap3A_198] {strides = array<i32>} : memref<8x64xi32, #tpu.memory_space<vmem>>, vector<16xi32>,
    tpu.vector_store %arg11[%swap3A_197, %swap3A_198], %add3A_195 {strides = array<i32>} : memref<8x64xi32, #tpu.memory_space<vmem>>, vector<16xi32>,
    %get3A_200 = arith.constant 320 : index
    %get3A_201 = tpu.vector_load %arg9[%get3A_200] {strides = array<i32>} : memref<512xi32, #tpu.memory_space<vmem>>, vector<16xi32>,
    %get3A_202 = arith.constant 320 : index
    %get3A_203 = tpu.vector_load %arg10[%get3A_202] {strides = array<i32>} : memref<512xi32, #tpu.memory_space<vmem>>, vector<16xi32>,
    %gather3A_204 = tpu.vector_load_idx %arg8[%get3A_201] : memref<16xi32, #tpu.memory_space<vmem>>[vector<16xi32>], vector<16xi32>,
    %add3A_205 = arith.addi %gather3A_204, %get3A_203 : vector<16xi32>
    %swap3A_206 = arith.constant 5 : i32
    %swap3A_207 = arith.index_cast %swap3A_206 : i32 to index
    %swap3A_208 = arith.constant 0 : index
    %swap3A_209 = tpu.vector_load %arg11[%swap3A_207, %swap3A_208] {strides = array<i32>} : memref<8x64xi32, #tpu.memory_space<vmem>>, vector<16xi32>,
    tpu.vector_store %arg11[%swap3A_207, %swap3A_208], %add3A_205 {strides = array<i32>} : memref<8x64xi32, #tpu.memory_space<vmem>>, vector<16xi32>,
    %get3A_210 = arith.constant 336 : index
    %get3A_211 = tpu.vector_load %arg9[%get3A_210] {strides = array<i32>} : memref<512xi32, #tpu.memory_space<vmem>>, vector<16xi32>,
    %get3A_212 = arith.constant 336 : index
    %get3A_213 = tpu.vector_load %arg10[%get3A_212] {strides = array<i32>} : memref<512xi32, #tpu.memory_space<vmem>>, vector<16xi32>,
    %gather3A_214 = tpu.vector_load_idx %arg8[%get3A_211] : memref<16xi32, #tpu.memory_space<vmem>>[vector<16xi32>], vector<16xi32>,
    %add3A_215 = arith.addi %gather3A_214, %get3A_213 : vector<16xi32>
    %swap3A_216 = arith.constant 5 : i32
    %swap3A_217 = arith.index_cast %swap3A_216 : i32 to index
    %swap3A_218 = arith.constant 16 : index
    %swap3A_219 = tpu.vector_load %arg11[%swap3A_217, %swap3A_218] {strides = array<i32>} : memref<8x64xi32, #tpu.memory_space<vmem>>, vector<16xi32>,
    tpu.vector_store %arg11[%swap3A_217, %swap3A_218], %add3A_215 {strides = array<i32>} : memref<8x64xi32, #tpu.memory_space<vmem>>, vector<16xi32>,
    %get3A_220 = arith.constant 352 : index
    %get3A_221 = tpu.vector_load %arg9[%get3A_220] {strides = array<i32>} : memref<512xi32, #tpu.memory_space<vmem>>, vector<16xi32>,
    %get3A_222 = arith.constant 352 : index
    %get3A_223 = tpu.vector_load %arg10[%get3A_222] {strides = array<i32>} : memref<512xi32, #tpu.memory_space<vmem>>, vector<16xi32>,
    %gather3A_224 = tpu.vector_load_idx %arg8[%get3A_221] : memref<16xi32, #tpu.memory_space<vmem>>[vector<16xi32>], vector<16xi32>,
    %add3A_225 = arith.addi %gather3A_224, %get3A_223 : vector<16xi32>
    %swap3A_226 = arith.constant 5 : i32
    %swap3A_227 = arith.index_cast %swap3A_226 : i32 to index
    %swap3A_228 = arith.constant 32 : index
    %swap3A_229 = tpu.vector_load %arg11[%swap3A_227, %swap3A_228] {strides = array<i32>} : memref<8x64xi32, #tpu.memory_space<vmem>>, vector<16xi32>,
    tpu.vector_store %arg11[%swap3A_227, %swap3A_228], %add3A_225 {strides = array<i32>} : memref<8x64xi32, #tpu.memory_space<vmem>>, vector<16xi32>,
    %get3A_230 = arith.constant 368 : index
    %get3A_231 = tpu.vector_load %arg9[%get3A_230] {strides = array<i32>} : memref<512xi32, #tpu.memory_space<vmem>>, vector<16xi32>,
    %get3A_232 = arith.constant 368 : index
    %get3A_233 = tpu.vector_load %arg10[%get3A_232] {strides = array<i32>} : memref<512xi32, #tpu.memory_space<vmem>>, vector<16xi32>,
    %gather3A_234 = tpu.vector_load_idx %arg8[%get3A_231] : memref<16xi32, #tpu.memory_space<vmem>>[vector<16xi32>], vector<16xi32>,
    %add3A_235 = arith.addi %gather3A_234, %get3A_233 : vector<16xi32>
    %swap3A_236 = arith.constant 5 : i32
    %swap3A_237 = arith.index_cast %swap3A_236 : i32 to index
    %swap3A_238 = arith.constant 48 : index
    %swap3A_239 = tpu.vector_load %arg11[%swap3A_237, %swap3A_238] {strides = array<i32>} : memref<8x64xi32, #tpu.memory_space<vmem>>, vector<16xi32>,
    tpu.vector_store %arg11[%swap3A_237, %swap3A_238], %add3A_235 {strides = array<i32>} : memref<8x64xi32, #tpu.memory_space<vmem>>, vector<16xi32>,
    %get3A_240 = arith.constant 384 : index
    %get3A_241 = tpu.vector_load %arg9[%get3A_240] {strides = array<i32>} : memref<512xi32, #tpu.memory_space<vmem>>, vector<16xi32>,
    %get3A_242 = arith.constant 384 : index
    %get3A_243 = tpu.vector_load %arg10[%get3A_242] {strides = array<i32>} : memref<512xi32, #tpu.memory_space<vmem>>, vector<16xi32>,
    %gather3A_244 = tpu.vector_load_idx %arg8[%get3A_241] : memref<16xi32, #tpu.memory_space<vmem>>[vector<16xi32>], vector<16xi32>,
    %add3A_245 = arith.addi %gather3A_244, %get3A_243 : vector<16xi32>
    %swap3A_246 = arith.constant 6 : i32
    %swap3A_247 = arith.index_cast %swap3A_246 : i32 to index
    %swap3A_248 = arith.constant 0 : index
    %swap3A_249 = tpu.vector_load %arg11[%swap3A_247, %swap3A_248] {strides = array<i32>} : memref<8x64xi32, #tpu.memory_space<vmem>>, vector<16xi32>,
    tpu.vector_store %arg11[%swap3A_247, %swap3A_248], %add3A_245 {strides = array<i32>} : memref<8x64xi32, #tpu.memory_space<vmem>>, vector<16xi32>,
    %get3A_250 = arith.constant 400 : index
    %get3A_251 = tpu.vector_load %arg9[%get3A_250] {strides = array<i32>} : memref<512xi32, #tpu.memory_space<vmem>>, vector<16xi32>,
    %get3A_252 = arith.constant 400 : index
    %get3A_253 = tpu.vector_load %arg10[%get3A_252] {strides = array<i32>} : memref<512xi32, #tpu.memory_space<vmem>>, vector<16xi32>,
    %gather3A_254 = tpu.vector_load_idx %arg8[%get3A_251] : memref<16xi32, #tpu.memory_space<vmem>>[vector<16xi32>], vector<16xi32>,
    %add3A_255 = arith.addi %gather3A_254, %get3A_253 : vector<16xi32>
    %swap3A_256 = arith.constant 6 : i32
    %swap3A_257 = arith.index_cast %swap3A_256 : i32 to index
    %swap3A_258 = arith.constant 16 : index
    %swap3A_259 = tpu.vector_load %arg11[%swap3A_257, %swap3A_258] {strides = array<i32>} : memref<8x64xi32, #tpu.memory_space<vmem>>, vector<16xi32>,
    tpu.vector_store %arg11[%swap3A_257, %swap3A_258], %add3A_255 {strides = array<i32>} : memref<8x64xi32, #tpu.memory_space<vmem>>, vector<16xi32>,
    %get3A_260 = arith.constant 416 : index
    %get3A_261 = tpu.vector_load %arg9[%get3A_260] {strides = array<i32>} : memref<512xi32, #tpu.memory_space<vmem>>, vector<16xi32>,
    %get3A_262 = arith.constant 416 : index
    %get3A_263 = tpu.vector_load %arg10[%get3A_262] {strides = array<i32>} : memref<512xi32, #tpu.memory_space<vmem>>, vector<16xi32>,
    %gather3A_264 = tpu.vector_load_idx %arg8[%get3A_261] : memref<16xi32, #tpu.memory_space<vmem>>[vector<16xi32>], vector<16xi32>,
    %add3A_265 = arith.addi %gather3A_264, %get3A_263 : vector<16xi32>
    %swap3A_266 = arith.constant 6 : i32
    %swap3A_267 = arith.index_cast %swap3A_266 : i32 to index
    %swap3A_268 = arith.constant 32 : index
    %swap3A_269 = tpu.vector_load %arg11[%swap3A_267, %swap3A_268] {strides = array<i32>} : memref<8x64xi32, #tpu.memory_space<vmem>>, vector<16xi32>,
    tpu.vector_store %arg11[%swap3A_267, %swap3A_268], %add3A_265 {strides = array<i32>} : memref<8x64xi32, #tpu.memory_space<vmem>>, vector<16xi32>,
    %get3A_270 = arith.constant 432 : index
    %get3A_271 = tpu.vector_load %arg9[%get3A_270] {strides = array<i32>} : memref<512xi32, #tpu.memory_space<vmem>>, vector<16xi32>,
    %get3A_272 = arith.constant 432 : index
    %get3A_273 = tpu.vector_load %arg10[%get3A_272] {strides = array<i32>} : memref<512xi32, #tpu.memory_space<vmem>>, vector<16xi32>,
    %gather3A_274 = tpu.vector_load_idx %arg8[%get3A_271] : memref<16xi32, #tpu.memory_space<vmem>>[vector<16xi32>], vector<16xi32>,
    %add3A_275 = arith.addi %gather3A_274, %get3A_273 : vector<16xi32>
    %swap3A_276 = arith.constant 6 : i32
    %swap3A_277 = arith.index_cast %swap3A_276 : i32 to index
    %swap3A_278 = arith.constant 48 : index
    %swap3A_279 = tpu.vector_load %arg11[%swap3A_277, %swap3A_278] {strides = array<i32>} : memref<8x64xi32, #tpu.memory_space<vmem>>, vector<16xi32>,
    tpu.vector_store %arg11[%swap3A_277, %swap3A_278], %add3A_275 {strides = array<i32>} : memref<8x64xi32, #tpu.memory_space<vmem>>, vector<16xi32>,
    %get3A_280 = arith.constant 448 : index
    %get3A_281 = tpu.vector_load %arg9[%get3A_280] {strides = array<i32>} : memref<512xi32, #tpu.memory_space<vmem>>, vector<16xi32>,
    %get3A_282 = arith.constant 448 : index
    %get3A_283 = tpu.vector_load %arg10[%get3A_282] {strides = array<i32>} : memref<512xi32, #tpu.memory_space<vmem>>, vector<16xi32>,
    %gather3A_284 = tpu.vector_load_idx %arg8[%get3A_281] : memref<16xi32, #tpu.memory_space<vmem>>[vector<16xi32>], vector<16xi32>,
    %add3A_285 = arith.addi %gather3A_284, %get3A_283 : vector<16xi32>
    %swap3A_286 = arith.constant 7 : i32
    %swap3A_287 = arith.index_cast %swap3A_286 : i32 to index
    %swap3A_288 = arith.constant 0 : index
    %swap3A_289 = tpu.vector_load %arg11[%swap3A_287, %swap3A_288] {strides = array<i32>} : memref<8x64xi32, #tpu.memory_space<vmem>>, vector<16xi32>,
    tpu.vector_store %arg11[%swap3A_287, %swap3A_288], %add3A_285 {strides = array<i32>} : memref<8x64xi32, #tpu.memory_space<vmem>>, vector<16xi32>,
    %get3A_290 = arith.constant 464 : index
    %get3A_291 = tpu.vector_load %arg9[%get3A_290] {strides = array<i32>} : memref<512xi32, #tpu.memory_space<vmem>>, vector<16xi32>,
    %get3A_292 = arith.constant 464 : index
    %get3A_293 = tpu.vector_load %arg10[%get3A_292] {strides = array<i32>} : memref<512xi32, #tpu.memory_space<vmem>>, vector<16xi32>,
    %gather3A_294 = tpu.vector_load_idx %arg8[%get3A_291] : memref<16xi32, #tpu.memory_space<vmem>>[vector<16xi32>], vector<16xi32>,
    %add3A_295 = arith.addi %gather3A_294, %get3A_293 : vector<16xi32>
    %swap3A_296 = arith.constant 7 : i32
    %swap3A_297 = arith.index_cast %swap3A_296 : i32 to index
    %swap3A_298 = arith.constant 16 : index
    %swap3A_299 = tpu.vector_load %arg11[%swap3A_297, %swap3A_298] {strides = array<i32>} : memref<8x64xi32, #tpu.memory_space<vmem>>, vector<16xi32>,
    tpu.vector_store %arg11[%swap3A_297, %swap3A_298], %add3A_295 {strides = array<i32>} : memref<8x64xi32, #tpu.memory_space<vmem>>, vector<16xi32>,
    %get3A_300 = arith.constant 480 : index
    %get3A_301 = tpu.vector_load %arg9[%get3A_300] {strides = array<i32>} : memref<512xi32, #tpu.memory_space<vmem>>, vector<16xi32>,
    %get3A_302 = arith.constant 480 : index
    %get3A_303 = tpu.vector_load %arg10[%get3A_302] {strides = array<i32>} : memref<512xi32, #tpu.memory_space<vmem>>, vector<16xi32>,
    %gather3A_304 = tpu.vector_load_idx %arg8[%get3A_301] : memref<16xi32, #tpu.memory_space<vmem>>[vector<16xi32>], vector<16xi32>,
    %add3A_305 = arith.addi %gather3A_304, %get3A_303 : vector<16xi32>
    %swap3A_306 = arith.constant 7 : i32
    %swap3A_307 = arith.index_cast %swap3A_306 : i32 to index
    %swap3A_308 = arith.constant 32 : index
    %swap3A_309 = tpu.vector_load %arg11[%swap3A_307, %swap3A_308] {strides = array<i32>} : memref<8x64xi32, #tpu.memory_space<vmem>>, vector<16xi32>,
    tpu.vector_store %arg11[%swap3A_307, %swap3A_308], %add3A_305 {strides = array<i32>} : memref<8x64xi32, #tpu.memory_space<vmem>>, vector<16xi32>,
    %get3A_310 = arith.constant 496 : index
    %get3A_311 = tpu.vector_load %arg9[%get3A_310] {strides = array<i32>} : memref<512xi32, #tpu.memory_space<vmem>>, vector<16xi32>,
    %get3A_312 = arith.constant 496 : index
    %get3A_313 = tpu.vector_load %arg10[%get3A_312] {strides = array<i32>} : memref<512xi32, #tpu.memory_space<vmem>>, vector<16xi32>,
    %gather3A_314 = tpu.vector_load_idx %arg8[%get3A_311] : memref<16xi32, #tpu.memory_space<vmem>>[vector<16xi32>], vector<16xi32>,
    %add3A_315 = arith.addi %gather3A_314, %get3A_313 : vector<16xi32>
    %swap3A_316 = arith.constant 7 : i32
    %swap3A_317 = arith.index_cast %swap3A_316 : i32 to index
    %swap3A_318 = arith.constant 48 : index
    %swap3A_319 = tpu.vector_load %arg11[%swap3A_317, %swap3A_318] {strides = array<i32>} : memref<8x64xi32, #tpu.memory_space<vmem>>, vector<16xi32>,
    tpu.vector_store %arg11[%swap3A_317, %swap3A_318], %add3A_315 {strides = array<i32>} : memref<8x64xi32, #tpu.memory_space<vmem>>, vector<16xi32>,
    "tpu.region"() ({
      %run_scoped3A = tpu.sem_alloc : memref<!tpu.dma_semaphore, #tpu.memory_space<semaphore_mem>>
      %dma_start3A_446 = arith.constant 0 : i32
      %dma_start3A_447 = arith.constant 0 : i32
      %dma_start3A_448 = tpu.memref_slice %arg7[%add3A, %dma_start3A_446, %dma_start3A_447] : memref<32x8x64xi32, #tpu.memory_space<hbm>> -> memref<1x8x64xi32, #tpu.memory_space<hbm>>
      %dma_start3A_449 = tpu.memref_squeeze %dma_start3A_448 : memref<1x8x64xi32, #tpu.memory_space<hbm>> -> memref<8x64xi32, #tpu.memory_space<hbm>>
      %dma_start3A_450 = arith.constant 0 : i32
      %dma_start3A_451 = arith.constant 0 : i32
      %dma_start3A_452 = tpu.memref_slice %arg7[%add3A, %dma_start3A_450, %dma_start3A_451] : memref<32x8x64xi32, #tpu.memory_space<hbm>> -> memref<1x8x64xi32, #tpu.memory_space<hbm>>
      %dma_start3A_453 = tpu.memref_squeeze %dma_start3A_452 : memref<1x8x64xi32, #tpu.memory_space<hbm>> -> memref<8x64xi32, #tpu.memory_space<hbm>>
      tpu.enqueue_dma source(%arg11 : memref<8x64xi32, #tpu.memory_space<vmem>>) target(%dma_start3A_453 : memref<8x64xi32, #tpu.memory_space<hbm>>) target_semaphore(%run_scoped3A : memref<!tpu.dma_semaphore, #tpu.memory_space<semaphore_mem>>)
      %dma_wait3A_454 = arith.constant 0 : i32
      %dma_wait3A_455 = arith.constant 0 : i32
      %dma_wait3A_456 = tpu.memref_slice %arg7[%add3A, %dma_wait3A_454, %dma_wait3A_455] : memref<32x8x64xi32, #tpu.memory_space<hbm>> -> memref<1x8x64xi32, #tpu.memory_space<hbm>>
      %dma_wait3A_457 = tpu.memref_squeeze %dma_wait3A_456 : memref<1x8x64xi32, #tpu.memory_space<hbm>> -> memref<8x64xi32, #tpu.memory_space<hbm>>
      %dma_wait3A_458 = arith.constant 0 : i32
      %dma_wait3A_459 = arith.constant 0 : i32
      %dma_wait3A_460 = tpu.memref_slice %arg7[%add3A, %dma_wait3A_458, %dma_wait3A_459] : memref<32x8x64xi32, #tpu.memory_space<hbm>> -> memref<1x8x64xi32, #tpu.memory_space<hbm>>
      %dma_wait3A_461 = tpu.memref_squeeze %dma_wait3A_460 : memref<1x8x64xi32, #tpu.memory_space<hbm>> -> memref<8x64xi32, #tpu.memory_space<hbm>>
      tpu.wait_dma2 semaphore(%run_scoped3A : memref<!tpu.dma_semaphore, #tpu.memory_space<semaphore_mem>>) src(%arg11 : memref<8x64xi32, #tpu.memory_space<vmem>>) dst(%dma_wait3A_461 : memref<8x64xi32, #tpu.memory_space<hbm>>)
      tpu.yield
    }) : () -> ()
    %add3A_320 = arith.constant 0 : i32
    %add3A_321 = arith.addi %mul3A_2, %add3A_320 : i32
    "tpu.region"() ({
      %run_scoped3A = tpu.sem_alloc : memref<!tpu.dma_semaphore, #tpu.memory_space<semaphore_mem>>
      %dma_start3A_446 = arith.constant 0 : i32
      %dma_start3A_447 = tpu.memref_slice %arg2[%add3A_321, %dma_start3A_446] : memref<16384x1024xf32, #tpu.memory_space<hbm>> -> memref<64x1024xf32, #tpu.memory_space<hbm>>
      %dma_start3A_448 = arith.constant 0 : i32
      %dma_start3A_449 = tpu.memref_slice %arg2[%add3A_321, %dma_start3A_448] : memref<16384x1024xf32, #tpu.memory_space<hbm>> -> memref<64x1024xf32, #tpu.memory_space<hbm>>
      tpu.enqueue_dma source(%dma_start3A_449 : memref<64x1024xf32, #tpu.memory_space<hbm>>) target(%arg12 : memref<64x1024xf32, #tpu.memory_space<vmem>>) target_semaphore(%run_scoped3A : memref<!tpu.dma_semaphore, #tpu.memory_space<semaphore_mem>>)
      %dma_wait3A_450 = arith.constant 0 : i32
      %dma_wait3A_451 = tpu.memref_slice %arg2[%add3A_321, %dma_wait3A_450] : memref<16384x1024xf32, #tpu.memory_space<hbm>> -> memref<64x1024xf32, #tpu.memory_space<hbm>>
      %dma_wait3A_452 = arith.constant 0 : i32
      %dma_wait3A_453 = tpu.memref_slice %arg2[%add3A_321, %dma_wait3A_452] : memref<16384x1024xf32, #tpu.memory_space<hbm>> -> memref<64x1024xf32, #tpu.memory_space<hbm>>
      tpu.wait_dma2 semaphore(%run_scoped3A : memref<!tpu.dma_semaphore, #tpu.memory_space<semaphore_mem>>) src(%dma_wait3A_453 : memref<64x1024xf32, #tpu.memory_space<hbm>>) dst(%arg12 : memref<64x1024xf32, #tpu.memory_space<vmem>>)
      tpu.yield
    }) : () -> ()
    %dma_start3A = arith.constant 0 : i32
    %dma_start3A_322 = arith.constant 0 : i32
    %dma_start3A_323 = tpu.memref_slice %arg11[%dma_start3A, %dma_start3A_322] : memref<8x64xi32, #tpu.memory_space<vmem>> -> memref<1x64xi32, #tpu.memory_space<vmem>>
    %dma_start3A_324 = tpu.memref_squeeze %dma_start3A_323 : memref<1x64xi32, #tpu.memory_space<vmem>> -> memref<64xi32, #tpu.memory_space<vmem>>
    %dma_start3A_325 = arith.constant 0 : i32
    %dma_start3A_326 = arith.constant 0 : i32
    %dma_start3A_327 = tpu.memref_slice %arg6[%dma_start3A_325, %dma_start3A_326] : memref<18432x1024xf32, #tpu.memory_space<hbm>> -> memref<18432x1024xf32, #tpu.memory_space<hbm>>
    tpu.enqueue_indirect_dma source(%arg12 : memref<64x1024xf32, #tpu.memory_space<vmem>>) target(%dma_start3A_327 : memref<18432x1024xf32, #tpu.memory_space<hbm>>) offsets(%dma_start3A_324 : memref<64xi32, #tpu.memory_space<vmem>>) semaphore(%arg13 : memref<!tpu.dma_semaphore, #tpu.memory_space<semaphore_mem>>)
    %dma_wait3A = arith.constant 0 : i32
    %dma_wait3A_328 = arith.constant 0 : i32
    %dma_wait3A_329 = tpu.memref_slice %arg11[%dma_wait3A, %dma_wait3A_328] : memref<8x64xi32, #tpu.memory_space<vmem>> -> memref<1x64xi32, #tpu.memory_space<vmem>>
    %dma_wait3A_330 = tpu.memref_squeeze %dma_wait3A_329 : memref<1x64xi32, #tpu.memory_space<vmem>> -> memref<64xi32, #tpu.memory_space<vmem>>
    %dma_wait3A_331 = arith.constant 0 : i32
    %dma_wait3A_332 = arith.constant 0 : i32
    %dma_wait3A_333 = tpu.memref_slice %arg6[%dma_wait3A_331, %dma_wait3A_332] : memref<18432x1024xf32, #tpu.memory_space<hbm>> -> memref<18432x1024xf32, #tpu.memory_space<hbm>>
    tpu.wait_indirect_dma semaphore(%arg13 : memref<!tpu.dma_semaphore, #tpu.memory_space<semaphore_mem>>) src(%arg12 : memref<64x1024xf32, #tpu.memory_space<vmem>>) dst(%dma_wait3A_333 : memref<18432x1024xf32, #tpu.memory_space<hbm>>)
    %add3A_334 = arith.constant 64 : i32
    %add3A_335 = arith.addi %mul3A_2, %add3A_334 : i32
    "tpu.region"() ({
      %run_scoped3A = tpu.sem_alloc : memref<!tpu.dma_semaphore, #tpu.memory_space<semaphore_mem>>
      %dma_start3A_446 = arith.constant 0 : i32
      %dma_start3A_447 = tpu.memref_slice %arg2[%add3A_335, %dma_start3A_446] : memref<16384x1024xf32, #tpu.memory_space<hbm>> -> memref<64x1024xf32, #tpu.memory_space<hbm>>
      %dma_start3A_448 = arith.constant 0 : i32
      %dma_start3A_449 = tpu.memref_slice %arg2[%add3A_335, %dma_start3A_448] : memref<16384x1024xf32, #tpu.memory_space<hbm>> -> memref<64x1024xf32, #tpu.memory_space<hbm>>
      tpu.enqueue_dma source(%dma_start3A_449 : memref<64x1024xf32, #tpu.memory_space<hbm>>) target(%arg12 : memref<64x1024xf32, #tpu.memory_space<vmem>>) target_semaphore(%run_scoped3A : memref<!tpu.dma_semaphore, #tpu.memory_space<semaphore_mem>>)
      %dma_wait3A_450 = arith.constant 0 : i32
      %dma_wait3A_451 = tpu.memref_slice %arg2[%add3A_335, %dma_wait3A_450] : memref<16384x1024xf32, #tpu.memory_space<hbm>> -> memref<64x1024xf32, #tpu.memory_space<hbm>>
      %dma_wait3A_452 = arith.constant 0 : i32
      %dma_wait3A_453 = tpu.memref_slice %arg2[%add3A_335, %dma_wait3A_452] : memref<16384x1024xf32, #tpu.memory_space<hbm>> -> memref<64x1024xf32, #tpu.memory_space<hbm>>
      tpu.wait_dma2 semaphore(%run_scoped3A : memref<!tpu.dma_semaphore, #tpu.memory_space<semaphore_mem>>) src(%dma_wait3A_453 : memref<64x1024xf32, #tpu.memory_space<hbm>>) dst(%arg12 : memref<64x1024xf32, #tpu.memory_space<vmem>>)
      tpu.yield
    }) : () -> ()
    %dma_start3A_336 = arith.constant 1 : i32
    %dma_start3A_337 = arith.constant 0 : i32
    %dma_start3A_338 = tpu.memref_slice %arg11[%dma_start3A_336, %dma_start3A_337] : memref<8x64xi32, #tpu.memory_space<vmem>> -> memref<1x64xi32, #tpu.memory_space<vmem>>
    %dma_start3A_339 = tpu.memref_squeeze %dma_start3A_338 : memref<1x64xi32, #tpu.memory_space<vmem>> -> memref<64xi32, #tpu.memory_space<vmem>>
    %dma_start3A_340 = arith.constant 0 : i32
    %dma_start3A_341 = arith.constant 0 : i32
    %dma_start3A_342 = tpu.memref_slice %arg6[%dma_start3A_340, %dma_start3A_341] : memref<18432x1024xf32, #tpu.memory_space<hbm>> -> memref<18432x1024xf32, #tpu.memory_space<hbm>>
    tpu.enqueue_indirect_dma source(%arg12 : memref<64x1024xf32, #tpu.memory_space<vmem>>) target(%dma_start3A_342 : memref<18432x1024xf32, #tpu.memory_space<hbm>>) offsets(%dma_start3A_339 : memref<64xi32, #tpu.memory_space<vmem>>) semaphore(%arg13 : memref<!tpu.dma_semaphore, #tpu.memory_space<semaphore_mem>>)
    %dma_wait3A_343 = arith.constant 1 : i32
    %dma_wait3A_344 = arith.constant 0 : i32
    %dma_wait3A_345 = tpu.memref_slice %arg11[%dma_wait3A_343, %dma_wait3A_344] : memref<8x64xi32, #tpu.memory_space<vmem>> -> memref<1x64xi32, #tpu.memory_space<vmem>>
    %dma_wait3A_346 = tpu.memref_squeeze %dma_wait3A_345 : memref<1x64xi32, #tpu.memory_space<vmem>> -> memref<64xi32, #tpu.memory_space<vmem>>
    %dma_wait3A_347 = arith.constant 0 : i32
    %dma_wait3A_348 = arith.constant 0 : i32
    %dma_wait3A_349 = tpu.memref_slice %arg6[%dma_wait3A_347, %dma_wait3A_348] : memref<18432x1024xf32, #tpu.memory_space<hbm>> -> memref<18432x1024xf32, #tpu.memory_space<hbm>>
    tpu.wait_indirect_dma semaphore(%arg13 : memref<!tpu.dma_semaphore, #tpu.memory_space<semaphore_mem>>) src(%arg12 : memref<64x1024xf32, #tpu.memory_space<vmem>>) dst(%dma_wait3A_349 : memref<18432x1024xf32, #tpu.memory_space<hbm>>)
    %add3A_350 = arith.constant 128 : i32
    %add3A_351 = arith.addi %mul3A_2, %add3A_350 : i32
    "tpu.region"() ({
      %run_scoped3A = tpu.sem_alloc : memref<!tpu.dma_semaphore, #tpu.memory_space<semaphore_mem>>
      %dma_start3A_446 = arith.constant 0 : i32
      %dma_start3A_447 = tpu.memref_slice %arg2[%add3A_351, %dma_start3A_446] : memref<16384x1024xf32, #tpu.memory_space<hbm>> -> memref<64x1024xf32, #tpu.memory_space<hbm>>
      %dma_start3A_448 = arith.constant 0 : i32
      %dma_start3A_449 = tpu.memref_slice %arg2[%add3A_351, %dma_start3A_448] : memref<16384x1024xf32, #tpu.memory_space<hbm>> -> memref<64x1024xf32, #tpu.memory_space<hbm>>
      tpu.enqueue_dma source(%dma_start3A_449 : memref<64x1024xf32, #tpu.memory_space<hbm>>) target(%arg12 : memref<64x1024xf32, #tpu.memory_space<vmem>>) target_semaphore(%run_scoped3A : memref<!tpu.dma_semaphore, #tpu.memory_space<semaphore_mem>>)
      %dma_wait3A_450 = arith.constant 0 : i32
      %dma_wait3A_451 = tpu.memref_slice %arg2[%add3A_351, %dma_wait3A_450] : memref<16384x1024xf32, #tpu.memory_space<hbm>> -> memref<64x1024xf32, #tpu.memory_space<hbm>>
      %dma_wait3A_452 = arith.constant 0 : i32
      %dma_wait3A_453 = tpu.memref_slice %arg2[%add3A_351, %dma_wait3A_452] : memref<16384x1024xf32, #tpu.memory_space<hbm>> -> memref<64x1024xf32, #tpu.memory_space<hbm>>
      tpu.wait_dma2 semaphore(%run_scoped3A : memref<!tpu.dma_semaphore, #tpu.memory_space<semaphore_mem>>) src(%dma_wait3A_453 : memref<64x1024xf32, #tpu.memory_space<hbm>>) dst(%arg12 : memref<64x1024xf32, #tpu.memory_space<vmem>>)
      tpu.yield
    }) : () -> ()
    %dma_start3A_352 = arith.constant 2 : i32
    %dma_start3A_353 = arith.constant 0 : i32
    %dma_start3A_354 = tpu.memref_slice %arg11[%dma_start3A_352, %dma_start3A_353] : memref<8x64xi32, #tpu.memory_space<vmem>> -> memref<1x64xi32, #tpu.memory_space<vmem>>
    %dma_start3A_355 = tpu.memref_squeeze %dma_start3A_354 : memref<1x64xi32, #tpu.memory_space<vmem>> -> memref<64xi32, #tpu.memory_space<vmem>>
    %dma_start3A_356 = arith.constant 0 : i32
    %dma_start3A_357 = arith.constant 0 : i32
    %dma_start3A_358 = tpu.memref_slice %arg6[%dma_start3A_356, %dma_start3A_357] : memref<18432x1024xf32, #tpu.memory_space<hbm>> -> memref<18432x1024xf32, #tpu.memory_space<hbm>>
    tpu.enqueue_indirect_dma source(%arg12 : memref<64x1024xf32, #tpu.memory_space<vmem>>) target(%dma_start3A_358 : memref<18432x1024xf32, #tpu.memory_space<hbm>>) offsets(%dma_start3A_355 : memref<64xi32, #tpu.memory_space<vmem>>) semaphore(%arg13 : memref<!tpu.dma_semaphore, #tpu.memory_space<semaphore_mem>>)
    %dma_wait3A_359 = arith.constant 2 : i32
    %dma_wait3A_360 = arith.constant 0 : i32
    %dma_wait3A_361 = tpu.memref_slice %arg11[%dma_wait3A_359, %dma_wait3A_360] : memref<8x64xi32, #tpu.memory_space<vmem>> -> memref<1x64xi32, #tpu.memory_space<vmem>>
    %dma_wait3A_362 = tpu.memref_squeeze %dma_wait3A_361 : memref<1x64xi32, #tpu.memory_space<vmem>> -> memref<64xi32, #tpu.memory_space<vmem>>
    %dma_wait3A_363 = arith.constant 0 : i32
    %dma_wait3A_364 = arith.constant 0 : i32
    %dma_wait3A_365 = tpu.memref_slice %arg6[%dma_wait3A_363, %dma_wait3A_364] : memref<18432x1024xf32, #tpu.memory_space<hbm>> -> memref<18432x1024xf32, #tpu.memory_space<hbm>>
    tpu.wait_indirect_dma semaphore(%arg13 : memref<!tpu.dma_semaphore, #tpu.memory_space<semaphore_mem>>) src(%arg12 : memref<64x1024xf32, #tpu.memory_space<vmem>>) dst(%dma_wait3A_365 : memref<18432x1024xf32, #tpu.memory_space<hbm>>)
    %add3A_366 = arith.constant 192 : i32
    %add3A_367 = arith.addi %mul3A_2, %add3A_366 : i32
    "tpu.region"() ({
      %run_scoped3A = tpu.sem_alloc : memref<!tpu.dma_semaphore, #tpu.memory_space<semaphore_mem>>
      %dma_start3A_446 = arith.constant 0 : i32
      %dma_start3A_447 = tpu.memref_slice %arg2[%add3A_367, %dma_start3A_446] : memref<16384x1024xf32, #tpu.memory_space<hbm>> -> memref<64x1024xf32, #tpu.memory_space<hbm>>
      %dma_start3A_448 = arith.constant 0 : i32
      %dma_start3A_449 = tpu.memref_slice %arg2[%add3A_367, %dma_start3A_448] : memref<16384x1024xf32, #tpu.memory_space<hbm>> -> memref<64x1024xf32, #tpu.memory_space<hbm>>
      tpu.enqueue_dma source(%dma_start3A_449 : memref<64x1024xf32, #tpu.memory_space<hbm>>) target(%arg12 : memref<64x1024xf32, #tpu.memory_space<vmem>>) target_semaphore(%run_scoped3A : memref<!tpu.dma_semaphore, #tpu.memory_space<semaphore_mem>>)
      %dma_wait3A_450 = arith.constant 0 : i32
      %dma_wait3A_451 = tpu.memref_slice %arg2[%add3A_367, %dma_wait3A_450] : memref<16384x1024xf32, #tpu.memory_space<hbm>> -> memref<64x1024xf32, #tpu.memory_space<hbm>>
      %dma_wait3A_452 = arith.constant 0 : i32
      %dma_wait3A_453 = tpu.memref_slice %arg2[%add3A_367, %dma_wait3A_452] : memref<16384x1024xf32, #tpu.memory_space<hbm>> -> memref<64x1024xf32, #tpu.memory_space<hbm>>
      tpu.wait_dma2 semaphore(%run_scoped3A : memref<!tpu.dma_semaphore, #tpu.memory_space<semaphore_mem>>) src(%dma_wait3A_453 : memref<64x1024xf32, #tpu.memory_space<hbm>>) dst(%arg12 : memref<64x1024xf32, #tpu.memory_space<vmem>>)
      tpu.yield
    }) : () -> ()
    %dma_start3A_368 = arith.constant 3 : i32
    %dma_start3A_369 = arith.constant 0 : i32
    %dma_start3A_370 = tpu.memref_slice %arg11[%dma_start3A_368, %dma_start3A_369] : memref<8x64xi32, #tpu.memory_space<vmem>> -> memref<1x64xi32, #tpu.memory_space<vmem>>
    %dma_start3A_371 = tpu.memref_squeeze %dma_start3A_370 : memref<1x64xi32, #tpu.memory_space<vmem>> -> memref<64xi32, #tpu.memory_space<vmem>>
    %dma_start3A_372 = arith.constant 0 : i32
    %dma_start3A_373 = arith.constant 0 : i32
    %dma_start3A_374 = tpu.memref_slice %arg6[%dma_start3A_372, %dma_start3A_373] : memref<18432x1024xf32, #tpu.memory_space<hbm>> -> memref<18432x1024xf32, #tpu.memory_space<hbm>>
    tpu.enqueue_indirect_dma source(%arg12 : memref<64x1024xf32, #tpu.memory_space<vmem>>) target(%dma_start3A_374 : memref<18432x1024xf32, #tpu.memory_space<hbm>>) offsets(%dma_start3A_371 : memref<64xi32, #tpu.memory_space<vmem>>) semaphore(%arg13 : memref<!tpu.dma_semaphore, #tpu.memory_space<semaphore_mem>>)
    %dma_wait3A_375 = arith.constant 3 : i32
    %dma_wait3A_376 = arith.constant 0 : i32
    %dma_wait3A_377 = tpu.memref_slice %arg11[%dma_wait3A_375, %dma_wait3A_376] : memref<8x64xi32, #tpu.memory_space<vmem>> -> memref<1x64xi32, #tpu.memory_space<vmem>>
    %dma_wait3A_378 = tpu.memref_squeeze %dma_wait3A_377 : memref<1x64xi32, #tpu.memory_space<vmem>> -> memref<64xi32, #tpu.memory_space<vmem>>
    %dma_wait3A_379 = arith.constant 0 : i32
    %dma_wait3A_380 = arith.constant 0 : i32
    %dma_wait3A_381 = tpu.memref_slice %arg6[%dma_wait3A_379, %dma_wait3A_380] : memref<18432x1024xf32, #tpu.memory_space<hbm>> -> memref<18432x1024xf32, #tpu.memory_space<hbm>>
    tpu.wait_indirect_dma semaphore(%arg13 : memref<!tpu.dma_semaphore, #tpu.memory_space<semaphore_mem>>) src(%arg12 : memref<64x1024xf32, #tpu.memory_space<vmem>>) dst(%dma_wait3A_381 : memref<18432x1024xf32, #tpu.memory_space<hbm>>)
    %add3A_382 = arith.constant 256 : i32
    %add3A_383 = arith.addi %mul3A_2, %add3A_382 : i32
    "tpu.region"() ({
      %run_scoped3A = tpu.sem_alloc : memref<!tpu.dma_semaphore, #tpu.memory_space<semaphore_mem>>
      %dma_start3A_446 = arith.constant 0 : i32
      %dma_start3A_447 = tpu.memref_slice %arg2[%add3A_383, %dma_start3A_446] : memref<16384x1024xf32, #tpu.memory_space<hbm>> -> memref<64x1024xf32, #tpu.memory_space<hbm>>
      %dma_start3A_448 = arith.constant 0 : i32
      %dma_start3A_449 = tpu.memref_slice %arg2[%add3A_383, %dma_start3A_448] : memref<16384x1024xf32, #tpu.memory_space<hbm>> -> memref<64x1024xf32, #tpu.memory_space<hbm>>
      tpu.enqueue_dma source(%dma_start3A_449 : memref<64x1024xf32, #tpu.memory_space<hbm>>) target(%arg12 : memref<64x1024xf32, #tpu.memory_space<vmem>>) target_semaphore(%run_scoped3A : memref<!tpu.dma_semaphore, #tpu.memory_space<semaphore_mem>>)
      %dma_wait3A_450 = arith.constant 0 : i32
      %dma_wait3A_451 = tpu.memref_slice %arg2[%add3A_383, %dma_wait3A_450] : memref<16384x1024xf32, #tpu.memory_space<hbm>> -> memref<64x1024xf32, #tpu.memory_space<hbm>>
      %dma_wait3A_452 = arith.constant 0 : i32
      %dma_wait3A_453 = tpu.memref_slice %arg2[%add3A_383, %dma_wait3A_452] : memref<16384x1024xf32, #tpu.memory_space<hbm>> -> memref<64x1024xf32, #tpu.memory_space<hbm>>
      tpu.wait_dma2 semaphore(%run_scoped3A : memref<!tpu.dma_semaphore, #tpu.memory_space<semaphore_mem>>) src(%dma_wait3A_453 : memref<64x1024xf32, #tpu.memory_space<hbm>>) dst(%arg12 : memref<64x1024xf32, #tpu.memory_space<vmem>>)
      tpu.yield
    }) : () -> ()
    %dma_start3A_384 = arith.constant 4 : i32
    %dma_start3A_385 = arith.constant 0 : i32
    %dma_start3A_386 = tpu.memref_slice %arg11[%dma_start3A_384, %dma_start3A_385] : memref<8x64xi32, #tpu.memory_space<vmem>> -> memref<1x64xi32, #tpu.memory_space<vmem>>
    %dma_start3A_387 = tpu.memref_squeeze %dma_start3A_386 : memref<1x64xi32, #tpu.memory_space<vmem>> -> memref<64xi32, #tpu.memory_space<vmem>>
    %dma_start3A_388 = arith.constant 0 : i32
    %dma_start3A_389 = arith.constant 0 : i32
    %dma_start3A_390 = tpu.memref_slice %arg6[%dma_start3A_388, %dma_start3A_389] : memref<18432x1024xf32, #tpu.memory_space<hbm>> -> memref<18432x1024xf32, #tpu.memory_space<hbm>>
    tpu.enqueue_indirect_dma source(%arg12 : memref<64x1024xf32, #tpu.memory_space<vmem>>) target(%dma_start3A_390 : memref<18432x1024xf32, #tpu.memory_space<hbm>>) offsets(%dma_start3A_387 : memref<64xi32, #tpu.memory_space<vmem>>) semaphore(%arg13 : memref<!tpu.dma_semaphore, #tpu.memory_space<semaphore_mem>>)
    %dma_wait3A_391 = arith.constant 4 : i32
    %dma_wait3A_392 = arith.constant 0 : i32
    %dma_wait3A_393 = tpu.memref_slice %arg11[%dma_wait3A_391, %dma_wait3A_392] : memref<8x64xi32, #tpu.memory_space<vmem>> -> memref<1x64xi32, #tpu.memory_space<vmem>>
    %dma_wait3A_394 = tpu.memref_squeeze %dma_wait3A_393 : memref<1x64xi32, #tpu.memory_space<vmem>> -> memref<64xi32, #tpu.memory_space<vmem>>
    %dma_wait3A_395 = arith.constant 0 : i32
    %dma_wait3A_396 = arith.constant 0 : i32
    %dma_wait3A_397 = tpu.memref_slice %arg6[%dma_wait3A_395, %dma_wait3A_396] : memref<18432x1024xf32, #tpu.memory_space<hbm>> -> memref<18432x1024xf32, #tpu.memory_space<hbm>>
    tpu.wait_indirect_dma semaphore(%arg13 : memref<!tpu.dma_semaphore, #tpu.memory_space<semaphore_mem>>) src(%arg12 : memref<64x1024xf32, #tpu.memory_space<vmem>>) dst(%dma_wait3A_397 : memref<18432x1024xf32, #tpu.memory_space<hbm>>)
    %add3A_398 = arith.constant 320 : i32
    %add3A_399 = arith.addi %mul3A_2, %add3A_398 : i32
    "tpu.region"() ({
      %run_scoped3A = tpu.sem_alloc : memref<!tpu.dma_semaphore, #tpu.memory_space<semaphore_mem>>
      %dma_start3A_446 = arith.constant 0 : i32
      %dma_start3A_447 = tpu.memref_slice %arg2[%add3A_399, %dma_start3A_446] : memref<16384x1024xf32, #tpu.memory_space<hbm>> -> memref<64x1024xf32, #tpu.memory_space<hbm>>
      %dma_start3A_448 = arith.constant 0 : i32
      %dma_start3A_449 = tpu.memref_slice %arg2[%add3A_399, %dma_start3A_448] : memref<16384x1024xf32, #tpu.memory_space<hbm>> -> memref<64x1024xf32, #tpu.memory_space<hbm>>
      tpu.enqueue_dma source(%dma_start3A_449 : memref<64x1024xf32, #tpu.memory_space<hbm>>) target(%arg12 : memref<64x1024xf32, #tpu.memory_space<vmem>>) target_semaphore(%run_scoped3A : memref<!tpu.dma_semaphore, #tpu.memory_space<semaphore_mem>>)
      %dma_wait3A_450 = arith.constant 0 : i32
      %dma_wait3A_451 = tpu.memref_slice %arg2[%add3A_399, %dma_wait3A_450] : memref<16384x1024xf32, #tpu.memory_space<hbm>> -> memref<64x1024xf32, #tpu.memory_space<hbm>>
      %dma_wait3A_452 = arith.constant 0 : i32
      %dma_wait3A_453 = tpu.memref_slice %arg2[%add3A_399, %dma_wait3A_452] : memref<16384x1024xf32, #tpu.memory_space<hbm>> -> memref<64x1024xf32, #tpu.memory_space<hbm>>
      tpu.wait_dma2 semaphore(%run_scoped3A : memref<!tpu.dma_semaphore, #tpu.memory_space<semaphore_mem>>) src(%dma_wait3A_453 : memref<64x1024xf32, #tpu.memory_space<hbm>>) dst(%arg12 : memref<64x1024xf32, #tpu.memory_space<vmem>>)
      tpu.yield
    }) : () -> ()
    %dma_start3A_400 = arith.constant 5 : i32
    %dma_start3A_401 = arith.constant 0 : i32
    %dma_start3A_402 = tpu.memref_slice %arg11[%dma_start3A_400, %dma_start3A_401] : memref<8x64xi32, #tpu.memory_space<vmem>> -> memref<1x64xi32, #tpu.memory_space<vmem>>
    %dma_start3A_403 = tpu.memref_squeeze %dma_start3A_402 : memref<1x64xi32, #tpu.memory_space<vmem>> -> memref<64xi32, #tpu.memory_space<vmem>>
    %dma_start3A_404 = arith.constant 0 : i32
    %dma_start3A_405 = arith.constant 0 : i32
    %dma_start3A_406 = tpu.memref_slice %arg6[%dma_start3A_404, %dma_start3A_405] : memref<18432x1024xf32, #tpu.memory_space<hbm>> -> memref<18432x1024xf32, #tpu.memory_space<hbm>>
    tpu.enqueue_indirect_dma source(%arg12 : memref<64x1024xf32, #tpu.memory_space<vmem>>) target(%dma_start3A_406 : memref<18432x1024xf32, #tpu.memory_space<hbm>>) offsets(%dma_start3A_403 : memref<64xi32, #tpu.memory_space<vmem>>) semaphore(%arg13 : memref<!tpu.dma_semaphore, #tpu.memory_space<semaphore_mem>>)
    %dma_wait3A_407 = arith.constant 5 : i32
    %dma_wait3A_408 = arith.constant 0 : i32
    %dma_wait3A_409 = tpu.memref_slice %arg11[%dma_wait3A_407, %dma_wait3A_408] : memref<8x64xi32, #tpu.memory_space<vmem>> -> memref<1x64xi32, #tpu.memory_space<vmem>>
    %dma_wait3A_410 = tpu.memref_squeeze %dma_wait3A_409 : memref<1x64xi32, #tpu.memory_space<vmem>> -> memref<64xi32, #tpu.memory_space<vmem>>
    %dma_wait3A_411 = arith.constant 0 : i32
    %dma_wait3A_412 = arith.constant 0 : i32
    %dma_wait3A_413 = tpu.memref_slice %arg6[%dma_wait3A_411, %dma_wait3A_412] : memref<18432x1024xf32, #tpu.memory_space<hbm>> -> memref<18432x1024xf32, #tpu.memory_space<hbm>>
    tpu.wait_indirect_dma semaphore(%arg13 : memref<!tpu.dma_semaphore, #tpu.memory_space<semaphore_mem>>) src(%arg12 : memref<64x1024xf32, #tpu.memory_space<vmem>>) dst(%dma_wait3A_413 : memref<18432x1024xf32, #tpu.memory_space<hbm>>)
    %add3A_414 = arith.constant 384 : i32
    %add3A_415 = arith.addi %mul3A_2, %add3A_414 : i32
    "tpu.region"() ({
      %run_scoped3A = tpu.sem_alloc : memref<!tpu.dma_semaphore, #tpu.memory_space<semaphore_mem>>
      %dma_start3A_446 = arith.constant 0 : i32
      %dma_start3A_447 = tpu.memref_slice %arg2[%add3A_415, %dma_start3A_446] : memref<16384x1024xf32, #tpu.memory_space<hbm>> -> memref<64x1024xf32, #tpu.memory_space<hbm>>
      %dma_start3A_448 = arith.constant 0 : i32
      %dma_start3A_449 = tpu.memref_slice %arg2[%add3A_415, %dma_start3A_448] : memref<16384x1024xf32, #tpu.memory_space<hbm>> -> memref<64x1024xf32, #tpu.memory_space<hbm>>
      tpu.enqueue_dma source(%dma_start3A_449 : memref<64x1024xf32, #tpu.memory_space<hbm>>) target(%arg12 : memref<64x1024xf32, #tpu.memory_space<vmem>>) target_semaphore(%run_scoped3A : memref<!tpu.dma_semaphore, #tpu.memory_space<semaphore_mem>>)
      %dma_wait3A_450 = arith.constant 0 : i32
      %dma_wait3A_451 = tpu.memref_slice %arg2[%add3A_415, %dma_wait3A_450] : memref<16384x1024xf32, #tpu.memory_space<hbm>> -> memref<64x1024xf32, #tpu.memory_space<hbm>>
      %dma_wait3A_452 = arith.constant 0 : i32
      %dma_wait3A_453 = tpu.memref_slice %arg2[%add3A_415, %dma_wait3A_452] : memref<16384x1024xf32, #tpu.memory_space<hbm>> -> memref<64x1024xf32, #tpu.memory_space<hbm>>
      tpu.wait_dma2 semaphore(%run_scoped3A : memref<!tpu.dma_semaphore, #tpu.memory_space<semaphore_mem>>) src(%dma_wait3A_453 : memref<64x1024xf32, #tpu.memory_space<hbm>>) dst(%arg12 : memref<64x1024xf32, #tpu.memory_space<vmem>>)
      tpu.yield
    }) : () -> ()
    %dma_start3A_416 = arith.constant 6 : i32
    %dma_start3A_417 = arith.constant 0 : i32
    %dma_start3A_418 = tpu.memref_slice %arg11[%dma_start3A_416, %dma_start3A_417] : memref<8x64xi32, #tpu.memory_space<vmem>> -> memref<1x64xi32, #tpu.memory_space<vmem>>
    %dma_start3A_419 = tpu.memref_squeeze %dma_start3A_418 : memref<1x64xi32, #tpu.memory_space<vmem>> -> memref<64xi32, #tpu.memory_space<vmem>>
    %dma_start3A_420 = arith.constant 0 : i32
    %dma_start3A_421 = arith.constant 0 : i32
    %dma_start3A_422 = tpu.memref_slice %arg6[%dma_start3A_420, %dma_start3A_421] : memref<18432x1024xf32, #tpu.memory_space<hbm>> -> memref<18432x1024xf32, #tpu.memory_space<hbm>>
    tpu.enqueue_indirect_dma source(%arg12 : memref<64x1024xf32, #tpu.memory_space<vmem>>) target(%dma_start3A_422 : memref<18432x1024xf32, #tpu.memory_space<hbm>>) offsets(%dma_start3A_419 : memref<64xi32, #tpu.memory_space<vmem>>) semaphore(%arg13 : memref<!tpu.dma_semaphore, #tpu.memory_space<semaphore_mem>>)
    %dma_wait3A_423 = arith.constant 6 : i32
    %dma_wait3A_424 = arith.constant 0 : i32
    %dma_wait3A_425 = tpu.memref_slice %arg11[%dma_wait3A_423, %dma_wait3A_424] : memref<8x64xi32, #tpu.memory_space<vmem>> -> memref<1x64xi32, #tpu.memory_space<vmem>>
    %dma_wait3A_426 = tpu.memref_squeeze %dma_wait3A_425 : memref<1x64xi32, #tpu.memory_space<vmem>> -> memref<64xi32, #tpu.memory_space<vmem>>
    %dma_wait3A_427 = arith.constant 0 : i32
    %dma_wait3A_428 = arith.constant 0 : i32
    %dma_wait3A_429 = tpu.memref_slice %arg6[%dma_wait3A_427, %dma_wait3A_428] : memref<18432x1024xf32, #tpu.memory_space<hbm>> -> memref<18432x1024xf32, #tpu.memory_space<hbm>>
    tpu.wait_indirect_dma semaphore(%arg13 : memref<!tpu.dma_semaphore, #tpu.memory_space<semaphore_mem>>) src(%arg12 : memref<64x1024xf32, #tpu.memory_space<vmem>>) dst(%dma_wait3A_429 : memref<18432x1024xf32, #tpu.memory_space<hbm>>)
    %add3A_430 = arith.constant 448 : i32
    %add3A_431 = arith.addi %mul3A_2, %add3A_430 : i32
    "tpu.region"() ({
      %run_scoped3A = tpu.sem_alloc : memref<!tpu.dma_semaphore, #tpu.memory_space<semaphore_mem>>
      %dma_start3A_446 = arith.constant 0 : i32
      %dma_start3A_447 = tpu.memref_slice %arg2[%add3A_431, %dma_start3A_446] : memref<16384x1024xf32, #tpu.memory_space<hbm>> -> memref<64x1024xf32, #tpu.memory_space<hbm>>
      %dma_start3A_448 = arith.constant 0 : i32
      %dma_start3A_449 = tpu.memref_slice %arg2[%add3A_431, %dma_start3A_448] : memref<16384x1024xf32, #tpu.memory_space<hbm>> -> memref<64x1024xf32, #tpu.memory_space<hbm>>
      tpu.enqueue_dma source(%dma_start3A_449 : memref<64x1024xf32, #tpu.memory_space<hbm>>) target(%arg12 : memref<64x1024xf32, #tpu.memory_space<vmem>>) target_semaphore(%run_scoped3A : memref<!tpu.dma_semaphore, #tpu.memory_space<semaphore_mem>>)
      %dma_wait3A_450 = arith.constant 0 : i32
      %dma_wait3A_451 = tpu.memref_slice %arg2[%add3A_431, %dma_wait3A_450] : memref<16384x1024xf32, #tpu.memory_space<hbm>> -> memref<64x1024xf32, #tpu.memory_space<hbm>>
      %dma_wait3A_452 = arith.constant 0 : i32
      %dma_wait3A_453 = tpu.memref_slice %arg2[%add3A_431, %dma_wait3A_452] : memref<16384x1024xf32, #tpu.memory_space<hbm>> -> memref<64x1024xf32, #tpu.memory_space<hbm>>
      tpu.wait_dma2 semaphore(%run_scoped3A : memref<!tpu.dma_semaphore, #tpu.memory_space<semaphore_mem>>) src(%dma_wait3A_453 : memref<64x1024xf32, #tpu.memory_space<hbm>>) dst(%arg12 : memref<64x1024xf32, #tpu.memory_space<vmem>>)
      tpu.yield
    }) : () -> ()
    %dma_start3A_432 = arith.constant 7 : i32
    %dma_start3A_433 = arith.constant 0 : i32
    %dma_start3A_434 = tpu.memref_slice %arg11[%dma_start3A_432, %dma_start3A_433] : memref<8x64xi32, #tpu.memory_space<vmem>> -> memref<1x64xi32, #tpu.memory_space<vmem>>
    %dma_start3A_435 = tpu.memref_squeeze %dma_start3A_434 : memref<1x64xi32, #tpu.memory_space<vmem>> -> memref<64xi32, #tpu.memory_space<vmem>>
    %dma_start3A_436 = arith.constant 0 : i32
    %dma_start3A_437 = arith.constant 0 : i32
    %dma_start3A_438 = tpu.memref_slice %arg6[%dma_start3A_436, %dma_start3A_437] : memref<18432x1024xf32, #tpu.memory_space<hbm>> -> memref<18432x1024xf32, #tpu.memory_space<hbm>>
    tpu.enqueue_indirect_dma source(%arg12 : memref<64x1024xf32, #tpu.memory_space<vmem>>) target(%dma_start3A_438 : memref<18432x1024xf32, #tpu.memory_space<hbm>>) offsets(%dma_start3A_435 : memref<64xi32, #tpu.memory_space<vmem>>) semaphore(%arg13 : memref<!tpu.dma_semaphore, #tpu.memory_space<semaphore_mem>>)
    %dma_wait3A_439 = arith.constant 7 : i32
    %dma_wait3A_440 = arith.constant 0 : i32
    %dma_wait3A_441 = tpu.memref_slice %arg11[%dma_wait3A_439, %dma_wait3A_440] : memref<8x64xi32, #tpu.memory_space<vmem>> -> memref<1x64xi32, #tpu.memory_space<vmem>>
    %dma_wait3A_442 = tpu.memref_squeeze %dma_wait3A_441 : memref<1x64xi32, #tpu.memory_space<vmem>> -> memref<64xi32, #tpu.memory_space<vmem>>
    %dma_wait3A_443 = arith.constant 0 : i32
    %dma_wait3A_444 = arith.constant 0 : i32
    %dma_wait3A_445 = tpu.memref_slice %arg6[%dma_wait3A_443, %dma_wait3A_444] : memref<18432x1024xf32, #tpu.memory_space<hbm>> -> memref<18432x1024xf32, #tpu.memory_space<hbm>>
    tpu.wait_indirect_dma semaphore(%arg13 : memref<!tpu.dma_semaphore, #tpu.memory_space<semaphore_mem>>) src(%arg12 : memref<64x1024xf32, #tpu.memory_space<vmem>>) dst(%dma_wait3A_445 : memref<18432x1024xf32, #tpu.memory_space<hbm>>)
    return
  }
}

module attributes {stable_mosaic.version = 14 : i64} {
  func.func @_router_body(%arg0: i32, %arg1: memref<512x1024xf32, #tpu.memory_space<vmem>>, %arg2: memref<8x1024xf32, #tpu.memory_space<vmem>>, %arg3: memref<512x1024xf32, #tpu.memory_space<vmem>>, %arg4: memref<1x1x512xi32, #tpu.memory_space<vmem>>, %arg5: memref<1x1x512xi32, #tpu.memory_space<vmem>>, %arg6: memref<1x1x8xf32, #tpu.memory_space<vmem>>, %arg7: memref<1x1x8xf32, #tpu.memory_space<vmem>>) attributes {dimension_semantics = [#tpu.dimension_semantics<arbitrary>], iteration_bounds = array<i64: 32>, scalar_prefetch = 0 : i64, scratch_operands = 0 : i64, tpu.core_type = #tpu.core_type<tc>, window_params = [{transform_indices = @transform_0, window_bounds = array<i64: 512, 1024>}, {pipeline_mode = #tpu.pipeline_mode<synchronous>, transform_indices = @transform_1, window_bounds = array<i64: 8, 1024>}, {transform_indices = @transform_2, window_bounds = array<i64: 512, 1024>}, {transform_indices = @transform_3, window_bounds = array<i64: 1, 1, 512>}, {transform_indices = @transform_4, window_bounds = array<i64: 1, 1, 512>}, {transform_indices = @transform_5, window_bounds = array<i64: 1, 1, 8>}, {transform_indices = @transform_6, window_bounds = array<i64: 1, 1, 8>}]} {
    %get3A = arith.constant 0 : index
    %get3A_0 = arith.constant 0 : index
    %get3A_1 = vector.load %arg1[%get3A, %get3A_0] : memref<512x1024xf32, #tpu.memory_space<vmem>>, vector<512x1024xf32>
    %get3A_2 = arith.constant 0 : index
    %get3A_3 = arith.constant 0 : index
    %get3A_4 = vector.load %arg2[%get3A_2, %get3A_3] : memref<8x1024xf32, #tpu.memory_space<vmem>>, vector<8x1024xf32>
    %dot_general3A = arith.constant dense<0.000000e+00> : vector<512x8xf32>
    %dot_general3A_5 = tpu.matmul %get3A_1, %get3A_4, %dot_general3A {dimension_numbers = #tpu.dot_dimension_numbers<[1], [1], [0], [0], [0, 0, 1, 0], [], []>, precision = #tpu.contract_precision<fp32>, transpose_lhs_hint = false} : vector<512x1024xf32>, vector<8x1024xf32>, vector<512x8xf32> -> vector<512x8xf32>
    %reduce_max3A = arith.constant dense<0xFF800000> : vector<512xf32>
    %reduce_max3A_6 = vector.multi_reduction <maximumf>, %dot_general3A_5, %reduce_max3A [1] : vector<512x8xf32> to vector<512xf32>
    %broadcast_in_dim3A = vector.shape_cast %reduce_max3A_6 : vector<512xf32> to vector<512x1xf32>
    %sub3A = vector.broadcast %broadcast_in_dim3A : vector<512x1xf32> to vector<512x8xf32>
    %sub3A_7 = arith.subf %dot_general3A_5, %sub3A : vector<512x8xf32>
    %exp3A = math.exp %sub3A_7 : vector<512x8xf32>
    %reduce_sum3A = arith.constant dense<0.000000e+00> : vector<512xf32>
    %reduce_sum3A_8 = vector.multi_reduction <add>, %exp3A, %reduce_sum3A [1] : vector<512x8xf32> to vector<512xf32>
    %broadcast_in_dim3A_9 = vector.shape_cast %reduce_sum3A_8 : vector<512xf32> to vector<512x1xf32>
    %div3A = vector.broadcast %broadcast_in_dim3A_9 : vector<512x1xf32> to vector<512x8xf32>
    %div3A_10 = arith.divf %exp3A, %div3A : vector<512x8xf32>
    %reduce_max3A_11 = arith.constant dense<0xFF800000> : vector<512xf32>
    %reduce_max3A_12 = vector.multi_reduction <maximumf>, %div3A_10, %reduce_max3A_11 [1] : vector<512x8xf32> to vector<512xf32>
    %iota3A = tpu.iota {dimensions = array<i32: 1>} : vector<512x8xi32>
    %broadcast_in_dim3A_13 = vector.shape_cast %reduce_max3A_12 : vector<512xf32> to vector<512x1xf32>
    %eq3A = vector.broadcast %broadcast_in_dim3A_13 : vector<512x1xf32> to vector<512x8xf32>
    %eq3A_14 = arith.cmpf oeq, %div3A_10, %eq3A : vector<512x8xf32>
    %jit3A = arith.constant 8 : i32
    %broadcast_in_dim3A_15 = vector.broadcast %jit3A : i32 to vector<512x8xi32>
    %select_n3A = arith.select %eq3A_14, %iota3A, %broadcast_in_dim3A_15 : vector<512x8xi1>, vector<512x8xi32>
    %reduce_min3A = arith.constant dense<2147483647> : vector<512xi32>
    %reduce_min3A_16 = vector.multi_reduction <minsi>, %select_n3A, %reduce_min3A [1] : vector<512x8xi32> to vector<512xi32>
    %broadcast_in_dim3A_17 = vector.shape_cast %reduce_min3A_16 : vector<512xi32> to vector<512x1xi32>
    %eq3A_18 = vector.broadcast %broadcast_in_dim3A_17 : vector<512x1xi32> to vector<512x8xi32>
    %eq3A_19 = arith.cmpi eq, %iota3A, %eq3A_18 : vector<512x8xi32>
    %convert_element_type3A = arith.extui %eq3A_19 : vector<512x8xi1> to vector<512x8xi32>
    %convert_element_type3A_20 = arith.sitofp %convert_element_type3A : vector<512x8xi32> to vector<512x8xf32>
    %iota3A_21 = tpu.iota {dimensions = array<i32: 0>} : vector<512x512xi32>
    %iota3A_22 = tpu.iota {dimensions = array<i32: 1>} : vector<512x512xi32>
    %gt3A = arith.cmpi sgt, %iota3A_21, %iota3A_22 : vector<512x512xi32>
    %convert_element_type3A_23 = arith.extui %gt3A : vector<512x512xi1> to vector<512x512xi32>
    %convert_element_type3A_24 = arith.sitofp %convert_element_type3A_23 : vector<512x512xi32> to vector<512x512xf32>
    %dot_general3A_25 = arith.constant dense<0.000000e+00> : vector<512x8xf32>
    %dot_general3A_26 = tpu.matmul %convert_element_type3A_24, %convert_element_type3A_20, %dot_general3A_25 {dimension_numbers = #tpu.dot_dimension_numbers<[1], [0], [0], [1], [0, 0, 1, 1], [], []>, transpose_lhs_hint = false} : vector<512x512xf32>, vector<512x8xf32>, vector<512x8xf32> -> vector<512x8xf32>
    %mul3A = arith.mulf %dot_general3A_26, %convert_element_type3A_20 : vector<512x8xf32>
    %reduce_sum3A_27 = arith.constant dense<0.000000e+00> : vector<512xf32>
    %reduce_sum3A_28 = vector.multi_reduction <add>, %mul3A, %reduce_sum3A_27 [1] : vector<512x8xf32> to vector<512xf32>
    %convert_element_type3A_29 = arith.fptosi %reduce_sum3A_28 : vector<512xf32> to vector<512xi32>
    %broadcast_in_dim3A_30 = vector.shape_cast %reduce_max3A_12 : vector<512xf32> to vector<512x1xf32>
    %mul3A_31 = vector.broadcast %broadcast_in_dim3A_30 : vector<512x1xf32> to vector<512x1024xf32>
    %mul3A_32 = arith.mulf %get3A_1, %mul3A_31 : vector<512x1024xf32>
    %swap3A = arith.constant 0 : index
    %swap3A_33 = arith.constant 0 : index
    %swap3A_34 = vector.load %arg3[%swap3A, %swap3A_33] : memref<512x1024xf32, #tpu.memory_space<vmem>>, vector<512x1024xf32>
    tpu.vector_store %arg3[%swap3A, %swap3A_33], %mul3A_32 {strides = array<i32>} : memref<512x1024xf32, #tpu.memory_space<vmem>>, vector<512x1024xf32>,
    %reshape3A = vector.shape_cast %reduce_min3A_16 : vector<512xi32> to vector<1x1x512xi32>
    %swap3A_35 = arith.constant 0 : index
    %swap3A_36 = arith.constant 0 : index
    %swap3A_37 = arith.constant 0 : index
    %swap3A_38 = vector.load %arg4[%swap3A_35, %swap3A_36, %swap3A_37] : memref<1x1x512xi32, #tpu.memory_space<vmem>>, vector<1x1x512xi32>
    tpu.vector_store %arg4[%swap3A_35, %swap3A_36, %swap3A_37], %reshape3A {strides = array<i32>} : memref<1x1x512xi32, #tpu.memory_space<vmem>>, vector<1x1x512xi32>,
    %reshape3A_39 = vector.shape_cast %convert_element_type3A_29 : vector<512xi32> to vector<1x1x512xi32>
    %swap3A_40 = arith.constant 0 : index
    %swap3A_41 = arith.constant 0 : index
    %swap3A_42 = arith.constant 0 : index
    %swap3A_43 = vector.load %arg5[%swap3A_40, %swap3A_41, %swap3A_42] : memref<1x1x512xi32, #tpu.memory_space<vmem>>, vector<1x1x512xi32>
    tpu.vector_store %arg5[%swap3A_40, %swap3A_41, %swap3A_42], %reshape3A_39 {strides = array<i32>} : memref<1x1x512xi32, #tpu.memory_space<vmem>>, vector<1x1x512xi32>,
    %reduce_sum3A_44 = arith.constant dense<0.000000e+00> : vector<8xf32>
    %reduce_sum3A_45 = vector.multi_reduction <add>, %convert_element_type3A_20, %reduce_sum3A_44 [0] : vector<512x8xf32> to vector<8xf32>
    %reshape3A_46 = vector.shape_cast %reduce_sum3A_45 : vector<8xf32> to vector<1x1x8xf32>
    %swap3A_47 = arith.constant 0 : index
    %swap3A_48 = arith.constant 0 : index
    %swap3A_49 = arith.constant 0 : index
    %swap3A_50 = vector.load %arg6[%swap3A_47, %swap3A_48, %swap3A_49] : memref<1x1x8xf32, #tpu.memory_space<vmem>>, vector<1x1x8xf32>
    tpu.vector_store %arg6[%swap3A_47, %swap3A_48, %swap3A_49], %reshape3A_46 {strides = array<i32>} : memref<1x1x8xf32, #tpu.memory_space<vmem>>, vector<1x1x8xf32>,
    %reduce_sum3A_51 = arith.constant dense<0.000000e+00> : vector<8xf32>
    %reduce_sum3A_52 = vector.multi_reduction <add>, %div3A_10, %reduce_sum3A_51 [0] : vector<512x8xf32> to vector<8xf32>
    %reshape3A_53 = vector.shape_cast %reduce_sum3A_52 : vector<8xf32> to vector<1x1x8xf32>
    %swap3A_54 = arith.constant 0 : index
    %swap3A_55 = arith.constant 0 : index
    %swap3A_56 = arith.constant 0 : index
    %swap3A_57 = vector.load %arg7[%swap3A_54, %swap3A_55, %swap3A_56] : memref<1x1x8xf32, #tpu.memory_space<vmem>>, vector<1x1x8xf32>
    tpu.vector_store %arg7[%swap3A_54, %swap3A_55, %swap3A_56], %reshape3A_53 {strides = array<i32>} : memref<1x1x8xf32, #tpu.memory_space<vmem>>, vector<1x1x8xf32>,
    return
  }
  func.func @transform_0(%arg0: i32) -> (i32, i32) {
    %c0_i32 = arith.constant 0 : i32
    %c0_i32_0 = arith.constant 0 : i32
    return %arg0, %c0_i32 : i32, i32
  }
  func.func @transform_1(%arg0: i32) -> (i32, i32) {
    %c0_i32 = arith.constant 0 : i32
    %c0_i32_0 = arith.constant 0 : i32
    %c0_i32_1 = arith.constant 0 : i32
    return %c0_i32, %c0_i32_0 : i32, i32
  }
  func.func @transform_2(%arg0: i32) -> (i32, i32) {
    %c0_i32 = arith.constant 0 : i32
    %c0_i32_0 = arith.constant 0 : i32
    return %arg0, %c0_i32 : i32, i32
  }
  func.func @transform_3(%arg0: i32) -> (i32, i32, i32) {
    %c0_i32 = arith.constant 0 : i32
    %c0_i32_0 = arith.constant 0 : i32
    %c0_i32_1 = arith.constant 0 : i32
    return %arg0, %c0_i32, %c0_i32_0 : i32, i32, i32
  }
  func.func @transform_4(%arg0: i32) -> (i32, i32, i32) {
    %c0_i32 = arith.constant 0 : i32
    %c0_i32_0 = arith.constant 0 : i32
    %c0_i32_1 = arith.constant 0 : i32
    return %arg0, %c0_i32, %c0_i32_0 : i32, i32, i32
  }
  func.func @transform_5(%arg0: i32) -> (i32, i32, i32) {
    %c0_i32 = arith.constant 0 : i32
    %c0_i32_0 = arith.constant 0 : i32
    %c0_i32_1 = arith.constant 0 : i32
    return %arg0, %c0_i32, %c0_i32_0 : i32, i32, i32
  }
  func.func @transform_6(%arg0: i32) -> (i32, i32, i32) {
    %c0_i32 = arith.constant 0 : i32
    %c0_i32_0 = arith.constant 0 : i32
    %c0_i32_1 = arith.constant 0 : i32
    return %arg0, %c0_i32, %c0_i32_0 : i32, i32, i32
  }
}

module attributes {stable_mosaic.version = 14 : i64} {
  func.func @_mm_body(%arg0: i32, %arg1: memref<72xi32, #tpu.memory_space<smem>>, %arg2: memref<256x1024xf32, #tpu.memory_space<vmem>>, %arg3: memref<1x1024x1024xf32, #tpu.memory_space<vmem>>, %arg4: memref<256x1024xf32, #tpu.memory_space<vmem>>) attributes {dimension_semantics = [#tpu.dimension_semantics<arbitrary>], iteration_bounds = array<i64: 72>, scalar_prefetch = 1 : i64, scratch_operands = 0 : i64, tpu.core_type = #tpu.core_type<tc>, window_params = [{transform_indices = @transform_0, window_bounds = array<i64: 256, 1024>}, {transform_indices = @transform_1, window_bounds = array<i64: 1, 1024, 1024>}, {transform_indices = @transform_2, window_bounds = array<i64: 256, 1024>}]} {
    %get3A = arith.constant 0 : index
    %get3A_0 = arith.constant 0 : index
    %get3A_1 = vector.load %arg2[%get3A, %get3A_0] : memref<256x1024xf32, #tpu.memory_space<vmem>>, vector<256x1024xf32>
    %get3A_2 = arith.constant 0 : index
    %get3A_3 = arith.constant 0 : index
    %get3A_4 = arith.constant 0 : index
    %get3A_5 = vector.load %arg3[%get3A_2, %get3A_3, %get3A_4] : memref<1x1024x1024xf32, #tpu.memory_space<vmem>>, vector<1x1024x1024xf32>
    %get3A_6 = vector.shape_cast %get3A_5 : vector<1x1024x1024xf32> to vector<1024x1024xf32>
    %dot_general3A = arith.constant dense<0.000000e+00> : vector<256x1024xf32>
    %dot_general3A_7 = tpu.matmul %get3A_1, %get3A_6, %dot_general3A {dimension_numbers = #tpu.dot_dimension_numbers<[1], [0], [0], [1], [0, 0, 1, 1], [], []>, transpose_lhs_hint = false} : vector<256x1024xf32>, vector<1024x1024xf32>, vector<256x1024xf32> -> vector<256x1024xf32>
    %swap3A = arith.constant 0 : index
    %swap3A_8 = arith.constant 0 : index
    %swap3A_9 = vector.load %arg4[%swap3A, %swap3A_8] : memref<256x1024xf32, #tpu.memory_space<vmem>>, vector<256x1024xf32>
    tpu.vector_store %arg4[%swap3A, %swap3A_8], %dot_general3A_7 {strides = array<i32>} : memref<256x1024xf32, #tpu.memory_space<vmem>>, vector<256x1024xf32>,
    return
  }
  func.func @transform_0(%arg0: i32, %arg1: memref<72xi32, #tpu.memory_space<smem>>) -> (i32, i32) {
    %c0_i32 = arith.constant 0 : i32
    %c0_i32_0 = arith.constant 0 : i32
    return %arg0, %c0_i32 : i32, i32
  }
  func.func @transform_1(%arg0: i32, %arg1: memref<72xi32, #tpu.memory_space<smem>>) -> (i32, i32, i32) {
    %get3A = arith.index_cast %arg0 : i32 to index
    %get3A_0 = memref.load %arg1[%get3A] : memref<72xi32, #tpu.memory_space<smem>>
    %c0_i32 = arith.constant 0 : i32
    %c0_i32_1 = arith.constant 0 : i32
    %c0_i32_2 = arith.constant 0 : i32
    return %get3A_0, %c0_i32, %c0_i32_1 : i32, i32, i32
  }
  func.func @transform_2(%arg0: i32, %arg1: memref<72xi32, #tpu.memory_space<smem>>) -> (i32, i32) {
    %c0_i32 = arith.constant 0 : i32
    %c0_i32_0 = arith.constant 0 : i32
    return %arg0, %c0_i32 : i32, i32
  }
}

module attributes {stable_mosaic.version = 14 : i64} {
  func.func @_hbuild_body(%arg0: i32, %arg1: memref<8x4x4x4xf32, #tpu.memory_space<smem>>, %arg2: memref<1x4x256x256xf32, #tpu.memory_space<vmem>>, %arg3: memref<1x1024x1024xf32, #tpu.memory_space<vmem>>) attributes {dimension_semantics = [#tpu.dimension_semantics<arbitrary>], iteration_bounds = array<i64: 8>, scalar_prefetch = 0 : i64, scratch_operands = 0 : i64, tpu.core_type = #tpu.core_type<tc>, window_params = [{transform_indices = @transform_0, window_bounds = array<i64: 8, 4, 4, 4>}, {transform_indices = @transform_1, window_bounds = array<i64: 1, 4, 256, 256>}, {transform_indices = @transform_2, window_bounds = array<i64: 1, 1024, 1024>}]} {
    %get3A = arith.index_cast %arg0 : i32 to index
    %get3A_0 = arith.constant 0 : index
    %get3A_1 = arith.constant 0 : index
    %get3A_2 = arith.constant 0 : index
    %get3A_3 = memref.load %arg1[%get3A, %get3A_0, %get3A_1, %get3A_2] : memref<8x4x4x4xf32, #tpu.memory_space<smem>>
    %get3A_4 = arith.constant 0 : index
    %get3A_5 = arith.constant 0 : index
    %get3A_6 = arith.constant 0 : index
    %get3A_7 = arith.constant 0 : index
    %get3A_8 = vector.load %arg2[%get3A_4, %get3A_5, %get3A_6, %get3A_7] : memref<1x4x256x256xf32, #tpu.memory_space<vmem>>, vector<1x1x256x256xf32>
    %get3A_9 = vector.shape_cast %get3A_8 : vector<1x1x256x256xf32> to vector<256x256xf32>
    %mul3A = vector.broadcast %get3A_3 : f32 to vector<256x256xf32>
    %mul3A_10 = arith.mulf %mul3A, %get3A_9 : vector<256x256xf32>
    %get3A_11 = arith.index_cast %arg0 : i32 to index
    %get3A_12 = arith.constant 1 : index
    %get3A_13 = arith.constant 0 : index
    %get3A_14 = arith.constant 0 : index
    %get3A_15 = memref.load %arg1[%get3A_11, %get3A_12, %get3A_13, %get3A_14] : memref<8x4x4x4xf32, #tpu.memory_space<smem>>
    %get3A_16 = arith.constant 0 : index
    %get3A_17 = arith.constant 1 : index
    %get3A_18 = arith.constant 0 : index
    %get3A_19 = arith.constant 0 : index
    %get3A_20 = vector.load %arg2[%get3A_16, %get3A_17, %get3A_18, %get3A_19] : memref<1x4x256x256xf32, #tpu.memory_space<vmem>>, vector<1x1x256x256xf32>
    %get3A_21 = vector.shape_cast %get3A_20 : vector<1x1x256x256xf32> to vector<256x256xf32>
    %mul3A_22 = vector.broadcast %get3A_15 : f32 to vector<256x256xf32>
    %mul3A_23 = arith.mulf %mul3A_22, %get3A_21 : vector<256x256xf32>
    %add3A = arith.addf %mul3A_10, %mul3A_23 : vector<256x256xf32>
    %get3A_24 = arith.index_cast %arg0 : i32 to index
    %get3A_25 = arith.constant 2 : index
    %get3A_26 = arith.constant 0 : index
    %get3A_27 = arith.constant 0 : index
    %get3A_28 = memref.load %arg1[%get3A_24, %get3A_25, %get3A_26, %get3A_27] : memref<8x4x4x4xf32, #tpu.memory_space<smem>>
    %get3A_29 = arith.constant 0 : index
    %get3A_30 = arith.constant 2 : index
    %get3A_31 = arith.constant 0 : index
    %get3A_32 = arith.constant 0 : index
    %get3A_33 = vector.load %arg2[%get3A_29, %get3A_30, %get3A_31, %get3A_32] : memref<1x4x256x256xf32, #tpu.memory_space<vmem>>, vector<1x1x256x256xf32>
    %get3A_34 = vector.shape_cast %get3A_33 : vector<1x1x256x256xf32> to vector<256x256xf32>
    %mul3A_35 = vector.broadcast %get3A_28 : f32 to vector<256x256xf32>
    %mul3A_36 = arith.mulf %mul3A_35, %get3A_34 : vector<256x256xf32>
    %add3A_37 = arith.addf %add3A, %mul3A_36 : vector<256x256xf32>
    %get3A_38 = arith.index_cast %arg0 : i32 to index
    %get3A_39 = arith.constant 3 : index
    %get3A_40 = arith.constant 0 : index
    %get3A_41 = arith.constant 0 : index
    %get3A_42 = memref.load %arg1[%get3A_38, %get3A_39, %get3A_40, %get3A_41] : memref<8x4x4x4xf32, #tpu.memory_space<smem>>
    %get3A_43 = arith.constant 0 : index
    %get3A_44 = arith.constant 3 : index
    %get3A_45 = arith.constant 0 : index
    %get3A_46 = arith.constant 0 : index
    %get3A_47 = vector.load %arg2[%get3A_43, %get3A_44, %get3A_45, %get3A_46] : memref<1x4x256x256xf32, #tpu.memory_space<vmem>>, vector<1x1x256x256xf32>
    %get3A_48 = vector.shape_cast %get3A_47 : vector<1x1x256x256xf32> to vector<256x256xf32>
    %mul3A_49 = vector.broadcast %get3A_42 : f32 to vector<256x256xf32>
    %mul3A_50 = arith.mulf %mul3A_49, %get3A_48 : vector<256x256xf32>
    %add3A_51 = arith.addf %add3A_37, %mul3A_50 : vector<256x256xf32>
    %swap3A = arith.constant 0 : index
    %swap3A_52 = arith.constant 0 : index
    %swap3A_53 = arith.constant 0 : index
    %swap3A_54 = vector.load %arg3[%swap3A, %swap3A_52, %swap3A_53] : memref<1x1024x1024xf32, #tpu.memory_space<vmem>>, vector<1x256x256xf32>
    %swap3A_55 = vector.shape_cast %swap3A_54 : vector<1x256x256xf32> to vector<256x256xf32>
    %swap3A_56 = vector.shape_cast %add3A_51 : vector<256x256xf32> to vector<1x256x256xf32>
    tpu.vector_store %arg3[%swap3A, %swap3A_52, %swap3A_53], %swap3A_56 {strides = array<i32>} : memref<1x1024x1024xf32, #tpu.memory_space<vmem>>, vector<1x256x256xf32>,
    %get3A_57 = arith.index_cast %arg0 : i32 to index
    %get3A_58 = arith.constant 0 : index
    %get3A_59 = arith.constant 0 : index
    %get3A_60 = arith.constant 1 : index
    %get3A_61 = memref.load %arg1[%get3A_57, %get3A_58, %get3A_59, %get3A_60] : memref<8x4x4x4xf32, #tpu.memory_space<smem>>
    %get3A_62 = arith.constant 0 : index
    %get3A_63 = arith.constant 0 : index
    %get3A_64 = arith.constant 0 : index
    %get3A_65 = arith.constant 0 : index
    %get3A_66 = vector.load %arg2[%get3A_62, %get3A_63, %get3A_64, %get3A_65] : memref<1x4x256x256xf32, #tpu.memory_space<vmem>>, vector<1x1x256x256xf32>
    %get3A_67 = vector.shape_cast %get3A_66 : vector<1x1x256x256xf32> to vector<256x256xf32>
    %mul3A_68 = vector.broadcast %get3A_61 : f32 to vector<256x256xf32>
    %mul3A_69 = arith.mulf %mul3A_68, %get3A_67 : vector<256x256xf32>
    %get3A_70 = arith.index_cast %arg0 : i32 to index
    %get3A_71 = arith.constant 1 : index
    %get3A_72 = arith.constant 0 : index
    %get3A_73 = arith.constant 1 : index
    %get3A_74 = memref.load %arg1[%get3A_70, %get3A_71, %get3A_72, %get3A_73] : memref<8x4x4x4xf32, #tpu.memory_space<smem>>
    %get3A_75 = arith.constant 0 : index
    %get3A_76 = arith.constant 1 : index
    %get3A_77 = arith.constant 0 : index
    %get3A_78 = arith.constant 0 : index
    %get3A_79 = vector.load %arg2[%get3A_75, %get3A_76, %get3A_77, %get3A_78] : memref<1x4x256x256xf32, #tpu.memory_space<vmem>>, vector<1x1x256x256xf32>
    %get3A_80 = vector.shape_cast %get3A_79 : vector<1x1x256x256xf32> to vector<256x256xf32>
    %mul3A_81 = vector.broadcast %get3A_74 : f32 to vector<256x256xf32>
    %mul3A_82 = arith.mulf %mul3A_81, %get3A_80 : vector<256x256xf32>
    %add3A_83 = arith.addf %mul3A_69, %mul3A_82 : vector<256x256xf32>
    %get3A_84 = arith.index_cast %arg0 : i32 to index
    %get3A_85 = arith.constant 2 : index
    %get3A_86 = arith.constant 0 : index
    %get3A_87 = arith.constant 1 : index
    %get3A_88 = memref.load %arg1[%get3A_84, %get3A_85, %get3A_86, %get3A_87] : memref<8x4x4x4xf32, #tpu.memory_space<smem>>
    %get3A_89 = arith.constant 0 : index
    %get3A_90 = arith.constant 2 : index
    %get3A_91 = arith.constant 0 : index
    %get3A_92 = arith.constant 0 : index
    %get3A_93 = vector.load %arg2[%get3A_89, %get3A_90, %get3A_91, %get3A_92] : memref<1x4x256x256xf32, #tpu.memory_space<vmem>>, vector<1x1x256x256xf32>
    %get3A_94 = vector.shape_cast %get3A_93 : vector<1x1x256x256xf32> to vector<256x256xf32>
    %mul3A_95 = vector.broadcast %get3A_88 : f32 to vector<256x256xf32>
    %mul3A_96 = arith.mulf %mul3A_95, %get3A_94 : vector<256x256xf32>
    %add3A_97 = arith.addf %add3A_83, %mul3A_96 : vector<256x256xf32>
    %get3A_98 = arith.index_cast %arg0 : i32 to index
    %get3A_99 = arith.constant 3 : index
    %get3A_100 = arith.constant 0 : index
    %get3A_101 = arith.constant 1 : index
    %get3A_102 = memref.load %arg1[%get3A_98, %get3A_99, %get3A_100, %get3A_101] : memref<8x4x4x4xf32, #tpu.memory_space<smem>>
    %get3A_103 = arith.constant 0 : index
    %get3A_104 = arith.constant 3 : index
    %get3A_105 = arith.constant 0 : index
    %get3A_106 = arith.constant 0 : index
    %get3A_107 = vector.load %arg2[%get3A_103, %get3A_104, %get3A_105, %get3A_106] : memref<1x4x256x256xf32, #tpu.memory_space<vmem>>, vector<1x1x256x256xf32>
    %get3A_108 = vector.shape_cast %get3A_107 : vector<1x1x256x256xf32> to vector<256x256xf32>
    %mul3A_109 = vector.broadcast %get3A_102 : f32 to vector<256x256xf32>
    %mul3A_110 = arith.mulf %mul3A_109, %get3A_108 : vector<256x256xf32>
    %add3A_111 = arith.addf %add3A_97, %mul3A_110 : vector<256x256xf32>
    %swap3A_112 = arith.constant 0 : index
    %swap3A_113 = arith.constant 0 : index
    %swap3A_114 = arith.constant 256 : index
    %swap3A_115 = vector.load %arg3[%swap3A_112, %swap3A_113, %swap3A_114] : memref<1x1024x1024xf32, #tpu.memory_space<vmem>>, vector<1x256x256xf32>
    %swap3A_116 = vector.shape_cast %swap3A_115 : vector<1x256x256xf32> to vector<256x256xf32>
    %swap3A_117 = vector.shape_cast %add3A_111 : vector<256x256xf32> to vector<1x256x256xf32>
    tpu.vector_store %arg3[%swap3A_112, %swap3A_113, %swap3A_114], %swap3A_117 {strides = array<i32>} : memref<1x1024x1024xf32, #tpu.memory_space<vmem>>, vector<1x256x256xf32>,
    %get3A_118 = arith.index_cast %arg0 : i32 to index
    %get3A_119 = arith.constant 0 : index
    %get3A_120 = arith.constant 0 : index
    %get3A_121 = arith.constant 2 : index
    %get3A_122 = memref.load %arg1[%get3A_118, %get3A_119, %get3A_120, %get3A_121] : memref<8x4x4x4xf32, #tpu.memory_space<smem>>
    %get3A_123 = arith.constant 0 : index
    %get3A_124 = arith.constant 0 : index
    %get3A_125 = arith.constant 0 : index
    %get3A_126 = arith.constant 0 : index
    %get3A_127 = vector.load %arg2[%get3A_123, %get3A_124, %get3A_125, %get3A_126] : memref<1x4x256x256xf32, #tpu.memory_space<vmem>>, vector<1x1x256x256xf32>
    %get3A_128 = vector.shape_cast %get3A_127 : vector<1x1x256x256xf32> to vector<256x256xf32>
    %mul3A_129 = vector.broadcast %get3A_122 : f32 to vector<256x256xf32>
    %mul3A_130 = arith.mulf %mul3A_129, %get3A_128 : vector<256x256xf32>
    %get3A_131 = arith.index_cast %arg0 : i32 to index
    %get3A_132 = arith.constant 1 : index
    %get3A_133 = arith.constant 0 : index
    %get3A_134 = arith.constant 2 : index
    %get3A_135 = memref.load %arg1[%get3A_131, %get3A_132, %get3A_133, %get3A_134] : memref<8x4x4x4xf32, #tpu.memory_space<smem>>
    %get3A_136 = arith.constant 0 : index
    %get3A_137 = arith.constant 1 : index
    %get3A_138 = arith.constant 0 : index
    %get3A_139 = arith.constant 0 : index
    %get3A_140 = vector.load %arg2[%get3A_136, %get3A_137, %get3A_138, %get3A_139] : memref<1x4x256x256xf32, #tpu.memory_space<vmem>>, vector<1x1x256x256xf32>
    %get3A_141 = vector.shape_cast %get3A_140 : vector<1x1x256x256xf32> to vector<256x256xf32>
    %mul3A_142 = vector.broadcast %get3A_135 : f32 to vector<256x256xf32>
    %mul3A_143 = arith.mulf %mul3A_142, %get3A_141 : vector<256x256xf32>
    %add3A_144 = arith.addf %mul3A_130, %mul3A_143 : vector<256x256xf32>
    %get3A_145 = arith.index_cast %arg0 : i32 to index
    %get3A_146 = arith.constant 2 : index
    %get3A_147 = arith.constant 0 : index
    %get3A_148 = arith.constant 2 : index
    %get3A_149 = memref.load %arg1[%get3A_145, %get3A_146, %get3A_147, %get3A_148] : memref<8x4x4x4xf32, #tpu.memory_space<smem>>
    %get3A_150 = arith.constant 0 : index
    %get3A_151 = arith.constant 2 : index
    %get3A_152 = arith.constant 0 : index
    %get3A_153 = arith.constant 0 : index
    %get3A_154 = vector.load %arg2[%get3A_150, %get3A_151, %get3A_152, %get3A_153] : memref<1x4x256x256xf32, #tpu.memory_space<vmem>>, vector<1x1x256x256xf32>
    %get3A_155 = vector.shape_cast %get3A_154 : vector<1x1x256x256xf32> to vector<256x256xf32>
    %mul3A_156 = vector.broadcast %get3A_149 : f32 to vector<256x256xf32>
    %mul3A_157 = arith.mulf %mul3A_156, %get3A_155 : vector<256x256xf32>
    %add3A_158 = arith.addf %add3A_144, %mul3A_157 : vector<256x256xf32>
    %get3A_159 = arith.index_cast %arg0 : i32 to index
    %get3A_160 = arith.constant 3 : index
    %get3A_161 = arith.constant 0 : index
    %get3A_162 = arith.constant 2 : index
    %get3A_163 = memref.load %arg1[%get3A_159, %get3A_160, %get3A_161, %get3A_162] : memref<8x4x4x4xf32, #tpu.memory_space<smem>>
    %get3A_164 = arith.constant 0 : index
    %get3A_165 = arith.constant 3 : index
    %get3A_166 = arith.constant 0 : index
    %get3A_167 = arith.constant 0 : index
    %get3A_168 = vector.load %arg2[%get3A_164, %get3A_165, %get3A_166, %get3A_167] : memref<1x4x256x256xf32, #tpu.memory_space<vmem>>, vector<1x1x256x256xf32>
    %get3A_169 = vector.shape_cast %get3A_168 : vector<1x1x256x256xf32> to vector<256x256xf32>
    %mul3A_170 = vector.broadcast %get3A_163 : f32 to vector<256x256xf32>
    %mul3A_171 = arith.mulf %mul3A_170, %get3A_169 : vector<256x256xf32>
    %add3A_172 = arith.addf %add3A_158, %mul3A_171 : vector<256x256xf32>
    %swap3A_173 = arith.constant 0 : index
    %swap3A_174 = arith.constant 0 : index
    %swap3A_175 = arith.constant 512 : index
    %swap3A_176 = vector.load %arg3[%swap3A_173, %swap3A_174, %swap3A_175] : memref<1x1024x1024xf32, #tpu.memory_space<vmem>>, vector<1x256x256xf32>
    %swap3A_177 = vector.shape_cast %swap3A_176 : vector<1x256x256xf32> to vector<256x256xf32>
    %swap3A_178 = vector.shape_cast %add3A_172 : vector<256x256xf32> to vector<1x256x256xf32>
    tpu.vector_store %arg3[%swap3A_173, %swap3A_174, %swap3A_175], %swap3A_178 {strides = array<i32>} : memref<1x1024x1024xf32, #tpu.memory_space<vmem>>, vector<1x256x256xf32>,
    %get3A_179 = arith.index_cast %arg0 : i32 to index
    %get3A_180 = arith.constant 0 : index
    %get3A_181 = arith.constant 0 : index
    %get3A_182 = arith.constant 3 : index
    %get3A_183 = memref.load %arg1[%get3A_179, %get3A_180, %get3A_181, %get3A_182] : memref<8x4x4x4xf32, #tpu.memory_space<smem>>
    %get3A_184 = arith.constant 0 : index
    %get3A_185 = arith.constant 0 : index
    %get3A_186 = arith.constant 0 : index
    %get3A_187 = arith.constant 0 : index
    %get3A_188 = vector.load %arg2[%get3A_184, %get3A_185, %get3A_186, %get3A_187] : memref<1x4x256x256xf32, #tpu.memory_space<vmem>>, vector<1x1x256x256xf32>
    %get3A_189 = vector.shape_cast %get3A_188 : vector<1x1x256x256xf32> to vector<256x256xf32>
    %mul3A_190 = vector.broadcast %get3A_183 : f32 to vector<256x256xf32>
    %mul3A_191 = arith.mulf %mul3A_190, %get3A_189 : vector<256x256xf32>
    %get3A_192 = arith.index_cast %arg0 : i32 to index
    %get3A_193 = arith.constant 1 : index
    %get3A_194 = arith.constant 0 : index
    %get3A_195 = arith.constant 3 : index
    %get3A_196 = memref.load %arg1[%get3A_192, %get3A_193, %get3A_194, %get3A_195] : memref<8x4x4x4xf32, #tpu.memory_space<smem>>
    %get3A_197 = arith.constant 0 : index
    %get3A_198 = arith.constant 1 : index
    %get3A_199 = arith.constant 0 : index
    %get3A_200 = arith.constant 0 : index
    %get3A_201 = vector.load %arg2[%get3A_197, %get3A_198, %get3A_199, %get3A_200] : memref<1x4x256x256xf32, #tpu.memory_space<vmem>>, vector<1x1x256x256xf32>
    %get3A_202 = vector.shape_cast %get3A_201 : vector<1x1x256x256xf32> to vector<256x256xf32>
    %mul3A_203 = vector.broadcast %get3A_196 : f32 to vector<256x256xf32>
    %mul3A_204 = arith.mulf %mul3A_203, %get3A_202 : vector<256x256xf32>
    %add3A_205 = arith.addf %mul3A_191, %mul3A_204 : vector<256x256xf32>
    %get3A_206 = arith.index_cast %arg0 : i32 to index
    %get3A_207 = arith.constant 2 : index
    %get3A_208 = arith.constant 0 : index
    %get3A_209 = arith.constant 3 : index
    %get3A_210 = memref.load %arg1[%get3A_206, %get3A_207, %get3A_208, %get3A_209] : memref<8x4x4x4xf32, #tpu.memory_space<smem>>
    %get3A_211 = arith.constant 0 : index
    %get3A_212 = arith.constant 2 : index
    %get3A_213 = arith.constant 0 : index
    %get3A_214 = arith.constant 0 : index
    %get3A_215 = vector.load %arg2[%get3A_211, %get3A_212, %get3A_213, %get3A_214] : memref<1x4x256x256xf32, #tpu.memory_space<vmem>>, vector<1x1x256x256xf32>
    %get3A_216 = vector.shape_cast %get3A_215 : vector<1x1x256x256xf32> to vector<256x256xf32>
    %mul3A_217 = vector.broadcast %get3A_210 : f32 to vector<256x256xf32>
    %mul3A_218 = arith.mulf %mul3A_217, %get3A_216 : vector<256x256xf32>
    %add3A_219 = arith.addf %add3A_205, %mul3A_218 : vector<256x256xf32>
    %get3A_220 = arith.index_cast %arg0 : i32 to index
    %get3A_221 = arith.constant 3 : index
    %get3A_222 = arith.constant 0 : index
    %get3A_223 = arith.constant 3 : index
    %get3A_224 = memref.load %arg1[%get3A_220, %get3A_221, %get3A_222, %get3A_223] : memref<8x4x4x4xf32, #tpu.memory_space<smem>>
    %get3A_225 = arith.constant 0 : index
    %get3A_226 = arith.constant 3 : index
    %get3A_227 = arith.constant 0 : index
    %get3A_228 = arith.constant 0 : index
    %get3A_229 = vector.load %arg2[%get3A_225, %get3A_226, %get3A_227, %get3A_228] : memref<1x4x256x256xf32, #tpu.memory_space<vmem>>, vector<1x1x256x256xf32>
    %get3A_230 = vector.shape_cast %get3A_229 : vector<1x1x256x256xf32> to vector<256x256xf32>
    %mul3A_231 = vector.broadcast %get3A_224 : f32 to vector<256x256xf32>
    %mul3A_232 = arith.mulf %mul3A_231, %get3A_230 : vector<256x256xf32>
    %add3A_233 = arith.addf %add3A_219, %mul3A_232 : vector<256x256xf32>
    %swap3A_234 = arith.constant 0 : index
    %swap3A_235 = arith.constant 0 : index
    %swap3A_236 = arith.constant 768 : index
    %swap3A_237 = vector.load %arg3[%swap3A_234, %swap3A_235, %swap3A_236] : memref<1x1024x1024xf32, #tpu.memory_space<vmem>>, vector<1x256x256xf32>
    %swap3A_238 = vector.shape_cast %swap3A_237 : vector<1x256x256xf32> to vector<256x256xf32>
    %swap3A_239 = vector.shape_cast %add3A_233 : vector<256x256xf32> to vector<1x256x256xf32>
    tpu.vector_store %arg3[%swap3A_234, %swap3A_235, %swap3A_236], %swap3A_239 {strides = array<i32>} : memref<1x1024x1024xf32, #tpu.memory_space<vmem>>, vector<1x256x256xf32>,
    %get3A_240 = arith.index_cast %arg0 : i32 to index
    %get3A_241 = arith.constant 0 : index
    %get3A_242 = arith.constant 1 : index
    %get3A_243 = arith.constant 0 : index
    %get3A_244 = memref.load %arg1[%get3A_240, %get3A_241, %get3A_242, %get3A_243] : memref<8x4x4x4xf32, #tpu.memory_space<smem>>
    %get3A_245 = arith.constant 0 : index
    %get3A_246 = arith.constant 0 : index
    %get3A_247 = arith.constant 0 : index
    %get3A_248 = arith.constant 0 : index
    %get3A_249 = vector.load %arg2[%get3A_245, %get3A_246, %get3A_247, %get3A_248] : memref<1x4x256x256xf32, #tpu.memory_space<vmem>>, vector<1x1x256x256xf32>
    %get3A_250 = vector.shape_cast %get3A_249 : vector<1x1x256x256xf32> to vector<256x256xf32>
    %mul3A_251 = vector.broadcast %get3A_244 : f32 to vector<256x256xf32>
    %mul3A_252 = arith.mulf %mul3A_251, %get3A_250 : vector<256x256xf32>
    %get3A_253 = arith.index_cast %arg0 : i32 to index
    %get3A_254 = arith.constant 1 : index
    %get3A_255 = arith.constant 1 : index
    %get3A_256 = arith.constant 0 : index
    %get3A_257 = memref.load %arg1[%get3A_253, %get3A_254, %get3A_255, %get3A_256] : memref<8x4x4x4xf32, #tpu.memory_space<smem>>
    %get3A_258 = arith.constant 0 : index
    %get3A_259 = arith.constant 1 : index
    %get3A_260 = arith.constant 0 : index
    %get3A_261 = arith.constant 0 : index
    %get3A_262 = vector.load %arg2[%get3A_258, %get3A_259, %get3A_260, %get3A_261] : memref<1x4x256x256xf32, #tpu.memory_space<vmem>>, vector<1x1x256x256xf32>
    %get3A_263 = vector.shape_cast %get3A_262 : vector<1x1x256x256xf32> to vector<256x256xf32>
    %mul3A_264 = vector.broadcast %get3A_257 : f32 to vector<256x256xf32>
    %mul3A_265 = arith.mulf %mul3A_264, %get3A_263 : vector<256x256xf32>
    %add3A_266 = arith.addf %mul3A_252, %mul3A_265 : vector<256x256xf32>
    %get3A_267 = arith.index_cast %arg0 : i32 to index
    %get3A_268 = arith.constant 2 : index
    %get3A_269 = arith.constant 1 : index
    %get3A_270 = arith.constant 0 : index
    %get3A_271 = memref.load %arg1[%get3A_267, %get3A_268, %get3A_269, %get3A_270] : memref<8x4x4x4xf32, #tpu.memory_space<smem>>
    %get3A_272 = arith.constant 0 : index
    %get3A_273 = arith.constant 2 : index
    %get3A_274 = arith.constant 0 : index
    %get3A_275 = arith.constant 0 : index
    %get3A_276 = vector.load %arg2[%get3A_272, %get3A_273, %get3A_274, %get3A_275] : memref<1x4x256x256xf32, #tpu.memory_space<vmem>>, vector<1x1x256x256xf32>
    %get3A_277 = vector.shape_cast %get3A_276 : vector<1x1x256x256xf32> to vector<256x256xf32>
    %mul3A_278 = vector.broadcast %get3A_271 : f32 to vector<256x256xf32>
    %mul3A_279 = arith.mulf %mul3A_278, %get3A_277 : vector<256x256xf32>
    %add3A_280 = arith.addf %add3A_266, %mul3A_279 : vector<256x256xf32>
    %get3A_281 = arith.index_cast %arg0 : i32 to index
    %get3A_282 = arith.constant 3 : index
    %get3A_283 = arith.constant 1 : index
    %get3A_284 = arith.constant 0 : index
    %get3A_285 = memref.load %arg1[%get3A_281, %get3A_282, %get3A_283, %get3A_284] : memref<8x4x4x4xf32, #tpu.memory_space<smem>>
    %get3A_286 = arith.constant 0 : index
    %get3A_287 = arith.constant 3 : index
    %get3A_288 = arith.constant 0 : index
    %get3A_289 = arith.constant 0 : index
    %get3A_290 = vector.load %arg2[%get3A_286, %get3A_287, %get3A_288, %get3A_289] : memref<1x4x256x256xf32, #tpu.memory_space<vmem>>, vector<1x1x256x256xf32>
    %get3A_291 = vector.shape_cast %get3A_290 : vector<1x1x256x256xf32> to vector<256x256xf32>
    %mul3A_292 = vector.broadcast %get3A_285 : f32 to vector<256x256xf32>
    %mul3A_293 = arith.mulf %mul3A_292, %get3A_291 : vector<256x256xf32>
    %add3A_294 = arith.addf %add3A_280, %mul3A_293 : vector<256x256xf32>
    %swap3A_295 = arith.constant 0 : index
    %swap3A_296 = arith.constant 256 : index
    %swap3A_297 = arith.constant 0 : index
    %swap3A_298 = vector.load %arg3[%swap3A_295, %swap3A_296, %swap3A_297] : memref<1x1024x1024xf32, #tpu.memory_space<vmem>>, vector<1x256x256xf32>
    %swap3A_299 = vector.shape_cast %swap3A_298 : vector<1x256x256xf32> to vector<256x256xf32>
    %swap3A_300 = vector.shape_cast %add3A_294 : vector<256x256xf32> to vector<1x256x256xf32>
    tpu.vector_store %arg3[%swap3A_295, %swap3A_296, %swap3A_297], %swap3A_300 {strides = array<i32>} : memref<1x1024x1024xf32, #tpu.memory_space<vmem>>, vector<1x256x256xf32>,
    %get3A_301 = arith.index_cast %arg0 : i32 to index
    %get3A_302 = arith.constant 0 : index
    %get3A_303 = arith.constant 1 : index
    %get3A_304 = arith.constant 1 : index
    %get3A_305 = memref.load %arg1[%get3A_301, %get3A_302, %get3A_303, %get3A_304] : memref<8x4x4x4xf32, #tpu.memory_space<smem>>
    %get3A_306 = arith.constant 0 : index
    %get3A_307 = arith.constant 0 : index
    %get3A_308 = arith.constant 0 : index
    %get3A_309 = arith.constant 0 : index
    %get3A_310 = vector.load %arg2[%get3A_306, %get3A_307, %get3A_308, %get3A_309] : memref<1x4x256x256xf32, #tpu.memory_space<vmem>>, vector<1x1x256x256xf32>
    %get3A_311 = vector.shape_cast %get3A_310 : vector<1x1x256x256xf32> to vector<256x256xf32>
    %mul3A_312 = vector.broadcast %get3A_305 : f32 to vector<256x256xf32>
    %mul3A_313 = arith.mulf %mul3A_312, %get3A_311 : vector<256x256xf32>
    %get3A_314 = arith.index_cast %arg0 : i32 to index
    %get3A_315 = arith.constant 1 : index
    %get3A_316 = arith.constant 1 : index
    %get3A_317 = arith.constant 1 : index
    %get3A_318 = memref.load %arg1[%get3A_314, %get3A_315, %get3A_316, %get3A_317] : memref<8x4x4x4xf32, #tpu.memory_space<smem>>
    %get3A_319 = arith.constant 0 : index
    %get3A_320 = arith.constant 1 : index
    %get3A_321 = arith.constant 0 : index
    %get3A_322 = arith.constant 0 : index
    %get3A_323 = vector.load %arg2[%get3A_319, %get3A_320, %get3A_321, %get3A_322] : memref<1x4x256x256xf32, #tpu.memory_space<vmem>>, vector<1x1x256x256xf32>
    %get3A_324 = vector.shape_cast %get3A_323 : vector<1x1x256x256xf32> to vector<256x256xf32>
    %mul3A_325 = vector.broadcast %get3A_318 : f32 to vector<256x256xf32>
    %mul3A_326 = arith.mulf %mul3A_325, %get3A_324 : vector<256x256xf32>
    %add3A_327 = arith.addf %mul3A_313, %mul3A_326 : vector<256x256xf32>
    %get3A_328 = arith.index_cast %arg0 : i32 to index
    %get3A_329 = arith.constant 2 : index
    %get3A_330 = arith.constant 1 : index
    %get3A_331 = arith.constant 1 : index
    %get3A_332 = memref.load %arg1[%get3A_328, %get3A_329, %get3A_330, %get3A_331] : memref<8x4x4x4xf32, #tpu.memory_space<smem>>
    %get3A_333 = arith.constant 0 : index
    %get3A_334 = arith.constant 2 : index
    %get3A_335 = arith.constant 0 : index
    %get3A_336 = arith.constant 0 : index
    %get3A_337 = vector.load %arg2[%get3A_333, %get3A_334, %get3A_335, %get3A_336] : memref<1x4x256x256xf32, #tpu.memory_space<vmem>>, vector<1x1x256x256xf32>
    %get3A_338 = vector.shape_cast %get3A_337 : vector<1x1x256x256xf32> to vector<256x256xf32>
    %mul3A_339 = vector.broadcast %get3A_332 : f32 to vector<256x256xf32>
    %mul3A_340 = arith.mulf %mul3A_339, %get3A_338 : vector<256x256xf32>
    %add3A_341 = arith.addf %add3A_327, %mul3A_340 : vector<256x256xf32>
    %get3A_342 = arith.index_cast %arg0 : i32 to index
    %get3A_343 = arith.constant 3 : index
    %get3A_344 = arith.constant 1 : index
    %get3A_345 = arith.constant 1 : index
    %get3A_346 = memref.load %arg1[%get3A_342, %get3A_343, %get3A_344, %get3A_345] : memref<8x4x4x4xf32, #tpu.memory_space<smem>>
    %get3A_347 = arith.constant 0 : index
    %get3A_348 = arith.constant 3 : index
    %get3A_349 = arith.constant 0 : index
    %get3A_350 = arith.constant 0 : index
    %get3A_351 = vector.load %arg2[%get3A_347, %get3A_348, %get3A_349, %get3A_350] : memref<1x4x256x256xf32, #tpu.memory_space<vmem>>, vector<1x1x256x256xf32>
    %get3A_352 = vector.shape_cast %get3A_351 : vector<1x1x256x256xf32> to vector<256x256xf32>
    %mul3A_353 = vector.broadcast %get3A_346 : f32 to vector<256x256xf32>
    %mul3A_354 = arith.mulf %mul3A_353, %get3A_352 : vector<256x256xf32>
    %add3A_355 = arith.addf %add3A_341, %mul3A_354 : vector<256x256xf32>
    %swap3A_356 = arith.constant 0 : index
    %swap3A_357 = arith.constant 256 : index
    %swap3A_358 = arith.constant 256 : index
    %swap3A_359 = vector.load %arg3[%swap3A_356, %swap3A_357, %swap3A_358] : memref<1x1024x1024xf32, #tpu.memory_space<vmem>>, vector<1x256x256xf32>
    %swap3A_360 = vector.shape_cast %swap3A_359 : vector<1x256x256xf32> to vector<256x256xf32>
    %swap3A_361 = vector.shape_cast %add3A_355 : vector<256x256xf32> to vector<1x256x256xf32>
    tpu.vector_store %arg3[%swap3A_356, %swap3A_357, %swap3A_358], %swap3A_361 {strides = array<i32>} : memref<1x1024x1024xf32, #tpu.memory_space<vmem>>, vector<1x256x256xf32>,
    %get3A_362 = arith.index_cast %arg0 : i32 to index
    %get3A_363 = arith.constant 0 : index
    %get3A_364 = arith.constant 1 : index
    %get3A_365 = arith.constant 2 : index
    %get3A_366 = memref.load %arg1[%get3A_362, %get3A_363, %get3A_364, %get3A_365] : memref<8x4x4x4xf32, #tpu.memory_space<smem>>
    %get3A_367 = arith.constant 0 : index
    %get3A_368 = arith.constant 0 : index
    %get3A_369 = arith.constant 0 : index
    %get3A_370 = arith.constant 0 : index
    %get3A_371 = vector.load %arg2[%get3A_367, %get3A_368, %get3A_369, %get3A_370] : memref<1x4x256x256xf32, #tpu.memory_space<vmem>>, vector<1x1x256x256xf32>
    %get3A_372 = vector.shape_cast %get3A_371 : vector<1x1x256x256xf32> to vector<256x256xf32>
    %mul3A_373 = vector.broadcast %get3A_366 : f32 to vector<256x256xf32>
    %mul3A_374 = arith.mulf %mul3A_373, %get3A_372 : vector<256x256xf32>
    %get3A_375 = arith.index_cast %arg0 : i32 to index
    %get3A_376 = arith.constant 1 : index
    %get3A_377 = arith.constant 1 : index
    %get3A_378 = arith.constant 2 : index
    %get3A_379 = memref.load %arg1[%get3A_375, %get3A_376, %get3A_377, %get3A_378] : memref<8x4x4x4xf32, #tpu.memory_space<smem>>
    %get3A_380 = arith.constant 0 : index
    %get3A_381 = arith.constant 1 : index
    %get3A_382 = arith.constant 0 : index
    %get3A_383 = arith.constant 0 : index
    %get3A_384 = vector.load %arg2[%get3A_380, %get3A_381, %get3A_382, %get3A_383] : memref<1x4x256x256xf32, #tpu.memory_space<vmem>>, vector<1x1x256x256xf32>
    %get3A_385 = vector.shape_cast %get3A_384 : vector<1x1x256x256xf32> to vector<256x256xf32>
    %mul3A_386 = vector.broadcast %get3A_379 : f32 to vector<256x256xf32>
    %mul3A_387 = arith.mulf %mul3A_386, %get3A_385 : vector<256x256xf32>
    %add3A_388 = arith.addf %mul3A_374, %mul3A_387 : vector<256x256xf32>
    %get3A_389 = arith.index_cast %arg0 : i32 to index
    %get3A_390 = arith.constant 2 : index
    %get3A_391 = arith.constant 1 : index
    %get3A_392 = arith.constant 2 : index
    %get3A_393 = memref.load %arg1[%get3A_389, %get3A_390, %get3A_391, %get3A_392] : memref<8x4x4x4xf32, #tpu.memory_space<smem>>
    %get3A_394 = arith.constant 0 : index
    %get3A_395 = arith.constant 2 : index
    %get3A_396 = arith.constant 0 : index
    %get3A_397 = arith.constant 0 : index
    %get3A_398 = vector.load %arg2[%get3A_394, %get3A_395, %get3A_396, %get3A_397] : memref<1x4x256x256xf32, #tpu.memory_space<vmem>>, vector<1x1x256x256xf32>
    %get3A_399 = vector.shape_cast %get3A_398 : vector<1x1x256x256xf32> to vector<256x256xf32>
    %mul3A_400 = vector.broadcast %get3A_393 : f32 to vector<256x256xf32>
    %mul3A_401 = arith.mulf %mul3A_400, %get3A_399 : vector<256x256xf32>
    %add3A_402 = arith.addf %add3A_388, %mul3A_401 : vector<256x256xf32>
    %get3A_403 = arith.index_cast %arg0 : i32 to index
    %get3A_404 = arith.constant 3 : index
    %get3A_405 = arith.constant 1 : index
    %get3A_406 = arith.constant 2 : index
    %get3A_407 = memref.load %arg1[%get3A_403, %get3A_404, %get3A_405, %get3A_406] : memref<8x4x4x4xf32, #tpu.memory_space<smem>>
    %get3A_408 = arith.constant 0 : index
    %get3A_409 = arith.constant 3 : index
    %get3A_410 = arith.constant 0 : index
    %get3A_411 = arith.constant 0 : index
    %get3A_412 = vector.load %arg2[%get3A_408, %get3A_409, %get3A_410, %get3A_411] : memref<1x4x256x256xf32, #tpu.memory_space<vmem>>, vector<1x1x256x256xf32>
    %get3A_413 = vector.shape_cast %get3A_412 : vector<1x1x256x256xf32> to vector<256x256xf32>
    %mul3A_414 = vector.broadcast %get3A_407 : f32 to vector<256x256xf32>
    %mul3A_415 = arith.mulf %mul3A_414, %get3A_413 : vector<256x256xf32>
    %add3A_416 = arith.addf %add3A_402, %mul3A_415 : vector<256x256xf32>
    %swap3A_417 = arith.constant 0 : index
    %swap3A_418 = arith.constant 256 : index
    %swap3A_419 = arith.constant 512 : index
    %swap3A_420 = vector.load %arg3[%swap3A_417, %swap3A_418, %swap3A_419] : memref<1x1024x1024xf32, #tpu.memory_space<vmem>>, vector<1x256x256xf32>
    %swap3A_421 = vector.shape_cast %swap3A_420 : vector<1x256x256xf32> to vector<256x256xf32>
    %swap3A_422 = vector.shape_cast %add3A_416 : vector<256x256xf32> to vector<1x256x256xf32>
    tpu.vector_store %arg3[%swap3A_417, %swap3A_418, %swap3A_419], %swap3A_422 {strides = array<i32>} : memref<1x1024x1024xf32, #tpu.memory_space<vmem>>, vector<1x256x256xf32>,
    %get3A_423 = arith.index_cast %arg0 : i32 to index
    %get3A_424 = arith.constant 0 : index
    %get3A_425 = arith.constant 1 : index
    %get3A_426 = arith.constant 3 : index
    %get3A_427 = memref.load %arg1[%get3A_423, %get3A_424, %get3A_425, %get3A_426] : memref<8x4x4x4xf32, #tpu.memory_space<smem>>
    %get3A_428 = arith.constant 0 : index
    %get3A_429 = arith.constant 0 : index
    %get3A_430 = arith.constant 0 : index
    %get3A_431 = arith.constant 0 : index
    %get3A_432 = vector.load %arg2[%get3A_428, %get3A_429, %get3A_430, %get3A_431] : memref<1x4x256x256xf32, #tpu.memory_space<vmem>>, vector<1x1x256x256xf32>
    %get3A_433 = vector.shape_cast %get3A_432 : vector<1x1x256x256xf32> to vector<256x256xf32>
    %mul3A_434 = vector.broadcast %get3A_427 : f32 to vector<256x256xf32>
    %mul3A_435 = arith.mulf %mul3A_434, %get3A_433 : vector<256x256xf32>
    %get3A_436 = arith.index_cast %arg0 : i32 to index
    %get3A_437 = arith.constant 1 : index
    %get3A_438 = arith.constant 1 : index
    %get3A_439 = arith.constant 3 : index
    %get3A_440 = memref.load %arg1[%get3A_436, %get3A_437, %get3A_438, %get3A_439] : memref<8x4x4x4xf32, #tpu.memory_space<smem>>
    %get3A_441 = arith.constant 0 : index
    %get3A_442 = arith.constant 1 : index
    %get3A_443 = arith.constant 0 : index
    %get3A_444 = arith.constant 0 : index
    %get3A_445 = vector.load %arg2[%get3A_441, %get3A_442, %get3A_443, %get3A_444] : memref<1x4x256x256xf32, #tpu.memory_space<vmem>>, vector<1x1x256x256xf32>
    %get3A_446 = vector.shape_cast %get3A_445 : vector<1x1x256x256xf32> to vector<256x256xf32>
    %mul3A_447 = vector.broadcast %get3A_440 : f32 to vector<256x256xf32>
    %mul3A_448 = arith.mulf %mul3A_447, %get3A_446 : vector<256x256xf32>
    %add3A_449 = arith.addf %mul3A_435, %mul3A_448 : vector<256x256xf32>
    %get3A_450 = arith.index_cast %arg0 : i32 to index
    %get3A_451 = arith.constant 2 : index
    %get3A_452 = arith.constant 1 : index
    %get3A_453 = arith.constant 3 : index
    %get3A_454 = memref.load %arg1[%get3A_450, %get3A_451, %get3A_452, %get3A_453] : memref<8x4x4x4xf32, #tpu.memory_space<smem>>
    %get3A_455 = arith.constant 0 : index
    %get3A_456 = arith.constant 2 : index
    %get3A_457 = arith.constant 0 : index
    %get3A_458 = arith.constant 0 : index
    %get3A_459 = vector.load %arg2[%get3A_455, %get3A_456, %get3A_457, %get3A_458] : memref<1x4x256x256xf32, #tpu.memory_space<vmem>>, vector<1x1x256x256xf32>
    %get3A_460 = vector.shape_cast %get3A_459 : vector<1x1x256x256xf32> to vector<256x256xf32>
    %mul3A_461 = vector.broadcast %get3A_454 : f32 to vector<256x256xf32>
    %mul3A_462 = arith.mulf %mul3A_461, %get3A_460 : vector<256x256xf32>
    %add3A_463 = arith.addf %add3A_449, %mul3A_462 : vector<256x256xf32>
    %get3A_464 = arith.index_cast %arg0 : i32 to index
    %get3A_465 = arith.constant 3 : index
    %get3A_466 = arith.constant 1 : index
    %get3A_467 = arith.constant 3 : index
    %get3A_468 = memref.load %arg1[%get3A_464, %get3A_465, %get3A_466, %get3A_467] : memref<8x4x4x4xf32, #tpu.memory_space<smem>>
    %get3A_469 = arith.constant 0 : index
    %get3A_470 = arith.constant 3 : index
    %get3A_471 = arith.constant 0 : index
    %get3A_472 = arith.constant 0 : index
    %get3A_473 = vector.load %arg2[%get3A_469, %get3A_470, %get3A_471, %get3A_472] : memref<1x4x256x256xf32, #tpu.memory_space<vmem>>, vector<1x1x256x256xf32>
    %get3A_474 = vector.shape_cast %get3A_473 : vector<1x1x256x256xf32> to vector<256x256xf32>
    %mul3A_475 = vector.broadcast %get3A_468 : f32 to vector<256x256xf32>
    %mul3A_476 = arith.mulf %mul3A_475, %get3A_474 : vector<256x256xf32>
    %add3A_477 = arith.addf %add3A_463, %mul3A_476 : vector<256x256xf32>
    %swap3A_478 = arith.constant 0 : index
    %swap3A_479 = arith.constant 256 : index
    %swap3A_480 = arith.constant 768 : index
    %swap3A_481 = vector.load %arg3[%swap3A_478, %swap3A_479, %swap3A_480] : memref<1x1024x1024xf32, #tpu.memory_space<vmem>>, vector<1x256x256xf32>
    %swap3A_482 = vector.shape_cast %swap3A_481 : vector<1x256x256xf32> to vector<256x256xf32>
    %swap3A_483 = vector.shape_cast %add3A_477 : vector<256x256xf32> to vector<1x256x256xf32>
    tpu.vector_store %arg3[%swap3A_478, %swap3A_479, %swap3A_480], %swap3A_483 {strides = array<i32>} : memref<1x1024x1024xf32, #tpu.memory_space<vmem>>, vector<1x256x256xf32>,
    %get3A_484 = arith.index_cast %arg0 : i32 to index
    %get3A_485 = arith.constant 0 : index
    %get3A_486 = arith.constant 2 : index
    %get3A_487 = arith.constant 0 : index
    %get3A_488 = memref.load %arg1[%get3A_484, %get3A_485, %get3A_486, %get3A_487] : memref<8x4x4x4xf32, #tpu.memory_space<smem>>
    %get3A_489 = arith.constant 0 : index
    %get3A_490 = arith.constant 0 : index
    %get3A_491 = arith.constant 0 : index
    %get3A_492 = arith.constant 0 : index
    %get3A_493 = vector.load %arg2[%get3A_489, %get3A_490, %get3A_491, %get3A_492] : memref<1x4x256x256xf32, #tpu.memory_space<vmem>>, vector<1x1x256x256xf32>
    %get3A_494 = vector.shape_cast %get3A_493 : vector<1x1x256x256xf32> to vector<256x256xf32>
    %mul3A_495 = vector.broadcast %get3A_488 : f32 to vector<256x256xf32>
    %mul3A_496 = arith.mulf %mul3A_495, %get3A_494 : vector<256x256xf32>
    %get3A_497 = arith.index_cast %arg0 : i32 to index
    %get3A_498 = arith.constant 1 : index
    %get3A_499 = arith.constant 2 : index
    %get3A_500 = arith.constant 0 : index
    %get3A_501 = memref.load %arg1[%get3A_497, %get3A_498, %get3A_499, %get3A_500] : memref<8x4x4x4xf32, #tpu.memory_space<smem>>
    %get3A_502 = arith.constant 0 : index
    %get3A_503 = arith.constant 1 : index
    %get3A_504 = arith.constant 0 : index
    %get3A_505 = arith.constant 0 : index
    %get3A_506 = vector.load %arg2[%get3A_502, %get3A_503, %get3A_504, %get3A_505] : memref<1x4x256x256xf32, #tpu.memory_space<vmem>>, vector<1x1x256x256xf32>
    %get3A_507 = vector.shape_cast %get3A_506 : vector<1x1x256x256xf32> to vector<256x256xf32>
    %mul3A_508 = vector.broadcast %get3A_501 : f32 to vector<256x256xf32>
    %mul3A_509 = arith.mulf %mul3A_508, %get3A_507 : vector<256x256xf32>
    %add3A_510 = arith.addf %mul3A_496, %mul3A_509 : vector<256x256xf32>
    %get3A_511 = arith.index_cast %arg0 : i32 to index
    %get3A_512 = arith.constant 2 : index
    %get3A_513 = arith.constant 2 : index
    %get3A_514 = arith.constant 0 : index
    %get3A_515 = memref.load %arg1[%get3A_511, %get3A_512, %get3A_513, %get3A_514] : memref<8x4x4x4xf32, #tpu.memory_space<smem>>
    %get3A_516 = arith.constant 0 : index
    %get3A_517 = arith.constant 2 : index
    %get3A_518 = arith.constant 0 : index
    %get3A_519 = arith.constant 0 : index
    %get3A_520 = vector.load %arg2[%get3A_516, %get3A_517, %get3A_518, %get3A_519] : memref<1x4x256x256xf32, #tpu.memory_space<vmem>>, vector<1x1x256x256xf32>
    %get3A_521 = vector.shape_cast %get3A_520 : vector<1x1x256x256xf32> to vector<256x256xf32>
    %mul3A_522 = vector.broadcast %get3A_515 : f32 to vector<256x256xf32>
    %mul3A_523 = arith.mulf %mul3A_522, %get3A_521 : vector<256x256xf32>
    %add3A_524 = arith.addf %add3A_510, %mul3A_523 : vector<256x256xf32>
    %get3A_525 = arith.index_cast %arg0 : i32 to index
    %get3A_526 = arith.constant 3 : index
    %get3A_527 = arith.constant 2 : index
    %get3A_528 = arith.constant 0 : index
    %get3A_529 = memref.load %arg1[%get3A_525, %get3A_526, %get3A_527, %get3A_528] : memref<8x4x4x4xf32, #tpu.memory_space<smem>>
    %get3A_530 = arith.constant 0 : index
    %get3A_531 = arith.constant 3 : index
    %get3A_532 = arith.constant 0 : index
    %get3A_533 = arith.constant 0 : index
    %get3A_534 = vector.load %arg2[%get3A_530, %get3A_531, %get3A_532, %get3A_533] : memref<1x4x256x256xf32, #tpu.memory_space<vmem>>, vector<1x1x256x256xf32>
    %get3A_535 = vector.shape_cast %get3A_534 : vector<1x1x256x256xf32> to vector<256x256xf32>
    %mul3A_536 = vector.broadcast %get3A_529 : f32 to vector<256x256xf32>
    %mul3A_537 = arith.mulf %mul3A_536, %get3A_535 : vector<256x256xf32>
    %add3A_538 = arith.addf %add3A_524, %mul3A_537 : vector<256x256xf32>
    %swap3A_539 = arith.constant 0 : index
    %swap3A_540 = arith.constant 512 : index
    %swap3A_541 = arith.constant 0 : index
    %swap3A_542 = vector.load %arg3[%swap3A_539, %swap3A_540, %swap3A_541] : memref<1x1024x1024xf32, #tpu.memory_space<vmem>>, vector<1x256x256xf32>
    %swap3A_543 = vector.shape_cast %swap3A_542 : vector<1x256x256xf32> to vector<256x256xf32>
    %swap3A_544 = vector.shape_cast %add3A_538 : vector<256x256xf32> to vector<1x256x256xf32>
    tpu.vector_store %arg3[%swap3A_539, %swap3A_540, %swap3A_541], %swap3A_544 {strides = array<i32>} : memref<1x1024x1024xf32, #tpu.memory_space<vmem>>, vector<1x256x256xf32>,
    %get3A_545 = arith.index_cast %arg0 : i32 to index
    %get3A_546 = arith.constant 0 : index
    %get3A_547 = arith.constant 2 : index
    %get3A_548 = arith.constant 1 : index
    %get3A_549 = memref.load %arg1[%get3A_545, %get3A_546, %get3A_547, %get3A_548] : memref<8x4x4x4xf32, #tpu.memory_space<smem>>
    %get3A_550 = arith.constant 0 : index
    %get3A_551 = arith.constant 0 : index
    %get3A_552 = arith.constant 0 : index
    %get3A_553 = arith.constant 0 : index
    %get3A_554 = vector.load %arg2[%get3A_550, %get3A_551, %get3A_552, %get3A_553] : memref<1x4x256x256xf32, #tpu.memory_space<vmem>>, vector<1x1x256x256xf32>
    %get3A_555 = vector.shape_cast %get3A_554 : vector<1x1x256x256xf32> to vector<256x256xf32>
    %mul3A_556 = vector.broadcast %get3A_549 : f32 to vector<256x256xf32>
    %mul3A_557 = arith.mulf %mul3A_556, %get3A_555 : vector<256x256xf32>
    %get3A_558 = arith.index_cast %arg0 : i32 to index
    %get3A_559 = arith.constant 1 : index
    %get3A_560 = arith.constant 2 : index
    %get3A_561 = arith.constant 1 : index
    %get3A_562 = memref.load %arg1[%get3A_558, %get3A_559, %get3A_560, %get3A_561] : memref<8x4x4x4xf32, #tpu.memory_space<smem>>
    %get3A_563 = arith.constant 0 : index
    %get3A_564 = arith.constant 1 : index
    %get3A_565 = arith.constant 0 : index
    %get3A_566 = arith.constant 0 : index
    %get3A_567 = vector.load %arg2[%get3A_563, %get3A_564, %get3A_565, %get3A_566] : memref<1x4x256x256xf32, #tpu.memory_space<vmem>>, vector<1x1x256x256xf32>
    %get3A_568 = vector.shape_cast %get3A_567 : vector<1x1x256x256xf32> to vector<256x256xf32>
    %mul3A_569 = vector.broadcast %get3A_562 : f32 to vector<256x256xf32>
    %mul3A_570 = arith.mulf %mul3A_569, %get3A_568 : vector<256x256xf32>
    %add3A_571 = arith.addf %mul3A_557, %mul3A_570 : vector<256x256xf32>
    %get3A_572 = arith.index_cast %arg0 : i32 to index
    %get3A_573 = arith.constant 2 : index
    %get3A_574 = arith.constant 2 : index
    %get3A_575 = arith.constant 1 : index
    %get3A_576 = memref.load %arg1[%get3A_572, %get3A_573, %get3A_574, %get3A_575] : memref<8x4x4x4xf32, #tpu.memory_space<smem>>
    %get3A_577 = arith.constant 0 : index
    %get3A_578 = arith.constant 2 : index
    %get3A_579 = arith.constant 0 : index
    %get3A_580 = arith.constant 0 : index
    %get3A_581 = vector.load %arg2[%get3A_577, %get3A_578, %get3A_579, %get3A_580] : memref<1x4x256x256xf32, #tpu.memory_space<vmem>>, vector<1x1x256x256xf32>
    %get3A_582 = vector.shape_cast %get3A_581 : vector<1x1x256x256xf32> to vector<256x256xf32>
    %mul3A_583 = vector.broadcast %get3A_576 : f32 to vector<256x256xf32>
    %mul3A_584 = arith.mulf %mul3A_583, %get3A_582 : vector<256x256xf32>
    %add3A_585 = arith.addf %add3A_571, %mul3A_584 : vector<256x256xf32>
    %get3A_586 = arith.index_cast %arg0 : i32 to index
    %get3A_587 = arith.constant 3 : index
    %get3A_588 = arith.constant 2 : index
    %get3A_589 = arith.constant 1 : index
    %get3A_590 = memref.load %arg1[%get3A_586, %get3A_587, %get3A_588, %get3A_589] : memref<8x4x4x4xf32, #tpu.memory_space<smem>>
    %get3A_591 = arith.constant 0 : index
    %get3A_592 = arith.constant 3 : index
    %get3A_593 = arith.constant 0 : index
    %get3A_594 = arith.constant 0 : index
    %get3A_595 = vector.load %arg2[%get3A_591, %get3A_592, %get3A_593, %get3A_594] : memref<1x4x256x256xf32, #tpu.memory_space<vmem>>, vector<1x1x256x256xf32>
    %get3A_596 = vector.shape_cast %get3A_595 : vector<1x1x256x256xf32> to vector<256x256xf32>
    %mul3A_597 = vector.broadcast %get3A_590 : f32 to vector<256x256xf32>
    %mul3A_598 = arith.mulf %mul3A_597, %get3A_596 : vector<256x256xf32>
    %add3A_599 = arith.addf %add3A_585, %mul3A_598 : vector<256x256xf32>
    %swap3A_600 = arith.constant 0 : index
    %swap3A_601 = arith.constant 512 : index
    %swap3A_602 = arith.constant 256 : index
    %swap3A_603 = vector.load %arg3[%swap3A_600, %swap3A_601, %swap3A_602] : memref<1x1024x1024xf32, #tpu.memory_space<vmem>>, vector<1x256x256xf32>
    %swap3A_604 = vector.shape_cast %swap3A_603 : vector<1x256x256xf32> to vector<256x256xf32>
    %swap3A_605 = vector.shape_cast %add3A_599 : vector<256x256xf32> to vector<1x256x256xf32>
    tpu.vector_store %arg3[%swap3A_600, %swap3A_601, %swap3A_602], %swap3A_605 {strides = array<i32>} : memref<1x1024x1024xf32, #tpu.memory_space<vmem>>, vector<1x256x256xf32>,
    %get3A_606 = arith.index_cast %arg0 : i32 to index
    %get3A_607 = arith.constant 0 : index
    %get3A_608 = arith.constant 2 : index
    %get3A_609 = arith.constant 2 : index
    %get3A_610 = memref.load %arg1[%get3A_606, %get3A_607, %get3A_608, %get3A_609] : memref<8x4x4x4xf32, #tpu.memory_space<smem>>
    %get3A_611 = arith.constant 0 : index
    %get3A_612 = arith.constant 0 : index
    %get3A_613 = arith.constant 0 : index
    %get3A_614 = arith.constant 0 : index
    %get3A_615 = vector.load %arg2[%get3A_611, %get3A_612, %get3A_613, %get3A_614] : memref<1x4x256x256xf32, #tpu.memory_space<vmem>>, vector<1x1x256x256xf32>
    %get3A_616 = vector.shape_cast %get3A_615 : vector<1x1x256x256xf32> to vector<256x256xf32>
    %mul3A_617 = vector.broadcast %get3A_610 : f32 to vector<256x256xf32>
    %mul3A_618 = arith.mulf %mul3A_617, %get3A_616 : vector<256x256xf32>
    %get3A_619 = arith.index_cast %arg0 : i32 to index
    %get3A_620 = arith.constant 1 : index
    %get3A_621 = arith.constant 2 : index
    %get3A_622 = arith.constant 2 : index
    %get3A_623 = memref.load %arg1[%get3A_619, %get3A_620, %get3A_621, %get3A_622] : memref<8x4x4x4xf32, #tpu.memory_space<smem>>
    %get3A_624 = arith.constant 0 : index
    %get3A_625 = arith.constant 1 : index
    %get3A_626 = arith.constant 0 : index
    %get3A_627 = arith.constant 0 : index
    %get3A_628 = vector.load %arg2[%get3A_624, %get3A_625, %get3A_626, %get3A_627] : memref<1x4x256x256xf32, #tpu.memory_space<vmem>>, vector<1x1x256x256xf32>
    %get3A_629 = vector.shape_cast %get3A_628 : vector<1x1x256x256xf32> to vector<256x256xf32>
    %mul3A_630 = vector.broadcast %get3A_623 : f32 to vector<256x256xf32>
    %mul3A_631 = arith.mulf %mul3A_630, %get3A_629 : vector<256x256xf32>
    %add3A_632 = arith.addf %mul3A_618, %mul3A_631 : vector<256x256xf32>
    %get3A_633 = arith.index_cast %arg0 : i32 to index
    %get3A_634 = arith.constant 2 : index
    %get3A_635 = arith.constant 2 : index
    %get3A_636 = arith.constant 2 : index
    %get3A_637 = memref.load %arg1[%get3A_633, %get3A_634, %get3A_635, %get3A_636] : memref<8x4x4x4xf32, #tpu.memory_space<smem>>
    %get3A_638 = arith.constant 0 : index
    %get3A_639 = arith.constant 2 : index
    %get3A_640 = arith.constant 0 : index
    %get3A_641 = arith.constant 0 : index
    %get3A_642 = vector.load %arg2[%get3A_638, %get3A_639, %get3A_640, %get3A_641] : memref<1x4x256x256xf32, #tpu.memory_space<vmem>>, vector<1x1x256x256xf32>
    %get3A_643 = vector.shape_cast %get3A_642 : vector<1x1x256x256xf32> to vector<256x256xf32>
    %mul3A_644 = vector.broadcast %get3A_637 : f32 to vector<256x256xf32>
    %mul3A_645 = arith.mulf %mul3A_644, %get3A_643 : vector<256x256xf32>
    %add3A_646 = arith.addf %add3A_632, %mul3A_645 : vector<256x256xf32>
    %get3A_647 = arith.index_cast %arg0 : i32 to index
    %get3A_648 = arith.constant 3 : index
    %get3A_649 = arith.constant 2 : index
    %get3A_650 = arith.constant 2 : index
    %get3A_651 = memref.load %arg1[%get3A_647, %get3A_648, %get3A_649, %get3A_650] : memref<8x4x4x4xf32, #tpu.memory_space<smem>>
    %get3A_652 = arith.constant 0 : index
    %get3A_653 = arith.constant 3 : index
    %get3A_654 = arith.constant 0 : index
    %get3A_655 = arith.constant 0 : index
    %get3A_656 = vector.load %arg2[%get3A_652, %get3A_653, %get3A_654, %get3A_655] : memref<1x4x256x256xf32, #tpu.memory_space<vmem>>, vector<1x1x256x256xf32>
    %get3A_657 = vector.shape_cast %get3A_656 : vector<1x1x256x256xf32> to vector<256x256xf32>
    %mul3A_658 = vector.broadcast %get3A_651 : f32 to vector<256x256xf32>
    %mul3A_659 = arith.mulf %mul3A_658, %get3A_657 : vector<256x256xf32>
    %add3A_660 = arith.addf %add3A_646, %mul3A_659 : vector<256x256xf32>
    %swap3A_661 = arith.constant 0 : index
    %swap3A_662 = arith.constant 512 : index
    %swap3A_663 = arith.constant 512 : index
    %swap3A_664 = vector.load %arg3[%swap3A_661, %swap3A_662, %swap3A_663] : memref<1x1024x1024xf32, #tpu.memory_space<vmem>>, vector<1x256x256xf32>
    %swap3A_665 = vector.shape_cast %swap3A_664 : vector<1x256x256xf32> to vector<256x256xf32>
    %swap3A_666 = vector.shape_cast %add3A_660 : vector<256x256xf32> to vector<1x256x256xf32>
    tpu.vector_store %arg3[%swap3A_661, %swap3A_662, %swap3A_663], %swap3A_666 {strides = array<i32>} : memref<1x1024x1024xf32, #tpu.memory_space<vmem>>, vector<1x256x256xf32>,
    %get3A_667 = arith.index_cast %arg0 : i32 to index
    %get3A_668 = arith.constant 0 : index
    %get3A_669 = arith.constant 2 : index
    %get3A_670 = arith.constant 3 : index
    %get3A_671 = memref.load %arg1[%get3A_667, %get3A_668, %get3A_669, %get3A_670] : memref<8x4x4x4xf32, #tpu.memory_space<smem>>
    %get3A_672 = arith.constant 0 : index
    %get3A_673 = arith.constant 0 : index
    %get3A_674 = arith.constant 0 : index
    %get3A_675 = arith.constant 0 : index
    %get3A_676 = vector.load %arg2[%get3A_672, %get3A_673, %get3A_674, %get3A_675] : memref<1x4x256x256xf32, #tpu.memory_space<vmem>>, vector<1x1x256x256xf32>
    %get3A_677 = vector.shape_cast %get3A_676 : vector<1x1x256x256xf32> to vector<256x256xf32>
    %mul3A_678 = vector.broadcast %get3A_671 : f32 to vector<256x256xf32>
    %mul3A_679 = arith.mulf %mul3A_678, %get3A_677 : vector<256x256xf32>
    %get3A_680 = arith.index_cast %arg0 : i32 to index
    %get3A_681 = arith.constant 1 : index
    %get3A_682 = arith.constant 2 : index
    %get3A_683 = arith.constant 3 : index
    %get3A_684 = memref.load %arg1[%get3A_680, %get3A_681, %get3A_682, %get3A_683] : memref<8x4x4x4xf32, #tpu.memory_space<smem>>
    %get3A_685 = arith.constant 0 : index
    %get3A_686 = arith.constant 1 : index
    %get3A_687 = arith.constant 0 : index
    %get3A_688 = arith.constant 0 : index
    %get3A_689 = vector.load %arg2[%get3A_685, %get3A_686, %get3A_687, %get3A_688] : memref<1x4x256x256xf32, #tpu.memory_space<vmem>>, vector<1x1x256x256xf32>
    %get3A_690 = vector.shape_cast %get3A_689 : vector<1x1x256x256xf32> to vector<256x256xf32>
    %mul3A_691 = vector.broadcast %get3A_684 : f32 to vector<256x256xf32>
    %mul3A_692 = arith.mulf %mul3A_691, %get3A_690 : vector<256x256xf32>
    %add3A_693 = arith.addf %mul3A_679, %mul3A_692 : vector<256x256xf32>
    %get3A_694 = arith.index_cast %arg0 : i32 to index
    %get3A_695 = arith.constant 2 : index
    %get3A_696 = arith.constant 2 : index
    %get3A_697 = arith.constant 3 : index
    %get3A_698 = memref.load %arg1[%get3A_694, %get3A_695, %get3A_696, %get3A_697] : memref<8x4x4x4xf32, #tpu.memory_space<smem>>
    %get3A_699 = arith.constant 0 : index
    %get3A_700 = arith.constant 2 : index
    %get3A_701 = arith.constant 0 : index
    %get3A_702 = arith.constant 0 : index
    %get3A_703 = vector.load %arg2[%get3A_699, %get3A_700, %get3A_701, %get3A_702] : memref<1x4x256x256xf32, #tpu.memory_space<vmem>>, vector<1x1x256x256xf32>
    %get3A_704 = vector.shape_cast %get3A_703 : vector<1x1x256x256xf32> to vector<256x256xf32>
    %mul3A_705 = vector.broadcast %get3A_698 : f32 to vector<256x256xf32>
    %mul3A_706 = arith.mulf %mul3A_705, %get3A_704 : vector<256x256xf32>
    %add3A_707 = arith.addf %add3A_693, %mul3A_706 : vector<256x256xf32>
    %get3A_708 = arith.index_cast %arg0 : i32 to index
    %get3A_709 = arith.constant 3 : index
    %get3A_710 = arith.constant 2 : index
    %get3A_711 = arith.constant 3 : index
    %get3A_712 = memref.load %arg1[%get3A_708, %get3A_709, %get3A_710, %get3A_711] : memref<8x4x4x4xf32, #tpu.memory_space<smem>>
    %get3A_713 = arith.constant 0 : index
    %get3A_714 = arith.constant 3 : index
    %get3A_715 = arith.constant 0 : index
    %get3A_716 = arith.constant 0 : index
    %get3A_717 = vector.load %arg2[%get3A_713, %get3A_714, %get3A_715, %get3A_716] : memref<1x4x256x256xf32, #tpu.memory_space<vmem>>, vector<1x1x256x256xf32>
    %get3A_718 = vector.shape_cast %get3A_717 : vector<1x1x256x256xf32> to vector<256x256xf32>
    %mul3A_719 = vector.broadcast %get3A_712 : f32 to vector<256x256xf32>
    %mul3A_720 = arith.mulf %mul3A_719, %get3A_718 : vector<256x256xf32>
    %add3A_721 = arith.addf %add3A_707, %mul3A_720 : vector<256x256xf32>
    %swap3A_722 = arith.constant 0 : index
    %swap3A_723 = arith.constant 512 : index
    %swap3A_724 = arith.constant 768 : index
    %swap3A_725 = vector.load %arg3[%swap3A_722, %swap3A_723, %swap3A_724] : memref<1x1024x1024xf32, #tpu.memory_space<vmem>>, vector<1x256x256xf32>
    %swap3A_726 = vector.shape_cast %swap3A_725 : vector<1x256x256xf32> to vector<256x256xf32>
    %swap3A_727 = vector.shape_cast %add3A_721 : vector<256x256xf32> to vector<1x256x256xf32>
    tpu.vector_store %arg3[%swap3A_722, %swap3A_723, %swap3A_724], %swap3A_727 {strides = array<i32>} : memref<1x1024x1024xf32, #tpu.memory_space<vmem>>, vector<1x256x256xf32>,
    %get3A_728 = arith.index_cast %arg0 : i32 to index
    %get3A_729 = arith.constant 0 : index
    %get3A_730 = arith.constant 3 : index
    %get3A_731 = arith.constant 0 : index
    %get3A_732 = memref.load %arg1[%get3A_728, %get3A_729, %get3A_730, %get3A_731] : memref<8x4x4x4xf32, #tpu.memory_space<smem>>
    %get3A_733 = arith.constant 0 : index
    %get3A_734 = arith.constant 0 : index
    %get3A_735 = arith.constant 0 : index
    %get3A_736 = arith.constant 0 : index
    %get3A_737 = vector.load %arg2[%get3A_733, %get3A_734, %get3A_735, %get3A_736] : memref<1x4x256x256xf32, #tpu.memory_space<vmem>>, vector<1x1x256x256xf32>
    %get3A_738 = vector.shape_cast %get3A_737 : vector<1x1x256x256xf32> to vector<256x256xf32>
    %mul3A_739 = vector.broadcast %get3A_732 : f32 to vector<256x256xf32>
    %mul3A_740 = arith.mulf %mul3A_739, %get3A_738 : vector<256x256xf32>
    %get3A_741 = arith.index_cast %arg0 : i32 to index
    %get3A_742 = arith.constant 1 : index
    %get3A_743 = arith.constant 3 : index
    %get3A_744 = arith.constant 0 : index
    %get3A_745 = memref.load %arg1[%get3A_741, %get3A_742, %get3A_743, %get3A_744] : memref<8x4x4x4xf32, #tpu.memory_space<smem>>
    %get3A_746 = arith.constant 0 : index
    %get3A_747 = arith.constant 1 : index
    %get3A_748 = arith.constant 0 : index
    %get3A_749 = arith.constant 0 : index
    %get3A_750 = vector.load %arg2[%get3A_746, %get3A_747, %get3A_748, %get3A_749] : memref<1x4x256x256xf32, #tpu.memory_space<vmem>>, vector<1x1x256x256xf32>
    %get3A_751 = vector.shape_cast %get3A_750 : vector<1x1x256x256xf32> to vector<256x256xf32>
    %mul3A_752 = vector.broadcast %get3A_745 : f32 to vector<256x256xf32>
    %mul3A_753 = arith.mulf %mul3A_752, %get3A_751 : vector<256x256xf32>
    %add3A_754 = arith.addf %mul3A_740, %mul3A_753 : vector<256x256xf32>
    %get3A_755 = arith.index_cast %arg0 : i32 to index
    %get3A_756 = arith.constant 2 : index
    %get3A_757 = arith.constant 3 : index
    %get3A_758 = arith.constant 0 : index
    %get3A_759 = memref.load %arg1[%get3A_755, %get3A_756, %get3A_757, %get3A_758] : memref<8x4x4x4xf32, #tpu.memory_space<smem>>
    %get3A_760 = arith.constant 0 : index
    %get3A_761 = arith.constant 2 : index
    %get3A_762 = arith.constant 0 : index
    %get3A_763 = arith.constant 0 : index
    %get3A_764 = vector.load %arg2[%get3A_760, %get3A_761, %get3A_762, %get3A_763] : memref<1x4x256x256xf32, #tpu.memory_space<vmem>>, vector<1x1x256x256xf32>
    %get3A_765 = vector.shape_cast %get3A_764 : vector<1x1x256x256xf32> to vector<256x256xf32>
    %mul3A_766 = vector.broadcast %get3A_759 : f32 to vector<256x256xf32>
    %mul3A_767 = arith.mulf %mul3A_766, %get3A_765 : vector<256x256xf32>
    %add3A_768 = arith.addf %add3A_754, %mul3A_767 : vector<256x256xf32>
    %get3A_769 = arith.index_cast %arg0 : i32 to index
    %get3A_770 = arith.constant 3 : index
    %get3A_771 = arith.constant 3 : index
    %get3A_772 = arith.constant 0 : index
    %get3A_773 = memref.load %arg1[%get3A_769, %get3A_770, %get3A_771, %get3A_772] : memref<8x4x4x4xf32, #tpu.memory_space<smem>>
    %get3A_774 = arith.constant 0 : index
    %get3A_775 = arith.constant 3 : index
    %get3A_776 = arith.constant 0 : index
    %get3A_777 = arith.constant 0 : index
    %get3A_778 = vector.load %arg2[%get3A_774, %get3A_775, %get3A_776, %get3A_777] : memref<1x4x256x256xf32, #tpu.memory_space<vmem>>, vector<1x1x256x256xf32>
    %get3A_779 = vector.shape_cast %get3A_778 : vector<1x1x256x256xf32> to vector<256x256xf32>
    %mul3A_780 = vector.broadcast %get3A_773 : f32 to vector<256x256xf32>
    %mul3A_781 = arith.mulf %mul3A_780, %get3A_779 : vector<256x256xf32>
    %add3A_782 = arith.addf %add3A_768, %mul3A_781 : vector<256x256xf32>
    %swap3A_783 = arith.constant 0 : index
    %swap3A_784 = arith.constant 768 : index
    %swap3A_785 = arith.constant 0 : index
    %swap3A_786 = vector.load %arg3[%swap3A_783, %swap3A_784, %swap3A_785] : memref<1x1024x1024xf32, #tpu.memory_space<vmem>>, vector<1x256x256xf32>
    %swap3A_787 = vector.shape_cast %swap3A_786 : vector<1x256x256xf32> to vector<256x256xf32>
    %swap3A_788 = vector.shape_cast %add3A_782 : vector<256x256xf32> to vector<1x256x256xf32>
    tpu.vector_store %arg3[%swap3A_783, %swap3A_784, %swap3A_785], %swap3A_788 {strides = array<i32>} : memref<1x1024x1024xf32, #tpu.memory_space<vmem>>, vector<1x256x256xf32>,
    %get3A_789 = arith.index_cast %arg0 : i32 to index
    %get3A_790 = arith.constant 0 : index
    %get3A_791 = arith.constant 3 : index
    %get3A_792 = arith.constant 1 : index
    %get3A_793 = memref.load %arg1[%get3A_789, %get3A_790, %get3A_791, %get3A_792] : memref<8x4x4x4xf32, #tpu.memory_space<smem>>
    %get3A_794 = arith.constant 0 : index
    %get3A_795 = arith.constant 0 : index
    %get3A_796 = arith.constant 0 : index
    %get3A_797 = arith.constant 0 : index
    %get3A_798 = vector.load %arg2[%get3A_794, %get3A_795, %get3A_796, %get3A_797] : memref<1x4x256x256xf32, #tpu.memory_space<vmem>>, vector<1x1x256x256xf32>
    %get3A_799 = vector.shape_cast %get3A_798 : vector<1x1x256x256xf32> to vector<256x256xf32>
    %mul3A_800 = vector.broadcast %get3A_793 : f32 to vector<256x256xf32>
    %mul3A_801 = arith.mulf %mul3A_800, %get3A_799 : vector<256x256xf32>
    %get3A_802 = arith.index_cast %arg0 : i32 to index
    %get3A_803 = arith.constant 1 : index
    %get3A_804 = arith.constant 3 : index
    %get3A_805 = arith.constant 1 : index
    %get3A_806 = memref.load %arg1[%get3A_802, %get3A_803, %get3A_804, %get3A_805] : memref<8x4x4x4xf32, #tpu.memory_space<smem>>
    %get3A_807 = arith.constant 0 : index
    %get3A_808 = arith.constant 1 : index
    %get3A_809 = arith.constant 0 : index
    %get3A_810 = arith.constant 0 : index
    %get3A_811 = vector.load %arg2[%get3A_807, %get3A_808, %get3A_809, %get3A_810] : memref<1x4x256x256xf32, #tpu.memory_space<vmem>>, vector<1x1x256x256xf32>
    %get3A_812 = vector.shape_cast %get3A_811 : vector<1x1x256x256xf32> to vector<256x256xf32>
    %mul3A_813 = vector.broadcast %get3A_806 : f32 to vector<256x256xf32>
    %mul3A_814 = arith.mulf %mul3A_813, %get3A_812 : vector<256x256xf32>
    %add3A_815 = arith.addf %mul3A_801, %mul3A_814 : vector<256x256xf32>
    %get3A_816 = arith.index_cast %arg0 : i32 to index
    %get3A_817 = arith.constant 2 : index
    %get3A_818 = arith.constant 3 : index
    %get3A_819 = arith.constant 1 : index
    %get3A_820 = memref.load %arg1[%get3A_816, %get3A_817, %get3A_818, %get3A_819] : memref<8x4x4x4xf32, #tpu.memory_space<smem>>
    %get3A_821 = arith.constant 0 : index
    %get3A_822 = arith.constant 2 : index
    %get3A_823 = arith.constant 0 : index
    %get3A_824 = arith.constant 0 : index
    %get3A_825 = vector.load %arg2[%get3A_821, %get3A_822, %get3A_823, %get3A_824] : memref<1x4x256x256xf32, #tpu.memory_space<vmem>>, vector<1x1x256x256xf32>
    %get3A_826 = vector.shape_cast %get3A_825 : vector<1x1x256x256xf32> to vector<256x256xf32>
    %mul3A_827 = vector.broadcast %get3A_820 : f32 to vector<256x256xf32>
    %mul3A_828 = arith.mulf %mul3A_827, %get3A_826 : vector<256x256xf32>
    %add3A_829 = arith.addf %add3A_815, %mul3A_828 : vector<256x256xf32>
    %get3A_830 = arith.index_cast %arg0 : i32 to index
    %get3A_831 = arith.constant 3 : index
    %get3A_832 = arith.constant 3 : index
    %get3A_833 = arith.constant 1 : index
    %get3A_834 = memref.load %arg1[%get3A_830, %get3A_831, %get3A_832, %get3A_833] : memref<8x4x4x4xf32, #tpu.memory_space<smem>>
    %get3A_835 = arith.constant 0 : index
    %get3A_836 = arith.constant 3 : index
    %get3A_837 = arith.constant 0 : index
    %get3A_838 = arith.constant 0 : index
    %get3A_839 = vector.load %arg2[%get3A_835, %get3A_836, %get3A_837, %get3A_838] : memref<1x4x256x256xf32, #tpu.memory_space<vmem>>, vector<1x1x256x256xf32>
    %get3A_840 = vector.shape_cast %get3A_839 : vector<1x1x256x256xf32> to vector<256x256xf32>
    %mul3A_841 = vector.broadcast %get3A_834 : f32 to vector<256x256xf32>
    %mul3A_842 = arith.mulf %mul3A_841, %get3A_840 : vector<256x256xf32>
    %add3A_843 = arith.addf %add3A_829, %mul3A_842 : vector<256x256xf32>
    %swap3A_844 = arith.constant 0 : index
    %swap3A_845 = arith.constant 768 : index
    %swap3A_846 = arith.constant 256 : index
    %swap3A_847 = vector.load %arg3[%swap3A_844, %swap3A_845, %swap3A_846] : memref<1x1024x1024xf32, #tpu.memory_space<vmem>>, vector<1x256x256xf32>
    %swap3A_848 = vector.shape_cast %swap3A_847 : vector<1x256x256xf32> to vector<256x256xf32>
    %swap3A_849 = vector.shape_cast %add3A_843 : vector<256x256xf32> to vector<1x256x256xf32>
    tpu.vector_store %arg3[%swap3A_844, %swap3A_845, %swap3A_846], %swap3A_849 {strides = array<i32>} : memref<1x1024x1024xf32, #tpu.memory_space<vmem>>, vector<1x256x256xf32>,
    %get3A_850 = arith.index_cast %arg0 : i32 to index
    %get3A_851 = arith.constant 0 : index
    %get3A_852 = arith.constant 3 : index
    %get3A_853 = arith.constant 2 : index
    %get3A_854 = memref.load %arg1[%get3A_850, %get3A_851, %get3A_852, %get3A_853] : memref<8x4x4x4xf32, #tpu.memory_space<smem>>
    %get3A_855 = arith.constant 0 : index
    %get3A_856 = arith.constant 0 : index
    %get3A_857 = arith.constant 0 : index
    %get3A_858 = arith.constant 0 : index
    %get3A_859 = vector.load %arg2[%get3A_855, %get3A_856, %get3A_857, %get3A_858] : memref<1x4x256x256xf32, #tpu.memory_space<vmem>>, vector<1x1x256x256xf32>
    %get3A_860 = vector.shape_cast %get3A_859 : vector<1x1x256x256xf32> to vector<256x256xf32>
    %mul3A_861 = vector.broadcast %get3A_854 : f32 to vector<256x256xf32>
    %mul3A_862 = arith.mulf %mul3A_861, %get3A_860 : vector<256x256xf32>
    %get3A_863 = arith.index_cast %arg0 : i32 to index
    %get3A_864 = arith.constant 1 : index
    %get3A_865 = arith.constant 3 : index
    %get3A_866 = arith.constant 2 : index
    %get3A_867 = memref.load %arg1[%get3A_863, %get3A_864, %get3A_865, %get3A_866] : memref<8x4x4x4xf32, #tpu.memory_space<smem>>
    %get3A_868 = arith.constant 0 : index
    %get3A_869 = arith.constant 1 : index
    %get3A_870 = arith.constant 0 : index
    %get3A_871 = arith.constant 0 : index
    %get3A_872 = vector.load %arg2[%get3A_868, %get3A_869, %get3A_870, %get3A_871] : memref<1x4x256x256xf32, #tpu.memory_space<vmem>>, vector<1x1x256x256xf32>
    %get3A_873 = vector.shape_cast %get3A_872 : vector<1x1x256x256xf32> to vector<256x256xf32>
    %mul3A_874 = vector.broadcast %get3A_867 : f32 to vector<256x256xf32>
    %mul3A_875 = arith.mulf %mul3A_874, %get3A_873 : vector<256x256xf32>
    %add3A_876 = arith.addf %mul3A_862, %mul3A_875 : vector<256x256xf32>
    %get3A_877 = arith.index_cast %arg0 : i32 to index
    %get3A_878 = arith.constant 2 : index
    %get3A_879 = arith.constant 3 : index
    %get3A_880 = arith.constant 2 : index
    %get3A_881 = memref.load %arg1[%get3A_877, %get3A_878, %get3A_879, %get3A_880] : memref<8x4x4x4xf32, #tpu.memory_space<smem>>
    %get3A_882 = arith.constant 0 : index
    %get3A_883 = arith.constant 2 : index
    %get3A_884 = arith.constant 0 : index
    %get3A_885 = arith.constant 0 : index
    %get3A_886 = vector.load %arg2[%get3A_882, %get3A_883, %get3A_884, %get3A_885] : memref<1x4x256x256xf32, #tpu.memory_space<vmem>>, vector<1x1x256x256xf32>
    %get3A_887 = vector.shape_cast %get3A_886 : vector<1x1x256x256xf32> to vector<256x256xf32>
    %mul3A_888 = vector.broadcast %get3A_881 : f32 to vector<256x256xf32>
    %mul3A_889 = arith.mulf %mul3A_888, %get3A_887 : vector<256x256xf32>
    %add3A_890 = arith.addf %add3A_876, %mul3A_889 : vector<256x256xf32>
    %get3A_891 = arith.index_cast %arg0 : i32 to index
    %get3A_892 = arith.constant 3 : index
    %get3A_893 = arith.constant 3 : index
    %get3A_894 = arith.constant 2 : index
    %get3A_895 = memref.load %arg1[%get3A_891, %get3A_892, %get3A_893, %get3A_894] : memref<8x4x4x4xf32, #tpu.memory_space<smem>>
    %get3A_896 = arith.constant 0 : index
    %get3A_897 = arith.constant 3 : index
    %get3A_898 = arith.constant 0 : index
    %get3A_899 = arith.constant 0 : index
    %get3A_900 = vector.load %arg2[%get3A_896, %get3A_897, %get3A_898, %get3A_899] : memref<1x4x256x256xf32, #tpu.memory_space<vmem>>, vector<1x1x256x256xf32>
    %get3A_901 = vector.shape_cast %get3A_900 : vector<1x1x256x256xf32> to vector<256x256xf32>
    %mul3A_902 = vector.broadcast %get3A_895 : f32 to vector<256x256xf32>
    %mul3A_903 = arith.mulf %mul3A_902, %get3A_901 : vector<256x256xf32>
    %add3A_904 = arith.addf %add3A_890, %mul3A_903 : vector<256x256xf32>
    %swap3A_905 = arith.constant 0 : index
    %swap3A_906 = arith.constant 768 : index
    %swap3A_907 = arith.constant 512 : index
    %swap3A_908 = vector.load %arg3[%swap3A_905, %swap3A_906, %swap3A_907] : memref<1x1024x1024xf32, #tpu.memory_space<vmem>>, vector<1x256x256xf32>
    %swap3A_909 = vector.shape_cast %swap3A_908 : vector<1x256x256xf32> to vector<256x256xf32>
    %swap3A_910 = vector.shape_cast %add3A_904 : vector<256x256xf32> to vector<1x256x256xf32>
    tpu.vector_store %arg3[%swap3A_905, %swap3A_906, %swap3A_907], %swap3A_910 {strides = array<i32>} : memref<1x1024x1024xf32, #tpu.memory_space<vmem>>, vector<1x256x256xf32>,
    %get3A_911 = arith.index_cast %arg0 : i32 to index
    %get3A_912 = arith.constant 0 : index
    %get3A_913 = arith.constant 3 : index
    %get3A_914 = arith.constant 3 : index
    %get3A_915 = memref.load %arg1[%get3A_911, %get3A_912, %get3A_913, %get3A_914] : memref<8x4x4x4xf32, #tpu.memory_space<smem>>
    %get3A_916 = arith.constant 0 : index
    %get3A_917 = arith.constant 0 : index
    %get3A_918 = arith.constant 0 : index
    %get3A_919 = arith.constant 0 : index
    %get3A_920 = vector.load %arg2[%get3A_916, %get3A_917, %get3A_918, %get3A_919] : memref<1x4x256x256xf32, #tpu.memory_space<vmem>>, vector<1x1x256x256xf32>
    %get3A_921 = vector.shape_cast %get3A_920 : vector<1x1x256x256xf32> to vector<256x256xf32>
    %mul3A_922 = vector.broadcast %get3A_915 : f32 to vector<256x256xf32>
    %mul3A_923 = arith.mulf %mul3A_922, %get3A_921 : vector<256x256xf32>
    %get3A_924 = arith.index_cast %arg0 : i32 to index
    %get3A_925 = arith.constant 1 : index
    %get3A_926 = arith.constant 3 : index
    %get3A_927 = arith.constant 3 : index
    %get3A_928 = memref.load %arg1[%get3A_924, %get3A_925, %get3A_926, %get3A_927] : memref<8x4x4x4xf32, #tpu.memory_space<smem>>
    %get3A_929 = arith.constant 0 : index
    %get3A_930 = arith.constant 1 : index
    %get3A_931 = arith.constant 0 : index
    %get3A_932 = arith.constant 0 : index
    %get3A_933 = vector.load %arg2[%get3A_929, %get3A_930, %get3A_931, %get3A_932] : memref<1x4x256x256xf32, #tpu.memory_space<vmem>>, vector<1x1x256x256xf32>
    %get3A_934 = vector.shape_cast %get3A_933 : vector<1x1x256x256xf32> to vector<256x256xf32>
    %mul3A_935 = vector.broadcast %get3A_928 : f32 to vector<256x256xf32>
    %mul3A_936 = arith.mulf %mul3A_935, %get3A_934 : vector<256x256xf32>
    %add3A_937 = arith.addf %mul3A_923, %mul3A_936 : vector<256x256xf32>
    %get3A_938 = arith.index_cast %arg0 : i32 to index
    %get3A_939 = arith.constant 2 : index
    %get3A_940 = arith.constant 3 : index
    %get3A_941 = arith.constant 3 : index
    %get3A_942 = memref.load %arg1[%get3A_938, %get3A_939, %get3A_940, %get3A_941] : memref<8x4x4x4xf32, #tpu.memory_space<smem>>
    %get3A_943 = arith.constant 0 : index
    %get3A_944 = arith.constant 2 : index
    %get3A_945 = arith.constant 0 : index
    %get3A_946 = arith.constant 0 : index
    %get3A_947 = vector.load %arg2[%get3A_943, %get3A_944, %get3A_945, %get3A_946] : memref<1x4x256x256xf32, #tpu.memory_space<vmem>>, vector<1x1x256x256xf32>
    %get3A_948 = vector.shape_cast %get3A_947 : vector<1x1x256x256xf32> to vector<256x256xf32>
    %mul3A_949 = vector.broadcast %get3A_942 : f32 to vector<256x256xf32>
    %mul3A_950 = arith.mulf %mul3A_949, %get3A_948 : vector<256x256xf32>
    %add3A_951 = arith.addf %add3A_937, %mul3A_950 : vector<256x256xf32>
    %get3A_952 = arith.index_cast %arg0 : i32 to index
    %get3A_953 = arith.constant 3 : index
    %get3A_954 = arith.constant 3 : index
    %get3A_955 = arith.constant 3 : index
    %get3A_956 = memref.load %arg1[%get3A_952, %get3A_953, %get3A_954, %get3A_955] : memref<8x4x4x4xf32, #tpu.memory_space<smem>>
    %get3A_957 = arith.constant 0 : index
    %get3A_958 = arith.constant 3 : index
    %get3A_959 = arith.constant 0 : index
    %get3A_960 = arith.constant 0 : index
    %get3A_961 = vector.load %arg2[%get3A_957, %get3A_958, %get3A_959, %get3A_960] : memref<1x4x256x256xf32, #tpu.memory_space<vmem>>, vector<1x1x256x256xf32>
    %get3A_962 = vector.shape_cast %get3A_961 : vector<1x1x256x256xf32> to vector<256x256xf32>
    %mul3A_963 = vector.broadcast %get3A_956 : f32 to vector<256x256xf32>
    %mul3A_964 = arith.mulf %mul3A_963, %get3A_962 : vector<256x256xf32>
    %add3A_965 = arith.addf %add3A_951, %mul3A_964 : vector<256x256xf32>
    %swap3A_966 = arith.constant 0 : index
    %swap3A_967 = arith.constant 768 : index
    %swap3A_968 = arith.constant 768 : index
    %swap3A_969 = vector.load %arg3[%swap3A_966, %swap3A_967, %swap3A_968] : memref<1x1024x1024xf32, #tpu.memory_space<vmem>>, vector<1x256x256xf32>
    %swap3A_970 = vector.shape_cast %swap3A_969 : vector<1x256x256xf32> to vector<256x256xf32>
    %swap3A_971 = vector.shape_cast %add3A_965 : vector<256x256xf32> to vector<1x256x256xf32>
    tpu.vector_store %arg3[%swap3A_966, %swap3A_967, %swap3A_968], %swap3A_971 {strides = array<i32>} : memref<1x1024x1024xf32, #tpu.memory_space<vmem>>, vector<1x256x256xf32>,
    return
  }
  func.func @transform_0(%arg0: i32) -> (i32, i32, i32, i32) {
    %c0_i32 = arith.constant 0 : i32
    %c0_i32_0 = arith.constant 0 : i32
    %c0_i32_1 = arith.constant 0 : i32
    %c0_i32_2 = arith.constant 0 : i32
    %c0_i32_3 = arith.constant 0 : i32
    return %c0_i32, %c0_i32_0, %c0_i32_1, %c0_i32_2 : i32, i32, i32, i32
  }
  func.func @transform_1(%arg0: i32) -> (i32, i32, i32, i32) {
    %c0_i32 = arith.constant 0 : i32
    %c0_i32_0 = arith.constant 0 : i32
    %c0_i32_1 = arith.constant 0 : i32
    %c0_i32_2 = arith.constant 0 : i32
    return %arg0, %c0_i32, %c0_i32_0, %c0_i32_1 : i32, i32, i32, i32
  }
  func.func @transform_2(%arg0: i32) -> (i32, i32, i32) {
    %c0_i32 = arith.constant 0 : i32
    %c0_i32_0 = arith.constant 0 : i32
    %c0_i32_1 = arith.constant 0 : i32
    return %arg0, %c0_i32, %c0_i32_0 : i32, i32, i32
  }
}

</mosaic_0001>

<sc_bundles>
// kernel: kernel.10.cloned.1.call-start
scs
__scs_entry_jumppad:
0x0: {  	(pc) =	sbr.rel $0x88, $3  }
0x1: {  	(tag) =	ssettag $0x0;
	lr =	simm.s32 $0x1  }
0x2: {  	[smem:$0x3F9D] =	sst lr;
	_ =	strace $0xD0000000  }
0x3: {  	_ = 	snop  }
0x4: {  	_ = 	snop  }
0x5: {  	_ = 	snop  }
0x6: {  	_ = 	snop  }
0x7: {  	_ = 	snop  }
__scs_overlays_trampoline_lowered:
0x8: {  	[smem:$0x3FAC] =	sst s0  }
0x9: {  	[smem:$0x3FAD] =	sst s1  }
0xa: {  	[smem:$0x3FAE] =	sst s2  }
0xb: {  	[smem:$0x3FAF] =	sst s3  }
0xc: {  	[smem:$0x3FB0] =	sst s4  }
0xd: {  	[smem:$0x3FB1] =	sst s5  }
0xe: {  	[smem:$0x3FB2] =	sst s6  }
0xf: {  	[smem:$0x3FB3] =	sst s7  }
0x10: {  	[smem:$0x3FB4] =	sst s8  }
0x11: {  	[smem:$0x3FB5] =	sst s9;
	s0 =	simm.s32 @!p0 $0x0  }
0x12: {  	s1 =	sld [smem:$0x3F9B];
	s0 =	simm.s32 @p0 $0x1  }
0x13: {  	[smem:$0x3FB6] =	sst s0;
	s0 =	simm.s32 @!p1 $0x0  }
0x14: {  	s2 =	sld [smem:$0x3F9A];
	s0 =	simm.s32 @p1 $0x1  }
0x15: {  	[smem:$0x3FB7] =	sst s0;
	s0 =	simm.s32 @!p2 $0x0  }
0x16: {  	s3 =	sld [smem:$0x3FDB];
	s0 =	simm.s32 @p2 $0x1  }
0x17: {  	s4 =	simm.s32 $0x1BF5;
	[smem:$0x3FB9] =	sst s0  }
0x18: {  	s0 =	sld [smem:$0x3F9C];
	_ =	swait.ge [sflag:s4], $0x0  }
0x19: {  	s7 =	sld [smem:$0x3F9D]  }
0x1a: {  	s8 =	sadd.s32 $0xFFFFE003, lr  }
0x1b: {  	s9 =	sadd.s32 $0xFFFFFEF7, lr;
	s5 =	simm.s32 $0xFFFFFFFF;
	p2 =	slt.u32 s8, $0xFFFFF086  }
0x1c: {  	p1 =	slt.u32 s9, $0xF7A;
	s5 =	simm.s32 @!p2 $0x0  }
0x1d: {  	s5 =	simm.s32 @p1 $0x1;
	p0 =	seq.s32 s7, s2  }
0x1e: {  	s7 =	smul.u32 @!p0 $0xF7A, s2;
	p2 =	seq.s32 @!p0 s5, $0x0  }
0x1f: {  	s9 =	smul.u32 $0xF7A, s1;
	s8 =	simm.s32 @!p0 $0x1BF5;
	p2 =	por !p2, p0  }
0x20: {  	[sflag:s8] =	ssyncset.s32 @!p0 $0xFFFFF086;
	s6 =	sadd.s32 @!p0 s3, s7;
	s7 =	simm.s32 @!p0 $0x108  }
0x21: {  	s3 =	sadd.s32 s3, s9;
	s6 =	sadd.s32 @!p0 $0x88, s6;
	s7 =	simm.s32 @p2 $0x1082  }
0x22: {  	[simem:s7], [sflag:s8] =	dma.local @!p0 [hbm:s6], $0xF7A  }
0x23: {  	s9 =	sor.u32 $0xD0000000, s2;
	s6 =	simm.s32 $0x108;
	_ =	swait.ge @!p0 [sflag:s8], $0x0  }
0x24: {  	s3 =	sadd.s32 $0x88, s3;
	s6 =	simm.s32 @!p1 $0x1082;
	[sflag:s4] =	ssyncset.s32 $0xFFFFF086  }
0x25: {  	[simem:s6], [sflag:s4] =	dma.local [hbm:s3], $0xF7A  }
0x26: {  	[smem:$0x3F9D] =	sst s1;
	(tag) =	ssettag s2;
	_ =	strace s9  }
0x27: {  	s1 =	sld [smem:$0x3FAD]  }
0x28: {  	s2 =	sld [smem:$0x3FAE]  }
0x29: {  	s4 =	sld [smem:$0x3FB0]  }
0x2a: {  	p0 =	seq.s32 s5, $0x0;
	s5 =	sld [smem:$0x3FB1]  }
0x2b: {  	s6 =	sld [smem:$0x3FB2]  }
0x2c: {  	s7 =	sld [smem:$0x3FB3]  }
0x2d: {  	s3 =	simm.s32 $0x108;
	s8 =	sld [smem:$0x3FB4]  }
0x2e: {  	s3 =	simm.s32 @!p0 $0x1082;
	s9 =	sld [smem:$0x3FB5]  }
0x2f: {  	lr =	sadd.s32 s0, s3;
	s0 =	sld [smem:$0x3FAC]  }
0x30: {  	s3 =	sld [smem:$0x3FAF]  }
0x31: {  	[smem:$0x3FB8] =	sst s10  }
0x32: {  	s10 =	sld [smem:$0x3FB6];
	_ =	sdelay $0x3  }
0x33: {  	p0 =	seq.s32 s10, $0x1;
	s10 =	sld [smem:$0x3FB8];
	_ =	sdelay $0x3  }
0x34: {  	[smem:$0x3FB8] =	sst s10  }
0x35: {  	s10 =	sld [smem:$0x3FB7];
	_ =	sdelay $0x3  }
0x36: {  	p1 =	seq.s32 s10, $0x1;
	s10 =	sld [smem:$0x3FB8];
	_ =	sdelay $0x3  }
0x37: {  	[smem:$0x3FB8] =	sst s10  }
0x38: {  	s10 =	sld [smem:$0x3FB9]  }
0x39: {  	_ = 	snop;
	(pc) =	sbr.ind lr, $3  }
0x3a: {  	_ = 	snop  }
0x3b: {  	_ = 	snop  }
0x3c: {  	p2 =	seq.s32 s10, $0x1;
	s10 =	sld [smem:$0x3FB8]  }
0x3d: {  	_ =	shalt  }
0x3e: {  	_ =	shalt  }
0x3f: {  	_ =	shalt  }
0x40: {  	_ =	shalt  }
0x41: {  	_ =	shalt  }
0x42: {  	_ =	shalt  }
0x43: {  	_ =	shalt  }
0x44: {  	_ =	shalt  }
0x45: {  	_ =	shalt  }
0x46: {  	_ =	shalt  }
0x47: {  	_ =	shalt  }
0x48: {  	_ =	shalt  }
0x49: {  	_ =	shalt  }
0x4a: {  	_ =	shalt  }
0x4b: {  	_ =	shalt  }
0x4c: {  	_ =	shalt  }
0x4d: {  	_ =	shalt  }
0x4e: {  	_ =	shalt  }
0x4f: {  	_ =	shalt  }
0x50: {  	_ =	shalt  }
0x51: {  	_ =	shalt  }
0x52: {  	_ =	shalt  }
0x53: {  	_ =	shalt  }
0x54: {  	_ =	shalt  }
0x55: {  	_ =	shalt  }
0x56: {  	_ =	shalt  }
0x57: {  	_ =	shalt  }
0x58: {  	_ =	shalt  }
0x59: {  	_ =	shalt  }
0x5a: {  	_ =	shalt  }
0x5b: {  	_ =	shalt  }
0x5c: {  	_ =	shalt  }
0x5d: {  	_ =	shalt  }
0x5e: {  	_ =	shalt  }
0x5f: {  	_ =	shalt  }
0x60: {  	_ =	shalt  }
0x61: {  	_ =	shalt  }
0x62: {  	_ =	shalt  }
0x63: {  	_ =	shalt  }
0x64: {  	_ =	shalt  }
0x65: {  	_ =	shalt  }
0x66: {  	_ =	shalt  }
0x67: {  	_ =	shalt  }
0x68: {  	_ =	shalt  }
0x69: {  	_ =	shalt  }
0x6a: {  	_ =	shalt  }
0x6b: {  	_ =	shalt  }
0x6c: {  	_ =	shalt  }
0x6d: {  	_ =	shalt  }
0x6e: {  	_ =	shalt  }
0x6f: {  	_ =	shalt  }
0x70: {  	_ =	shalt  }
0x71: {  	_ =	shalt  }
0x72: {  	_ =	shalt  }
0x73: {  	_ =	shalt  }
0x74: {  	_ =	shalt  }
0x75: {  	_ =	shalt  }
0x76: {  	_ =	shalt  }
0x77: {  	_ =	shalt  }
0x78: {  	_ =	shalt  }
0x79: {  	_ =	shalt  }
0x7a: {  	_ =	shalt  }
0x7b: {  	_ =	shalt  }
0x7c: {  	_ =	shalt  }
0x7d: {  	_ =	shalt  }
0x7e: {  	_ =	shalt  }
0x7f: {  	_ =	shalt  }
0x80: {  	_ =	shalt  }
0x81: {  	_ =	shalt  }
0x82: {  	_ =	shalt  }
0x83: {  	_ =	shalt  }
0x84: {  	_ =	shalt  }
0x85: {  	_ =	shalt  }
0x86: {  	_ =	shalt  }
0x87: {  	_ =	shalt  }
.Lfunc_end0:
.L_simem_size_0:
called_computation.1_lowered:
.L_overlay_start_0:
0x88: {  	s2 =	sld [smem:$0x3FD9]  }
0x89: {  	s3 =	sld [smem:$0x3FFE];
	_ =	sdelay $0x1  }
0x8a: {  	s1 =	srdreg.scid  }
0x8b: {  	s0 =	sand.u32 $0x1, s1  }
0x8c: {  	s14 =	sshll.u32 s0, $0xA;
	s2 =	sadd.s32 s3, s2  }
0x8d: {  	s2 =	sadd.s32 s2, s14  }
0x8e: {  	[smem:$0x3FC4] =	sst s2  }
0x8f: {  	_ = 	snop  }
0x90: {  	s2 =	sld [smem:$0x3FD0];
	_ =	sdelay $0x2  }
0x91: {  	s15 =	simm.s32 $0xA;
	s4 =	simm.s32 $0x10  }
0x92: {  	[smem:s4], [sflag:s15] =	dma.local [hbm:s2], $0x1  }
0x93: {  	_ =	swait.eq [sflag:s15], $0x1  }
0x94: {  	[sflag:s15] =	ssyncset.done $0x0  }
0x95: {  	[sflag:s15] =	ssyncadd.s32 $0xFFFFFFFF  }
0x96: {  	s16 =	sld [smem:$0x10];
	(tm) =	ssettm $0x1  }
0x97: {  	s17 =	sld [smem:$0x3FFB];
	_ =	sdelay $0x3  }
0x98: {  	_ =	strace s17  }
0x99: {  	s3 =	sld [smem:$0x3FFC];
	_ =	sdelay $0x3  }
0x9a: {  	_ =	strace s3  }
0x9b: {  	s3 =	sld [smem:$0x3FFD];
	_ =	sdelay $0x3  }
0x9c: {  	_ =	strace s3  }
0x9d: {  	_ =	strace $0x8FFFFFFF  }
0x9e: {  	s18 =	sld [smem:$0x3FDB];
	_ =	sdelay $0x1  }
0x9f: {  	s19 =	simm.s32 $_scs_section_size  }
0xa0: {  	s5 =	simm.s32 $_size__tile_overlayer_lowered;
	s6 =	simm.s32 $_tile_overlayer_lowered  }
0xa1: {  	s22 =	simm.s32 $0x1BFF;
	s21 =	sshll.u32 s6, $0x1;
	s3 =	sadd.s32 s19, s18  }
0xa2: {  	s7 =	simm.s32 $0x0;
	s20 =	sshll.u32 s5, $0x1;
	s5 =	sadd.s32 s21, s3  }
0xa3: {  	[timem:s7], [sflag:s22] =	dma.local [hbm:s5], s20  }
0xa4: {  	_ =	swait.ge [sflag:s22], s20  }
0xa5: {  	s4 =	ssub.s32 $0x0, s20;
	[sflag:s22] =	ssyncset.done $0x0  }
0xa6: {  	[sflag:s22] =	ssyncadd.s32 s4;
	_ =	sdelay $0x1  }
0xa7: {  	s23 =	simm.s32 $0x1B8B  }
0xa8: {  	_ =	swait.ge [sflag:s23], $0x1  }
0xa9: {  	[sflag:s23] =	ssyncset.done $0x0  }
0xaa: {  	s25 =	simm.s32 $0x1B8E;
	s24 =	sld [smem:$0x3FFE];
	[sflag:s23] =	ssyncadd.s32 $0xFFFFFFFF  }
0xab: {  	s26 =	simm.s32 $execute0_lowered;
	[smem:$0x3FD2] =	sst s25  }
0xac: {  	s5 =	sshll.u32 s26, $0x1;
	_ =	strace $0x80000049;
	[dreg:$0x1] =	wrdreg $0xFFFFFFFF  }
0xad: {  	s28 =	simm.s32 $_size_execute0_lowered;
	s3 =	sadd.s32 s3, s5;
	[dreg:$0x0] =	wrdreg $0x0  }
0xae: {  	s5 =	sshll.u32 s28, $0x1;
	[dreg:$0x2] =	wrdreg s3  }
0xaf: {  	[dreg:$0x3] =	wrdreg s5  }
0xb0: {  	[dreg:$0x4] =	wrdreg $0xC0  }
0xb1: {  	_ =	task [dreg:s7], $0x5FFFF  }
0xb2: {  	[dreg:$0x1] =	wrdreg $0xFFFFFFFF  }
0xb3: {  	[dreg:$0x0] =	wrdreg $0x60  }
0xb4: {  	[dreg:$0x2] =	wrdreg s24  }
0xb5: {  	[dreg:$0x3] =	wrdreg s16  }
0xb6: {  	[dreg:$0x4] =	wrdreg $0x9  }
0xb7: {  	_ =	task.clear_ibuf [dreg:s7], $0x5FFFF;
	_ =	strace $0x90000049  }
0xb8: {  	s29 =	simm.s32 $0x9;
	_ =	strace $0x8000004B  }
0xb9: {  	_ =	swait.ge [sflag:s29], $0x1  }
0xba: {  	[sflag:s29] =	ssyncadd.s32 $0xFFFFFFFF  }
0xbb: {  	_ =	strace $0x9000004B  }
0xbc: {  	_ =	sfence  }
0xbd: {  	s30 =	sld [smem:$0x0];
	_ =	sdelay $0x2  }
0xbe: {  	s31 =	sshll.u32 s1, $0xD;
	s1 =	sshrl.u32 s1, $0x2  }
0xbf: {  	s3 =	sand.u32 $0x4000, s31;
	s1 =	sadd.s32 s1, s30  }
0xc0: {  	s0 =	sor.u32 s3, s0;
	s1 =	sshll.u32 s1, $0x11  }
0xc1: {  	s0 =	sor.u32 s1, s0  }
0xc2: {  	s0 =	sadd.s32 $0x8F2B, s0  }
0xc3: {  	[sflag:s0] =	ssyncadd.remote.s32 $0x1  }
0xc4: {  	_ =	sfence.sel $0xFFFF  }
0xc5: {  	[dreg:$0x0] =	wrdreg $0xFFFFFFFF;
	(pc) =	sbr.abs _section_cstart, $3  }
0xc6: {  	[dreg:$0x1] =	wrdreg $0xFFFFFFFF  }
0xc7: {  	_ =	task.clear_ibuf [dreg:s7], $0x2FFFF;
	_ =	strace $0x9FFFFFFF  }
0xc8: {  	(tm) =	ssettm $0x7FFFFFFF  }
0xc9: {  	_ =	shalt  }
tec
execute0_lowered:
.L_overlay_start_1:
0x0: {  	(tag) =	ssettag $0x1  }
0x1: {  	s0 =	srdreg.scid  }
0x2: {  	s2 =	stileid.u32;
	s1 =	rddreg [dreg:$0x0]  }
0x3: {  	s3 =	rddreg [dreg:$0x1];
	s0 =	sand.u32 $0x1, s0;
	s2 =	sshll.u32 s2, $0x1  }
0x4: {  	s9 =	simm.s32 $0x2;
	s10 =	simm.s32 $0x400;
	s4 =	sor.u32 s0, s2  }
0x5: {  	s2 =	simm.s32 $0x0;
	s5 =	sshll.u32 s4, $0x7;
	s4 =	sshll.u32 s4, $0x10  }
0x6: {  	[smem:$0x7FF] =	sst s2;
	s5 =	sadd.s32 s5, s1;
	s8 =	sadd.s32 s3, s4  }
0x7: {  	_ =	strace $0x8000004A;
	s5 =	sadd.s32 $0x241E00, s5;
	[dreg:$0xb] =	wrdreg s8  }
0x8: {  	s19 =	simm.s32 $0x1;
	s3 =	sadd.s32 $0x2000, s8;
	[dreg:$0x3] =	wrdreg s5  }
0x9: {  	s6 =	sadd.s32 $0x343000, s1;
	s24 =	sadd.s32 $0x4000, s8;
	[dreg:$0x4] =	wrdreg s3  }
0xa: {  	s7 =	sadd.s32 $0x343100, s1;
	s26 =	sadd.s32 $0x6000, s8;
	[dreg:$0x5] =	wrdreg s24  }
0xb: {  	s0 =	ssub.s32 $0x2, s0;
	s28 =	sadd.s32 $0x8000, s8;
	[dreg:$0x6] =	wrdreg s26  }
0xc: {  	s25 =	sshrl.u32 s0, $0x1;
	s29 =	sadd.s32 $0xA000, s8;
	[dreg:$0x7] =	wrdreg s28  }
0xd: {  	v2 =	vlaneseq.u32;
	s4 =	sadd.s32 $0x342E00, s1;
	s30 =	sadd.s32 $0xC000, s8;
	[dreg:$0x8] =	wrdreg s29  }
0xe: {  	vm0 =	vmmov $0xffff;
	v1 =	vshrl.u32 v2, $0x3;
	s0 =	ssub.s32 s0, s25;
	s31 =	sadd.s32 $0xE000, s8;
	[dreg:$0x9] =	wrdreg s30  }
0xf: {  	v0 =	vand.u32 $0x7, v2;
	v2 =	vor.u32 $0x8, v2;
	v1 =	vmul.u32 $0x8, v1;
	s15 =	smax.u32 s0, $0x1;
	s5 =	sadd.s32 $0x342F00, s1;
	[dreg:$0xa] =	wrdreg s31  }
.LBB2_1:
0x10: {  	s20 =	rddreg [dreg:$0x3]  }
0x11: {  	[tilespmem:s2], [sflag:$0x2] =	stream.linear.gather [hbm4b:s20+s2], $0x400, $0x38;
	[tilespmem:$0x10400] =	vst v63  }
0x12: {  	_ =	swait.ge [sflag:s9], $0x400  }
0x13: {  	[sflag:s9] =	ssyncset.done $0x0  }
0x14: {  	[sflag:s9] =	ssyncadd.s32 $0xFFFFFC00  }
0x15: {  	v3 =	vld [tilespmem:$0x0];
	_ =	sdelay $0x4  }
0x16: {  	v4 =	vshll.u32 v3, $0x3  }
0x17: {  	v3 =	vand.u32 $0x7, v3;
	v4 =	vand.u32 $0xFFFFFFC0, v4  }
0x18: {  	v3 =	vor.u32 v3, v4  }
0x19: {  	v4 =	vperm.xlane v3, v0;
	_ =	sdelay $0x1  }
0x1a: {  	v4 =	vadd.s32 v1, v4;
	_ =	sdelay $0x4  }
0x1b: {  	[tilespmem:s10], [sflag:$0x1] =	stream.indirect_vreg.gather [hbm4b:s4+s2], $0x80, v4, vm0, $0xb8;
	[tilespmem:$0x10400] =	vst v63  }
0x1c: {  	s0 =	simm.s32 $0xC00;
	v3 =	vperm.xlane v3, v2  }
0x1d: {  	[tilespmem:s0], [sflag:$0x1] =	stream.indirect_vreg.gather [hbm4b:s5+s2], $0x80, v4, vm0, $0xb8;
	[tilespmem:$0x10400] =	vst v63  }
0x1e: {  	s24 =	simm.s32 $0x1400;
	v3 =	vadd.s32 v1, v3  }
0x1f: {  	[tilespmem:s24], [sflag:$0x1] =	stream.indirect_vreg.gather [hbm4b:s6+s2], $0x80, v4, vm0, $0xb8;
	[tilespmem:$0x10400] =	vst v63  }
0x20: {  	s25 =	simm.s32 $0x1C00  }
0x21: {  	[tilespmem:s25], [sflag:$0x1] =	stream.indirect_vreg.gather [hbm4b:s7+s2], $0x80, v4, vm0, $0xb8;
	[tilespmem:$0x10400] =	vst v63  }
0x22: {  	s26 =	simm.s32 $0x2400  }
0x23: {  	[tilespmem:s26], [sflag:$0x1] =	stream.indirect_vreg.gather [hbm4b:s4+s2], $0x80, v3, vm0, $0xb8;
	[tilespmem:$0x10400] =	vst v63  }
0x24: {  	s28 =	simm.s32 $0x2C00  }
0x25: {  	[tilespmem:s28], [sflag:$0x1] =	stream.indirect_vreg.gather [hbm4b:s5+s2], $0x80, v3, vm0, $0xb8;
	[tilespmem:$0x10400] =	vst v63  }
0x26: {  	s29 =	simm.s32 $0x3400  }
0x27: {  	[tilespmem:s29], [sflag:$0x1] =	stream.indirect_vreg.gather [hbm4b:s6+s2], $0x80, v3, vm0, $0xb8;
	[tilespmem:$0x10400] =	vst v63  }
0x28: {  	s30 =	simm.s32 $0x3C00  }
0x29: {  	[tilespmem:s30], [sflag:$0x1] =	stream.indirect_vreg.gather [hbm4b:s7+s2], $0x80, v3, vm0, $0xb8;
	[tilespmem:$0x10400] =	vst v63  }
0x2a: {  	v3 =	vld [tilespmem:$0x10];
	_ =	sdelay $0x4  }
0x2b: {  	v33 =	vshll.u32 v3, $0x3  }
0x2c: {  	v3 =	vand.u32 $0x7, v3;
	v4 =	vand.u32 $0xFFFFFFC0, v33  }
0x2d: {  	v3 =	vor.u32 v3, v4  }
0x2e: {  	v4 =	vperm.xlane v3, v0;
	_ =	sdelay $0x1  }
0x2f: {  	v4 =	vadd.s32 v1, v4;
	_ =	sdelay $0x3  }
0x30: {  	s31 =	simm.s32 $0x4400  }
0x31: {  	[tilespmem:s31], [sflag:$0x1] =	stream.indirect_vreg.gather [hbm4b:s4+s2], $0x80, v4, vm0, $0xb8;
	[tilespmem:$0x10400] =	vst v63  }
0x32: {  	s11 =	simm.s32 $0x4C00;
	v3 =	vperm.xlane v3, v2  }
0x33: {  	[tilespmem:s11], [sflag:$0x1] =	stream.indirect_vreg.gather [hbm4b:s5+s2], $0x80, v4, vm0, $0xb8;
	[tilespmem:$0x10400] =	vst v63  }
0x34: {  	s12 =	simm.s32 $0x5400;
	v3 =	vadd.s32 v1, v3  }
0x35: {  	[tilespmem:s12], [sflag:$0x1] =	stream.indirect_vreg.gather [hbm4b:s6+s2], $0x80, v4, vm0, $0xb8;
	[tilespmem:$0x10400] =	vst v63  }
0x36: {  	s13 =	simm.s32 $0x5C00  }
0x37: {  	[tilespmem:s13], [sflag:$0x1] =	stream.indirect_vreg.gather [hbm4b:s7+s2], $0x80, v4, vm0, $0xb8;
	[tilespmem:$0x10400] =	vst v63  }
0x38: {  	s14 =	simm.s32 $0x6400  }
0x39: {  	[tilespmem:s14], [sflag:$0x1] =	stream.indirect_vreg.gather [hbm4b:s4+s2], $0x80, v3, vm0, $0xb8;
	[tilespmem:$0x10400] =	vst v63  }
0x3a: {  	s16 =	simm.s32 $0x6C00  }
0x3b: {  	[tilespmem:s16], [sflag:$0x1] =	stream.indirect_vreg.gather [hbm4b:s5+s2], $0x80, v3, vm0, $0xb8;
	[tilespmem:$0x10400] =	vst v63  }
0x3c: {  	s20 =	simm.s32 $0x7400  }
0x3d: {  	[tilespmem:s20], [sflag:$0x1] =	stream.indirect_vreg.gather [hbm4b:s6+s2], $0x80, v3, vm0, $0xb8;
	[tilespmem:$0x10400] =	vst v63  }
0x3e: {  	s21 =	simm.s32 $0x7C00  }
0x3f: {  	[tilespmem:s21], [sflag:$0x1] =	stream.indirect_vreg.gather [hbm4b:s7+s2], $0x80, v3, vm0, $0xb8;
	[tilespmem:$0x10400] =	vst v63  }
0x40: {  	v3 =	vld [tilespmem:$0x20];
	_ =	sdelay $0x4  }
0x41: {  	v34 =	vshll.u32 v3, $0x3  }
0x42: {  	v3 =	vand.u32 $0x7, v3;
	v4 =	vand.u32 $0xFFFFFFC0, v34  }
0x43: {  	v3 =	vor.u32 v3, v4  }
0x44: {  	v4 =	vperm.xlane v3, v0;
	_ =	sdelay $0x1  }
0x45: {  	v4 =	vadd.s32 v1, v4;
	_ =	sdelay $0x3  }
0x46: {  	s23 =	simm.s32 $0x8400  }
0x47: {  	[tilespmem:s23], [sflag:$0x1] =	stream.indirect_vreg.gather [hbm4b:s4+s2], $0x80, v4, vm0, $0xb8;
	[tilespmem:$0x10400] =	vst v63  }
0x48: {  	s24 =	simm.s32 $0x8C00;
	v3 =	vperm.xlane v3, v2  }
0x49: {  	[tilespmem:s24], [sflag:$0x1] =	stream.indirect_vreg.gather [hbm4b:s5+s2], $0x80, v4, vm0, $0xb8;
	[tilespmem:$0x10400] =	vst v63  }
0x4a: {  	s25 =	simm.s32 $0x9400;
	v3 =	vadd.s32 v1, v3  }
0x4b: {  	[tilespmem:s25], [sflag:$0x1] =	stream.indirect_vreg.gather [hbm4b:s6+s2], $0x80, v4, vm0, $0xb8;
	[tilespmem:$0x10400] =	vst v63  }
0x4c: {  	s26 =	simm.s32 $0x9C00  }
0x4d: {  	[tilespmem:s26], [sflag:$0x1] =	stream.indirect_vreg.gather [hbm4b:s7+s2], $0x80, v4, vm0, $0xb8;
	[tilespmem:$0x10400] =	vst v63  }
0x4e: {  	s28 =	simm.s32 $0xA400  }
0x4f: {  	[tilespmem:s28], [sflag:$0x1] =	stream.indirect_vreg.gather [hbm4b:s4+s2], $0x80, v3, vm0, $0xb8;
	[tilespmem:$0x10400] =	vst v63  }
0x50: {  	s30 =	simm.s32 $0xAC00  }
0x51: {  	[tilespmem:s30], [sflag:$0x1] =	stream.indirect_vreg.gather [hbm4b:s5+s2], $0x80, v3, vm0, $0xb8;
	[tilespmem:$0x10400] =	vst v63  }
0x52: {  	s0 =	simm.s32 $0xB400  }
0x53: {  	[tilespmem:s0], [sflag:$0x1] =	stream.indirect_vreg.gather [hbm4b:s6+s2], $0x80, v3, vm0, $0xb8;
	[tilespmem:$0x10400] =	vst v63  }
0x54: {  	s11 =	simm.s32 $0xBC00  }
0x55: {  	[tilespmem:s11], [sflag:$0x1] =	stream.indirect_vreg.gather [hbm4b:s7+s2], $0x80, v3, vm0, $0xb8;
	[tilespmem:$0x10400] =	vst v63  }
0x56: {  	v3 =	vld [tilespmem:$0x30];
	_ =	sdelay $0x4  }
0x57: {  	v35 =	vshll.u32 v3, $0x3  }
0x58: {  	v3 =	vand.u32 $0x7, v3;
	v4 =	vand.u32 $0xFFFFFFC0, v35  }
0x59: {  	v3 =	vor.u32 v3, v4  }
0x5a: {  	v4 =	vperm.xlane v3, v0;
	_ =	sdelay $0x1  }
0x5b: {  	v4 =	vadd.s32 v1, v4;
	_ =	sdelay $0x3  }
0x5c: {  	s12 =	simm.s32 $0xC400  }
0x5d: {  	[tilespmem:s12], [sflag:$0x1] =	stream.indirect_vreg.gather [hbm4b:s4+s2], $0x80, v4, vm0, $0xb8;
	[tilespmem:$0x10400] =	vst v63  }
0x5e: {  	s13 =	simm.s32 $0xCC00;
	v3 =	vperm.xlane v3, v2  }
0x5f: {  	[tilespmem:s13], [sflag:$0x1] =	stream.indirect_vreg.gather [hbm4b:s5+s2], $0x80, v4, vm0, $0xb8;
	[tilespmem:$0x10400] =	vst v63  }
0x60: {  	s14 =	simm.s32 $0xD400;
	v3 =	vadd.s32 v1, v3  }
0x61: {  	[tilespmem:s14], [sflag:$0x1] =	stream.indirect_vreg.gather [hbm4b:s6+s2], $0x80, v4, vm0, $0xb8;
	[tilespmem:$0x10400] =	vst v63  }
0x62: {  	s16 =	simm.s32 $0xDC00  }
0x63: {  	[tilespmem:s16], [sflag:$0x1] =	stream.indirect_vreg.gather [hbm4b:s7+s2], $0x80, v4, vm0, $0xb8;
	[tilespmem:$0x10400] =	vst v63  }
0x64: {  	s24 =	simm.s32 $0xE400  }
0x65: {  	[tilespmem:s24], [sflag:$0x1] =	stream.indirect_vreg.gather [hbm4b:s4+s2], $0x80, v3, vm0, $0xb8;
	[tilespmem:$0x10400] =	vst v63  }
0x66: {  	s25 =	simm.s32 $0xEC00  }
0x67: {  	[tilespmem:s25], [sflag:$0x1] =	stream.indirect_vreg.gather [hbm4b:s5+s2], $0x80, v3, vm0, $0xb8;
	[tilespmem:$0x10400] =	vst v63  }
0x68: {  	s26 =	simm.s32 $0xF400  }
0x69: {  	[tilespmem:s26], [sflag:$0x1] =	stream.indirect_vreg.gather [hbm4b:s6+s2], $0x80, v3, vm0, $0xb8;
	[tilespmem:$0x10400] =	vst v63  }
0x6a: {  	s30 =	simm.s32 $0xFC00  }
0x6b: {  	[tilespmem:s30], [sflag:$0x1] =	stream.indirect_vreg.gather [hbm4b:s7+s2], $0x80, v3, vm0, $0xb8;
	[tilespmem:$0x10400] =	vst v63  }
0x6c: {  	_ =	swait.ge [sflag:s19], $0x10000  }
0x6d: {  	[sflag:s19] =	ssyncset.done $0x0  }
0x6e: {  	s0 =	rddreg [dreg:$0xb];
	[sflag:s19] =	ssyncadd.s32 $0xFFFF0000  }
0x6f: {  	[hbm4b:s0+s2] =	stream.linear.scatter [tilespmem:s10], [sflag:$0x2], $0x10000, $0x38;
	[tilespmem:$0x10400] =	vst v63  }
0x70: {  	_ =	swait.ge [sflag:s9], $0x10000  }
0x71: {  	[sflag:s9] =	ssyncset.done $0x0  }
0x72: {  	[sflag:s9] =	ssyncadd.s32 $0xFFFF0000  }
0x73: {  	v3 =	vld [tilespmem:$0x80];
	_ =	sdelay $0x4  }
0x74: {  	v36 =	vshll.u32 v3, $0x3  }
0x75: {  	v3 =	vand.u32 $0x7, v3;
	v4 =	vand.u32 $0xFFFFFFC0, v36  }
0x76: {  	v3 =	vor.u32 v3, v4  }
0x77: {  	v4 =	vperm.xlane v3, v0;
	_ =	sdelay $0x1  }
0x78: {  	v4 =	vadd.s32 v1, v4;
	_ =	sdelay $0x4  }
0x79: {  	[tilespmem:s10], [sflag:$0x1] =	stream.indirect_vreg.gather [hbm4b:s4+s2], $0x80, v4, vm0, $0xb8;
	[tilespmem:$0x10400] =	vst v63  }
0x7a: {  	s22 =	simm.s32 $0xC00;
	v3 =	vperm.xlane v3, v2  }
0x7b: {  	[tilespmem:s22], [sflag:$0x1] =	stream.indirect_vreg.gather [hbm4b:s5+s2], $0x80, v4, vm0, $0xb8;
	[tilespmem:$0x10400] =	vst v63  }
0x7c: {  	s1 =	simm.s32 $0x1400;
	v3 =	vadd.s32 v1, v3  }
0x7d: {  	[tilespmem:s1], [sflag:$0x1] =	stream.indirect_vreg.gather [hbm4b:s6+s2], $0x80, v4, vm0, $0xb8;
	[tilespmem:$0x10400] =	vst v63  }
0x7e: {  	s3 =	simm.s32 $0x1C00  }
0x7f: {  	[tilespmem:s3], [sflag:$0x1] =	stream.indirect_vreg.gather [hbm4b:s7+s2], $0x80, v4, vm0, $0xb8;
	[tilespmem:$0x10400] =	vst v63  }
0x80: {  	s8 =	simm.s32 $0x2400  }
0x81: {  	[tilespmem:s8], [sflag:$0x1] =	stream.indirect_vreg.gather [hbm4b:s4+s2], $0x80, v3, vm0, $0xb8;
	[tilespmem:$0x10400] =	vst v63  }
0x82: {  	s17 =	simm.s32 $0x2C00  }
0x83: {  	[tilespmem:s17], [sflag:$0x1] =	stream.indirect_vreg.gather [hbm4b:s5+s2], $0x80, v3, vm0, $0xb8;
	[tilespmem:$0x10400] =	vst v63  }
0x84: {  	s18 =	simm.s32 $0x3400  }
0x85: {  	[tilespmem:s18], [sflag:$0x1] =	stream.indirect_vreg.gather [hbm4b:s6+s2], $0x80, v3, vm0, $0xb8;
	[tilespmem:$0x10400] =	vst v63  }
0x86: {  	s29 =	simm.s32 $0x3C00  }
0x87: {  	[tilespmem:s29], [sflag:$0x1] =	stream.indirect_vreg.gather [hbm4b:s7+s2], $0x80, v3, vm0, $0xb8;
	[tilespmem:$0x10400] =	vst v63  }
0x88: {  	v3 =	vld [tilespmem:$0x90];
	_ =	sdelay $0x4  }
0x89: {  	v37 =	vshll.u32 v3, $0x3  }
0x8a: {  	v3 =	vand.u32 $0x7, v3;
	v4 =	vand.u32 $0xFFFFFFC0, v37  }
0x8b: {  	v3 =	vor.u32 v3, v4  }
0x8c: {  	v4 =	vperm.xlane v3, v0;
	_ =	sdelay $0x1  }
0x8d: {  	v4 =	vadd.s32 v1, v4;
	_ =	sdelay $0x3  }
0x8e: {  	s30 =	simm.s32 $0x4400  }
0x8f: {  	[tilespmem:s30], [sflag:$0x1] =	stream.indirect_vreg.gather [hbm4b:s4+s2], $0x80, v4, vm0, $0xb8;
	[tilespmem:$0x10400] =	vst v63  }
0x90: {  	s31 =	simm.s32 $0x4C00;
	v3 =	vperm.xlane v3, v2  }
0x91: {  	[tilespmem:s31], [sflag:$0x1] =	stream.indirect_vreg.gather [hbm4b:s5+s2], $0x80, v4, vm0, $0xb8;
	[tilespmem:$0x10400] =	vst v63  }
0x92: {  	v3 =	vadd.s32 v1, v3;
	s31 =	simm.s32 $0x5400  }
0x93: {  	[tilespmem:s31], [sflag:$0x1] =	stream.indirect_vreg.gather [hbm4b:s6+s2], $0x80, v4, vm0, $0xb8;
	[tilespmem:$0x10400] =	vst v63  }
0x94: {  	s1 =	simm.s32 $0x5C00  }
0x95: {  	[tilespmem:s1], [sflag:$0x1] =	stream.indirect_vreg.gather [hbm4b:s7+s2], $0x80, v4, vm0, $0xb8;
	[tilespmem:$0x10400] =	vst v63  }
0x96: {  	s0 =	simm.s32 $0x6400  }
0x97: {  	[tilespmem:s0], [sflag:$0x1] =	stream.indirect_vreg.gather [hbm4b:s4+s2], $0x80, v3, vm0, $0xb8;
	[tilespmem:$0x10400] =	vst v63  }
0x98: {  	s3 =	simm.s32 $0x6C00  }
0x99: {  	[tilespmem:s3], [sflag:$0x1] =	stream.indirect_vreg.gather [hbm4b:s5+s2], $0x80, v3, vm0, $0xb8;
	[tilespmem:$0x10400] =	vst v63  }
0x9a: {  	s8 =	simm.s32 $0x7400  }
0x9b: {  	[tilespmem:s8], [sflag:$0x1] =	stream.indirect_vreg.gather [hbm4b:s6+s2], $0x80, v3, vm0, $0xb8;
	[tilespmem:$0x10400] =	vst v63  }
0x9c: {  	s21 =	simm.s32 $0x7C00  }
0x9d: {  	[tilespmem:s21], [sflag:$0x1] =	stream.indirect_vreg.gather [hbm4b:s7+s2], $0x80, v3, vm0, $0xb8;
	[tilespmem:$0x10400] =	vst v63  }
0x9e: {  	v3 =	vld [tilespmem:$0xA0];
	_ =	sdelay $0x4  }
0x9f: {  	v38 =	vshll.u32 v3, $0x3  }
0xa0: {  	v3 =	vand.u32 $0x7, v3;
	v4 =	vand.u32 $0xFFFFFFC0, v38  }
0xa1: {  	v3 =	vor.u32 v3, v4  }
0xa2: {  	v4 =	vperm.xlane v3, v0;
	_ =	sdelay $0x1  }
0xa3: {  	v4 =	vadd.s32 v1, v4;
	_ =	sdelay $0x3  }
0xa4: {  	s22 =	simm.s32 $0x8400  }
0xa5: {  	[tilespmem:s22], [sflag:$0x1] =	stream.indirect_vreg.gather [hbm4b:s4+s2], $0x80, v4, vm0, $0xb8;
	[tilespmem:$0x10400] =	vst v63  }
0xa6: {  	s29 =	simm.s32 $0x8C00;
	v3 =	vperm.xlane v3, v2  }
0xa7: {  	[tilespmem:s29], [sflag:$0x1] =	stream.indirect_vreg.gather [hbm4b:s5+s2], $0x80, v4, vm0, $0xb8;
	[tilespmem:$0x10400] =	vst v63  }
0xa8: {  	s17 =	simm.s32 $0x9400;
	v3 =	vadd.s32 v1, v3  }
0xa9: {  	[tilespmem:s17], [sflag:$0x1] =	stream.indirect_vreg.gather [hbm4b:s6+s2], $0x80, v4, vm0, $0xb8;
	[tilespmem:$0x10400] =	vst v63  }
0xaa: {  	s18 =	simm.s32 $0x9C00  }
0xab: {  	[tilespmem:s18], [sflag:$0x1] =	stream.indirect_vreg.gather [hbm4b:s7+s2], $0x80, v4, vm0, $0xb8;
	[tilespmem:$0x10400] =	vst v63  }
0xac: {  	s21 =	simm.s32 $0xA400  }
0xad: {  	[tilespmem:s21], [sflag:$0x1] =	stream.indirect_vreg.gather [hbm4b:s4+s2], $0x80, v3, vm0, $0xb8;
	[tilespmem:$0x10400] =	vst v63  }
0xae: {  	s23 =	simm.s32 $0xAC00  }
0xaf: {  	[tilespmem:s23], [sflag:$0x1] =	stream.indirect_vreg.gather [hbm4b:s5+s2], $0x80, v3, vm0, $0xb8;
	[tilespmem:$0x10400] =	vst v63  }
0xb0: {  	s28 =	simm.s32 $0xB400  }
0xb1: {  	[tilespmem:s28], [sflag:$0x1] =	stream.indirect_vreg.gather [hbm4b:s6+s2], $0x80, v3, vm0, $0xb8;
	[tilespmem:$0x10400] =	vst v63  }
0xb2: {  	s11 =	simm.s32 $0xBC00  }
0xb3: {  	[tilespmem:s11], [sflag:$0x1] =	stream.indirect_vreg.gather [hbm4b:s7+s2], $0x80, v3, vm0, $0xb8;
	[tilespmem:$0x10400] =	vst v63  }
0xb4: {  	v3 =	vld [tilespmem:$0xB0];
	_ =	sdelay $0x4  }
0xb5: {  	v39 =	vshll.u32 v3, $0x3  }
0xb6: {  	v3 =	vand.u32 $0x7, v3;
	v4 =	vand.u32 $0xFFFFFFC0, v39  }
0xb7: {  	v3 =	vor.u32 v3, v4  }
0xb8: {  	v4 =	vperm.xlane v3, v0;
	_ =	sdelay $0x1  }
0xb9: {  	v4 =	vadd.s32 v1, v4;
	_ =	sdelay $0x3  }
0xba: {  	s12 =	simm.s32 $0xC400  }
0xbb: {  	[tilespmem:s12], [sflag:$0x1] =	stream.indirect_vreg.gather [hbm4b:s4+s2], $0x80, v4, vm0, $0xb8;
	[tilespmem:$0x10400] =	vst v63  }
0xbc: {  	s13 =	simm.s32 $0xCC00;
	v3 =	vperm.xlane v3, v2  }
0xbd: {  	[tilespmem:s13], [sflag:$0x1] =	stream.indirect_vreg.gather [hbm4b:s5+s2], $0x80, v4, vm0, $0xb8;
	[tilespmem:$0x10400] =	vst v63  }
0xbe: {  	s20 =	simm.s32 $0xD400;
	v3 =	vadd.s32 v1, v3  }
0xbf: {  	[tilespmem:s20], [sflag:$0x1] =	stream.indirect_vreg.gather [hbm4b:s6+s2], $0x80, v4, vm0, $0xb8;
	[tilespmem:$0x10400] =	vst v63  }
0xc0: {  	s16 =	simm.s32 $0xDC00  }
0xc1: {  	[tilespmem:s16], [sflag:$0x1] =	stream.indirect_vreg.gather [hbm4b:s7+s2], $0x80, v4, vm0, $0xb8;
	[tilespmem:$0x10400] =	vst v63  }
0xc2: {  	s24 =	simm.s32 $0xE400  }
0xc3: {  	[tilespmem:s24], [sflag:$0x1] =	stream.indirect_vreg.gather [hbm4b:s4+s2], $0x80, v3, vm0, $0xb8;
	[tilespmem:$0x10400] =	vst v63  }
0xc4: {  	s25 =	simm.s32 $0xEC00  }
0xc5: {  	[tilespmem:s25], [sflag:$0x1] =	stream.indirect_vreg.gather [hbm4b:s5+s2], $0x80, v3, vm0, $0xb8;
	[tilespmem:$0x10400] =	vst v63  }
0xc6: {  	s26 =	simm.s32 $0xF400  }
0xc7: {  	[tilespmem:s26], [sflag:$0x1] =	stream.indirect_vreg.gather [hbm4b:s6+s2], $0x80, v3, vm0, $0xb8;
	[tilespmem:$0x10400] =	vst v63  }
0xc8: {  	s14 =	simm.s32 $0xFC00  }
0xc9: {  	[tilespmem:s14], [sflag:$0x1] =	stream.indirect_vreg.gather [hbm4b:s7+s2], $0x80, v3, vm0, $0xb8;
	[tilespmem:$0x10400] =	vst v63  }
0xca: {  	_ =	swait.ge [sflag:s19], $0x10000  }
0xcb: {  	[sflag:s19] =	ssyncset.done $0x0  }
0xcc: {  	s26 =	rddreg [dreg:$0x4];
	[sflag:s19] =	ssyncadd.s32 $0xFFFF0000  }
0xcd: {  	[hbm4b:s26+s2] =	stream.linear.scatter [tilespmem:s10], [sflag:$0x2], $0x10000, $0x38;
	[tilespmem:$0x10400] =	vst v63  }
0xce: {  	_ =	swait.ge [sflag:s9], $0x10000  }
0xcf: {  	[sflag:s9] =	ssyncset.done $0x0  }
0xd0: {  	[sflag:s9] =	ssyncadd.s32 $0xFFFF0000  }
0xd1: {  	v3 =	vld [tilespmem:$0x100];
	_ =	sdelay $0x4  }
0xd2: {  	v40 =	vshll.u32 v3, $0x3  }
0xd3: {  	v3 =	vand.u32 $0x7, v3;
	v4 =	vand.u32 $0xFFFFFFC0, v40  }
0xd4: {  	v3 =	vor.u32 v3, v4  }
0xd5: {  	v4 =	vperm.xlane v3, v0;
	_ =	sdelay $0x1  }
0xd6: {  	v4 =	vadd.s32 v1, v4;
	_ =	sdelay $0x4  }
0xd7: {  	[tilespmem:s10], [sflag:$0x1] =	stream.indirect_vreg.gather [hbm4b:s4+s2], $0x80, v4, vm0, $0xb8;
	[tilespmem:$0x10400] =	vst v63  }
0xd8: {  	s25 =	simm.s32 $0xC00;
	v3 =	vperm.xlane v3, v2  }
0xd9: {  	[tilespmem:s25], [sflag:$0x1] =	stream.indirect_vreg.gather [hbm4b:s5+s2], $0x80, v4, vm0, $0xb8;
	[tilespmem:$0x10400] =	vst v63  }
0xda: {  	s26 =	simm.s32 $0x1400;
	v3 =	vadd.s32 v1, v3  }
0xdb: {  	[tilespmem:s26], [sflag:$0x1] =	stream.indirect_vreg.gather [hbm4b:s6+s2], $0x80, v4, vm0, $0xb8;
	[tilespmem:$0x10400] =	vst v63  }
0xdc: {  	s25 =	simm.s32 $0x1C00  }
0xdd: {  	[tilespmem:s25], [sflag:$0x1] =	stream.indirect_vreg.gather [hbm4b:s7+s2], $0x80, v4, vm0, $0xb8;
	[tilespmem:$0x10400] =	vst v63  }
0xde: {  	s26 =	simm.s32 $0x2400  }
0xdf: {  	[tilespmem:s26], [sflag:$0x1] =	stream.indirect_vreg.gather [hbm4b:s4+s2], $0x80, v3, vm0, $0xb8;
	[tilespmem:$0x10400] =	vst v63  }
0xe0: {  	s25 =	simm.s32 $0x2C00  }
0xe1: {  	[tilespmem:s25], [sflag:$0x1] =	stream.indirect_vreg.gather [hbm4b:s5+s2], $0x80, v3, vm0, $0xb8;
	[tilespmem:$0x10400] =	vst v63  }
0xe2: {  	s26 =	simm.s32 $0x3400  }
0xe3: {  	[tilespmem:s26], [sflag:$0x1] =	stream.indirect_vreg.gather [hbm4b:s6+s2], $0x80, v3, vm0, $0xb8;
	[tilespmem:$0x10400] =	vst v63  }
0xe4: {  	s25 =	simm.s32 $0x3C00  }
0xe5: {  	[tilespmem:s25], [sflag:$0x1] =	stream.indirect_vreg.gather [hbm4b:s7+s2], $0x80, v3, vm0, $0xb8;
	[tilespmem:$0x10400] =	vst v63  }
0xe6: {  	v3 =	vld [tilespmem:$0x110];
	_ =	sdelay $0x4  }
0xe7: {  	v41 =	vshll.u32 v3, $0x3  }
0xe8: {  	v3 =	vand.u32 $0x7, v3;
	v4 =	vand.u32 $0xFFFFFFC0, v41  }
0xe9: {  	v3 =	vor.u32 v3, v4  }
0xea: {  	v4 =	vperm.xlane v3, v0;
	_ =	sdelay $0x1  }
0xeb: {  	v4 =	vadd.s32 v1, v4;
	_ =	sdelay $0x4  }
0xec: {  	[tilespmem:s30], [sflag:$0x1] =	stream.indirect_vreg.gather [hbm4b:s4+s2], $0x80, v4, vm0, $0xb8;
	[tilespmem:$0x10400] =	vst v63  }
0xed: {  	s26 =	simm.s32 $0x4C00;
	v3 =	vperm.xlane v3, v2  }
0xee: {  	[tilespmem:s26], [sflag:$0x1] =	stream.indirect_vreg.gather [hbm4b:s5+s2], $0x80, v4, vm0, $0xb8;
	[tilespmem:$0x10400] =	vst v63  }
0xef: {  	v3 =	vadd.s32 v1, v3  }
0xf0: {  	[tilespmem:s31], [sflag:$0x1] =	stream.indirect_vreg.gather [hbm4b:s6+s2], $0x80, v4, vm0, $0xb8;
	[tilespmem:$0x10400] =	vst v63  }
0xf1: {  	_ = 	snop  }
0xf2: {  	[tilespmem:s1], [sflag:$0x1] =	stream.indirect_vreg.gather [hbm4b:s7+s2], $0x80, v4, vm0, $0xb8;
	[tilespmem:$0x10400] =	vst v63  }
0xf3: {  	_ = 	snop  }
0xf4: {  	[tilespmem:s0], [sflag:$0x1] =	stream.indirect_vreg.gather [hbm4b:s4+s2], $0x80, v3, vm0, $0xb8;
	[tilespmem:$0x10400] =	vst v63  }
0xf5: {  	_ = 	snop  }
0xf6: {  	[tilespmem:s3], [sflag:$0x1] =	stream.indirect_vreg.gather [hbm4b:s5+s2], $0x80, v3, vm0, $0xb8;
	[tilespmem:$0x10400] =	vst v63  }
0xf7: {  	_ = 	snop  }
0xf8: {  	[tilespmem:s8], [sflag:$0x1] =	stream.indirect_vreg.gather [hbm4b:s6+s2], $0x80, v3, vm0, $0xb8;
	[tilespmem:$0x10400] =	vst v63  }
0xf9: {  	s20 =	simm.s32 $0x7C00  }
0xfa: {  	[tilespmem:s20], [sflag:$0x1] =	stream.indirect_vreg.gather [hbm4b:s7+s2], $0x80, v3, vm0, $0xb8;
	[tilespmem:$0x10400] =	vst v63  }
0xfb: {  	v3 =	vld [tilespmem:$0x120];
	_ =	sdelay $0x4  }
0xfc: {  	v42 =	vshll.u32 v3, $0x3  }
0xfd: {  	v3 =	vand.u32 $0x7, v3;
	v4 =	vand.u32 $0xFFFFFFC0, v42  }
0xfe: {  	v3 =	vor.u32 v3, v4  }
0xff: {  	v4 =	vperm.xlane v3, v0;
	_ =	sdelay $0x1  }
0x100: {  	v4 =	vadd.s32 v1, v4;
	_ =	sdelay $0x4  }
0x101: {  	[tilespmem:s22], [sflag:$0x1] =	stream.indirect_vreg.gather [hbm4b:s4+s2], $0x80, v4, vm0, $0xb8;
	[tilespmem:$0x10400] =	vst v63  }
0x102: {  	v3 =	vperm.xlane v3, v2  }
0x103: {  	[tilespmem:s29], [sflag:$0x1] =	stream.indirect_vreg.gather [hbm4b:s5+s2], $0x80, v4, vm0, $0xb8;
	[tilespmem:$0x10400] =	vst v63  }
0x104: {  	v3 =	vadd.s32 v1, v3  }
0x105: {  	[tilespmem:s17], [sflag:$0x1] =	stream.indirect_vreg.gather [hbm4b:s6+s2], $0x80, v4, vm0, $0xb8;
	[tilespmem:$0x10400] =	vst v63  }
0x106: {  	_ = 	snop  }
0x107: {  	[tilespmem:s18], [sflag:$0x1] =	stream.indirect_vreg.gather [hbm4b:s7+s2], $0x80, v4, vm0, $0xb8;
	[tilespmem:$0x10400] =	vst v63  }
0x108: {  	_ = 	snop  }
0x109: {  	[tilespmem:s21], [sflag:$0x1] =	stream.indirect_vreg.gather [hbm4b:s4+s2], $0x80, v3, vm0, $0xb8;
	[tilespmem:$0x10400] =	vst v63  }
0x10a: {  	s21 =	simm.s32 $0xAC00  }
0x10b: {  	[tilespmem:s21], [sflag:$0x1] =	stream.indirect_vreg.gather [hbm4b:s5+s2], $0x80, v3, vm0, $0xb8;
	[tilespmem:$0x10400] =	vst v63  }
0x10c: {  	s23 =	simm.s32 $0xB400  }
0x10d: {  	[tilespmem:s23], [sflag:$0x1] =	stream.indirect_vreg.gather [hbm4b:s6+s2], $0x80, v3, vm0, $0xb8;
	[tilespmem:$0x10400] =	vst v63  }
0x10e: {  	s28 =	simm.s32 $0xBC00  }
0x10f: {  	[tilespmem:s28], [sflag:$0x1] =	stream.indirect_vreg.gather [hbm4b:s7+s2], $0x80, v3, vm0, $0xb8;
	[tilespmem:$0x10400] =	vst v63  }
0x110: {  	v3 =	vld [tilespmem:$0x130];
	_ =	sdelay $0x4  }
0x111: {  	v43 =	vshll.u32 v3, $0x3  }
0x112: {  	v3 =	vand.u32 $0x7, v3;
	v4 =	vand.u32 $0xFFFFFFC0, v43  }
0x113: {  	v3 =	vor.u32 v3, v4  }
0x114: {  	v4 =	vperm.xlane v3, v0;
	_ =	sdelay $0x1  }
0x115: {  	v4 =	vadd.s32 v1, v4;
	_ =	sdelay $0x3  }
0x116: {  	s28 =	simm.s32 $0xC400  }
0x117: {  	[tilespmem:s28], [sflag:$0x1] =	stream.indirect_vreg.gather [hbm4b:s4+s2], $0x80, v4, vm0, $0xb8;
	[tilespmem:$0x10400] =	vst v63  }
0x118: {  	s21 =	simm.s32 $0xCC00;
	v3 =	vperm.xlane v3, v2  }
0x119: {  	[tilespmem:s21], [sflag:$0x1] =	stream.indirect_vreg.gather [hbm4b:s5+s2], $0x80, v4, vm0, $0xb8;
	[tilespmem:$0x10400] =	vst v63  }
0x11a: {  	s11 =	simm.s32 $0xD400;
	v3 =	vadd.s32 v1, v3  }
0x11b: {  	[tilespmem:s11], [sflag:$0x1] =	stream.indirect_vreg.gather [hbm4b:s6+s2], $0x80, v4, vm0, $0xb8;
	[tilespmem:$0x10400] =	vst v63  }
0x11c: {  	s12 =	simm.s32 $0xDC00  }
0x11d: {  	[tilespmem:s12], [sflag:$0x1] =	stream.indirect_vreg.gather [hbm4b:s7+s2], $0x80, v4, vm0, $0xb8;
	[tilespmem:$0x10400] =	vst v63  }
0x11e: {  	s13 =	simm.s32 $0xE400  }
0x11f: {  	[tilespmem:s13], [sflag:$0x1] =	stream.indirect_vreg.gather [hbm4b:s4+s2], $0x80, v3, vm0, $0xb8;
	[tilespmem:$0x10400] =	vst v63  }
0x120: {  	s16 =	simm.s32 $0xEC00  }
0x121: {  	[tilespmem:s16], [sflag:$0x1] =	stream.indirect_vreg.gather [hbm4b:s5+s2], $0x80, v3, vm0, $0xb8;
	[tilespmem:$0x10400] =	vst v63  }
0x122: {  	s24 =	simm.s32 $0xF400  }
0x123: {  	[tilespmem:s24], [sflag:$0x1] =	stream.indirect_vreg.gather [hbm4b:s6+s2], $0x80, v3, vm0, $0xb8;
	[tilespmem:$0x10400] =	vst v63  }
0x124: {  	s14 =	simm.s32 $0xFC00  }
0x125: {  	[tilespmem:s14], [sflag:$0x1] =	stream.indirect_vreg.gather [hbm4b:s7+s2], $0x80, v3, vm0, $0xb8;
	[tilespmem:$0x10400] =	vst v63  }
0x126: {  	_ =	swait.ge [sflag:s19], $0x10000  }
0x127: {  	[sflag:s19] =	ssyncset.done $0x0  }
0x128: {  	s24 =	rddreg [dreg:$0x5];
	[sflag:s19] =	ssyncadd.s32 $0xFFFF0000  }
0x129: {  	[hbm4b:s24+s2] =	stream.linear.scatter [tilespmem:s10], [sflag:$0x2], $0x10000, $0x38;
	[tilespmem:$0x10400] =	vst v63  }
0x12a: {  	_ =	swait.ge [sflag:s9], $0x10000  }
0x12b: {  	[sflag:s9] =	ssyncset.done $0x0  }
0x12c: {  	[sflag:s9] =	ssyncadd.s32 $0xFFFF0000  }
0x12d: {  	v3 =	vld [tilespmem:$0x180];
	_ =	sdelay $0x4  }
0x12e: {  	v44 =	vshll.u32 v3, $0x3  }
0x12f: {  	v3 =	vand.u32 $0x7, v3;
	v4 =	vand.u32 $0xFFFFFFC0, v44  }
0x130: {  	v3 =	vor.u32 v3, v4  }
0x131: {  	v4 =	vperm.xlane v3, v0;
	_ =	sdelay $0x1  }
0x132: {  	v4 =	vadd.s32 v1, v4;
	_ =	sdelay $0x4  }
0x133: {  	[tilespmem:s10], [sflag:$0x1] =	stream.indirect_vreg.gather [hbm4b:s4+s2], $0x80, v4, vm0, $0xb8;
	[tilespmem:$0x10400] =	vst v63  }
0x134: {  	s24 =	simm.s32 $0xC00;
	v3 =	vperm.xlane v3, v2  }
0x135: {  	[tilespmem:s24], [sflag:$0x1] =	stream.indirect_vreg.gather [hbm4b:s5+s2], $0x80, v4, vm0, $0xb8;
	[tilespmem:$0x10400] =	vst v63  }
0x136: {  	v3 =	vadd.s32 v1, v3;
	s24 =	simm.s32 $0x1400  }
0x137: {  	[tilespmem:s24], [sflag:$0x1] =	stream.indirect_vreg.gather [hbm4b:s6+s2], $0x80, v4, vm0, $0xb8;
	[tilespmem:$0x10400] =	vst v63  }
0x138: {  	s24 =	simm.s32 $0x1C00  }
0x139: {  	[tilespmem:s24], [sflag:$0x1] =	stream.indirect_vreg.gather [hbm4b:s7+s2], $0x80, v4, vm0, $0xb8;
	[tilespmem:$0x10400] =	vst v63  }
0x13a: {  	s24 =	simm.s32 $0x2400  }
0x13b: {  	[tilespmem:s24], [sflag:$0x1] =	stream.indirect_vreg.gather [hbm4b:s4+s2], $0x80, v3, vm0, $0xb8;
	[tilespmem:$0x10400] =	vst v63  }
0x13c: {  	s24 =	simm.s32 $0x2C00  }
0x13d: {  	[tilespmem:s24], [sflag:$0x1] =	stream.indirect_vreg.gather [hbm4b:s5+s2], $0x80, v3, vm0, $0xb8;
	[tilespmem:$0x10400] =	vst v63  }
0x13e: {  	s24 =	simm.s32 $0x3400  }
0x13f: {  	[tilespmem:s24], [sflag:$0x1] =	stream.indirect_vreg.gather [hbm4b:s6+s2], $0x80, v3, vm0, $0xb8;
	[tilespmem:$0x10400] =	vst v63  }
0x140: {  	s24 =	simm.s32 $0x3C00  }
0x141: {  	[tilespmem:s24], [sflag:$0x1] =	stream.indirect_vreg.gather [hbm4b:s7+s2], $0x80, v3, vm0, $0xb8;
	[tilespmem:$0x10400] =	vst v63  }
0x142: {  	v3 =	vld [tilespmem:$0x190];
	_ =	sdelay $0x4  }
0x143: {  	v45 =	vshll.u32 v3, $0x3  }
0x144: {  	v3 =	vand.u32 $0x7, v3;
	v4 =	vand.u32 $0xFFFFFFC0, v45  }
0x145: {  	v3 =	vor.u32 v3, v4  }
0x146: {  	v4 =	vperm.xlane v3, v0;
	_ =	sdelay $0x1  }
0x147: {  	v4 =	vadd.s32 v1, v4;
	_ =	sdelay $0x3  }
0x148: {  	s30 =	simm.s32 $0x4400  }
0x149: {  	[tilespmem:s30], [sflag:$0x1] =	stream.indirect_vreg.gather [hbm4b:s4+s2], $0x80, v4, vm0, $0xb8;
	[tilespmem:$0x10400] =	vst v63  }
0x14a: {  	s24 =	simm.s32 $0x4C00;
	v3 =	vperm.xlane v3, v2  }
0x14b: {  	[tilespmem:s24], [sflag:$0x1] =	stream.indirect_vreg.gather [hbm4b:s5+s2], $0x80, v4, vm0, $0xb8;
	[tilespmem:$0x10400] =	vst v63  }
0x14c: {  	v3 =	vadd.s32 v1, v3;
	s24 =	simm.s32 $0x5400  }
0x14d: {  	[tilespmem:s24], [sflag:$0x1] =	stream.indirect_vreg.gather [hbm4b:s6+s2], $0x80, v4, vm0, $0xb8;
	[tilespmem:$0x10400] =	vst v63  }
0x14e: {  	s1 =	simm.s32 $0x5C00  }
0x14f: {  	[tilespmem:s1], [sflag:$0x1] =	stream.indirect_vreg.gather [hbm4b:s7+s2], $0x80, v4, vm0, $0xb8;
	[tilespmem:$0x10400] =	vst v63  }
0x150: {  	s31 =	simm.s32 $0x6400  }
0x151: {  	[tilespmem:s31], [sflag:$0x1] =	stream.indirect_vreg.gather [hbm4b:s4+s2], $0x80, v3, vm0, $0xb8;
	[tilespmem:$0x10400] =	vst v63  }
0x152: {  	s3 =	simm.s32 $0x6C00  }
0x153: {  	[tilespmem:s3], [sflag:$0x1] =	stream.indirect_vreg.gather [hbm4b:s5+s2], $0x80, v3, vm0, $0xb8;
	[tilespmem:$0x10400] =	vst v63  }
0x154: {  	s0 =	simm.s32 $0x7400  }
0x155: {  	[tilespmem:s0], [sflag:$0x1] =	stream.indirect_vreg.gather [hbm4b:s6+s2], $0x80, v3, vm0, $0xb8;
	[tilespmem:$0x10400] =	vst v63  }
0x156: {  	s20 =	simm.s32 $0x7C00  }
0x157: {  	[tilespmem:s20], [sflag:$0x1] =	stream.indirect_vreg.gather [hbm4b:s7+s2], $0x80, v3, vm0, $0xb8;
	[tilespmem:$0x10400] =	vst v63  }
0x158: {  	v3 =	vld [tilespmem:$0x1A0];
	_ =	sdelay $0x4  }
0x159: {  	v46 =	vshll.u32 v3, $0x3  }
0x15a: {  	v3 =	vand.u32 $0x7, v3;
	v4 =	vand.u32 $0xFFFFFFC0, v46  }
0x15b: {  	v3 =	vor.u32 v3, v4  }
0x15c: {  	v4 =	vperm.xlane v3, v0;
	_ =	sdelay $0x1  }
0x15d: {  	v4 =	vadd.s32 v1, v4;
	_ =	sdelay $0x3  }
0x15e: {  	s26 =	simm.s32 $0x8400  }
0x15f: {  	[tilespmem:s26], [sflag:$0x1] =	stream.indirect_vreg.gather [hbm4b:s4+s2], $0x80, v4, vm0, $0xb8;
	[tilespmem:$0x10400] =	vst v63  }
0x160: {  	s25 =	simm.s32 $0x8C00;
	v3 =	vperm.xlane v3, v2  }
0x161: {  	[tilespmem:s25], [sflag:$0x1] =	stream.indirect_vreg.gather [hbm4b:s5+s2], $0x80, v4, vm0, $0xb8;
	[tilespmem:$0x10400] =	vst v63  }
0x162: {  	s8 =	simm.s32 $0x9400;
	v3 =	vadd.s32 v1, v3  }
0x163: {  	[tilespmem:s8], [sflag:$0x1] =	stream.indirect_vreg.gather [hbm4b:s6+s2], $0x80, v4, vm0, $0xb8;
	[tilespmem:$0x10400] =	vst v63  }
0x164: {  	s17 =	simm.s32 $0x9C00  }
0x165: {  	[tilespmem:s17], [sflag:$0x1] =	stream.indirect_vreg.gather [hbm4b:s7+s2], $0x80, v4, vm0, $0xb8;
	[tilespmem:$0x10400] =	vst v63  }
0x166: {  	s22 =	simm.s32 $0xA400  }
0x167: {  	[tilespmem:s22], [sflag:$0x1] =	stream.indirect_vreg.gather [hbm4b:s4+s2], $0x80, v3, vm0, $0xb8;
	[tilespmem:$0x10400] =	vst v63  }
0x168: {  	s29 =	simm.s32 $0xAC00  }
0x169: {  	[tilespmem:s29], [sflag:$0x1] =	stream.indirect_vreg.gather [hbm4b:s5+s2], $0x80, v3, vm0, $0xb8;
	[tilespmem:$0x10400] =	vst v63  }
0x16a: {  	s18 =	simm.s32 $0xB400  }
0x16b: {  	[tilespmem:s18], [sflag:$0x1] =	stream.indirect_vreg.gather [hbm4b:s6+s2], $0x80, v3, vm0, $0xb8;
	[tilespmem:$0x10400] =	vst v63  }
0x16c: {  	s23 =	simm.s32 $0xBC00  }
0x16d: {  	[tilespmem:s23], [sflag:$0x1] =	stream.indirect_vreg.gather [hbm4b:s7+s2], $0x80, v3, vm0, $0xb8;
	[tilespmem:$0x10400] =	vst v63  }
0x16e: {  	v3 =	vld [tilespmem:$0x1B0];
	_ =	sdelay $0x4  }
0x16f: {  	v47 =	vshll.u32 v3, $0x3  }
0x170: {  	v3 =	vand.u32 $0x7, v3;
	v4 =	vand.u32 $0xFFFFFFC0, v47  }
0x171: {  	v3 =	vor.u32 v3, v4  }
0x172: {  	v4 =	vperm.xlane v3, v0;
	_ =	sdelay $0x1  }
0x173: {  	v4 =	vadd.s32 v1, v4;
	_ =	sdelay $0x3  }
0x174: {  	s28 =	simm.s32 $0xC400  }
0x175: {  	[tilespmem:s28], [sflag:$0x1] =	stream.indirect_vreg.gather [hbm4b:s4+s2], $0x80, v4, vm0, $0xb8;
	[tilespmem:$0x10400] =	vst v63  }
0x176: {  	s20 =	simm.s32 $0xCC00;
	v3 =	vperm.xlane v3, v2  }
0x177: {  	[tilespmem:s20], [sflag:$0x1] =	stream.indirect_vreg.gather [hbm4b:s5+s2], $0x80, v4, vm0, $0xb8;
	[tilespmem:$0x10400] =	vst v63  }
0x178: {  	s11 =	simm.s32 $0xD400;
	v3 =	vadd.s32 v1, v3  }
0x179: {  	[tilespmem:s11], [sflag:$0x1] =	stream.indirect_vreg.gather [hbm4b:s6+s2], $0x80, v4, vm0, $0xb8;
	[tilespmem:$0x10400] =	vst v63  }
0x17a: {  	s12 =	simm.s32 $0xDC00  }
0x17b: {  	[tilespmem:s12], [sflag:$0x1] =	stream.indirect_vreg.gather [hbm4b:s7+s2], $0x80, v4, vm0, $0xb8;
	[tilespmem:$0x10400] =	vst v63  }
0x17c: {  	s13 =	simm.s32 $0xE400  }
0x17d: {  	[tilespmem:s13], [sflag:$0x1] =	stream.indirect_vreg.gather [hbm4b:s4+s2], $0x80, v3, vm0, $0xb8;
	[tilespmem:$0x10400] =	vst v63  }
0x17e: {  	s16 =	simm.s32 $0xEC00  }
0x17f: {  	[tilespmem:s16], [sflag:$0x1] =	stream.indirect_vreg.gather [hbm4b:s5+s2], $0x80, v3, vm0, $0xb8;
	[tilespmem:$0x10400] =	vst v63  }
0x180: {  	s21 =	simm.s32 $0xF400  }
0x181: {  	[tilespmem:s21], [sflag:$0x1] =	stream.indirect_vreg.gather [hbm4b:s6+s2], $0x80, v3, vm0, $0xb8;
	[tilespmem:$0x10400] =	vst v63  }
0x182: {  	s14 =	simm.s32 $0xFC00  }
0x183: {  	[tilespmem:s14], [sflag:$0x1] =	stream.indirect_vreg.gather [hbm4b:s7+s2], $0x80, v3, vm0, $0xb8;
	[tilespmem:$0x10400] =	vst v63  }
0x184: {  	_ =	swait.ge [sflag:s19], $0x10000  }
0x185: {  	[sflag:s19] =	ssyncset.done $0x0  }
0x186: {  	s21 =	rddreg [dreg:$0x6];
	[sflag:s19] =	ssyncadd.s32 $0xFFFF0000  }
0x187: {  	[hbm4b:s21+s2] =	stream.linear.scatter [tilespmem:s10], [sflag:$0x2], $0x10000, $0x38;
	[tilespmem:$0x10400] =	vst v63  }
0x188: {  	_ =	swait.ge [sflag:s9], $0x10000  }
0x189: {  	[sflag:s9] =	ssyncset.done $0x0  }
0x18a: {  	[sflag:s9] =	ssyncadd.s32 $0xFFFF0000  }
0x18b: {  	v3 =	vld [tilespmem:$0x200];
	_ =	sdelay $0x4  }
0x18c: {  	v48 =	vshll.u32 v3, $0x3  }
0x18d: {  	v3 =	vand.u32 $0x7, v3;
	v4 =	vand.u32 $0xFFFFFFC0, v48  }
0x18e: {  	v3 =	vor.u32 v3, v4  }
0x18f: {  	v4 =	vperm.xlane v3, v0;
	_ =	sdelay $0x1  }
0x190: {  	v4 =	vadd.s32 v1, v4;
	_ =	sdelay $0x4  }
0x191: {  	[tilespmem:s10], [sflag:$0x1] =	stream.indirect_vreg.gather [hbm4b:s4+s2], $0x80, v4, vm0, $0xb8;
	[tilespmem:$0x10400] =	vst v63  }
0x192: {  	s21 =	simm.s32 $0xC00;
	v3 =	vperm.xlane v3, v2  }
0x193: {  	[tilespmem:s21], [sflag:$0x1] =	stream.indirect_vreg.gather [hbm4b:s5+s2], $0x80, v4, vm0, $0xb8;
	[tilespmem:$0x10400] =	vst v63  }
0x194: {  	v3 =	vadd.s32 v1, v3;
	s21 =	simm.s32 $0x1400  }
0x195: {  	[tilespmem:s21], [sflag:$0x1] =	stream.indirect_vreg.gather [hbm4b:s6+s2], $0x80, v4, vm0, $0xb8;
	[tilespmem:$0x10400] =	vst v63  }
0x196: {  	s21 =	simm.s32 $0x1C00  }
0x197: {  	[tilespmem:s21], [sflag:$0x1] =	stream.indirect_vreg.gather [hbm4b:s7+s2], $0x80, v4, vm0, $0xb8;
	[tilespmem:$0x10400] =	vst v63  }
0x198: {  	s21 =	simm.s32 $0x2400  }
0x199: {  	[tilespmem:s21], [sflag:$0x1] =	stream.indirect_vreg.gather [hbm4b:s4+s2], $0x80, v3, vm0, $0xb8;
	[tilespmem:$0x10400] =	vst v63  }
0x19a: {  	s21 =	simm.s32 $0x2C00  }
0x19b: {  	[tilespmem:s21], [sflag:$0x1] =	stream.indirect_vreg.gather [hbm4b:s5+s2], $0x80, v3, vm0, $0xb8;
	[tilespmem:$0x10400] =	vst v63  }
0x19c: {  	s21 =	simm.s32 $0x3400  }
0x19d: {  	[tilespmem:s21], [sflag:$0x1] =	stream.indirect_vreg.gather [hbm4b:s6+s2], $0x80, v3, vm0, $0xb8;
	[tilespmem:$0x10400] =	vst v63  }
0x19e: {  	s21 =	simm.s32 $0x3C00  }
0x19f: {  	[tilespmem:s21], [sflag:$0x1] =	stream.indirect_vreg.gather [hbm4b:s7+s2], $0x80, v3, vm0, $0xb8;
	[tilespmem:$0x10400] =	vst v63  }
0x1a0: {  	v3 =	vld [tilespmem:$0x210];
	_ =	sdelay $0x4  }
0x1a1: {  	v49 =	vshll.u32 v3, $0x3  }
0x1a2: {  	v3 =	vand.u32 $0x7, v3;
	v4 =	vand.u32 $0xFFFFFFC0, v49  }
0x1a3: {  	v3 =	vor.u32 v3, v4  }
0x1a4: {  	v4 =	vperm.xlane v3, v0;
	_ =	sdelay $0x1  }
0x1a5: {  	v4 =	vadd.s32 v1, v4;
	_ =	sdelay $0x3  }
0x1a6: {  	s30 =	simm.s32 $0x4400  }
0x1a7: {  	[tilespmem:s30], [sflag:$0x1] =	stream.indirect_vreg.gather [hbm4b:s4+s2], $0x80, v4, vm0, $0xb8;
	[tilespmem:$0x10400] =	vst v63  }
0x1a8: {  	v3 =	vperm.xlane v3, v2;
	s30 =	simm.s32 $0x4C00  }
0x1a9: {  	[tilespmem:s30], [sflag:$0x1] =	stream.indirect_vreg.gather [hbm4b:s5+s2], $0x80, v4, vm0, $0xb8;
	[tilespmem:$0x10400] =	vst v63  }
0x1aa: {  	s21 =	simm.s32 $0x5400;
	v3 =	vadd.s32 v1, v3  }
0x1ab: {  	[tilespmem:s21], [sflag:$0x1] =	stream.indirect_vreg.gather [hbm4b:s6+s2], $0x80, v4, vm0, $0xb8;
	[tilespmem:$0x10400] =	vst v63  }
0x1ac: {  	s1 =	simm.s32 $0x5C00  }
0x1ad: {  	[tilespmem:s1], [sflag:$0x1] =	stream.indirect_vreg.gather [hbm4b:s7+s2], $0x80, v4, vm0, $0xb8;
	[tilespmem:$0x10400] =	vst v63  }
0x1ae: {  	s31 =	simm.s32 $0x6400  }
0x1af: {  	[tilespmem:s31], [sflag:$0x1] =	stream.indirect_vreg.gather [hbm4b:s4+s2], $0x80, v3, vm0, $0xb8;
	[tilespmem:$0x10400] =	vst v63  }
0x1b0: {  	s24 =	simm.s32 $0x6C00  }
0x1b1: {  	[tilespmem:s24], [sflag:$0x1] =	stream.indirect_vreg.gather [hbm4b:s5+s2], $0x80, v3, vm0, $0xb8;
	[tilespmem:$0x10400] =	vst v63  }
0x1b2: {  	s0 =	simm.s32 $0x7400  }
0x1b3: {  	[tilespmem:s0], [sflag:$0x1] =	stream.indirect_vreg.gather [hbm4b:s6+s2], $0x80, v3, vm0, $0xb8;
	[tilespmem:$0x10400] =	vst v63  }
0x1b4: {  	s24 =	simm.s32 $0x7C00  }
0x1b5: {  	[tilespmem:s24], [sflag:$0x1] =	stream.indirect_vreg.gather [hbm4b:s7+s2], $0x80, v3, vm0, $0xb8;
	[tilespmem:$0x10400] =	vst v63  }
0x1b6: {  	v3 =	vld [tilespmem:$0x220];
	_ =	sdelay $0x4  }
0x1b7: {  	v50 =	vshll.u32 v3, $0x3  }
0x1b8: {  	v3 =	vand.u32 $0x7, v3;
	v4 =	vand.u32 $0xFFFFFFC0, v50  }
0x1b9: {  	v3 =	vor.u32 v3, v4  }
0x1ba: {  	v4 =	vperm.xlane v3, v0;
	_ =	sdelay $0x1  }
0x1bb: {  	v4 =	vadd.s32 v1, v4;
	_ =	sdelay $0x3  }
0x1bc: {  	s26 =	simm.s32 $0x8400  }
0x1bd: {  	[tilespmem:s26], [sflag:$0x1] =	stream.indirect_vreg.gather [hbm4b:s4+s2], $0x80, v4, vm0, $0xb8;
	[tilespmem:$0x10400] =	vst v63  }
0x1be: {  	s25 =	simm.s32 $0x8C00;
	v3 =	vperm.xlane v3, v2  }
0x1bf: {  	[tilespmem:s25], [sflag:$0x1] =	stream.indirect_vreg.gather [hbm4b:s5+s2], $0x80, v4, vm0, $0xb8;
	[tilespmem:$0x10400] =	vst v63  }
0x1c0: {  	s3 =	simm.s32 $0x9400;
	v3 =	vadd.s32 v1, v3  }
0x1c1: {  	[tilespmem:s3], [sflag:$0x1] =	stream.indirect_vreg.gather [hbm4b:s6+s2], $0x80, v4, vm0, $0xb8;
	[tilespmem:$0x10400] =	vst v63  }
0x1c2: {  	s8 =	simm.s32 $0x9C00  }
0x1c3: {  	[tilespmem:s8], [sflag:$0x1] =	stream.indirect_vreg.gather [hbm4b:s7+s2], $0x80, v4, vm0, $0xb8;
	[tilespmem:$0x10400] =	vst v63  }
0x1c4: {  	s24 =	simm.s32 $0xA400  }
0x1c5: {  	[tilespmem:s24], [sflag:$0x1] =	stream.indirect_vreg.gather [hbm4b:s4+s2], $0x80, v3, vm0, $0xb8;
	[tilespmem:$0x10400] =	vst v63  }
0x1c6: {  	s22 =	simm.s32 $0xAC00  }
0x1c7: {  	[tilespmem:s22], [sflag:$0x1] =	stream.indirect_vreg.gather [hbm4b:s5+s2], $0x80, v3, vm0, $0xb8;
	[tilespmem:$0x10400] =	vst v63  }
0x1c8: {  	s17 =	simm.s32 $0xB400  }
0x1c9: {  	[tilespmem:s17], [sflag:$0x1] =	stream.indirect_vreg.gather [hbm4b:s6+s2], $0x80, v3, vm0, $0xb8;
	[tilespmem:$0x10400] =	vst v63  }
0x1ca: {  	s23 =	simm.s32 $0xBC00  }
0x1cb: {  	[tilespmem:s23], [sflag:$0x1] =	stream.indirect_vreg.gather [hbm4b:s7+s2], $0x80, v3, vm0, $0xb8;
	[tilespmem:$0x10400] =	vst v63  }
0x1cc: {  	v3 =	vld [tilespmem:$0x230];
	_ =	sdelay $0x4  }
0x1cd: {  	v51 =	vshll.u32 v3, $0x3  }
0x1ce: {  	v3 =	vand.u32 $0x7, v3;
	v4 =	vand.u32 $0xFFFFFFC0, v51  }
0x1cf: {  	v3 =	vor.u32 v3, v4  }
0x1d0: {  	v4 =	vperm.xlane v3, v0;
	_ =	sdelay $0x1  }
0x1d1: {  	v4 =	vadd.s32 v1, v4;
	_ =	sdelay $0x3  }
0x1d2: {  	s28 =	simm.s32 $0xC400  }
0x1d3: {  	[tilespmem:s28], [sflag:$0x1] =	stream.indirect_vreg.gather [hbm4b:s4+s2], $0x80, v4, vm0, $0xb8;
	[tilespmem:$0x10400] =	vst v63  }
0x1d4: {  	s29 =	simm.s32 $0xCC00;
	v3 =	vperm.xlane v3, v2  }
0x1d5: {  	[tilespmem:s29], [sflag:$0x1] =	stream.indirect_vreg.gather [hbm4b:s5+s2], $0x80, v4, vm0, $0xb8;
	[tilespmem:$0x10400] =	vst v63  }
0x1d6: {  	s18 =	simm.s32 $0xD400;
	v3 =	vadd.s32 v1, v3  }
0x1d7: {  	[tilespmem:s18], [sflag:$0x1] =	stream.indirect_vreg.gather [hbm4b:s6+s2], $0x80, v4, vm0, $0xb8;
	[tilespmem:$0x10400] =	vst v63  }
0x1d8: {  	s11 =	simm.s32 $0xDC00  }
0x1d9: {  	[tilespmem:s11], [sflag:$0x1] =	stream.indirect_vreg.gather [hbm4b:s7+s2], $0x80, v4, vm0, $0xb8;
	[tilespmem:$0x10400] =	vst v63  }
0x1da: {  	s12 =	simm.s32 $0xE400  }
0x1db: {  	[tilespmem:s12], [sflag:$0x1] =	stream.indirect_vreg.gather [hbm4b:s4+s2], $0x80, v3, vm0, $0xb8;
	[tilespmem:$0x10400] =	vst v63  }
0x1dc: {  	s13 =	simm.s32 $0xEC00  }
0x1dd: {  	[tilespmem:s13], [sflag:$0x1] =	stream.indirect_vreg.gather [hbm4b:s5+s2], $0x80, v3, vm0, $0xb8;
	[tilespmem:$0x10400] =	vst v63  }
0x1de: {  	s16 =	simm.s32 $0xF400  }
0x1df: {  	[tilespmem:s16], [sflag:$0x1] =	stream.indirect_vreg.gather [hbm4b:s6+s2], $0x80, v3, vm0, $0xb8;
	[tilespmem:$0x10400] =	vst v63  }
0x1e0: {  	s14 =	simm.s32 $0xFC00  }
0x1e1: {  	[tilespmem:s14], [sflag:$0x1] =	stream.indirect_vreg.gather [hbm4b:s7+s2], $0x80, v3, vm0, $0xb8;
	[tilespmem:$0x10400] =	vst v63  }
0x1e2: {  	_ =	swait.ge [sflag:s19], $0x10000  }
0x1e3: {  	[sflag:s19] =	ssyncset.done $0x0  }
0x1e4: {  	s16 =	rddreg [dreg:$0x7];
	[sflag:s19] =	ssyncadd.s32 $0xFFFF0000  }
0x1e5: {  	[hbm4b:s16+s2] =	stream.linear.scatter [tilespmem:s10], [sflag:$0x2], $0x10000, $0x38;
	[tilespmem:$0x10400] =	vst v63  }
0x1e6: {  	_ =	swait.ge [sflag:s9], $0x10000  }
0x1e7: {  	[sflag:s9] =	ssyncset.done $0x0  }
0x1e8: {  	[sflag:s9] =	ssyncadd.s32 $0xFFFF0000  }
0x1e9: {  	v3 =	vld [tilespmem:$0x280];
	_ =	sdelay $0x4  }
0x1ea: {  	v52 =	vshll.u32 v3, $0x3  }
0x1eb: {  	v3 =	vand.u32 $0x7, v3;
	v4 =	vand.u32 $0xFFFFFFC0, v52  }
0x1ec: {  	v3 =	vor.u32 v3, v4  }
0x1ed: {  	v4 =	vperm.xlane v3, v0;
	_ =	sdelay $0x1  }
0x1ee: {  	v4 =	vadd.s32 v1, v4;
	_ =	sdelay $0x4  }
0x1ef: {  	[tilespmem:s10], [sflag:$0x1] =	stream.indirect_vreg.gather [hbm4b:s4+s2], $0x80, v4, vm0, $0xb8;
	[tilespmem:$0x10400] =	vst v63  }
0x1f0: {  	s20 =	simm.s32 $0xC00;
	v3 =	vperm.xlane v3, v2  }
0x1f1: {  	[tilespmem:s20], [sflag:$0x1] =	stream.indirect_vreg.gather [hbm4b:s5+s2], $0x80, v4, vm0, $0xb8;
	[tilespmem:$0x10400] =	vst v63  }
0x1f2: {  	v3 =	vadd.s32 v1, v3;
	s20 =	simm.s32 $0x1400  }
0x1f3: {  	[tilespmem:s20], [sflag:$0x1] =	stream.indirect_vreg.gather [hbm4b:s6+s2], $0x80, v4, vm0, $0xb8;
	[tilespmem:$0x10400] =	vst v63  }
0x1f4: {  	s20 =	simm.s32 $0x1C00  }
0x1f5: {  	[tilespmem:s20], [sflag:$0x1] =	stream.indirect_vreg.gather [hbm4b:s7+s2], $0x80, v4, vm0, $0xb8;
	[tilespmem:$0x10400] =	vst v63  }
0x1f6: {  	s20 =	simm.s32 $0x2400  }
0x1f7: {  	[tilespmem:s20], [sflag:$0x1] =	stream.indirect_vreg.gather [hbm4b:s4+s2], $0x80, v3, vm0, $0xb8;
	[tilespmem:$0x10400] =	vst v63  }
0x1f8: {  	s20 =	simm.s32 $0x2C00  }
0x1f9: {  	[tilespmem:s20], [sflag:$0x1] =	stream.indirect_vreg.gather [hbm4b:s5+s2], $0x80, v3, vm0, $0xb8;
	[tilespmem:$0x10400] =	vst v63  }
0x1fa: {  	s20 =	simm.s32 $0x3400  }
0x1fb: {  	[tilespmem:s20], [sflag:$0x1] =	stream.indirect_vreg.gather [hbm4b:s6+s2], $0x80, v3, vm0, $0xb8;
	[tilespmem:$0x10400] =	vst v63  }
0x1fc: {  	s20 =	simm.s32 $0x3C00  }
0x1fd: {  	[tilespmem:s20], [sflag:$0x1] =	stream.indirect_vreg.gather [hbm4b:s7+s2], $0x80, v3, vm0, $0xb8;
	[tilespmem:$0x10400] =	vst v63  }
0x1fe: {  	v3 =	vld [tilespmem:$0x290];
	_ =	sdelay $0x4  }
0x1ff: {  	v53 =	vshll.u32 v3, $0x3  }
0x200: {  	v3 =	vand.u32 $0x7, v3;
	v4 =	vand.u32 $0xFFFFFFC0, v53  }
0x201: {  	v3 =	vor.u32 v3, v4  }
0x202: {  	v4 =	vperm.xlane v3, v0;
	_ =	sdelay $0x1  }
0x203: {  	v4 =	vadd.s32 v1, v4;
	_ =	sdelay $0x3  }
0x204: {  	s20 =	simm.s32 $0x4400  }
0x205: {  	[tilespmem:s20], [sflag:$0x1] =	stream.indirect_vreg.gather [hbm4b:s4+s2], $0x80, v4, vm0, $0xb8;
	[tilespmem:$0x10400] =	vst v63  }
0x206: {  	v3 =	vperm.xlane v3, v2;
	s20 =	simm.s32 $0x4C00  }
0x207: {  	[tilespmem:s20], [sflag:$0x1] =	stream.indirect_vreg.gather [hbm4b:s5+s2], $0x80, v4, vm0, $0xb8;
	[tilespmem:$0x10400] =	vst v63  }
0x208: {  	s30 =	simm.s32 $0x5400;
	v3 =	vadd.s32 v1, v3  }
0x209: {  	[tilespmem:s30], [sflag:$0x1] =	stream.indirect_vreg.gather [hbm4b:s6+s2], $0x80, v4, vm0, $0xb8;
	[tilespmem:$0x10400] =	vst v63  }
0x20a: {  	s1 =	simm.s32 $0x5C00  }
0x20b: {  	[tilespmem:s1], [sflag:$0x1] =	stream.indirect_vreg.gather [hbm4b:s7+s2], $0x80, v4, vm0, $0xb8;
	[tilespmem:$0x10400] =	vst v63  }
0x20c: {  	s31 =	simm.s32 $0x6400  }
0x20d: {  	[tilespmem:s31], [sflag:$0x1] =	stream.indirect_vreg.gather [hbm4b:s4+s2], $0x80, v3, vm0, $0xb8;
	[tilespmem:$0x10400] =	vst v63  }
0x20e: {  	s21 =	simm.s32 $0x6C00  }
0x20f: {  	[tilespmem:s21], [sflag:$0x1] =	stream.indirect_vreg.gather [hbm4b:s5+s2], $0x80, v3, vm0, $0xb8;
	[tilespmem:$0x10400] =	vst v63  }
0x210: {  	s0 =	simm.s32 $0x7400  }
0x211: {  	[tilespmem:s0], [sflag:$0x1] =	stream.indirect_vreg.gather [hbm4b:s6+s2], $0x80, v3, vm0, $0xb8;
	[tilespmem:$0x10400] =	vst v63  }
0x212: {  	s30 =	simm.s32 $0x7C00  }
0x213: {  	[tilespmem:s30], [sflag:$0x1] =	stream.indirect_vreg.gather [hbm4b:s7+s2], $0x80, v3, vm0, $0xb8;
	[tilespmem:$0x10400] =	vst v63  }
0x214: {  	v3 =	vld [tilespmem:$0x2A0];
	_ =	sdelay $0x4  }
0x215: {  	v54 =	vshll.u32 v3, $0x3  }
0x216: {  	v3 =	vand.u32 $0x7, v3;
	v4 =	vand.u32 $0xFFFFFFC0, v54  }
0x217: {  	v3 =	vor.u32 v3, v4  }
0x218: {  	v4 =	vperm.xlane v3, v0;
	_ =	sdelay $0x1  }
0x219: {  	v4 =	vadd.s32 v1, v4;
	_ =	sdelay $0x3  }
0x21a: {  	s26 =	simm.s32 $0x8400  }
0x21b: {  	[tilespmem:s26], [sflag:$0x1] =	stream.indirect_vreg.gather [hbm4b:s4+s2], $0x80, v4, vm0, $0xb8;
	[tilespmem:$0x10400] =	vst v63  }
0x21c: {  	s25 =	simm.s32 $0x8C00;
	v3 =	vperm.xlane v3, v2  }
0x21d: {  	[tilespmem:s25], [sflag:$0x1] =	stream.indirect_vreg.gather [hbm4b:s5+s2], $0x80, v4, vm0, $0xb8;
	[tilespmem:$0x10400] =	vst v63  }
0x21e: {  	s3 =	simm.s32 $0x9400;
	v3 =	vadd.s32 v1, v3  }
0x21f: {  	[tilespmem:s3], [sflag:$0x1] =	stream.indirect_vreg.gather [hbm4b:s6+s2], $0x80, v4, vm0, $0xb8;
	[tilespmem:$0x10400] =	vst v63  }
0x220: {  	s8 =	simm.s32 $0x9C00  }
0x221: {  	[tilespmem:s8], [sflag:$0x1] =	stream.indirect_vreg.gather [hbm4b:s7+s2], $0x80, v4, vm0, $0xb8;
	[tilespmem:$0x10400] =	vst v63  }
0x222: {  	s24 =	simm.s32 $0xA400  }
0x223: {  	[tilespmem:s24], [sflag:$0x1] =	stream.indirect_vreg.gather [hbm4b:s4+s2], $0x80, v3, vm0, $0xb8;
	[tilespmem:$0x10400] =	vst v63  }
0x224: {  	s22 =	simm.s32 $0xAC00  }
0x225: {  	[tilespmem:s22], [sflag:$0x1] =	stream.indirect_vreg.gather [hbm4b:s5+s2], $0x80, v3, vm0, $0xb8;
	[tilespmem:$0x10400] =	vst v63  }
0x226: {  	s17 =	simm.s32 $0xB400  }
0x227: {  	[tilespmem:s17], [sflag:$0x1] =	stream.indirect_vreg.gather [hbm4b:s6+s2], $0x80, v3, vm0, $0xb8;
	[tilespmem:$0x10400] =	vst v63  }
0x228: {  	s31 =	simm.s32 $0xBC00  }
0x229: {  	[tilespmem:s31], [sflag:$0x1] =	stream.indirect_vreg.gather [hbm4b:s7+s2], $0x80, v3, vm0, $0xb8;
	[tilespmem:$0x10400] =	vst v63  }
0x22a: {  	v3 =	vld [tilespmem:$0x2B0];
	_ =	sdelay $0x4  }
0x22b: {  	v55 =	vshll.u32 v3, $0x3  }
0x22c: {  	v3 =	vand.u32 $0x7, v3;
	v4 =	vand.u32 $0xFFFFFFC0, v55  }
0x22d: {  	v3 =	vor.u32 v3, v4  }
0x22e: {  	v4 =	vperm.xlane v3, v0;
	_ =	sdelay $0x1  }
0x22f: {  	v4 =	vadd.s32 v1, v4;
	_ =	sdelay $0x3  }
0x230: {  	s28 =	simm.s32 $0xC400  }
0x231: {  	[tilespmem:s28], [sflag:$0x1] =	stream.indirect_vreg.gather [hbm4b:s4+s2], $0x80, v4, vm0, $0xb8;
	[tilespmem:$0x10400] =	vst v63  }
0x232: {  	s29 =	simm.s32 $0xCC00;
	v3 =	vperm.xlane v3, v2  }
0x233: {  	[tilespmem:s29], [sflag:$0x1] =	stream.indirect_vreg.gather [hbm4b:s5+s2], $0x80, v4, vm0, $0xb8;
	[tilespmem:$0x10400] =	vst v63  }
0x234: {  	s18 =	simm.s32 $0xD400;
	v3 =	vadd.s32 v1, v3  }
0x235: {  	[tilespmem:s18], [sflag:$0x1] =	stream.indirect_vreg.gather [hbm4b:s6+s2], $0x80, v4, vm0, $0xb8;
	[tilespmem:$0x10400] =	vst v63  }
0x236: {  	s23 =	simm.s32 $0xDC00  }
0x237: {  	[tilespmem:s23], [sflag:$0x1] =	stream.indirect_vreg.gather [hbm4b:s7+s2], $0x80, v4, vm0, $0xb8;
	[tilespmem:$0x10400] =	vst v63  }
0x238: {  	s11 =	simm.s32 $0xE400  }
0x239: {  	[tilespmem:s11], [sflag:$0x1] =	stream.indirect_vreg.gather [hbm4b:s4+s2], $0x80, v3, vm0, $0xb8;
	[tilespmem:$0x10400] =	vst v63  }
0x23a: {  	s12 =	simm.s32 $0xEC00  }
0x23b: {  	[tilespmem:s12], [sflag:$0x1] =	stream.indirect_vreg.gather [hbm4b:s5+s2], $0x80, v3, vm0, $0xb8;
	[tilespmem:$0x10400] =	vst v63  }
0x23c: {  	s13 =	simm.s32 $0xF400  }
0x23d: {  	[tilespmem:s13], [sflag:$0x1] =	stream.indirect_vreg.gather [hbm4b:s6+s2], $0x80, v3, vm0, $0xb8;
	[tilespmem:$0x10400] =	vst v63  }
0x23e: {  	s14 =	simm.s32 $0xFC00  }
0x23f: {  	[tilespmem:s14], [sflag:$0x1] =	stream.indirect_vreg.gather [hbm4b:s7+s2], $0x80, v3, vm0, $0xb8;
	[tilespmem:$0x10400] =	vst v63  }
0x240: {  	_ =	swait.ge [sflag:s19], $0x10000  }
0x241: {  	[sflag:s19] =	ssyncset.done $0x0  }
0x242: {  	s17 =	rddreg [dreg:$0x8];
	[sflag:s19] =	ssyncadd.s32 $0xFFFF0000  }
0x243: {  	[hbm4b:s17+s2] =	stream.linear.scatter [tilespmem:s10], [sflag:$0x2], $0x10000, $0x38;
	[tilespmem:$0x10400] =	vst v63  }
0x244: {  	_ =	swait.ge [sflag:s9], $0x10000  }
0x245: {  	[sflag:s9] =	ssyncset.done $0x0  }
0x246: {  	[sflag:s9] =	ssyncadd.s32 $0xFFFF0000  }
0x247: {  	v3 =	vld [tilespmem:$0x300];
	_ =	sdelay $0x4  }
0x248: {  	v56 =	vshll.u32 v3, $0x3  }
0x249: {  	v3 =	vand.u32 $0x7, v3;
	v4 =	vand.u32 $0xFFFFFFC0, v56  }
0x24a: {  	v3 =	vor.u32 v3, v4  }
0x24b: {  	v4 =	vperm.xlane v3, v0;
	_ =	sdelay $0x1  }
0x24c: {  	v4 =	vadd.s32 v1, v4;
	_ =	sdelay $0x4  }
0x24d: {  	[tilespmem:s10], [sflag:$0x1] =	stream.indirect_vreg.gather [hbm4b:s4+s2], $0x80, v4, vm0, $0xb8;
	[tilespmem:$0x10400] =	vst v63  }
0x24e: {  	s22 =	simm.s32 $0xC00;
	v3 =	vperm.xlane v3, v2  }
0x24f: {  	[tilespmem:s22], [sflag:$0x1] =	stream.indirect_vreg.gather [hbm4b:s5+s2], $0x80, v4, vm0, $0xb8;
	[tilespmem:$0x10400] =	vst v63  }
0x250: {  	s23 =	simm.s32 $0x1400;
	v3 =	vadd.s32 v1, v3  }
0x251: {  	[tilespmem:s23], [sflag:$0x1] =	stream.indirect_vreg.gather [hbm4b:s6+s2], $0x80, v4, vm0, $0xb8;
	[tilespmem:$0x10400] =	vst v63  }
0x252: {  	s29 =	simm.s32 $0x1C00  }
0x253: {  	[tilespmem:s29], [sflag:$0x1] =	stream.indirect_vreg.gather [hbm4b:s7+s2], $0x80, v4, vm0, $0xb8;
	[tilespmem:$0x10400] =	vst v63  }
0x254: {  	s31 =	simm.s32 $0x2400  }
0x255: {  	[tilespmem:s31], [sflag:$0x1] =	stream.indirect_vreg.gather [hbm4b:s4+s2], $0x80, v3, vm0, $0xb8;
	[tilespmem:$0x10400] =	vst v63  }
0x256: {  	s14 =	simm.s32 $0x2C00  }
0x257: {  	[tilespmem:s14], [sflag:$0x1] =	stream.indirect_vreg.gather [hbm4b:s5+s2], $0x80, v3, vm0, $0xb8;
	[tilespmem:$0x10400] =	vst v63  }
0x258: {  	s20 =	simm.s32 $0x3400  }
0x259: {  	[tilespmem:s20], [sflag:$0x1] =	stream.indirect_vreg.gather [hbm4b:s6+s2], $0x80, v3, vm0, $0xb8;
	[tilespmem:$0x10400] =	vst v63  }
0x25a: {  	s22 =	simm.s32 $0x3C00  }
0x25b: {  	[tilespmem:s22], [sflag:$0x1] =	stream.indirect_vreg.gather [hbm4b:s7+s2], $0x80, v3, vm0, $0xb8;
	[tilespmem:$0x10400] =	vst v63  }
0x25c: {  	v3 =	vld [tilespmem:$0x310];
	_ =	sdelay $0x4  }
0x25d: {  	v57 =	vshll.u32 v3, $0x3  }
0x25e: {  	v3 =	vand.u32 $0x7, v3;
	v4 =	vand.u32 $0xFFFFFFC0, v57  }
0x25f: {  	v3 =	vor.u32 v3, v4  }
0x260: {  	v4 =	vperm.xlane v3, v0;
	_ =	sdelay $0x1  }
0x261: {  	v4 =	vadd.s32 v1, v4;
	_ =	sdelay $0x3  }
0x262: {  	s23 =	simm.s32 $0x4400  }
0x263: {  	[tilespmem:s23], [sflag:$0x1] =	stream.indirect_vreg.gather [hbm4b:s4+s2], $0x80, v4, vm0, $0xb8;
	[tilespmem:$0x10400] =	vst v63  }
0x264: {  	s29 =	simm.s32 $0x4C00;
	v3 =	vperm.xlane v3, v2  }
0x265: {  	[tilespmem:s29], [sflag:$0x1] =	stream.indirect_vreg.gather [hbm4b:s5+s2], $0x80, v4, vm0, $0xb8;
	[tilespmem:$0x10400] =	vst v63  }
0x266: {  	s31 =	simm.s32 $0x5400;
	v3 =	vadd.s32 v1, v3  }
0x267: {  	[tilespmem:s31], [sflag:$0x1] =	stream.indirect_vreg.gather [hbm4b:s6+s2], $0x80, v4, vm0, $0xb8;
	[tilespmem:$0x10400] =	vst v63  }
0x268: {  	s1 =	simm.s32 $0x5C00  }
0x269: {  	[tilespmem:s1], [sflag:$0x1] =	stream.indirect_vreg.gather [hbm4b:s7+s2], $0x80, v4, vm0, $0xb8;
	[tilespmem:$0x10400] =	vst v63  }
0x26a: {  	s20 =	simm.s32 $0x6400  }
0x26b: {  	[tilespmem:s20], [sflag:$0x1] =	stream.indirect_vreg.gather [hbm4b:s4+s2], $0x80, v3, vm0, $0xb8;
	[tilespmem:$0x10400] =	vst v63  }
0x26c: {  	s22 =	simm.s32 $0x6C00  }
0x26d: {  	[tilespmem:s22], [sflag:$0x1] =	stream.indirect_vreg.gather [hbm4b:s5+s2], $0x80, v3, vm0, $0xb8;
	[tilespmem:$0x10400] =	vst v63  }
0x26e: {  	s0 =	simm.s32 $0x7400  }
0x26f: {  	[tilespmem:s0], [sflag:$0x1] =	stream.indirect_vreg.gather [hbm4b:s6+s2], $0x80, v3, vm0, $0xb8;
	[tilespmem:$0x10400] =	vst v63  }
0x270: {  	s23 =	simm.s32 $0x7C00  }
0x271: {  	[tilespmem:s23], [sflag:$0x1] =	stream.indirect_vreg.gather [hbm4b:s7+s2], $0x80, v3, vm0, $0xb8;
	[tilespmem:$0x10400] =	vst v63  }
0x272: {  	v3 =	vld [tilespmem:$0x320];
	_ =	sdelay $0x4  }
0x273: {  	v58 =	vshll.u32 v3, $0x3  }
0x274: {  	v3 =	vand.u32 $0x7, v3;
	v4 =	vand.u32 $0xFFFFFFC0, v58  }
0x275: {  	v3 =	vor.u32 v3, v4  }
0x276: {  	v4 =	vperm.xlane v3, v0;
	_ =	sdelay $0x1  }
0x277: {  	v4 =	vadd.s32 v1, v4;
	_ =	sdelay $0x3  }
0x278: {  	s16 =	simm.s32 $0x8400  }
0x279: {  	[tilespmem:s16], [sflag:$0x1] =	stream.indirect_vreg.gather [hbm4b:s4+s2], $0x80, v4, vm0, $0xb8;
	[tilespmem:$0x10400] =	vst v63  }
0x27a: {  	s30 =	simm.s32 $0x8C00;
	v3 =	vperm.xlane v3, v2  }
0x27b: {  	[tilespmem:s30], [sflag:$0x1] =	stream.indirect_vreg.gather [hbm4b:s5+s2], $0x80, v4, vm0, $0xb8;
	[tilespmem:$0x10400] =	vst v63  }
0x27c: {  	s3 =	simm.s32 $0x9400;
	v3 =	vadd.s32 v1, v3  }
0x27d: {  	[tilespmem:s3], [sflag:$0x1] =	stream.indirect_vreg.gather [hbm4b:s6+s2], $0x80, v4, vm0, $0xb8;
	[tilespmem:$0x10400] =	vst v63  }
0x27e: {  	s8 =	simm.s32 $0x9C00  }
0x27f: {  	[tilespmem:s8], [sflag:$0x1] =	stream.indirect_vreg.gather [hbm4b:s7+s2], $0x80, v4, vm0, $0xb8;
	[tilespmem:$0x10400] =	vst v63  }
0x280: {  	s24 =	simm.s32 $0xA400  }
0x281: {  	[tilespmem:s24], [sflag:$0x1] =	stream.indirect_vreg.gather [hbm4b:s4+s2], $0x80, v3, vm0, $0xb8;
	[tilespmem:$0x10400] =	vst v63  }
0x282: {  	s26 =	simm.s32 $0xAC00  }
0x283: {  	[tilespmem:s26], [sflag:$0x1] =	stream.indirect_vreg.gather [hbm4b:s5+s2], $0x80, v3, vm0, $0xb8;
	[tilespmem:$0x10400] =	vst v63  }
0x284: {  	s25 =	simm.s32 $0xB400  }
0x285: {  	[tilespmem:s25], [sflag:$0x1] =	stream.indirect_vreg.gather [hbm4b:s6+s2], $0x80, v3, vm0, $0xb8;
	[tilespmem:$0x10400] =	vst v63  }
0x286: {  	s25 =	simm.s32 $0xBC00  }
0x287: {  	[tilespmem:s25], [sflag:$0x1] =	stream.indirect_vreg.gather [hbm4b:s7+s2], $0x80, v3, vm0, $0xb8;
	[tilespmem:$0x10400] =	vst v63  }
0x288: {  	v3 =	vld [tilespmem:$0x330];
	_ =	sdelay $0x4  }
0x289: {  	v59 =	vshll.u32 v3, $0x3  }
0x28a: {  	v3 =	vand.u32 $0x7, v3;
	v4 =	vand.u32 $0xFFFFFFC0, v59  }
0x28b: {  	v3 =	vor.u32 v3, v4  }
0x28c: {  	v4 =	vperm.xlane v3, v0;
	_ =	sdelay $0x1  }
0x28d: {  	v4 =	vadd.s32 v1, v4;
	_ =	sdelay $0x3  }
0x28e: {  	s26 =	simm.s32 $0xC400  }
0x28f: {  	[tilespmem:s26], [sflag:$0x1] =	stream.indirect_vreg.gather [hbm4b:s4+s2], $0x80, v4, vm0, $0xb8;
	[tilespmem:$0x10400] =	vst v63  }
0x290: {  	s16 =	simm.s32 $0xCC00;
	v3 =	vperm.xlane v3, v2  }
0x291: {  	[tilespmem:s16], [sflag:$0x1] =	stream.indirect_vreg.gather [hbm4b:s5+s2], $0x80, v4, vm0, $0xb8;
	[tilespmem:$0x10400] =	vst v63  }
0x292: {  	s18 =	simm.s32 $0xD400;
	v3 =	vadd.s32 v1, v3  }
0x293: {  	[tilespmem:s18], [sflag:$0x1] =	stream.indirect_vreg.gather [hbm4b:s6+s2], $0x80, v4, vm0, $0xb8;
	[tilespmem:$0x10400] =	vst v63  }
0x294: {  	s21 =	simm.s32 $0xDC00  }
0x295: {  	[tilespmem:s21], [sflag:$0x1] =	stream.indirect_vreg.gather [hbm4b:s7+s2], $0x80, v4, vm0, $0xb8;
	[tilespmem:$0x10400] =	vst v63  }
0x296: {  	s28 =	simm.s32 $0xE400  }
0x297: {  	[tilespmem:s28], [sflag:$0x1] =	stream.indirect_vreg.gather [hbm4b:s4+s2], $0x80, v3, vm0, $0xb8;
	[tilespmem:$0x10400] =	vst v63  }
0x298: {  	s12 =	simm.s32 $0xEC00  }
0x299: {  	[tilespmem:s12], [sflag:$0x1] =	stream.indirect_vreg.gather [hbm4b:s5+s2], $0x80, v3, vm0, $0xb8;
	[tilespmem:$0x10400] =	vst v63  }
0x29a: {  	s13 =	simm.s32 $0xF400  }
0x29b: {  	[tilespmem:s13], [sflag:$0x1] =	stream.indirect_vreg.gather [hbm4b:s6+s2], $0x80, v3, vm0, $0xb8;
	[tilespmem:$0x10400] =	vst v63  }
0x29c: {  	s20 =	simm.s32 $0xFC00  }
0x29d: {  	[tilespmem:s20], [sflag:$0x1] =	stream.indirect_vreg.gather [hbm4b:s7+s2], $0x80, v3, vm0, $0xb8;
	[tilespmem:$0x10400] =	vst v63  }
0x29e: {  	_ =	swait.ge [sflag:s19], $0x10000  }
0x29f: {  	[sflag:s19] =	ssyncset.done $0x0  }
0x2a0: {  	s28 =	rddreg [dreg:$0x9];
	[sflag:s19] =	ssyncadd.s32 $0xFFFF0000  }
0x2a1: {  	[hbm4b:s28+s2] =	stream.linear.scatter [tilespmem:s10], [sflag:$0x2], $0x10000, $0x38;
	[tilespmem:$0x10400] =	vst v63  }
0x2a2: {  	_ =	swait.ge [sflag:s9], $0x10000  }
0x2a3: {  	[sflag:s9] =	ssyncset.done $0x0  }
0x2a4: {  	[sflag:s9] =	ssyncadd.s32 $0xFFFF0000  }
0x2a5: {  	v3 =	vld [tilespmem:$0x380];
	_ =	sdelay $0x4  }
0x2a6: {  	v60 =	vshll.u32 v3, $0x3  }
0x2a7: {  	v3 =	vand.u32 $0x7, v3;
	v4 =	vand.u32 $0xFFFFFFC0, v60  }
0x2a8: {  	v3 =	vor.u32 v3, v4  }
0x2a9: {  	v4 =	vperm.xlane v3, v0;
	_ =	sdelay $0x1  }
0x2aa: {  	v4 =	vadd.s32 v1, v4;
	_ =	sdelay $0x4  }
0x2ab: {  	[tilespmem:s10], [sflag:$0x1] =	stream.indirect_vreg.gather [hbm4b:s4+s2], $0x80, v4, vm0, $0xb8;
	[tilespmem:$0x10400] =	vst v63  }
0x2ac: {  	s28 =	simm.s32 $0xC00;
	v3 =	vperm.xlane v3, v2  }
0x2ad: {  	[tilespmem:s28], [sflag:$0x1] =	stream.indirect_vreg.gather [hbm4b:s5+s2], $0x80, v4, vm0, $0xb8;
	[tilespmem:$0x10400] =	vst v63  }
0x2ae: {  	s17 =	simm.s32 $0x1400;
	v3 =	vadd.s32 v1, v3  }
0x2af: {  	[tilespmem:s17], [sflag:$0x1] =	stream.indirect_vreg.gather [hbm4b:s6+s2], $0x80, v4, vm0, $0xb8;
	[tilespmem:$0x10400] =	vst v63  }
0x2b0: {  	s20 =	simm.s32 $0x1C00  }
0x2b1: {  	[tilespmem:s20], [sflag:$0x1] =	stream.indirect_vreg.gather [hbm4b:s7+s2], $0x80, v4, vm0, $0xb8;
	[tilespmem:$0x10400] =	vst v63  }
0x2b2: {  	s28 =	simm.s32 $0x2400  }
0x2b3: {  	[tilespmem:s28], [sflag:$0x1] =	stream.indirect_vreg.gather [hbm4b:s4+s2], $0x80, v3, vm0, $0xb8;
	[tilespmem:$0x10400] =	vst v63  }
0x2b4: {  	s20 =	simm.s32 $0x2C00  }
0x2b5: {  	[tilespmem:s20], [sflag:$0x1] =	stream.indirect_vreg.gather [hbm4b:s5+s2], $0x80, v3, vm0, $0xb8;
	[tilespmem:$0x10400] =	vst v63  }
0x2b6: {  	s28 =	simm.s32 $0x3400  }
0x2b7: {  	[tilespmem:s28], [sflag:$0x1] =	stream.indirect_vreg.gather [hbm4b:s6+s2], $0x80, v3, vm0, $0xb8;
	[tilespmem:$0x10400] =	vst v63  }
0x2b8: {  	s20 =	simm.s32 $0x3C00  }
0x2b9: {  	[tilespmem:s20], [sflag:$0x1] =	stream.indirect_vreg.gather [hbm4b:s7+s2], $0x80, v3, vm0, $0xb8;
	[tilespmem:$0x10400] =	vst v63  }
0x2ba: {  	v3 =	vld [tilespmem:$0x390];
	_ =	sdelay $0x4  }
0x2bb: {  	v61 =	vshll.u32 v3, $0x3  }
0x2bc: {  	v3 =	vand.u32 $0x7, v3;
	v4 =	vand.u32 $0xFFFFFFC0, v61  }
0x2bd: {  	v3 =	vor.u32 v3, v4  }
0x2be: {  	v4 =	vperm.xlane v3, v0;
	_ =	sdelay $0x1  }
0x2bf: {  	v4 =	vadd.s32 v1, v4;
	_ =	sdelay $0x3  }
0x2c0: {  	s11 =	simm.s32 $0x4400  }
0x2c1: {  	[tilespmem:s11], [sflag:$0x1] =	stream.indirect_vreg.gather [hbm4b:s4+s2], $0x80, v4, vm0, $0xb8;
	[tilespmem:$0x10400] =	vst v63  }
0x2c2: {  	s28 =	simm.s32 $0x4C00;
	v3 =	vperm.xlane v3, v2  }
0x2c3: {  	[tilespmem:s28], [sflag:$0x1] =	stream.indirect_vreg.gather [hbm4b:s5+s2], $0x80, v4, vm0, $0xb8;
	[tilespmem:$0x10400] =	vst v63  }
0x2c4: {  	s31 =	simm.s32 $0x5400;
	v3 =	vadd.s32 v1, v3  }
0x2c5: {  	[tilespmem:s31], [sflag:$0x1] =	stream.indirect_vreg.gather [hbm4b:s6+s2], $0x80, v4, vm0, $0xb8;
	[tilespmem:$0x10400] =	vst v63  }
0x2c6: {  	s14 =	simm.s32 $0x5C00  }
0x2c7: {  	[tilespmem:s14], [sflag:$0x1] =	stream.indirect_vreg.gather [hbm4b:s7+s2], $0x80, v4, vm0, $0xb8;
	[tilespmem:$0x10400] =	vst v63  }
0x2c8: {  	s17 =	simm.s32 $0x6400  }
0x2c9: {  	[tilespmem:s17], [sflag:$0x1] =	stream.indirect_vreg.gather [hbm4b:s4+s2], $0x80, v3, vm0, $0xb8;
	[tilespmem:$0x10400] =	vst v63  }
0x2ca: {  	s20 =	simm.s32 $0x6C00  }
0x2cb: {  	[tilespmem:s20], [sflag:$0x1] =	stream.indirect_vreg.gather [hbm4b:s5+s2], $0x80, v3, vm0, $0xb8;
	[tilespmem:$0x10400] =	vst v63  }
0x2cc: {  	s1 =	simm.s32 $0x7400  }
0x2cd: {  	[tilespmem:s1], [sflag:$0x1] =	stream.indirect_vreg.gather [hbm4b:s6+s2], $0x80, v3, vm0, $0xb8;
	[tilespmem:$0x10400] =	vst v63  }
0x2ce: {  	s28 =	simm.s32 $0x7C00  }
0x2cf: {  	[tilespmem:s28], [sflag:$0x1] =	stream.indirect_vreg.gather [hbm4b:s7+s2], $0x80, v3, vm0, $0xb8;
	[tilespmem:$0x10400] =	vst v63  }
0x2d0: {  	v3 =	vld [tilespmem:$0x3A0];
	_ =	sdelay $0x4  }
0x2d1: {  	v62 =	vshll.u32 v3, $0x3  }
0x2d2: {  	v3 =	vand.u32 $0x7, v3;
	v4 =	vand.u32 $0xFFFFFFC0, v62  }
0x2d3: {  	v3 =	vor.u32 v3, v4  }
0x2d4: {  	v4 =	vperm.xlane v3, v0;
	_ =	sdelay $0x1  }
0x2d5: {  	v4 =	vadd.s32 v1, v4;
	_ =	sdelay $0x3  }
0x2d6: {  	s29 =	simm.s32 $0x8400  }
0x2d7: {  	[tilespmem:s29], [sflag:$0x1] =	stream.indirect_vreg.gather [hbm4b:s4+s2], $0x80, v4, vm0, $0xb8;
	[tilespmem:$0x10400] =	vst v63  }
0x2d8: {  	s30 =	simm.s32 $0x8C00;
	v3 =	vperm.xlane v3, v2  }
0x2d9: {  	[tilespmem:s30], [sflag:$0x1] =	stream.indirect_vreg.gather [hbm4b:s5+s2], $0x80, v4, vm0, $0xb8;
	[tilespmem:$0x10400] =	vst v63  }
0x2da: {  	s0 =	simm.s32 $0x9400;
	v3 =	vadd.s32 v1, v3  }
0x2db: {  	[tilespmem:s0], [sflag:$0x1] =	stream.indirect_vreg.gather [hbm4b:s6+s2], $0x80, v4, vm0, $0xb8;
	[tilespmem:$0x10400] =	vst v63  }
0x2dc: {  	s3 =	simm.s32 $0x9C00  }
0x2dd: {  	[tilespmem:s3], [sflag:$0x1] =	stream.indirect_vreg.gather [hbm4b:s7+s2], $0x80, v4, vm0, $0xb8;
	[tilespmem:$0x10400] =	vst v63  }
0x2de: {  	s22 =	simm.s32 $0xA400  }
0x2df: {  	[tilespmem:s22], [sflag:$0x1] =	stream.indirect_vreg.gather [hbm4b:s4+s2], $0x80, v3, vm0, $0xb8;
	[tilespmem:$0x10400] =	vst v63  }
0x2e0: {  	s23 =	simm.s32 $0xAC00  }
0x2e1: {  	[tilespmem:s23], [sflag:$0x1] =	stream.indirect_vreg.gather [hbm4b:s5+s2], $0x80, v3, vm0, $0xb8;
	[tilespmem:$0x10400] =	vst v63  }
0x2e2: {  	s24 =	simm.s32 $0xB400  }
0x2e3: {  	[tilespmem:s24], [sflag:$0x1] =	stream.indirect_vreg.gather [hbm4b:s6+s2], $0x80, v3, vm0, $0xb8;
	[tilespmem:$0x10400] =	vst v63  }
0x2e4: {  	s25 =	simm.s32 $0xBC00  }
0x2e5: {  	[tilespmem:s25], [sflag:$0x1] =	stream.indirect_vreg.gather [hbm4b:s7+s2], $0x80, v3, vm0, $0xb8;
	[tilespmem:$0x10400] =	vst v63  }
0x2e6: {  	v3 =	vld [tilespmem:$0x3B0];
	_ =	sdelay $0x4  }
0x2e7: {  	v63 =	vshll.u32 v3, $0x3  }
0x2e8: {  	v3 =	vand.u32 $0x7, v3;
	v4 =	vand.u32 $0xFFFFFFC0, v63  }
0x2e9: {  	v3 =	vor.u32 v3, v4  }
0x2ea: {  	v4 =	vperm.xlane v3, v0;
	_ =	sdelay $0x1  }
0x2eb: {  	v4 =	vadd.s32 v1, v4;
	_ =	sdelay $0x3  }
0x2ec: {  	s26 =	simm.s32 $0xC400  }
0x2ed: {  	[tilespmem:s26], [sflag:$0x1] =	stream.indirect_vreg.gather [hbm4b:s4+s2], $0x80, v4, vm0, $0xb8;
	[tilespmem:$0x10400] =	vst v63  }
0x2ee: {  	s30 =	simm.s32 $0xCC00;
	v3 =	vperm.xlane v3, v2  }
0x2ef: {  	[tilespmem:s30], [sflag:$0x1] =	stream.indirect_vreg.gather [hbm4b:s5+s2], $0x80, v4, vm0, $0xb8;
	[tilespmem:$0x10400] =	vst v63  }
0x2f0: {  	s16 =	simm.s32 $0xD400;
	v3 =	vadd.s32 v1, v3  }
0x2f1: {  	[tilespmem:s16], [sflag:$0x1] =	stream.indirect_vreg.gather [hbm4b:s6+s2], $0x80, v4, vm0, $0xb8;
	[tilespmem:$0x10400] =	vst v63  }
0x2f2: {  	s18 =	simm.s32 $0xDC00  }
0x2f3: {  	[tilespmem:s18], [sflag:$0x1] =	stream.indirect_vreg.gather [hbm4b:s7+s2], $0x80, v4, vm0, $0xb8;
	[tilespmem:$0x10400] =	vst v63  }
0x2f4: {  	s21 =	simm.s32 $0xE400  }
0x2f5: {  	[tilespmem:s21], [sflag:$0x1] =	stream.indirect_vreg.gather [hbm4b:s4+s2], $0x80, v3, vm0, $0xb8;
	[tilespmem:$0x10400] =	vst v63  }
0x2f6: {  	s8 =	simm.s32 $0xEC00  }
0x2f7: {  	[tilespmem:s8], [sflag:$0x1] =	stream.indirect_vreg.gather [hbm4b:s5+s2], $0x80, v3, vm0, $0xb8;
	[tilespmem:$0x10400] =	vst v63  }
0x2f8: {  	s12 =	simm.s32 $0xF400  }
0x2f9: {  	[tilespmem:s12], [sflag:$0x1] =	stream.indirect_vreg.gather [hbm4b:s6+s2], $0x80, v3, vm0, $0xb8;
	[tilespmem:$0x10400] =	vst v63  }
0x2fa: {  	s13 =	simm.s32 $0xFC00  }
0x2fb: {  	[tilespmem:s13], [sflag:$0x1] =	stream.indirect_vreg.gather [hbm4b:s7+s2], $0x80, v3, vm0, $0xb8;
	[tilespmem:$0x10400] =	vst v63  }
0x2fc: {  	_ =	swait.ge [sflag:s19], $0x10000  }
0x2fd: {  	p0 =	sne.s32 s15, $0x1;
	[sflag:s19] =	ssyncset.done $0x0  }
.Ltmp0:
0x2fe: {  	s31 =	rddreg [dreg:$0xa];
	[sflag:s19] =	ssyncadd.s32 $0xFFFF0000;
	(pc) =	sbr.rel @p0 .LBB2_1-.Ltmp0, $4  }
0x2ff: {  	[hbm4b:s31+s2] =	stream.linear.scatter [tilespmem:s10], [sflag:$0x2], $0x10000, $0x38;
	[tilespmem:$0x10400] =	vst v63  }
0x300: {  	_ =	swait.ge [sflag:s9], $0x10000  }
0x301: {  	[sflag:s9] =	ssyncset.done $0x0  }
0x302: {  	s15 =	sadd.s32 $0xFFFFFFFF, s15;
	[sflag:s9] =	ssyncadd.s32 $0xFFFF0000  }
0x303: {  	_ =	sfence.sel $0x180000  }
0x304: {  	[bflag:$0x0] =	sbarrier.arrive $0xFFFF  }
0x305: {  	_ =	strace $0x9000004A  }
0x306: {  	s0 =	stileid.u32;
	[bflag:$0x2] =	sbarrier.arrive $0xFFFF  }
0x307: {  	p0 =	sne.s32 s0, $0x0;
	s0 =	rddreg [dreg:$0x2]  }
0x308: {  	s0 =	sadd.s32 @!p0 $0x100000, s0  }
0x309: {  	[sflag:s0] =	ssyncadd.tile.s32 @!p0 $0x1;
	_ =	shalt  }
.Lfunc_end2:
_tile_overlayer_lowered:
.L_overlay_start_2:
0x30a: {  	(tag) =	ssettag $0x2  }
0x30b: {  	s0 =	rddreg [dreg:$0x0];
	s2 =	stileid.u32  }
0x30c: {  	s1 =	rddreg [dreg:$0x1];
	p0 =	sne.s32 s2, $0x0  }
0x30d: {  	s3 =	rddreg [dreg:$0x2];
	[bflag:$0x3] =	sbarrier.arrive $0xFFFF;
	s2 =	simm.s32 @!p0 $0x1C02  }
0x30e: {  	[timem:s3], [sflag:s2] =	dma.local @!p0 [hbm:s0], s1  }
0x30f: {  	s0 =	simm.s32 @!p0 $0x2  }
0x310: {  	_ =	swait.ge @!p0 [sflag:s0], s1  }
0x311: {  	s1 =	ssub.s32 @!p0 $0x0, s1;
	[sflag:s0] =	ssyncset.done @!p0 $0x0  }
0x312: {  	[sflag:s0] =	ssyncadd.s32 @!p0 s1  }
0x313: {  	[bflag:$0x3] =	sbarrier.arrive $0xFFFF  }
0x314: {  	_ =	shalt  }

// kernel: kernel.7.cloned.1.call-start
scs
__scs_entry_jumppad:
0x0: {  	(pc) =	sbr.rel $0x88, $3  }
0x1: {  	(tag) =	ssettag $0x0;
	lr =	simm.s32 $0x1  }
0x2: {  	[smem:$0x3F9D] =	sst lr;
	_ =	strace $0xD0000000  }
0x3: {  	_ = 	snop  }
0x4: {  	_ = 	snop  }
0x5: {  	_ = 	snop  }
0x6: {  	_ = 	snop  }
0x7: {  	_ = 	snop  }
__scs_overlays_trampoline_lowered:
0x8: {  	[smem:$0x3FAC] =	sst s0  }
0x9: {  	[smem:$0x3FAD] =	sst s1  }
0xa: {  	[smem:$0x3FAE] =	sst s2  }
0xb: {  	[smem:$0x3FAF] =	sst s3  }
0xc: {  	[smem:$0x3FB0] =	sst s4  }
0xd: {  	[smem:$0x3FB1] =	sst s5  }
0xe: {  	[smem:$0x3FB2] =	sst s6  }
0xf: {  	[smem:$0x3FB3] =	sst s7  }
0x10: {  	[smem:$0x3FB4] =	sst s8  }
0x11: {  	[smem:$0x3FB5] =	sst s9;
	s0 =	simm.s32 @!p0 $0x0  }
0x12: {  	s1 =	sld [smem:$0x3F9B];
	s0 =	simm.s32 @p0 $0x1  }
0x13: {  	[smem:$0x3FB6] =	sst s0;
	s0 =	simm.s32 @!p1 $0x0  }
0x14: {  	s2 =	sld [smem:$0x3F9A];
	s0 =	simm.s32 @p1 $0x1  }
0x15: {  	[smem:$0x3FB7] =	sst s0;
	s0 =	simm.s32 @!p2 $0x0  }
0x16: {  	s3 =	sld [smem:$0x3FDB];
	s0 =	simm.s32 @p2 $0x1  }
0x17: {  	s4 =	simm.s32 $0x1BF5;
	[smem:$0x3FB9] =	sst s0  }
0x18: {  	s0 =	sld [smem:$0x3F9C];
	_ =	swait.ge [sflag:s4], $0x0  }
0x19: {  	s7 =	sld [smem:$0x3F9D]  }
0x1a: {  	s8 =	sadd.s32 $0xFFFFE003, lr  }
0x1b: {  	s9 =	sadd.s32 $0xFFFFFEF7, lr;
	s5 =	simm.s32 $0xFFFFFFFF;
	p2 =	slt.u32 s8, $0xFFFFF086  }
0x1c: {  	p1 =	slt.u32 s9, $0xF7A;
	s5 =	simm.s32 @!p2 $0x0  }
0x1d: {  	s5 =	simm.s32 @p1 $0x1;
	p0 =	seq.s32 s7, s2  }
0x1e: {  	s7 =	smul.u32 @!p0 $0xF7A, s2;
	p2 =	seq.s32 @!p0 s5, $0x0  }
0x1f: {  	s9 =	smul.u32 $0xF7A, s1;
	s8 =	simm.s32 @!p0 $0x1BF5;
	p2 =	por !p2, p0  }
0x20: {  	[sflag:s8] =	ssyncset.s32 @!p0 $0xFFFFF086;
	s6 =	sadd.s32 @!p0 s3, s7;
	s7 =	simm.s32 @!p0 $0x108  }
0x21: {  	s3 =	sadd.s32 s3, s9;
	s6 =	sadd.s32 @!p0 $0x88, s6;
	s7 =	simm.s32 @p2 $0x1082  }
0x22: {  	[simem:s7], [sflag:s8] =	dma.local @!p0 [hbm:s6], $0xF7A  }
0x23: {  	s9 =	sor.u32 $0xD0000000, s2;
	s6 =	simm.s32 $0x108;
	_ =	swait.ge @!p0 [sflag:s8], $0x0  }
0x24: {  	s3 =	sadd.s32 $0x88, s3;
	s6 =	simm.s32 @!p1 $0x1082;
	[sflag:s4] =	ssyncset.s32 $0xFFFFF086  }
0x25: {  	[simem:s6], [sflag:s4] =	dma.local [hbm:s3], $0xF7A  }
0x26: {  	[smem:$0x3F9D] =	sst s1;
	(tag) =	ssettag s2;
	_ =	strace s9  }
0x27: {  	s1 =	sld [smem:$0x3FAD]  }
0x28: {  	s2 =	sld [smem:$0x3FAE]  }
0x29: {  	s4 =	sld [smem:$0x3FB0]  }
0x2a: {  	p0 =	seq.s32 s5, $0x0;
	s5 =	sld [smem:$0x3FB1]  }
0x2b: {  	s6 =	sld [smem:$0x3FB2]  }
0x2c: {  	s7 =	sld [smem:$0x3FB3]  }
0x2d: {  	s3 =	simm.s32 $0x108;
	s8 =	sld [smem:$0x3FB4]  }
0x2e: {  	s3 =	simm.s32 @!p0 $0x1082;
	s9 =	sld [smem:$0x3FB5]  }
0x2f: {  	lr =	sadd.s32 s0, s3;
	s0 =	sld [smem:$0x3FAC]  }
0x30: {  	s3 =	sld [smem:$0x3FAF]  }
0x31: {  	[smem:$0x3FB8] =	sst s10  }
0x32: {  	s10 =	sld [smem:$0x3FB6];
	_ =	sdelay $0x3  }
0x33: {  	p0 =	seq.s32 s10, $0x1;
	s10 =	sld [smem:$0x3FB8];
	_ =	sdelay $0x3  }
0x34: {  	[smem:$0x3FB8] =	sst s10  }
0x35: {  	s10 =	sld [smem:$0x3FB7];
	_ =	sdelay $0x3  }
0x36: {  	p1 =	seq.s32 s10, $0x1;
	s10 =	sld [smem:$0x3FB8];
	_ =	sdelay $0x3  }
0x37: {  	[smem:$0x3FB8] =	sst s10  }
0x38: {  	s10 =	sld [smem:$0x3FB9]  }
0x39: {  	_ = 	snop;
	(pc) =	sbr.ind lr, $3  }
0x3a: {  	_ = 	snop  }
0x3b: {  	_ = 	snop  }
0x3c: {  	p2 =	seq.s32 s10, $0x1;
	s10 =	sld [smem:$0x3FB8]  }
0x3d: {  	_ =	shalt  }
0x3e: {  	_ =	shalt  }
0x3f: {  	_ =	shalt  }
0x40: {  	_ =	shalt  }
0x41: {  	_ =	shalt  }
0x42: {  	_ =	shalt  }
0x43: {  	_ =	shalt  }
0x44: {  	_ =	shalt  }
0x45: {  	_ =	shalt  }
0x46: {  	_ =	shalt  }
0x47: {  	_ =	shalt  }
0x48: {  	_ =	shalt  }
0x49: {  	_ =	shalt  }
0x4a: {  	_ =	shalt  }
0x4b: {  	_ =	shalt  }
0x4c: {  	_ =	shalt  }
0x4d: {  	_ =	shalt  }
0x4e: {  	_ =	shalt  }
0x4f: {  	_ =	shalt  }
0x50: {  	_ =	shalt  }
0x51: {  	_ =	shalt  }
0x52: {  	_ =	shalt  }
0x53: {  	_ =	shalt  }
0x54: {  	_ =	shalt  }
0x55: {  	_ =	shalt  }
0x56: {  	_ =	shalt  }
0x57: {  	_ =	shalt  }
0x58: {  	_ =	shalt  }
0x59: {  	_ =	shalt  }
0x5a: {  	_ =	shalt  }
0x5b: {  	_ =	shalt  }
0x5c: {  	_ =	shalt  }
0x5d: {  	_ =	shalt  }
0x5e: {  	_ =	shalt  }
0x5f: {  	_ =	shalt  }
0x60: {  	_ =	shalt  }
0x61: {  	_ =	shalt  }
0x62: {  	_ =	shalt  }
0x63: {  	_ =	shalt  }
0x64: {  	_ =	shalt  }
0x65: {  	_ =	shalt  }
0x66: {  	_ =	shalt  }
0x67: {  	_ =	shalt  }
0x68: {  	_ =	shalt  }
0x69: {  	_ =	shalt  }
0x6a: {  	_ =	shalt  }
0x6b: {  	_ =	shalt  }
0x6c: {  	_ =	shalt  }
0x6d: {  	_ =	shalt  }
0x6e: {  	_ =	shalt  }
0x6f: {  	_ =	shalt  }
0x70: {  	_ =	shalt  }
0x71: {  	_ =	shalt  }
0x72: {  	_ =	shalt  }
0x73: {  	_ =	shalt  }
0x74: {  	_ =	shalt  }
0x75: {  	_ =	shalt  }
0x76: {  	_ =	shalt  }
0x77: {  	_ =	shalt  }
0x78: {  	_ =	shalt  }
0x79: {  	_ =	shalt  }
0x7a: {  	_ =	shalt  }
0x7b: {  	_ =	shalt  }
0x7c: {  	_ =	shalt  }
0x7d: {  	_ =	shalt  }
0x7e: {  	_ =	shalt  }
0x7f: {  	_ =	shalt  }
0x80: {  	_ =	shalt  }
0x81: {  	_ =	shalt  }
0x82: {  	_ =	shalt  }
0x83: {  	_ =	shalt  }
0x84: {  	_ =	shalt  }
0x85: {  	_ =	shalt  }
0x86: {  	_ =	shalt  }
0x87: {  	_ =	shalt  }
.Lfunc_end0:
.L_simem_size_0:
called_computation_lowered:
.L_overlay_start_0:
0x88: {  	s2 =	sld [smem:$0x3FD9]  }
0x89: {  	s3 =	sld [smem:$0x3FFE];
	_ =	sdelay $0x1  }
0x8a: {  	s1 =	srdreg.scid  }
0x8b: {  	s0 =	sand.u32 $0x1, s1  }
0x8c: {  	s14 =	sshll.u32 s0, $0xA;
	s2 =	sadd.s32 s3, s2  }
0x8d: {  	s2 =	sadd.s32 s2, s14  }
0x8e: {  	[smem:$0x3FC4] =	sst s2  }
0x8f: {  	_ = 	snop  }
0x90: {  	s2 =	sld [smem:$0x3FD0];
	_ =	sdelay $0x2  }
0x91: {  	s15 =	simm.s32 $0xA;
	s4 =	simm.s32 $0x10  }
0x92: {  	[smem:s4], [sflag:s15] =	dma.local [hbm:s2], $0x1  }
0x93: {  	_ =	swait.eq [sflag:s15], $0x1  }
0x94: {  	[sflag:s15] =	ssyncset.done $0x0  }
0x95: {  	[sflag:s15] =	ssyncadd.s32 $0xFFFFFFFF  }
0x96: {  	s16 =	sld [smem:$0x10];
	(tm) =	ssettm $0x1  }
0x97: {  	s17 =	sld [smem:$0x3FFB];
	_ =	sdelay $0x3  }
0x98: {  	_ =	strace s17  }
0x99: {  	s3 =	sld [smem:$0x3FFC];
	_ =	sdelay $0x3  }
0x9a: {  	_ =	strace s3  }
0x9b: {  	s3 =	sld [smem:$0x3FFD];
	_ =	sdelay $0x3  }
0x9c: {  	_ =	strace s3  }
0x9d: {  	_ =	strace $0x8FFFFFFF  }
0x9e: {  	s18 =	sld [smem:$0x3FDB];
	_ =	sdelay $0x1  }
0x9f: {  	s19 =	simm.s32 $_scs_section_size  }
0xa0: {  	s5 =	simm.s32 $_size__tile_overlayer_lowered;
	s6 =	simm.s32 $_tile_overlayer_lowered  }
0xa1: {  	s22 =	simm.s32 $0x1BFF;
	s21 =	sshll.u32 s6, $0x1;
	s3 =	sadd.s32 s19, s18  }
0xa2: {  	s7 =	simm.s32 $0x0;
	s20 =	sshll.u32 s5, $0x1;
	s5 =	sadd.s32 s21, s3  }
0xa3: {  	[timem:s7], [sflag:s22] =	dma.local [hbm:s5], s20  }
0xa4: {  	_ =	swait.ge [sflag:s22], s20  }
0xa5: {  	s4 =	ssub.s32 $0x0, s20;
	[sflag:s22] =	ssyncset.done $0x0  }
0xa6: {  	[sflag:s22] =	ssyncadd.s32 s4;
	_ =	sdelay $0x1  }
0xa7: {  	s23 =	simm.s32 $0x1B8B  }
0xa8: {  	_ =	swait.ge [sflag:s23], $0x1  }
0xa9: {  	[sflag:s23] =	ssyncset.done $0x0  }
0xaa: {  	s25 =	simm.s32 $0x1B8E;
	s24 =	sld [smem:$0x3FFE];
	[sflag:s23] =	ssyncadd.s32 $0xFFFFFFFF  }
0xab: {  	s26 =	simm.s32 $execute0_lowered;
	[smem:$0x3FD2] =	sst s25  }
0xac: {  	s5 =	sshll.u32 s26, $0x1;
	_ =	strace $0x80000046;
	[dreg:$0x1] =	wrdreg $0xFFFFFFFF  }
0xad: {  	s28 =	simm.s32 $_size_execute0_lowered;
	s3 =	sadd.s32 s3, s5;
	[dreg:$0x0] =	wrdreg $0x0  }
0xae: {  	s5 =	sshll.u32 s28, $0x1;
	[dreg:$0x2] =	wrdreg s3  }
0xaf: {  	[dreg:$0x3] =	wrdreg s5  }
0xb0: {  	[dreg:$0x4] =	wrdreg $0xC0  }
0xb1: {  	_ =	task [dreg:s7], $0x5FFFF  }
0xb2: {  	[dreg:$0x1] =	wrdreg $0xFFFFFFFF  }
0xb3: {  	[dreg:$0x0] =	wrdreg $0x60  }
0xb4: {  	[dreg:$0x2] =	wrdreg s16  }
0xb5: {  	[dreg:$0x3] =	wrdreg s24  }
0xb6: {  	[dreg:$0x4] =	wrdreg $0x9  }
0xb7: {  	_ =	task.clear_ibuf [dreg:s7], $0x5FFFF;
	_ =	strace $0x90000046  }
0xb8: {  	s29 =	simm.s32 $0x9;
	_ =	strace $0x80000048  }
0xb9: {  	_ =	swait.ge [sflag:s29], $0x1  }
0xba: {  	[sflag:s29] =	ssyncadd.s32 $0xFFFFFFFF  }
0xbb: {  	_ =	strace $0x90000048  }
0xbc: {  	_ =	sfence  }
0xbd: {  	s30 =	sld [smem:$0x0];
	_ =	sdelay $0x2  }
0xbe: {  	s31 =	sshll.u32 s1, $0xD;
	s1 =	sshrl.u32 s1, $0x2  }
0xbf: {  	s3 =	sand.u32 $0x4000, s31;
	s1 =	sadd.s32 s1, s30  }
0xc0: {  	s0 =	sor.u32 s3, s0;
	s1 =	sshll.u32 s1, $0x11  }
0xc1: {  	s0 =	sor.u32 s1, s0  }
0xc2: {  	s0 =	sadd.s32 $0x8F2B, s0  }
0xc3: {  	[sflag:s0] =	ssyncadd.remote.s32 $0x1  }
0xc4: {  	_ =	sfence.sel $0xFFFF  }
0xc5: {  	[dreg:$0x0] =	wrdreg $0xFFFFFFFF;
	(pc) =	sbr.abs _section_cstart, $3  }
0xc6: {  	[dreg:$0x1] =	wrdreg $0xFFFFFFFF  }
0xc7: {  	_ =	task.clear_ibuf [dreg:s7], $0x2FFFF;
	_ =	strace $0x9FFFFFFF  }
0xc8: {  	(tm) =	ssettm $0x7FFFFFFF  }
0xc9: {  	_ =	shalt  }
tec
execute0_lowered:
.L_overlay_start_1:
0x0: {  	(tag) =	ssettag $0x1  }
0x1: {  	s0 =	rddreg [dreg:$0x0];
	s1 =	srdreg.scid  }
0x2: {  	s2 =	stileid.u32;
	s3 =	rddreg [dreg:$0x1]  }
0x3: {  	s29 =	simm.s32 $0x80;
	s1 =	sand.u32 $0x1, s1;
	s4 =	sshll.u32 s2, $0x1  }
0x4: {  	s30 =	simm.s32 $0x280;
	s2 =	simm.s32 $0x0;
	s4 =	sor.u32 s1, s4  }
0x5: {  	s31 =	simm.s32 $0x480;
	[smem:$0x7FF] =	sst s2;
	s5 =	sshll.u32 s4, $0x4  }
0x6: {  	_ =	strace $0x80000047;
	s6 =	sshll.u32 s4, $0x6;
	[dreg:$0xe] =	wrdreg s29  }
0x7: {  	s7 =	sshll.u32 s4, $0x7;
	s4 =	sshll.u32 s4, $0x10;
	[dreg:$0xf] =	wrdreg s30  }
0x8: {  	[dreg:$0x10] =	wrdreg s31;
	s5 =	sadd.s32 s5, s3;
	s20 =	sadd.s32 s0, s4  }
0x9: {  	s6 =	sadd.s32 s6, s3;
	s5 =	sadd.s32 $0x1C00, s5;
	[dreg:$0x11] =	wrdreg s20  }
0xa: {  	s17 =	sadd.s32 $0xC00, s6;
	[dreg:$0x3] =	wrdreg s5  }
0xb: {  	s7 =	sadd.s32 s7, s3;
	s18 =	sadd.s32 $0x1400, s6;
	[dreg:$0x4] =	wrdreg s17  }
0xc: {  	s9 =	simm.s32 $0x2;
	s19 =	sadd.s32 $0x241E00, s7;
	[dreg:$0x5] =	wrdreg s18  }
0xd: {  	s1 =	ssub.s32 $0x2, s1;
	s0 =	sadd.s32 $0x2000, s20;
	[dreg:$0x6] =	wrdreg s19  }
0xe: {  	s25 =	sshrl.u32 s1, $0x1;
	s21 =	sadd.s32 $0x4000, s20;
	[dreg:$0x7] =	wrdreg s0  }
0xf: {  	s4 =	sadd.s32 $0x1E00, s3;
	s22 =	sadd.s32 $0x6000, s20;
	[dreg:$0x8] =	wrdreg s21  }
0x10: {  	s1 =	ssub.s32 s1, s25;
	s23 =	sadd.s32 $0x8000, s20;
	[dreg:$0x9] =	wrdreg s22  }
0x11: {  	s24 =	sadd.s32 $0xA000, s20;
	s26 =	sadd.s32 $0xC000, s20;
	[dreg:$0xa] =	wrdreg s23  }
0x12: {  	v2 =	vlaneseq.u32;
	s28 =	sadd.s32 $0xE000, s20;
	s6 =	sadd.s32 $0x2000, s3;
	[dreg:$0xb] =	wrdreg s24  }
0x13: {  	vm0 =	vmmov $0xffff;
	v1 =	vshrl.u32 v2, $0x3;
	s7 =	sadd.s32 $0x2100, s3;
	s1 =	smax.u32 s1, $0x1;
	[dreg:$0xc] =	wrdreg s26  }
0x14: {  	v0 =	vand.u32 $0x7, v2;
	v2 =	vor.u32 $0x8, v2;
	v1 =	vmul.u32 $0x8, v1;
	s5 =	sadd.s32 $0x1F00, s3;
	[dreg:$0xd] =	wrdreg s28;
	s19 =	simm.s32 $0x1  }
.LBB2_1:
0x15: {  	[dreg:$0x12] =	wrdreg s1  }
0x16: {  	s20 =	rddreg [dreg:$0x3]  }
0x17: {  	[tilespmem:s2], [sflag:$0x2] =	stream.linear.gather [hbm4b:s20+s2], $0x80, $0x38;
	[tilespmem:$0x10880] =	vst v63  }
0x18: {  	_ =	swait.ge [sflag:s9], $0x80  }
0x19: {  	s8 =	rddreg [dreg:$0x4];
	[sflag:s9] =	ssyncset.done $0x0  }
0x1a: {  	s21 =	rddreg [dreg:$0xe];
	[sflag:s9] =	ssyncadd.s32 $0xFFFFFF80  }
0x1b: {  	[tilespmem:s21], [sflag:$0x2] =	stream.linear.gather [hbm4b:s8+s2], $0x200, $0x38;
	[tilespmem:$0x10880] =	vst v63  }
0x1c: {  	_ =	swait.ge [sflag:s9], $0x200  }
0x1d: {  	s10 =	rddreg [dreg:$0x5];
	[sflag:s9] =	ssyncset.done $0x0  }
0x1e: {  	s11 =	rddreg [dreg:$0xf];
	[sflag:s9] =	ssyncadd.s32 $0xFFFFFE00  }
0x1f: {  	[tilespmem:s11], [sflag:$0x2] =	stream.linear.gather [hbm4b:s10+s2], $0x200, $0x38;
	[tilespmem:$0x10880] =	vst v63  }
0x20: {  	_ =	swait.ge [sflag:s9], $0x200  }
0x21: {  	[sflag:s9] =	ssyncset.done $0x0  }
0x22: {  	[sflag:s9] =	ssyncadd.s32 $0xFFFFFE00  }
0x23: {  	v3 =	vld [tilespmem:$0x80];
	_ =	sdelay $0x5  }
0x24: {  	v4 =	vld [tilespmem:$0x280]  }
0x25: {  	v5 =	vld [tilespmem:$0x90]  }
0x26: {  	v3 =	vld.idx.msk [tilespmem:v3+s2+$0x0], $0xffff;
	_ =	sdelay $0x4  }
0x27: {  	v43 =	vld [tilespmem:$0x290];
	v3 =	vadd.s32 v4, v3  }
0x28: {  	[tilespmem:$0x480] =	vst v3;
	v3 =	vld [tilespmem:$0xA0]  }
0x29: {  	v5 =	vld.idx.msk [tilespmem:v5+s2+$0x0], $0xffff;
	_ =	sdelay $0x4  }
0x2a: {  	v44 =	vld [tilespmem:$0x2A0];
	v4 =	vadd.s32 v43, v5  }
0x2b: {  	v45 =	vld [tilespmem:$0xB0];
	[tilespmem:$0x490] =	vst v4  }
0x2c: {  	v3 =	vld.idx.msk [tilespmem:v3+s2+$0x0], $0xffff;
	_ =	sdelay $0x4  }
0x2d: {  	v46 =	vld [tilespmem:$0x2B0];
	v3 =	vadd.s32 v44, v3  }
0x2e: {  	[tilespmem:$0x4A0] =	vst v3;
	v3 =	vld [tilespmem:$0xC0]  }
0x2f: {  	v4 =	vld.idx.msk [tilespmem:v45+s2+$0x0], $0xffff;
	_ =	sdelay $0x4  }
0x30: {  	v47 =	vld [tilespmem:$0x2C0];
	v4 =	vadd.s32 v46, v4  }
0x31: {  	v48 =	vld [tilespmem:$0xD0];
	[tilespmem:$0x4B0] =	vst v4  }
0x32: {  	v3 =	vld.idx.msk [tilespmem:v3+s2+$0x0], $0xffff;
	_ =	sdelay $0x4  }
0x33: {  	v49 =	vld [tilespmem:$0x2D0];
	v3 =	vadd.s32 v47, v3  }
0x34: {  	[tilespmem:$0x500] =	vst v3;
	v3 =	vld [tilespmem:$0xE0]  }
0x35: {  	v4 =	vld.idx.msk [tilespmem:v48+s2+$0x0], $0xffff;
	_ =	sdelay $0x4  }
0x36: {  	v50 =	vld [tilespmem:$0x2E0];
	v4 =	vadd.s32 v49, v4  }
0x37: {  	v51 =	vld [tilespmem:$0xF0];
	[tilespmem:$0x510] =	vst v4  }
0x38: {  	v3 =	vld.idx.msk [tilespmem:v3+s2+$0x0], $0xffff;
	_ =	sdelay $0x4  }
0x39: {  	v52 =	vld [tilespmem:$0x2F0];
	v3 =	vadd.s32 v50, v3  }
0x3a: {  	[tilespmem:$0x520] =	vst v3;
	v3 =	vld [tilespmem:$0x100]  }
0x3b: {  	v4 =	vld.idx.msk [tilespmem:v51+s2+$0x0], $0xffff;
	_ =	sdelay $0x4  }
0x3c: {  	v53 =	vld [tilespmem:$0x300];
	v4 =	vadd.s32 v52, v4  }
0x3d: {  	v54 =	vld [tilespmem:$0x110];
	[tilespmem:$0x530] =	vst v4  }
0x3e: {  	v3 =	vld.idx.msk [tilespmem:v3+s2+$0x0], $0xffff;
	_ =	sdelay $0x4  }
0x3f: {  	v55 =	vld [tilespmem:$0x310];
	v3 =	vadd.s32 v53, v3  }
0x40: {  	[tilespmem:$0x580] =	vst v3;
	v3 =	vld [tilespmem:$0x120]  }
0x41: {  	v4 =	vld.idx.msk [tilespmem:v54+s2+$0x0], $0xffff;
	_ =	sdelay $0x4  }
0x42: {  	v56 =	vld [tilespmem:$0x320];
	v4 =	vadd.s32 v55, v4  }
0x43: {  	v57 =	vld [tilespmem:$0x130];
	[tilespmem:$0x590] =	vst v4  }
0x44: {  	v3 =	vld.idx.msk [tilespmem:v3+s2+$0x0], $0xffff;
	_ =	sdelay $0x4  }
0x45: {  	v58 =	vld [tilespmem:$0x330];
	v3 =	vadd.s32 v56, v3  }
0x46: {  	[tilespmem:$0x5A0] =	vst v3;
	v3 =	vld [tilespmem:$0x140]  }
0x47: {  	v4 =	vld.idx.msk [tilespmem:v57+s2+$0x0], $0xffff;
	_ =	sdelay $0x4  }
0x48: {  	v59 =	vld [tilespmem:$0x340];
	v4 =	vadd.s32 v58, v4  }
0x49: {  	v60 =	vld [tilespmem:$0x150];
	[tilespmem:$0x5B0] =	vst v4  }
0x4a: {  	v3 =	vld.idx.msk [tilespmem:v3+s2+$0x0], $0xffff;
	_ =	sdelay $0x4  }
0x4b: {  	v61 =	vld [tilespmem:$0x350];
	v3 =	vadd.s32 v59, v3  }
0x4c: {  	[tilespmem:$0x600] =	vst v3;
	v3 =	vld [tilespmem:$0x160]  }
0x4d: {  	v4 =	vld.idx.msk [tilespmem:v60+s2+$0x0], $0xffff;
	_ =	sdelay $0x4  }
0x4e: {  	v62 =	vld [tilespmem:$0x360];
	v4 =	vadd.s32 v61, v4  }
0x4f: {  	v63 =	vld [tilespmem:$0x170];
	[tilespmem:$0x610] =	vst v4  }
0x50: {  	v3 =	vld.idx.msk [tilespmem:v3+s2+$0x0], $0xffff;
	_ =	sdelay $0x4  }
0x51: {  	v8 =	vld [tilespmem:$0x370];
	v3 =	vadd.s32 v62, v3  }
0x52: {  	[tilespmem:$0x620] =	vst v3;
	v3 =	vld [tilespmem:$0x180]  }
0x53: {  	v4 =	vld.idx.msk [tilespmem:v63+s2+$0x0], $0xffff;
	_ =	sdelay $0x4  }
0x54: {  	v9 =	vld [tilespmem:$0x380];
	v4 =	vadd.s32 v8, v4  }
0x55: {  	v10 =	vld [tilespmem:$0x190];
	[tilespmem:$0x630] =	vst v4  }
0x56: {  	v3 =	vld.idx.msk [tilespmem:v3+s2+$0x0], $0xffff;
	_ =	sdelay $0x4  }
0x57: {  	v11 =	vld [tilespmem:$0x390];
	v3 =	vadd.s32 v9, v3  }
0x58: {  	[tilespmem:$0x680] =	vst v3;
	v3 =	vld [tilespmem:$0x1A0]  }
0x59: {  	v4 =	vld.idx.msk [tilespmem:v10+s2+$0x0], $0xffff;
	_ =	sdelay $0x4  }
0x5a: {  	v12 =	vld [tilespmem:$0x3A0];
	v4 =	vadd.s32 v11, v4  }
0x5b: {  	v13 =	vld [tilespmem:$0x1B0];
	[tilespmem:$0x690] =	vst v4  }
0x5c: {  	v3 =	vld.idx.msk [tilespmem:v3+s2+$0x0], $0xffff;
	_ =	sdelay $0x4  }
0x5d: {  	v14 =	vld [tilespmem:$0x3B0];
	v3 =	vadd.s32 v12, v3  }
0x5e: {  	[tilespmem:$0x6A0] =	vst v3;
	v3 =	vld [tilespmem:$0x1C0]  }
0x5f: {  	v4 =	vld.idx.msk [tilespmem:v13+s2+$0x0], $0xffff;
	_ =	sdelay $0x4  }
0x60: {  	v15 =	vld [tilespmem:$0x3C0];
	v4 =	vadd.s32 v14, v4  }
0x61: {  	v16 =	vld [tilespmem:$0x1D0];
	[tilespmem:$0x6B0] =	vst v4  }
0x62: {  	v3 =	vld.idx.msk [tilespmem:v3+s2+$0x0], $0xffff;
	_ =	sdelay $0x4  }
0x63: {  	v17 =	vld [tilespmem:$0x3D0];
	v3 =	vadd.s32 v15, v3  }
0x64: {  	[tilespmem:$0x700] =	vst v3;
	v3 =	vld [tilespmem:$0x1E0]  }
0x65: {  	v4 =	vld.idx.msk [tilespmem:v16+s2+$0x0], $0xffff;
	_ =	sdelay $0x4  }
0x66: {  	v18 =	vld [tilespmem:$0x3E0];
	v4 =	vadd.s32 v17, v4  }
0x67: {  	v19 =	vld [tilespmem:$0x1F0];
	[tilespmem:$0x710] =	vst v4  }
0x68: {  	v3 =	vld.idx.msk [tilespmem:v3+s2+$0x0], $0xffff;
	_ =	sdelay $0x4  }
0x69: {  	v20 =	vld [tilespmem:$0x3F0];
	v3 =	vadd.s32 v18, v3  }
0x6a: {  	[tilespmem:$0x720] =	vst v3;
	v3 =	vld [tilespmem:$0x200]  }
0x6b: {  	v4 =	vld.idx.msk [tilespmem:v19+s2+$0x0], $0xffff;
	_ =	sdelay $0x4  }
0x6c: {  	v21 =	vld [tilespmem:$0x400];
	v4 =	vadd.s32 v20, v4  }
0x6d: {  	v22 =	vld [tilespmem:$0x210];
	[tilespmem:$0x730] =	vst v4  }
0x6e: {  	v3 =	vld.idx.msk [tilespmem:v3+s2+$0x0], $0xffff;
	_ =	sdelay $0x4  }
0x6f: {  	v23 =	vld [tilespmem:$0x410];
	v3 =	vadd.s32 v21, v3  }
0x70: {  	[tilespmem:$0x780] =	vst v3;
	v3 =	vld [tilespmem:$0x220]  }
0x71: {  	v4 =	vld.idx.msk [tilespmem:v22+s2+$0x0], $0xffff;
	_ =	sdelay $0x4  }
0x72: {  	v24 =	vld [tilespmem:$0x420];
	v4 =	vadd.s32 v23, v4  }
0x73: {  	v25 =	vld [tilespmem:$0x230];
	[tilespmem:$0x790] =	vst v4  }
0x74: {  	v3 =	vld.idx.msk [tilespmem:v3+s2+$0x0], $0xffff;
	_ =	sdelay $0x4  }
0x75: {  	v26 =	vld [tilespmem:$0x430];
	v3 =	vadd.s32 v24, v3  }
0x76: {  	[tilespmem:$0x7A0] =	vst v3;
	v3 =	vld [tilespmem:$0x240]  }
0x77: {  	v4 =	vld.idx.msk [tilespmem:v25+s2+$0x0], $0xffff;
	_ =	sdelay $0x4  }
0x78: {  	v27 =	vld [tilespmem:$0x440];
	v4 =	vadd.s32 v26, v4  }
0x79: {  	v28 =	vld [tilespmem:$0x250];
	[tilespmem:$0x7B0] =	vst v4  }
0x7a: {  	v3 =	vld.idx.msk [tilespmem:v3+s2+$0x0], $0xffff;
	_ =	sdelay $0x4  }
0x7b: {  	v29 =	vld [tilespmem:$0x450];
	v3 =	vadd.s32 v27, v3  }
0x7c: {  	[tilespmem:$0x800] =	vst v3;
	v3 =	vld [tilespmem:$0x260]  }
0x7d: {  	v4 =	vld.idx.msk [tilespmem:v28+s2+$0x0], $0xffff;
	_ =	sdelay $0x4  }
0x7e: {  	v30 =	vld [tilespmem:$0x460];
	v4 =	vadd.s32 v29, v4  }
0x7f: {  	v31 =	vld [tilespmem:$0x270];
	[tilespmem:$0x810] =	vst v4  }
0x80: {  	v3 =	vld.idx.msk [tilespmem:v3+s2+$0x0], $0xffff;
	_ =	sdelay $0x4  }
0x81: {  	v3 =	vadd.s32 v30, v3  }
0x82: {  	[tilespmem:$0x820] =	vst v3;
	v3 =	vld [tilespmem:$0x470]  }
0x83: {  	v4 =	vld.idx.msk [tilespmem:v31+s2+$0x0], $0xffff;
	_ =	sdelay $0x4  }
0x84: {  	s12 =	rddreg [dreg:$0x6];
	v3 =	vadd.s32 v3, v4  }
0x85: {  	s13 =	rddreg [dreg:$0x10];
	[tilespmem:$0x830] =	vst v3  }
0x86: {  	[hbm4b:s12+s2] =	stream.linear.scatter [tilespmem:s13], [sflag:$0x2], $0x400, $0x38;
	[tilespmem:$0x10880] =	vst v63  }
0x87: {  	_ =	swait.ge [sflag:s9], $0x400  }
0x88: {  	[sflag:s9] =	ssyncset.done $0x0  }
0x89: {  	s1 =	simm.s32 $0x880;
	s14 =	rddreg [dreg:$0x11];
	[sflag:s9] =	ssyncadd.s32 $0xFFFFFC00  }
0x8a: {  	[tilespmem:s1], [sflag:$0x2] =	stream.linear.gather [hbm4b:s14+s2], $0x10000, $0x38;
	[tilespmem:$0x10880] =	vst v63  }
0x8b: {  	_ =	swait.ge [sflag:s9], $0x10000  }
0x8c: {  	[sflag:s9] =	ssyncset.done $0x0  }
0x8d: {  	[sflag:s9] =	ssyncadd.s32 $0xFFFF0000  }
0x8e: {  	v3 =	vld [tilespmem:$0x480];
	_ =	sdelay $0x4  }
0x8f: {  	v32 =	vshll.u32 v3, $0x3  }
0x90: {  	v3 =	vand.u32 $0x7, v3;
	v4 =	vand.u32 $0xFFFFFFC0, v32  }
0x91: {  	v3 =	vor.u32 v3, v4  }
0x92: {  	v4 =	vperm.xlane v3, v0;
	_ =	sdelay $0x1  }
0x93: {  	v4 =	vadd.s32 v1, v4;
	_ =	sdelay $0x4  }
0x94: {  	[hbm4b:s4+s2] =	stream.indirect_vreg.scatter [tilespmem:s1], [sflag:$0x1], $0x80, v4, vm0, $0xb8;
	[tilespmem:$0x10880] =	vst v63  }
0x95: {  	s0 =	simm.s32 $0x1080;
	v3 =	vperm.xlane v3, v2  }
0x96: {  	[hbm4b:s5+s2] =	stream.indirect_vreg.scatter [tilespmem:s0], [sflag:$0x1], $0x80, v4, vm0, $0xb8;
	[tilespmem:$0x10880] =	vst v63  }
0x97: {  	s15 =	simm.s32 $0x1880;
	v3 =	vadd.s32 v1, v3  }
0x98: {  	[hbm4b:s6+s2] =	stream.indirect_vreg.scatter [tilespmem:s15], [sflag:$0x1], $0x80, v4, vm0, $0xb8;
	[tilespmem:$0x10880] =	vst v63  }
0x99: {  	s16 =	simm.s32 $0x2080  }
0x9a: {  	[hbm4b:s7+s2] =	stream.indirect_vreg.scatter [tilespmem:s16], [sflag:$0x1], $0x80, v4, vm0, $0xb8;
	[tilespmem:$0x10880] =	vst v63  }
0x9b: {  	s17 =	simm.s32 $0x2880  }
0x9c: {  	[hbm4b:s4+s2] =	stream.indirect_vreg.scatter [tilespmem:s17], [sflag:$0x1], $0x80, v3, vm0, $0xb8;
	[tilespmem:$0x10880] =	vst v63  }
0x9d: {  	s18 =	simm.s32 $0x3080  }
0x9e: {  	[hbm4b:s5+s2] =	stream.indirect_vreg.scatter [tilespmem:s18], [sflag:$0x1], $0x80, v3, vm0, $0xb8;
	[tilespmem:$0x10880] =	vst v63  }
0x9f: {  	s20 =	simm.s32 $0x3880  }
0xa0: {  	[hbm4b:s6+s2] =	stream.indirect_vreg.scatter [tilespmem:s20], [sflag:$0x1], $0x80, v3, vm0, $0xb8;
	[tilespmem:$0x10880] =	vst v63  }
0xa1: {  	s21 =	simm.s32 $0x4080  }
0xa2: {  	[hbm4b:s7+s2] =	stream.indirect_vreg.scatter [tilespmem:s21], [sflag:$0x1], $0x80, v3, vm0, $0xb8;
	[tilespmem:$0x10880] =	vst v63  }
0xa3: {  	v3 =	vld [tilespmem:$0x490];
	_ =	sdelay $0x4  }
0xa4: {  	v33 =	vshll.u32 v3, $0x3  }
0xa5: {  	v3 =	vand.u32 $0x7, v3;
	v4 =	vand.u32 $0xFFFFFFC0, v33  }
0xa6: {  	v3 =	vor.u32 v3, v4  }
0xa7: {  	v4 =	vperm.xlane v3, v0;
	_ =	sdelay $0x1  }
0xa8: {  	v4 =	vadd.s32 v1, v4;
	_ =	sdelay $0x3  }
0xa9: {  	s22 =	simm.s32 $0x4880  }
0xaa: {  	[hbm4b:s4+s2] =	stream.indirect_vreg.scatter [tilespmem:s22], [sflag:$0x1], $0x80, v4, vm0, $0xb8;
	[tilespmem:$0x10880] =	vst v63  }
0xab: {  	s23 =	simm.s32 $0x5080;
	v3 =	vperm.xlane v3, v2  }
0xac: {  	[hbm4b:s5+s2] =	stream.indirect_vreg.scatter [tilespmem:s23], [sflag:$0x1], $0x80, v4, vm0, $0xb8;
	[tilespmem:$0x10880] =	vst v63  }
0xad: {  	s24 =	simm.s32 $0x5880;
	v3 =	vadd.s32 v1, v3  }
0xae: {  	[hbm4b:s6+s2] =	stream.indirect_vreg.scatter [tilespmem:s24], [sflag:$0x1], $0x80, v4, vm0, $0xb8;
	[tilespmem:$0x10880] =	vst v63  }
0xaf: {  	s25 =	simm.s32 $0x6080  }
0xb0: {  	[hbm4b:s7+s2] =	stream.indirect_vreg.scatter [tilespmem:s25], [sflag:$0x1], $0x80, v4, vm0, $0xb8;
	[tilespmem:$0x10880] =	vst v63  }
0xb1: {  	s26 =	simm.s32 $0x6880  }
0xb2: {  	[hbm4b:s4+s2] =	stream.indirect_vreg.scatter [tilespmem:s26], [sflag:$0x1], $0x80, v3, vm0, $0xb8;
	[tilespmem:$0x10880] =	vst v63  }
0xb3: {  	s31 =	simm.s32 $0x7080  }
0xb4: {  	[hbm4b:s5+s2] =	stream.indirect_vreg.scatter [tilespmem:s31], [sflag:$0x1], $0x80, v3, vm0, $0xb8;
	[tilespmem:$0x10880] =	vst v63  }
0xb5: {  	s3 =	simm.s32 $0x7880  }
0xb6: {  	[hbm4b:s6+s2] =	stream.indirect_vreg.scatter [tilespmem:s3], [sflag:$0x1], $0x80, v3, vm0, $0xb8;
	[tilespmem:$0x10880] =	vst v63  }
0xb7: {  	s8 =	simm.s32 $0x8080  }
0xb8: {  	[hbm4b:s7+s2] =	stream.indirect_vreg.scatter [tilespmem:s8], [sflag:$0x1], $0x80, v3, vm0, $0xb8;
	[tilespmem:$0x10880] =	vst v63  }
0xb9: {  	v3 =	vld [tilespmem:$0x4A0];
	_ =	sdelay $0x4  }
0xba: {  	v34 =	vshll.u32 v3, $0x3  }
0xbb: {  	v3 =	vand.u32 $0x7, v3;
	v4 =	vand.u32 $0xFFFFFFC0, v34  }
0xbc: {  	v3 =	vor.u32 v3, v4  }
0xbd: {  	v4 =	vperm.xlane v3, v0;
	_ =	sdelay $0x1  }
0xbe: {  	v4 =	vadd.s32 v1, v4;
	_ =	sdelay $0x3  }
0xbf: {  	s11 =	simm.s32 $0x8880  }
0xc0: {  	[hbm4b:s4+s2] =	stream.indirect_vreg.scatter [tilespmem:s11], [sflag:$0x1], $0x80, v4, vm0, $0xb8;
	[tilespmem:$0x10880] =	vst v63  }
0xc1: {  	s12 =	simm.s32 $0x9080;
	v3 =	vperm.xlane v3, v2  }
0xc2: {  	[hbm4b:s5+s2] =	stream.indirect_vreg.scatter [tilespmem:s12], [sflag:$0x1], $0x80, v4, vm0, $0xb8;
	[tilespmem:$0x10880] =	vst v63  }
0xc3: {  	s20 =	simm.s32 $0x9880;
	v3 =	vadd.s32 v1, v3  }
0xc4: {  	[hbm4b:s6+s2] =	stream.indirect_vreg.scatter [tilespmem:s20], [sflag:$0x1], $0x80, v4, vm0, $0xb8;
	[tilespmem:$0x10880] =	vst v63  }
0xc5: {  	s21 =	simm.s32 $0xA080  }
0xc6: {  	[hbm4b:s7+s2] =	stream.indirect_vreg.scatter [tilespmem:s21], [sflag:$0x1], $0x80, v4, vm0, $0xb8;
	[tilespmem:$0x10880] =	vst v63  }
0xc7: {  	s22 =	simm.s32 $0xA880  }
0xc8: {  	[hbm4b:s4+s2] =	stream.indirect_vreg.scatter [tilespmem:s22], [sflag:$0x1], $0x80, v3, vm0, $0xb8;
	[tilespmem:$0x10880] =	vst v63  }
0xc9: {  	s23 =	simm.s32 $0xB080  }
0xca: {  	[hbm4b:s5+s2] =	stream.indirect_vreg.scatter [tilespmem:s23], [sflag:$0x1], $0x80, v3, vm0, $0xb8;
	[tilespmem:$0x10880] =	vst v63  }
0xcb: {  	s24 =	simm.s32 $0xB880  }
0xcc: {  	[hbm4b:s6+s2] =	stream.indirect_vreg.scatter [tilespmem:s24], [sflag:$0x1], $0x80, v3, vm0, $0xb8;
	[tilespmem:$0x10880] =	vst v63  }
0xcd: {  	s25 =	simm.s32 $0xC080  }
0xce: {  	[hbm4b:s7+s2] =	stream.indirect_vreg.scatter [tilespmem:s25], [sflag:$0x1], $0x80, v3, vm0, $0xb8;
	[tilespmem:$0x10880] =	vst v63  }
0xcf: {  	v3 =	vld [tilespmem:$0x4B0];
	_ =	sdelay $0x4  }
0xd0: {  	v35 =	vshll.u32 v3, $0x3  }
0xd1: {  	v3 =	vand.u32 $0x7, v3;
	v4 =	vand.u32 $0xFFFFFFC0, v35  }
0xd2: {  	v3 =	vor.u32 v3, v4  }
0xd3: {  	v4 =	vperm.xlane v3, v0;
	_ =	sdelay $0x1  }
0xd4: {  	v4 =	vadd.s32 v1, v4;
	_ =	sdelay $0x3  }
0xd5: {  	s26 =	simm.s32 $0xC880  }
0xd6: {  	[hbm4b:s4+s2] =	stream.indirect_vreg.scatter [tilespmem:s26], [sflag:$0x1], $0x80, v4, vm0, $0xb8;
	[tilespmem:$0x10880] =	vst v63  }
0xd7: {  	s31 =	simm.s32 $0xD080;
	v3 =	vperm.xlane v3, v2  }
0xd8: {  	[hbm4b:s5+s2] =	stream.indirect_vreg.scatter [tilespmem:s31], [sflag:$0x1], $0x80, v4, vm0, $0xb8;
	[tilespmem:$0x10880] =	vst v63  }
0xd9: {  	s3 =	simm.s32 $0xD880;
	v3 =	vadd.s32 v1, v3  }
0xda: {  	[hbm4b:s6+s2] =	stream.indirect_vreg.scatter [tilespmem:s3], [sflag:$0x1], $0x80, v4, vm0, $0xb8;
	[tilespmem:$0x10880] =	vst v63  }
0xdb: {  	s11 =	simm.s32 $0xE080  }
0xdc: {  	[hbm4b:s7+s2] =	stream.indirect_vreg.scatter [tilespmem:s11], [sflag:$0x1], $0x80, v4, vm0, $0xb8;
	[tilespmem:$0x10880] =	vst v63  }
0xdd: {  	s12 =	simm.s32 $0xE880  }
0xde: {  	[hbm4b:s4+s2] =	stream.indirect_vreg.scatter [tilespmem:s12], [sflag:$0x1], $0x80, v3, vm0, $0xb8;
	[tilespmem:$0x10880] =	vst v63  }
0xdf: {  	s21 =	simm.s32 $0xF080  }
0xe0: {  	[hbm4b:s5+s2] =	stream.indirect_vreg.scatter [tilespmem:s21], [sflag:$0x1], $0x80, v3, vm0, $0xb8;
	[tilespmem:$0x10880] =	vst v63  }
0xe1: {  	s22 =	simm.s32 $0xF880  }
0xe2: {  	[hbm4b:s6+s2] =	stream.indirect_vreg.scatter [tilespmem:s22], [sflag:$0x1], $0x80, v3, vm0, $0xb8;
	[tilespmem:$0x10880] =	vst v63  }
0xe3: {  	s26 =	simm.s32 $0x10080  }
0xe4: {  	[hbm4b:s7+s2] =	stream.indirect_vreg.scatter [tilespmem:s26], [sflag:$0x1], $0x80, v3, vm0, $0xb8;
	[tilespmem:$0x10880] =	vst v63  }
0xe5: {  	_ =	swait.ge [sflag:s19], $0x10000  }
0xe6: {  	[sflag:s19] =	ssyncset.done $0x0  }
0xe7: {  	s31 =	rddreg [dreg:$0x7];
	[sflag:s19] =	ssyncadd.s32 $0xFFFF0000  }
0xe8: {  	[tilespmem:s1], [sflag:$0x2] =	stream.linear.gather [hbm4b:s31+s2], $0x10000, $0x38;
	[tilespmem:$0x10880] =	vst v63  }
0xe9: {  	_ =	swait.ge [sflag:s9], $0x10000  }
0xea: {  	[sflag:s9] =	ssyncset.done $0x0  }
0xeb: {  	[sflag:s9] =	ssyncadd.s32 $0xFFFF0000  }
0xec: {  	v3 =	vld [tilespmem:$0x500];
	_ =	sdelay $0x4  }
0xed: {  	v36 =	vshll.u32 v3, $0x3  }
0xee: {  	v3 =	vand.u32 $0x7, v3;
	v4 =	vand.u32 $0xFFFFFFC0, v36  }
0xef: {  	v3 =	vor.u32 v3, v4  }
0xf0: {  	v4 =	vperm.xlane v3, v0;
	_ =	sdelay $0x1  }
0xf1: {  	v4 =	vadd.s32 v1, v4;
	_ =	sdelay $0x4  }
0xf2: {  	[hbm4b:s4+s2] =	stream.indirect_vreg.scatter [tilespmem:s1], [sflag:$0x1], $0x80, v4, vm0, $0xb8;
	[tilespmem:$0x10880] =	vst v63  }
0xf3: {  	s10 =	simm.s32 $0x1080;
	v3 =	vperm.xlane v3, v2  }
0xf4: {  	[hbm4b:s5+s2] =	stream.indirect_vreg.scatter [tilespmem:s10], [sflag:$0x1], $0x80, v4, vm0, $0xb8;
	[tilespmem:$0x10880] =	vst v63  }
0xf5: {  	s14 =	simm.s32 $0x1880;
	v3 =	vadd.s32 v1, v3  }
0xf6: {  	[hbm4b:s6+s2] =	stream.indirect_vreg.scatter [tilespmem:s14], [sflag:$0x1], $0x80, v4, vm0, $0xb8;
	[tilespmem:$0x10880] =	vst v63  }
0xf7: {  	s15 =	simm.s32 $0x2080  }
0xf8: {  	[hbm4b:s7+s2] =	stream.indirect_vreg.scatter [tilespmem:s15], [sflag:$0x1], $0x80, v4, vm0, $0xb8;
	[tilespmem:$0x10880] =	vst v63  }
0xf9: {  	s16 =	simm.s32 $0x2880  }
0xfa: {  	[hbm4b:s4+s2] =	stream.indirect_vreg.scatter [tilespmem:s16], [sflag:$0x1], $0x80, v3, vm0, $0xb8;
	[tilespmem:$0x10880] =	vst v63  }
0xfb: {  	s17 =	simm.s32 $0x3080  }
0xfc: {  	[hbm4b:s5+s2] =	stream.indirect_vreg.scatter [tilespmem:s17], [sflag:$0x1], $0x80, v3, vm0, $0xb8;
	[tilespmem:$0x10880] =	vst v63  }
0xfd: {  	s18 =	simm.s32 $0x3880  }
0xfe: {  	[hbm4b:s6+s2] =	stream.indirect_vreg.scatter [tilespmem:s18], [sflag:$0x1], $0x80, v3, vm0, $0xb8;
	[tilespmem:$0x10880] =	vst v63  }
0xff: {  	s29 =	simm.s32 $0x4080  }
0x100: {  	[hbm4b:s7+s2] =	stream.indirect_vreg.scatter [tilespmem:s29], [sflag:$0x1], $0x80, v3, vm0, $0xb8;
	[tilespmem:$0x10880] =	vst v63  }
0x101: {  	v3 =	vld [tilespmem:$0x510];
	_ =	sdelay $0x4  }
0x102: {  	v37 =	vshll.u32 v3, $0x3  }
0x103: {  	v3 =	vand.u32 $0x7, v3;
	v4 =	vand.u32 $0xFFFFFFC0, v37  }
0x104: {  	v3 =	vor.u32 v3, v4  }
0x105: {  	v4 =	vperm.xlane v3, v0;
	_ =	sdelay $0x1  }
0x106: {  	v4 =	vadd.s32 v1, v4;
	_ =	sdelay $0x3  }
0x107: {  	s30 =	simm.s32 $0x4880  }
0x108: {  	[hbm4b:s4+s2] =	stream.indirect_vreg.scatter [tilespmem:s30], [sflag:$0x1], $0x80, v4, vm0, $0xb8;
	[tilespmem:$0x10880] =	vst v63  }
0x109: {  	s31 =	simm.s32 $0x5080;
	v3 =	vperm.xlane v3, v2  }
0x10a: {  	[hbm4b:s5+s2] =	stream.indirect_vreg.scatter [tilespmem:s31], [sflag:$0x1], $0x80, v4, vm0, $0xb8;
	[tilespmem:$0x10880] =	vst v63  }
0x10b: {  	s28 =	simm.s32 $0x5880;
	v3 =	vadd.s32 v1, v3  }
0x10c: {  	[hbm4b:s6+s2] =	stream.indirect_vreg.scatter [tilespmem:s28], [sflag:$0x1], $0x80, v4, vm0, $0xb8;
	[tilespmem:$0x10880] =	vst v63  }
0x10d: {  	s13 =	simm.s32 $0x6080  }
0x10e: {  	[hbm4b:s7+s2] =	stream.indirect_vreg.scatter [tilespmem:s13], [sflag:$0x1], $0x80, v4, vm0, $0xb8;
	[tilespmem:$0x10880] =	vst v63  }
0x10f: {  	s13 =	simm.s32 $0x6880  }
0x110: {  	[hbm4b:s4+s2] =	stream.indirect_vreg.scatter [tilespmem:s13], [sflag:$0x1], $0x80, v3, vm0, $0xb8;
	[tilespmem:$0x10880] =	vst v63  }
0x111: {  	s14 =	simm.s32 $0x7080  }
0x112: {  	[hbm4b:s5+s2] =	stream.indirect_vreg.scatter [tilespmem:s14], [sflag:$0x1], $0x80, v3, vm0, $0xb8;
	[tilespmem:$0x10880] =	vst v63  }
0x113: {  	s15 =	simm.s32 $0x7880  }
0x114: {  	[hbm4b:s6+s2] =	stream.indirect_vreg.scatter [tilespmem:s15], [sflag:$0x1], $0x80, v3, vm0, $0xb8;
	[tilespmem:$0x10880] =	vst v63  }
0x115: {  	s28 =	simm.s32 $0x8080  }
0x116: {  	[hbm4b:s7+s2] =	stream.indirect_vreg.scatter [tilespmem:s28], [sflag:$0x1], $0x80, v3, vm0, $0xb8;
	[tilespmem:$0x10880] =	vst v63  }
0x117: {  	v3 =	vld [tilespmem:$0x520];
	_ =	sdelay $0x4  }
0x118: {  	v38 =	vshll.u32 v3, $0x3  }
0x119: {  	v3 =	vand.u32 $0x7, v3;
	v4 =	vand.u32 $0xFFFFFFC0, v38  }
0x11a: {  	v3 =	vor.u32 v3, v4  }
0x11b: {  	v4 =	vperm.xlane v3, v0;
	_ =	sdelay $0x1  }
0x11c: {  	v4 =	vadd.s32 v1, v4;
	_ =	sdelay $0x3  }
0x11d: {  	s29 =	simm.s32 $0x8880  }
0x11e: {  	[hbm4b:s4+s2] =	stream.indirect_vreg.scatter [tilespmem:s29], [sflag:$0x1], $0x80, v4, vm0, $0xb8;
	[tilespmem:$0x10880] =	vst v63  }
0x11f: {  	s30 =	simm.s32 $0x9080;
	v3 =	vperm.xlane v3, v2  }
0x120: {  	[hbm4b:s5+s2] =	stream.indirect_vreg.scatter [tilespmem:s30], [sflag:$0x1], $0x80, v4, vm0, $0xb8;
	[tilespmem:$0x10880] =	vst v63  }
0x121: {  	s16 =	simm.s32 $0x9880;
	v3 =	vadd.s32 v1, v3  }
0x122: {  	[hbm4b:s6+s2] =	stream.indirect_vreg.scatter [tilespmem:s16], [sflag:$0x1], $0x80, v4, vm0, $0xb8;
	[tilespmem:$0x10880] =	vst v63  }
0x123: {  	s17 =	simm.s32 $0xA080  }
0x124: {  	[hbm4b:s7+s2] =	stream.indirect_vreg.scatter [tilespmem:s17], [sflag:$0x1], $0x80, v4, vm0, $0xb8;
	[tilespmem:$0x10880] =	vst v63  }
0x125: {  	s18 =	simm.s32 $0xA880  }
0x126: {  	[hbm4b:s4+s2] =	stream.indirect_vreg.scatter [tilespmem:s18], [sflag:$0x1], $0x80, v3, vm0, $0xb8;
	[tilespmem:$0x10880] =	vst v63  }
0x127: {  	s8 =	simm.s32 $0xB080  }
0x128: {  	[hbm4b:s5+s2] =	stream.indirect_vreg.scatter [tilespmem:s8], [sflag:$0x1], $0x80, v3, vm0, $0xb8;
	[tilespmem:$0x10880] =	vst v63  }
0x129: {  	s0 =	simm.s32 $0xB880  }
0x12a: {  	[hbm4b:s6+s2] =	stream.indirect_vreg.scatter [tilespmem:s0], [sflag:$0x1], $0x80, v3, vm0, $0xb8;
	[tilespmem:$0x10880] =	vst v63  }
0x12b: {  	s23 =	simm.s32 $0xC080  }
0x12c: {  	[hbm4b:s7+s2] =	stream.indirect_vreg.scatter [tilespmem:s23], [sflag:$0x1], $0x80, v3, vm0, $0xb8;
	[tilespmem:$0x10880] =	vst v63  }
0x12d: {  	v3 =	vld [tilespmem:$0x530];
	_ =	sdelay $0x4  }
0x12e: {  	v39 =	vshll.u32 v3, $0x3  }
0x12f: {  	v3 =	vand.u32 $0x7, v3;
	v4 =	vand.u32 $0xFFFFFFC0, v39  }
0x130: {  	v3 =	vor.u32 v3, v4  }
0x131: {  	v4 =	vperm.xlane v3, v0;
	_ =	sdelay $0x1  }
0x132: {  	v4 =	vadd.s32 v1, v4;
	_ =	sdelay $0x3  }
0x133: {  	s24 =	simm.s32 $0xC880  }
0x134: {  	[hbm4b:s4+s2] =	stream.indirect_vreg.scatter [tilespmem:s24], [sflag:$0x1], $0x80, v4, vm0, $0xb8;
	[tilespmem:$0x10880] =	vst v63  }
0x135: {  	s25 =	simm.s32 $0xD080;
	v3 =	vperm.xlane v3, v2  }
0x136: {  	[hbm4b:s5+s2] =	stream.indirect_vreg.scatter [tilespmem:s25], [sflag:$0x1], $0x80, v4, vm0, $0xb8;
	[tilespmem:$0x10880] =	vst v63  }
0x137: {  	s3 =	simm.s32 $0xD880;
	v3 =	vadd.s32 v1, v3  }
0x138: {  	[hbm4b:s6+s2] =	stream.indirect_vreg.scatter [tilespmem:s3], [sflag:$0x1], $0x80, v4, vm0, $0xb8;
	[tilespmem:$0x10880] =	vst v63  }
0x139: {  	s10 =	simm.s32 $0xE080  }
0x13a: {  	[hbm4b:s7+s2] =	stream.indirect_vreg.scatter [tilespmem:s10], [sflag:$0x1], $0x80, v4, vm0, $0xb8;
	[tilespmem:$0x10880] =	vst v63  }
0x13b: {  	s20 =	simm.s32 $0xE880  }
0x13c: {  	[hbm4b:s4+s2] =	stream.indirect_vreg.scatter [tilespmem:s20], [sflag:$0x1], $0x80, v3, vm0, $0xb8;
	[tilespmem:$0x10880] =	vst v63  }
0x13d: {  	s11 =	simm.s32 $0xF080  }
0x13e: {  	[hbm4b:s5+s2] =	stream.indirect_vreg.scatter [tilespmem:s11], [sflag:$0x1], $0x80, v3, vm0, $0xb8;
	[tilespmem:$0x10880] =	vst v63  }
0x13f: {  	s12 =	simm.s32 $0xF880  }
0x140: {  	[hbm4b:s6+s2] =	stream.indirect_vreg.scatter [tilespmem:s12], [sflag:$0x1], $0x80, v3, vm0, $0xb8;
	[tilespmem:$0x10880] =	vst v63  }
0x141: {  	s26 =	simm.s32 $0x10080  }
0x142: {  	[hbm4b:s7+s2] =	stream.indirect_vreg.scatter [tilespmem:s26], [sflag:$0x1], $0x80, v3, vm0, $0xb8;
	[tilespmem:$0x10880] =	vst v63  }
0x143: {  	_ =	swait.ge [sflag:s19], $0x10000  }
0x144: {  	[sflag:s19] =	ssyncset.done $0x0  }
0x145: {  	s20 =	rddreg [dreg:$0x8];
	[sflag:s19] =	ssyncadd.s32 $0xFFFF0000  }
0x146: {  	[tilespmem:s1], [sflag:$0x2] =	stream.linear.gather [hbm4b:s20+s2], $0x10000, $0x38;
	[tilespmem:$0x10880] =	vst v63  }
0x147: {  	_ =	swait.ge [sflag:s9], $0x10000  }
0x148: {  	[sflag:s9] =	ssyncset.done $0x0  }
0x149: {  	[sflag:s9] =	ssyncadd.s32 $0xFFFF0000  }
0x14a: {  	v3 =	vld [tilespmem:$0x580];
	_ =	sdelay $0x4  }
0x14b: {  	v40 =	vshll.u32 v3, $0x3  }
0x14c: {  	v3 =	vand.u32 $0x7, v3;
	v4 =	vand.u32 $0xFFFFFFC0, v40  }
0x14d: {  	v3 =	vor.u32 v3, v4  }
0x14e: {  	v4 =	vperm.xlane v3, v0;
	_ =	sdelay $0x1  }
0x14f: {  	v4 =	vadd.s32 v1, v4;
	_ =	sdelay $0x4  }
0x150: {  	[hbm4b:s4+s2] =	stream.indirect_vreg.scatter [tilespmem:s1], [sflag:$0x1], $0x80, v4, vm0, $0xb8;
	[tilespmem:$0x10880] =	vst v63  }
0x151: {  	s20 =	simm.s32 $0x1080;
	v3 =	vperm.xlane v3, v2  }
0x152: {  	[hbm4b:s5+s2] =	stream.indirect_vreg.scatter [tilespmem:s20], [sflag:$0x1], $0x80, v4, vm0, $0xb8;
	[tilespmem:$0x10880] =	vst v63  }
0x153: {  	s22 =	simm.s32 $0x1880;
	v3 =	vadd.s32 v1, v3  }
0x154: {  	[hbm4b:s6+s2] =	stream.indirect_vreg.scatter [tilespmem:s22], [sflag:$0x1], $0x80, v4, vm0, $0xb8;
	[tilespmem:$0x10880] =	vst v63  }
0x155: {  	s22 =	simm.s32 $0x2080  }
0x156: {  	[hbm4b:s7+s2] =	stream.indirect_vreg.scatter [tilespmem:s22], [sflag:$0x1], $0x80, v4, vm0, $0xb8;
	[tilespmem:$0x10880] =	vst v63  }
0x157: {  	s22 =	simm.s32 $0x2880  }
0x158: {  	[hbm4b:s4+s2] =	stream.indirect_vreg.scatter [tilespmem:s22], [sflag:$0x1], $0x80, v3, vm0, $0xb8;
	[tilespmem:$0x10880] =	vst v63  }
0x159: {  	s22 =	simm.s32 $0x3080  }
0x15a: {  	[hbm4b:s5+s2] =	stream.indirect_vreg.scatter [tilespmem:s22], [sflag:$0x1], $0x80, v3, vm0, $0xb8;
	[tilespmem:$0x10880] =	vst v63  }
0x15b: {  	s22 =	simm.s32 $0x3880  }
0x15c: {  	[hbm4b:s6+s2] =	stream.indirect_vreg.scatter [tilespmem:s22], [sflag:$0x1], $0x80, v3, vm0, $0xb8;
	[tilespmem:$0x10880] =	vst v63  }
0x15d: {  	s22 =	simm.s32 $0x4080  }
0x15e: {  	[hbm4b:s7+s2] =	stream.indirect_vreg.scatter [tilespmem:s22], [sflag:$0x1], $0x80, v3, vm0, $0xb8;
	[tilespmem:$0x10880] =	vst v63  }
0x15f: {  	v3 =	vld [tilespmem:$0x590];
	_ =	sdelay $0x4  }
0x160: {  	v41 =	vshll.u32 v3, $0x3  }
0x161: {  	v3 =	vand.u32 $0x7, v3;
	v4 =	vand.u32 $0xFFFFFFC0, v41  }
0x162: {  	v3 =	vor.u32 v3, v4  }
0x163: {  	v4 =	vperm.xlane v3, v0;
	_ =	sdelay $0x1  }
0x164: {  	v4 =	vadd.s32 v1, v4;
	_ =	sdelay $0x3  }
0x165: {  	s22 =	simm.s32 $0x4880  }
0x166: {  	[hbm4b:s4+s2] =	stream.indirect_vreg.scatter [tilespmem:s22], [sflag:$0x1], $0x80, v4, vm0, $0xb8;
	[tilespmem:$0x10880] =	vst v63  }
0x167: {  	v3 =	vperm.xlane v3, v2  }
0x168: {  	[hbm4b:s5+s2] =	stream.indirect_vreg.scatter [tilespmem:s31], [sflag:$0x1], $0x80, v4, vm0, $0xb8;
	[tilespmem:$0x10880] =	vst v63  }
0x169: {  	v3 =	vadd.s32 v1, v3;
	s31 =	simm.s32 $0x5880  }
0x16a: {  	[hbm4b:s6+s2] =	stream.indirect_vreg.scatter [tilespmem:s31], [sflag:$0x1], $0x80, v4, vm0, $0xb8;
	[tilespmem:$0x10880] =	vst v63  }
0x16b: {  	s31 =	simm.s32 $0x6080  }
0x16c: {  	[hbm4b:s7+s2] =	stream.indirect_vreg.scatter [tilespmem:s31], [sflag:$0x1], $0x80, v4, vm0, $0xb8;
	[tilespmem:$0x10880] =	vst v63  }
0x16d: {  	_ = 	snop  }
0x16e: {  	[hbm4b:s4+s2] =	stream.indirect_vreg.scatter [tilespmem:s13], [sflag:$0x1], $0x80, v3, vm0, $0xb8;
	[tilespmem:$0x10880] =	vst v63  }
0x16f: {  	_ = 	snop  }
0x170: {  	[hbm4b:s5+s2] =	stream.indirect_vreg.scatter [tilespmem:s14], [sflag:$0x1], $0x80, v3, vm0, $0xb8;
	[tilespmem:$0x10880] =	vst v63  }
0x171: {  	_ = 	snop  }
0x172: {  	[hbm4b:s6+s2] =	stream.indirect_vreg.scatter [tilespmem:s15], [sflag:$0x1], $0x80, v3, vm0, $0xb8;
	[tilespmem:$0x10880] =	vst v63  }
0x173: {  	_ = 	snop  }
0x174: {  	[hbm4b:s7+s2] =	stream.indirect_vreg.scatter [tilespmem:s28], [sflag:$0x1], $0x80, v3, vm0, $0xb8;
	[tilespmem:$0x10880] =	vst v63  }
0x175: {  	v3 =	vld [tilespmem:$0x5A0];
	_ =	sdelay $0x4  }
0x176: {  	v42 =	vshll.u32 v3, $0x3  }
0x177: {  	v3 =	vand.u32 $0x7, v3;
	v4 =	vand.u32 $0xFFFFFFC0, v42  }
0x178: {  	v3 =	vor.u32 v3, v4  }
0x179: {  	v4 =	vperm.xlane v3, v0;
	_ =	sdelay $0x1  }
0x17a: {  	v4 =	vadd.s32 v1, v4;
	_ =	sdelay $0x4  }
0x17b: {  	[hbm4b:s4+s2] =	stream.indirect_vreg.scatter [tilespmem:s29], [sflag:$0x1], $0x80, v4, vm0, $0xb8;
	[tilespmem:$0x10880] =	vst v63  }
0x17c: {  	v3 =	vperm.xlane v3, v2  }
0x17d: {  	[hbm4b:s5+s2] =	stream.indirect_vreg.scatter [tilespmem:s30], [sflag:$0x1], $0x80, v4, vm0, $0xb8;
	[tilespmem:$0x10880] =	vst v63  }
0x17e: {  	v3 =	vadd.s32 v1, v3  }
0x17f: {  	[hbm4b:s6+s2] =	stream.indirect_vreg.scatter [tilespmem:s16], [sflag:$0x1], $0x80, v4, vm0, $0xb8;
	[tilespmem:$0x10880] =	vst v63  }
0x180: {  	_ = 	snop  }
0x181: {  	[hbm4b:s7+s2] =	stream.indirect_vreg.scatter [tilespmem:s17], [sflag:$0x1], $0x80, v4, vm0, $0xb8;
	[tilespmem:$0x10880] =	vst v63  }
0x182: {  	_ = 	snop  }
0x183: {  	[hbm4b:s4+s2] =	stream.indirect_vreg.scatter [tilespmem:s18], [sflag:$0x1], $0x80, v3, vm0, $0xb8;
	[tilespmem:$0x10880] =	vst v63  }
0x184: {  	s21 =	simm.s32 $0xB080  }
0x185: {  	[hbm4b:s5+s2] =	stream.indirect_vreg.scatter [tilespmem:s21], [sflag:$0x1], $0x80, v3, vm0, $0xb8;
	[tilespmem:$0x10880] =	vst v63  }
0x186: {  	s0 =	simm.s32 $0xB880  }
0x187: {  	[hbm4b:s6+s2] =	stream.indirect_vreg.scatter [tilespmem:s0], [sflag:$0x1], $0x80, v3, vm0, $0xb8;
	[tilespmem:$0x10880] =	vst v63  }
0x188: {  	s23 =	simm.s32 $0xC080  }
0x189: {  	[hbm4b:s7+s2] =	stream.indirect_vreg.scatter [tilespmem:s23], [sflag:$0x1], $0x80, v3, vm0, $0xb8;
	[tilespmem:$0x10880] =	vst v63  }
0x18a: {  	v3 =	vld [tilespmem:$0x5B0];
	_ =	sdelay $0x4  }
0x18b: {  	v43 =	vshll.u32 v3, $0x3  }
0x18c: {  	v3 =	vand.u32 $0x7, v3;
	v4 =	vand.u32 $0xFFFFFFC0, v43  }
0x18d: {  	v3 =	vor.u32 v3, v4  }
0x18e: {  	v4 =	vperm.xlane v3, v0;
	_ =	sdelay $0x1  }
0x18f: {  	v4 =	vadd.s32 v1, v4;
	_ =	sdelay $0x3  }
0x190: {  	s24 =	simm.s32 $0xC880  }
0x191: {  	[hbm4b:s4+s2] =	stream.indirect_vreg.scatter [tilespmem:s24], [sflag:$0x1], $0x80, v4, vm0, $0xb8;
	[tilespmem:$0x10880] =	vst v63  }
0x192: {  	s25 =	simm.s32 $0xD080;
	v3 =	vperm.xlane v3, v2  }
0x193: {  	[hbm4b:s5+s2] =	stream.indirect_vreg.scatter [tilespmem:s25], [sflag:$0x1], $0x80, v4, vm0, $0xb8;
	[tilespmem:$0x10880] =	vst v63  }
0x194: {  	s3 =	simm.s32 $0xD880;
	v3 =	vadd.s32 v1, v3  }
0x195: {  	[hbm4b:s6+s2] =	stream.indirect_vreg.scatter [tilespmem:s3], [sflag:$0x1], $0x80, v4, vm0, $0xb8;
	[tilespmem:$0x10880] =	vst v63  }
0x196: {  	s8 =	simm.s32 $0xE080  }
0x197: {  	[hbm4b:s7+s2] =	stream.indirect_vreg.scatter [tilespmem:s8], [sflag:$0x1], $0x80, v4, vm0, $0xb8;
	[tilespmem:$0x10880] =	vst v63  }
0x198: {  	s10 =	simm.s32 $0xE880  }
0x199: {  	[hbm4b:s4+s2] =	stream.indirect_vreg.scatter [tilespmem:s10], [sflag:$0x1], $0x80, v3, vm0, $0xb8;
	[tilespmem:$0x10880] =	vst v63  }
0x19a: {  	s11 =	simm.s32 $0xF080  }
0x19b: {  	[hbm4b:s5+s2] =	stream.indirect_vreg.scatter [tilespmem:s11], [sflag:$0x1], $0x80, v3, vm0, $0xb8;
	[tilespmem:$0x10880] =	vst v63  }
0x19c: {  	s12 =	simm.s32 $0xF880  }
0x19d: {  	[hbm4b:s6+s2] =	stream.indirect_vreg.scatter [tilespmem:s12], [sflag:$0x1], $0x80, v3, vm0, $0xb8;
	[tilespmem:$0x10880] =	vst v63  }
0x19e: {  	s26 =	simm.s32 $0x10080  }
0x19f: {  	[hbm4b:s7+s2] =	stream.indirect_vreg.scatter [tilespmem:s26], [sflag:$0x1], $0x80, v3, vm0, $0xb8;
	[tilespmem:$0x10880] =	vst v63  }
0x1a0: {  	_ =	swait.ge [sflag:s19], $0x10000  }
0x1a1: {  	[sflag:s19] =	ssyncset.done $0x0  }
0x1a2: {  	s30 =	rddreg [dreg:$0x9];
	[sflag:s19] =	ssyncadd.s32 $0xFFFF0000  }
0x1a3: {  	[tilespmem:s1], [sflag:$0x2] =	stream.linear.gather [hbm4b:s30+s2], $0x10000, $0x38;
	[tilespmem:$0x10880] =	vst v63  }
0x1a4: {  	_ =	swait.ge [sflag:s9], $0x10000  }
0x1a5: {  	[sflag:s9] =	ssyncset.done $0x0  }
0x1a6: {  	[sflag:s9] =	ssyncadd.s32 $0xFFFF0000  }
0x1a7: {  	v3 =	vld [tilespmem:$0x600];
	_ =	sdelay $0x4  }
0x1a8: {  	v44 =	vshll.u32 v3, $0x3  }
0x1a9: {  	v3 =	vand.u32 $0x7, v3;
	v4 =	vand.u32 $0xFFFFFFC0, v44  }
0x1aa: {  	v3 =	vor.u32 v3, v4  }
0x1ab: {  	v4 =	vperm.xlane v3, v0;
	_ =	sdelay $0x1  }
0x1ac: {  	v4 =	vadd.s32 v1, v4;
	_ =	sdelay $0x4  }
0x1ad: {  	[hbm4b:s4+s2] =	stream.indirect_vreg.scatter [tilespmem:s1], [sflag:$0x1], $0x80, v4, vm0, $0xb8;
	[tilespmem:$0x10880] =	vst v63  }
0x1ae: {  	s30 =	simm.s32 $0x1080;
	v3 =	vperm.xlane v3, v2  }
0x1af: {  	[hbm4b:s5+s2] =	stream.indirect_vreg.scatter [tilespmem:s30], [sflag:$0x1], $0x80, v4, vm0, $0xb8;
	[tilespmem:$0x10880] =	vst v63  }
0x1b0: {  	v3 =	vadd.s32 v1, v3;
	s30 =	simm.s32 $0x1880  }
0x1b1: {  	[hbm4b:s6+s2] =	stream.indirect_vreg.scatter [tilespmem:s30], [sflag:$0x1], $0x80, v4, vm0, $0xb8;
	[tilespmem:$0x10880] =	vst v63  }
0x1b2: {  	s30 =	simm.s32 $0x2080  }
0x1b3: {  	[hbm4b:s7+s2] =	stream.indirect_vreg.scatter [tilespmem:s30], [sflag:$0x1], $0x80, v4, vm0, $0xb8;
	[tilespmem:$0x10880] =	vst v63  }
0x1b4: {  	s30 =	simm.s32 $0x2880  }
0x1b5: {  	[hbm4b:s4+s2] =	stream.indirect_vreg.scatter [tilespmem:s30], [sflag:$0x1], $0x80, v3, vm0, $0xb8;
	[tilespmem:$0x10880] =	vst v63  }
0x1b6: {  	s30 =	simm.s32 $0x3080  }
0x1b7: {  	[hbm4b:s5+s2] =	stream.indirect_vreg.scatter [tilespmem:s30], [sflag:$0x1], $0x80, v3, vm0, $0xb8;
	[tilespmem:$0x10880] =	vst v63  }
0x1b8: {  	s30 =	simm.s32 $0x3880  }
0x1b9: {  	[hbm4b:s6+s2] =	stream.indirect_vreg.scatter [tilespmem:s30], [sflag:$0x1], $0x80, v3, vm0, $0xb8;
	[tilespmem:$0x10880] =	vst v63  }
0x1ba: {  	s30 =	simm.s32 $0x4080  }
0x1bb: {  	[hbm4b:s7+s2] =	stream.indirect_vreg.scatter [tilespmem:s30], [sflag:$0x1], $0x80, v3, vm0, $0xb8;
	[tilespmem:$0x10880] =	vst v63  }
0x1bc: {  	v3 =	vld [tilespmem:$0x610];
	_ =	sdelay $0x4  }
0x1bd: {  	v45 =	vshll.u32 v3, $0x3  }
0x1be: {  	v3 =	vand.u32 $0x7, v3;
	v4 =	vand.u32 $0xFFFFFFC0, v45  }
0x1bf: {  	v3 =	vor.u32 v3, v4  }
0x1c0: {  	v4 =	vperm.xlane v3, v0;
	_ =	sdelay $0x1  }
0x1c1: {  	v4 =	vadd.s32 v1, v4;
	_ =	sdelay $0x3  }
0x1c2: {  	s30 =	simm.s32 $0x4880  }
0x1c3: {  	[hbm4b:s4+s2] =	stream.indirect_vreg.scatter [tilespmem:s30], [sflag:$0x1], $0x80, v4, vm0, $0xb8;
	[tilespmem:$0x10880] =	vst v63  }
0x1c4: {  	s22 =	simm.s32 $0x5080;
	v3 =	vperm.xlane v3, v2  }
0x1c5: {  	[hbm4b:s5+s2] =	stream.indirect_vreg.scatter [tilespmem:s22], [sflag:$0x1], $0x80, v4, vm0, $0xb8;
	[tilespmem:$0x10880] =	vst v63  }
0x1c6: {  	v3 =	vadd.s32 v1, v3;
	s30 =	simm.s32 $0x5880  }
0x1c7: {  	[hbm4b:s6+s2] =	stream.indirect_vreg.scatter [tilespmem:s30], [sflag:$0x1], $0x80, v4, vm0, $0xb8;
	[tilespmem:$0x10880] =	vst v63  }
0x1c8: {  	s30 =	simm.s32 $0x6080  }
0x1c9: {  	[hbm4b:s7+s2] =	stream.indirect_vreg.scatter [tilespmem:s30], [sflag:$0x1], $0x80, v4, vm0, $0xb8;
	[tilespmem:$0x10880] =	vst v63  }
0x1ca: {  	s31 =	simm.s32 $0x6880  }
0x1cb: {  	[hbm4b:s4+s2] =	stream.indirect_vreg.scatter [tilespmem:s31], [sflag:$0x1], $0x80, v3, vm0, $0xb8;
	[tilespmem:$0x10880] =	vst v63  }
0x1cc: {  	s14 =	simm.s32 $0x7080  }
0x1cd: {  	[hbm4b:s5+s2] =	stream.indirect_vreg.scatter [tilespmem:s14], [sflag:$0x1], $0x80, v3, vm0, $0xb8;
	[tilespmem:$0x10880] =	vst v63  }
0x1ce: {  	s15 =	simm.s32 $0x7880  }
0x1cf: {  	[hbm4b:s6+s2] =	stream.indirect_vreg.scatter [tilespmem:s15], [sflag:$0x1], $0x80, v3, vm0, $0xb8;
	[tilespmem:$0x10880] =	vst v63  }
0x1d0: {  	s13 =	simm.s32 $0x8080  }
0x1d1: {  	[hbm4b:s7+s2] =	stream.indirect_vreg.scatter [tilespmem:s13], [sflag:$0x1], $0x80, v3, vm0, $0xb8;
	[tilespmem:$0x10880] =	vst v63  }
0x1d2: {  	v3 =	vld [tilespmem:$0x620];
	_ =	sdelay $0x4  }
0x1d3: {  	v46 =	vshll.u32 v3, $0x3  }
0x1d4: {  	v3 =	vand.u32 $0x7, v3;
	v4 =	vand.u32 $0xFFFFFFC0, v46  }
0x1d5: {  	v3 =	vor.u32 v3, v4  }
0x1d6: {  	v4 =	vperm.xlane v3, v0;
	_ =	sdelay $0x1  }
0x1d7: {  	v4 =	vadd.s32 v1, v4;
	_ =	sdelay $0x3  }
0x1d8: {  	s28 =	simm.s32 $0x8880  }
0x1d9: {  	[hbm4b:s4+s2] =	stream.indirect_vreg.scatter [tilespmem:s28], [sflag:$0x1], $0x80, v4, vm0, $0xb8;
	[tilespmem:$0x10880] =	vst v63  }
0x1da: {  	s29 =	simm.s32 $0x9080;
	v3 =	vperm.xlane v3, v2  }
0x1db: {  	[hbm4b:s5+s2] =	stream.indirect_vreg.scatter [tilespmem:s29], [sflag:$0x1], $0x80, v4, vm0, $0xb8;
	[tilespmem:$0x10880] =	vst v63  }
0x1dc: {  	s16 =	simm.s32 $0x9880;
	v3 =	vadd.s32 v1, v3  }
0x1dd: {  	[hbm4b:s6+s2] =	stream.indirect_vreg.scatter [tilespmem:s16], [sflag:$0x1], $0x80, v4, vm0, $0xb8;
	[tilespmem:$0x10880] =	vst v63  }
0x1de: {  	s17 =	simm.s32 $0xA080  }
0x1df: {  	[hbm4b:s7+s2] =	stream.indirect_vreg.scatter [tilespmem:s17], [sflag:$0x1], $0x80, v4, vm0, $0xb8;
	[tilespmem:$0x10880] =	vst v63  }
0x1e0: {  	s18 =	simm.s32 $0xA880  }
0x1e1: {  	[hbm4b:s4+s2] =	stream.indirect_vreg.scatter [tilespmem:s18], [sflag:$0x1], $0x80, v3, vm0, $0xb8;
	[tilespmem:$0x10880] =	vst v63  }
0x1e2: {  	s21 =	simm.s32 $0xB080  }
0x1e3: {  	[hbm4b:s5+s2] =	stream.indirect_vreg.scatter [tilespmem:s21], [sflag:$0x1], $0x80, v3, vm0, $0xb8;
	[tilespmem:$0x10880] =	vst v63  }
0x1e4: {  	s0 =	simm.s32 $0xB880  }
0x1e5: {  	[hbm4b:s6+s2] =	stream.indirect_vreg.scatter [tilespmem:s0], [sflag:$0x1], $0x80, v3, vm0, $0xb8;
	[tilespmem:$0x10880] =	vst v63  }
0x1e6: {  	s23 =	simm.s32 $0xC080  }
0x1e7: {  	[hbm4b:s7+s2] =	stream.indirect_vreg.scatter [tilespmem:s23], [sflag:$0x1], $0x80, v3, vm0, $0xb8;
	[tilespmem:$0x10880] =	vst v63  }
0x1e8: {  	v3 =	vld [tilespmem:$0x630];
	_ =	sdelay $0x4  }
0x1e9: {  	v47 =	vshll.u32 v3, $0x3  }
0x1ea: {  	v3 =	vand.u32 $0x7, v3;
	v4 =	vand.u32 $0xFFFFFFC0, v47  }
0x1eb: {  	v3 =	vor.u32 v3, v4  }
0x1ec: {  	v4 =	vperm.xlane v3, v0;
	_ =	sdelay $0x1  }
0x1ed: {  	v4 =	vadd.s32 v1, v4;
	_ =	sdelay $0x3  }
0x1ee: {  	s24 =	simm.s32 $0xC880  }
0x1ef: {  	[hbm4b:s4+s2] =	stream.indirect_vreg.scatter [tilespmem:s24], [sflag:$0x1], $0x80, v4, vm0, $0xb8;
	[tilespmem:$0x10880] =	vst v63  }
0x1f0: {  	s25 =	simm.s32 $0xD080;
	v3 =	vperm.xlane v3, v2  }
0x1f1: {  	[hbm4b:s5+s2] =	stream.indirect_vreg.scatter [tilespmem:s25], [sflag:$0x1], $0x80, v4, vm0, $0xb8;
	[tilespmem:$0x10880] =	vst v63  }
0x1f2: {  	s3 =	simm.s32 $0xD880;
	v3 =	vadd.s32 v1, v3  }
0x1f3: {  	[hbm4b:s6+s2] =	stream.indirect_vreg.scatter [tilespmem:s3], [sflag:$0x1], $0x80, v4, vm0, $0xb8;
	[tilespmem:$0x10880] =	vst v63  }
0x1f4: {  	s8 =	simm.s32 $0xE080  }
0x1f5: {  	[hbm4b:s7+s2] =	stream.indirect_vreg.scatter [tilespmem:s8], [sflag:$0x1], $0x80, v4, vm0, $0xb8;
	[tilespmem:$0x10880] =	vst v63  }
0x1f6: {  	s10 =	simm.s32 $0xE880  }
0x1f7: {  	[hbm4b:s4+s2] =	stream.indirect_vreg.scatter [tilespmem:s10], [sflag:$0x1], $0x80, v3, vm0, $0xb8;
	[tilespmem:$0x10880] =	vst v63  }
0x1f8: {  	s11 =	simm.s32 $0xF080  }
0x1f9: {  	[hbm4b:s5+s2] =	stream.indirect_vreg.scatter [tilespmem:s11], [sflag:$0x1], $0x80, v3, vm0, $0xb8;
	[tilespmem:$0x10880] =	vst v63  }
0x1fa: {  	s12 =	simm.s32 $0xF880  }
0x1fb: {  	[hbm4b:s6+s2] =	stream.indirect_vreg.scatter [tilespmem:s12], [sflag:$0x1], $0x80, v3, vm0, $0xb8;
	[tilespmem:$0x10880] =	vst v63  }
0x1fc: {  	s26 =	simm.s32 $0x10080  }
0x1fd: {  	[hbm4b:s7+s2] =	stream.indirect_vreg.scatter [tilespmem:s26], [sflag:$0x1], $0x80, v3, vm0, $0xb8;
	[tilespmem:$0x10880] =	vst v63  }
0x1fe: {  	_ =	swait.ge [sflag:s19], $0x10000  }
0x1ff: {  	[sflag:s19] =	ssyncset.done $0x0  }
0x200: {  	s26 =	rddreg [dreg:$0xa];
	[sflag:s19] =	ssyncadd.s32 $0xFFFF0000  }
0x201: {  	[tilespmem:s1], [sflag:$0x2] =	stream.linear.gather [hbm4b:s26+s2], $0x10000, $0x38;
	[tilespmem:$0x10880] =	vst v63  }
0x202: {  	_ =	swait.ge [sflag:s9], $0x10000  }
0x203: {  	[sflag:s9] =	ssyncset.done $0x0  }
0x204: {  	[sflag:s9] =	ssyncadd.s32 $0xFFFF0000  }
0x205: {  	v3 =	vld [tilespmem:$0x680];
	_ =	sdelay $0x4  }
0x206: {  	v48 =	vshll.u32 v3, $0x3  }
0x207: {  	v3 =	vand.u32 $0x7, v3;
	v4 =	vand.u32 $0xFFFFFFC0, v48  }
0x208: {  	v3 =	vor.u32 v3, v4  }
0x209: {  	v4 =	vperm.xlane v3, v0;
	_ =	sdelay $0x1  }
0x20a: {  	v4 =	vadd.s32 v1, v4;
	_ =	sdelay $0x4  }
0x20b: {  	[hbm4b:s4+s2] =	stream.indirect_vreg.scatter [tilespmem:s1], [sflag:$0x1], $0x80, v4, vm0, $0xb8;
	[tilespmem:$0x10880] =	vst v63  }
0x20c: {  	s26 =	simm.s32 $0x1080;
	v3 =	vperm.xlane v3, v2  }
0x20d: {  	[hbm4b:s5+s2] =	stream.indirect_vreg.scatter [tilespmem:s26], [sflag:$0x1], $0x80, v4, vm0, $0xb8;
	[tilespmem:$0x10880] =	vst v63  }
0x20e: {  	v3 =	vadd.s32 v1, v3;
	s26 =	simm.s32 $0x1880  }
0x20f: {  	[hbm4b:s6+s2] =	stream.indirect_vreg.scatter [tilespmem:s26], [sflag:$0x1], $0x80, v4, vm0, $0xb8;
	[tilespmem:$0x10880] =	vst v63  }
0x210: {  	s26 =	simm.s32 $0x2080  }
0x211: {  	[hbm4b:s7+s2] =	stream.indirect_vreg.scatter [tilespmem:s26], [sflag:$0x1], $0x80, v4, vm0, $0xb8;
	[tilespmem:$0x10880] =	vst v63  }
0x212: {  	s26 =	simm.s32 $0x2880  }
0x213: {  	[hbm4b:s4+s2] =	stream.indirect_vreg.scatter [tilespmem:s26], [sflag:$0x1], $0x80, v3, vm0, $0xb8;
	[tilespmem:$0x10880] =	vst v63  }
0x214: {  	s26 =	simm.s32 $0x3080  }
0x215: {  	[hbm4b:s5+s2] =	stream.indirect_vreg.scatter [tilespmem:s26], [sflag:$0x1], $0x80, v3, vm0, $0xb8;
	[tilespmem:$0x10880] =	vst v63  }
0x216: {  	s26 =	simm.s32 $0x3880  }
0x217: {  	[hbm4b:s6+s2] =	stream.indirect_vreg.scatter [tilespmem:s26], [sflag:$0x1], $0x80, v3, vm0, $0xb8;
	[tilespmem:$0x10880] =	vst v63  }
0x218: {  	s26 =	simm.s32 $0x4080  }
0x219: {  	[hbm4b:s7+s2] =	stream.indirect_vreg.scatter [tilespmem:s26], [sflag:$0x1], $0x80, v3, vm0, $0xb8;
	[tilespmem:$0x10880] =	vst v63  }
0x21a: {  	v3 =	vld [tilespmem:$0x690];
	_ =	sdelay $0x4  }
0x21b: {  	v49 =	vshll.u32 v3, $0x3  }
0x21c: {  	v3 =	vand.u32 $0x7, v3;
	v4 =	vand.u32 $0xFFFFFFC0, v49  }
0x21d: {  	v3 =	vor.u32 v3, v4  }
0x21e: {  	v4 =	vperm.xlane v3, v0;
	_ =	sdelay $0x1  }
0x21f: {  	v4 =	vadd.s32 v1, v4;
	_ =	sdelay $0x3  }
0x220: {  	s26 =	simm.s32 $0x4880  }
0x221: {  	[hbm4b:s4+s2] =	stream.indirect_vreg.scatter [tilespmem:s26], [sflag:$0x1], $0x80, v4, vm0, $0xb8;
	[tilespmem:$0x10880] =	vst v63  }
0x222: {  	s22 =	simm.s32 $0x5080;
	v3 =	vperm.xlane v3, v2  }
0x223: {  	[hbm4b:s5+s2] =	stream.indirect_vreg.scatter [tilespmem:s22], [sflag:$0x1], $0x80, v4, vm0, $0xb8;
	[tilespmem:$0x10880] =	vst v63  }
0x224: {  	v3 =	vadd.s32 v1, v3;
	s26 =	simm.s32 $0x5880  }
0x225: {  	[hbm4b:s6+s2] =	stream.indirect_vreg.scatter [tilespmem:s26], [sflag:$0x1], $0x80, v4, vm0, $0xb8;
	[tilespmem:$0x10880] =	vst v63  }
0x226: {  	s26 =	simm.s32 $0x6080  }
0x227: {  	[hbm4b:s7+s2] =	stream.indirect_vreg.scatter [tilespmem:s26], [sflag:$0x1], $0x80, v4, vm0, $0xb8;
	[tilespmem:$0x10880] =	vst v63  }
0x228: {  	s30 =	simm.s32 $0x6880  }
0x229: {  	[hbm4b:s4+s2] =	stream.indirect_vreg.scatter [tilespmem:s30], [sflag:$0x1], $0x80, v3, vm0, $0xb8;
	[tilespmem:$0x10880] =	vst v63  }
0x22a: {  	s14 =	simm.s32 $0x7080  }
0x22b: {  	[hbm4b:s5+s2] =	stream.indirect_vreg.scatter [tilespmem:s14], [sflag:$0x1], $0x80, v3, vm0, $0xb8;
	[tilespmem:$0x10880] =	vst v63  }
0x22c: {  	s15 =	simm.s32 $0x7880  }
0x22d: {  	[hbm4b:s6+s2] =	stream.indirect_vreg.scatter [tilespmem:s15], [sflag:$0x1], $0x80, v3, vm0, $0xb8;
	[tilespmem:$0x10880] =	vst v63  }
0x22e: {  	s13 =	simm.s32 $0x8080  }
0x22f: {  	[hbm4b:s7+s2] =	stream.indirect_vreg.scatter [tilespmem:s13], [sflag:$0x1], $0x80, v3, vm0, $0xb8;
	[tilespmem:$0x10880] =	vst v63  }
0x230: {  	v3 =	vld [tilespmem:$0x6A0];
	_ =	sdelay $0x4  }
0x231: {  	v50 =	vshll.u32 v3, $0x3  }
0x232: {  	v3 =	vand.u32 $0x7, v3;
	v4 =	vand.u32 $0xFFFFFFC0, v50  }
0x233: {  	v3 =	vor.u32 v3, v4  }
0x234: {  	v4 =	vperm.xlane v3, v0;
	_ =	sdelay $0x1  }
0x235: {  	v4 =	vadd.s32 v1, v4;
	_ =	sdelay $0x3  }
0x236: {  	s31 =	simm.s32 $0x8880  }
0x237: {  	[hbm4b:s4+s2] =	stream.indirect_vreg.scatter [tilespmem:s31], [sflag:$0x1], $0x80, v4, vm0, $0xb8;
	[tilespmem:$0x10880] =	vst v63  }
0x238: {  	s28 =	simm.s32 $0x9080;
	v3 =	vperm.xlane v3, v2  }
0x239: {  	[hbm4b:s5+s2] =	stream.indirect_vreg.scatter [tilespmem:s28], [sflag:$0x1], $0x80, v4, vm0, $0xb8;
	[tilespmem:$0x10880] =	vst v63  }
0x23a: {  	s29 =	simm.s32 $0x9880;
	v3 =	vadd.s32 v1, v3  }
0x23b: {  	[hbm4b:s6+s2] =	stream.indirect_vreg.scatter [tilespmem:s29], [sflag:$0x1], $0x80, v4, vm0, $0xb8;
	[tilespmem:$0x10880] =	vst v63  }
0x23c: {  	s16 =	simm.s32 $0xA080  }
0x23d: {  	[hbm4b:s7+s2] =	stream.indirect_vreg.scatter [tilespmem:s16], [sflag:$0x1], $0x80, v4, vm0, $0xb8;
	[tilespmem:$0x10880] =	vst v63  }
0x23e: {  	s17 =	simm.s32 $0xA880  }
0x23f: {  	[hbm4b:s4+s2] =	stream.indirect_vreg.scatter [tilespmem:s17], [sflag:$0x1], $0x80, v3, vm0, $0xb8;
	[tilespmem:$0x10880] =	vst v63  }
0x240: {  	s18 =	simm.s32 $0xB080  }
0x241: {  	[hbm4b:s5+s2] =	stream.indirect_vreg.scatter [tilespmem:s18], [sflag:$0x1], $0x80, v3, vm0, $0xb8;
	[tilespmem:$0x10880] =	vst v63  }
0x242: {  	s0 =	simm.s32 $0xB880  }
0x243: {  	[hbm4b:s6+s2] =	stream.indirect_vreg.scatter [tilespmem:s0], [sflag:$0x1], $0x80, v3, vm0, $0xb8;
	[tilespmem:$0x10880] =	vst v63  }
0x244: {  	s21 =	simm.s32 $0xC080  }
0x245: {  	[hbm4b:s7+s2] =	stream.indirect_vreg.scatter [tilespmem:s21], [sflag:$0x1], $0x80, v3, vm0, $0xb8;
	[tilespmem:$0x10880] =	vst v63  }
0x246: {  	v3 =	vld [tilespmem:$0x6B0];
	_ =	sdelay $0x4  }
0x247: {  	v51 =	vshll.u32 v3, $0x3  }
0x248: {  	v3 =	vand.u32 $0x7, v3;
	v4 =	vand.u32 $0xFFFFFFC0, v51  }
0x249: {  	v3 =	vor.u32 v3, v4  }
0x24a: {  	v4 =	vperm.xlane v3, v0;
	_ =	sdelay $0x1  }
0x24b: {  	v4 =	vadd.s32 v1, v4;
	_ =	sdelay $0x3  }
0x24c: {  	s23 =	simm.s32 $0xC880  }
0x24d: {  	[hbm4b:s4+s2] =	stream.indirect_vreg.scatter [tilespmem:s23], [sflag:$0x1], $0x80, v4, vm0, $0xb8;
	[tilespmem:$0x10880] =	vst v63  }
0x24e: {  	s24 =	simm.s32 $0xD080;
	v3 =	vperm.xlane v3, v2  }
0x24f: {  	[hbm4b:s5+s2] =	stream.indirect_vreg.scatter [tilespmem:s24], [sflag:$0x1], $0x80, v4, vm0, $0xb8;
	[tilespmem:$0x10880] =	vst v63  }
0x250: {  	s3 =	simm.s32 $0xD880;
	v3 =	vadd.s32 v1, v3  }
0x251: {  	[hbm4b:s6+s2] =	stream.indirect_vreg.scatter [tilespmem:s3], [sflag:$0x1], $0x80, v4, vm0, $0xb8;
	[tilespmem:$0x10880] =	vst v63  }
0x252: {  	s8 =	simm.s32 $0xE080  }
0x253: {  	[hbm4b:s7+s2] =	stream.indirect_vreg.scatter [tilespmem:s8], [sflag:$0x1], $0x80, v4, vm0, $0xb8;
	[tilespmem:$0x10880] =	vst v63  }
0x254: {  	s10 =	simm.s32 $0xE880  }
0x255: {  	[hbm4b:s4+s2] =	stream.indirect_vreg.scatter [tilespmem:s10], [sflag:$0x1], $0x80, v3, vm0, $0xb8;
	[tilespmem:$0x10880] =	vst v63  }
0x256: {  	s11 =	simm.s32 $0xF080  }
0x257: {  	[hbm4b:s5+s2] =	stream.indirect_vreg.scatter [tilespmem:s11], [sflag:$0x1], $0x80, v3, vm0, $0xb8;
	[tilespmem:$0x10880] =	vst v63  }
0x258: {  	s12 =	simm.s32 $0xF880  }
0x259: {  	[hbm4b:s6+s2] =	stream.indirect_vreg.scatter [tilespmem:s12], [sflag:$0x1], $0x80, v3, vm0, $0xb8;
	[tilespmem:$0x10880] =	vst v63  }
0x25a: {  	s25 =	simm.s32 $0x10080  }
0x25b: {  	[hbm4b:s7+s2] =	stream.indirect_vreg.scatter [tilespmem:s25], [sflag:$0x1], $0x80, v3, vm0, $0xb8;
	[tilespmem:$0x10880] =	vst v63  }
0x25c: {  	_ =	swait.ge [sflag:s19], $0x10000  }
0x25d: {  	[sflag:s19] =	ssyncset.done $0x0  }
0x25e: {  	s25 =	rddreg [dreg:$0xb];
	[sflag:s19] =	ssyncadd.s32 $0xFFFF0000  }
0x25f: {  	[tilespmem:s1], [sflag:$0x2] =	stream.linear.gather [hbm4b:s25+s2], $0x10000, $0x38;
	[tilespmem:$0x10880] =	vst v63  }
0x260: {  	_ =	swait.ge [sflag:s9], $0x10000  }
0x261: {  	[sflag:s9] =	ssyncset.done $0x0  }
0x262: {  	[sflag:s9] =	ssyncadd.s32 $0xFFFF0000  }
0x263: {  	v3 =	vld [tilespmem:$0x700];
	_ =	sdelay $0x4  }
0x264: {  	v52 =	vshll.u32 v3, $0x3  }
0x265: {  	v3 =	vand.u32 $0x7, v3;
	v4 =	vand.u32 $0xFFFFFFC0, v52  }
0x266: {  	v3 =	vor.u32 v3, v4  }
0x267: {  	v4 =	vperm.xlane v3, v0;
	_ =	sdelay $0x1  }
0x268: {  	v4 =	vadd.s32 v1, v4;
	_ =	sdelay $0x4  }
0x269: {  	[hbm4b:s4+s2] =	stream.indirect_vreg.scatter [tilespmem:s1], [sflag:$0x1], $0x80, v4, vm0, $0xb8;
	[tilespmem:$0x10880] =	vst v63  }
0x26a: {  	s24 =	simm.s32 $0x1080;
	v3 =	vperm.xlane v3, v2  }
0x26b: {  	[hbm4b:s5+s2] =	stream.indirect_vreg.scatter [tilespmem:s24], [sflag:$0x1], $0x80, v4, vm0, $0xb8;
	[tilespmem:$0x10880] =	vst v63  }
0x26c: {  	s25 =	simm.s32 $0x1880;
	v3 =	vadd.s32 v1, v3  }
0x26d: {  	[hbm4b:s6+s2] =	stream.indirect_vreg.scatter [tilespmem:s25], [sflag:$0x1], $0x80, v4, vm0, $0xb8;
	[tilespmem:$0x10880] =	vst v63  }
0x26e: {  	s24 =	simm.s32 $0x2080  }
0x26f: {  	[hbm4b:s7+s2] =	stream.indirect_vreg.scatter [tilespmem:s24], [sflag:$0x1], $0x80, v4, vm0, $0xb8;
	[tilespmem:$0x10880] =	vst v63  }
0x270: {  	s24 =	simm.s32 $0x2880  }
0x271: {  	[hbm4b:s4+s2] =	stream.indirect_vreg.scatter [tilespmem:s24], [sflag:$0x1], $0x80, v3, vm0, $0xb8;
	[tilespmem:$0x10880] =	vst v63  }
0x272: {  	s24 =	simm.s32 $0x3080  }
0x273: {  	[hbm4b:s5+s2] =	stream.indirect_vreg.scatter [tilespmem:s24], [sflag:$0x1], $0x80, v3, vm0, $0xb8;
	[tilespmem:$0x10880] =	vst v63  }
0x274: {  	s24 =	simm.s32 $0x3880  }
0x275: {  	[hbm4b:s6+s2] =	stream.indirect_vreg.scatter [tilespmem:s24], [sflag:$0x1], $0x80, v3, vm0, $0xb8;
	[tilespmem:$0x10880] =	vst v63  }
0x276: {  	s24 =	simm.s32 $0x4080  }
0x277: {  	[hbm4b:s7+s2] =	stream.indirect_vreg.scatter [tilespmem:s24], [sflag:$0x1], $0x80, v3, vm0, $0xb8;
	[tilespmem:$0x10880] =	vst v63  }
0x278: {  	v3 =	vld [tilespmem:$0x710];
	_ =	sdelay $0x4  }
0x279: {  	v53 =	vshll.u32 v3, $0x3  }
0x27a: {  	v3 =	vand.u32 $0x7, v3;
	v4 =	vand.u32 $0xFFFFFFC0, v53  }
0x27b: {  	v3 =	vor.u32 v3, v4  }
0x27c: {  	v4 =	vperm.xlane v3, v0;
	_ =	sdelay $0x1  }
0x27d: {  	v4 =	vadd.s32 v1, v4;
	_ =	sdelay $0x3  }
0x27e: {  	s24 =	simm.s32 $0x4880  }
0x27f: {  	[hbm4b:s4+s2] =	stream.indirect_vreg.scatter [tilespmem:s24], [sflag:$0x1], $0x80, v4, vm0, $0xb8;
	[tilespmem:$0x10880] =	vst v63  }
0x280: {  	s22 =	simm.s32 $0x5080;
	v3 =	vperm.xlane v3, v2  }
0x281: {  	[hbm4b:s5+s2] =	stream.indirect_vreg.scatter [tilespmem:s22], [sflag:$0x1], $0x80, v4, vm0, $0xb8;
	[tilespmem:$0x10880] =	vst v63  }
0x282: {  	v3 =	vadd.s32 v1, v3;
	s22 =	simm.s32 $0x5880  }
0x283: {  	[hbm4b:s6+s2] =	stream.indirect_vreg.scatter [tilespmem:s22], [sflag:$0x1], $0x80, v4, vm0, $0xb8;
	[tilespmem:$0x10880] =	vst v63  }
0x284: {  	s24 =	simm.s32 $0x6080  }
0x285: {  	[hbm4b:s7+s2] =	stream.indirect_vreg.scatter [tilespmem:s24], [sflag:$0x1], $0x80, v4, vm0, $0xb8;
	[tilespmem:$0x10880] =	vst v63  }
0x286: {  	s26 =	simm.s32 $0x6880  }
0x287: {  	[hbm4b:s4+s2] =	stream.indirect_vreg.scatter [tilespmem:s26], [sflag:$0x1], $0x80, v3, vm0, $0xb8;
	[tilespmem:$0x10880] =	vst v63  }
0x288: {  	s14 =	simm.s32 $0x7080  }
0x289: {  	[hbm4b:s5+s2] =	stream.indirect_vreg.scatter [tilespmem:s14], [sflag:$0x1], $0x80, v3, vm0, $0xb8;
	[tilespmem:$0x10880] =	vst v63  }
0x28a: {  	s15 =	simm.s32 $0x7880  }
0x28b: {  	[hbm4b:s6+s2] =	stream.indirect_vreg.scatter [tilespmem:s15], [sflag:$0x1], $0x80, v3, vm0, $0xb8;
	[tilespmem:$0x10880] =	vst v63  }
0x28c: {  	s13 =	simm.s32 $0x8080  }
0x28d: {  	[hbm4b:s7+s2] =	stream.indirect_vreg.scatter [tilespmem:s13], [sflag:$0x1], $0x80, v3, vm0, $0xb8;
	[tilespmem:$0x10880] =	vst v63  }
0x28e: {  	v3 =	vld [tilespmem:$0x720];
	_ =	sdelay $0x4  }
0x28f: {  	v54 =	vshll.u32 v3, $0x3  }
0x290: {  	v3 =	vand.u32 $0x7, v3;
	v4 =	vand.u32 $0xFFFFFFC0, v54  }
0x291: {  	v3 =	vor.u32 v3, v4  }
0x292: {  	v4 =	vperm.xlane v3, v0;
	_ =	sdelay $0x1  }
0x293: {  	v4 =	vadd.s32 v1, v4;
	_ =	sdelay $0x3  }
0x294: {  	s30 =	simm.s32 $0x8880  }
0x295: {  	[hbm4b:s4+s2] =	stream.indirect_vreg.scatter [tilespmem:s30], [sflag:$0x1], $0x80, v4, vm0, $0xb8;
	[tilespmem:$0x10880] =	vst v63  }
0x296: {  	s28 =	simm.s32 $0x9080;
	v3 =	vperm.xlane v3, v2  }
0x297: {  	[hbm4b:s5+s2] =	stream.indirect_vreg.scatter [tilespmem:s28], [sflag:$0x1], $0x80, v4, vm0, $0xb8;
	[tilespmem:$0x10880] =	vst v63  }
0x298: {  	v3 =	vadd.s32 v1, v3;
	s30 =	simm.s32 $0x9880  }
0x299: {  	[hbm4b:s6+s2] =	stream.indirect_vreg.scatter [tilespmem:s30], [sflag:$0x1], $0x80, v4, vm0, $0xb8;
	[tilespmem:$0x10880] =	vst v63  }
0x29a: {  	s29 =	simm.s32 $0xA080  }
0x29b: {  	[hbm4b:s7+s2] =	stream.indirect_vreg.scatter [tilespmem:s29], [sflag:$0x1], $0x80, v4, vm0, $0xb8;
	[tilespmem:$0x10880] =	vst v63  }
0x29c: {  	s31 =	simm.s32 $0xA880  }
0x29d: {  	[hbm4b:s4+s2] =	stream.indirect_vreg.scatter [tilespmem:s31], [sflag:$0x1], $0x80, v3, vm0, $0xb8;
	[tilespmem:$0x10880] =	vst v63  }
0x29e: {  	s17 =	simm.s32 $0xB080  }
0x29f: {  	[hbm4b:s5+s2] =	stream.indirect_vreg.scatter [tilespmem:s17], [sflag:$0x1], $0x80, v3, vm0, $0xb8;
	[tilespmem:$0x10880] =	vst v63  }
0x2a0: {  	s16 =	simm.s32 $0xB880  }
0x2a1: {  	[hbm4b:s6+s2] =	stream.indirect_vreg.scatter [tilespmem:s16], [sflag:$0x1], $0x80, v3, vm0, $0xb8;
	[tilespmem:$0x10880] =	vst v63  }
0x2a2: {  	s18 =	simm.s32 $0xC080  }
0x2a3: {  	[hbm4b:s7+s2] =	stream.indirect_vreg.scatter [tilespmem:s18], [sflag:$0x1], $0x80, v3, vm0, $0xb8;
	[tilespmem:$0x10880] =	vst v63  }
0x2a4: {  	v3 =	vld [tilespmem:$0x730];
	_ =	sdelay $0x4  }
0x2a5: {  	v55 =	vshll.u32 v3, $0x3  }
0x2a6: {  	v3 =	vand.u32 $0x7, v3;
	v4 =	vand.u32 $0xFFFFFFC0, v55  }
0x2a7: {  	v3 =	vor.u32 v3, v4  }
0x2a8: {  	v4 =	vperm.xlane v3, v0;
	_ =	sdelay $0x1  }
0x2a9: {  	v4 =	vadd.s32 v1, v4;
	_ =	sdelay $0x3  }
0x2aa: {  	s21 =	simm.s32 $0xC880  }
0x2ab: {  	[hbm4b:s4+s2] =	stream.indirect_vreg.scatter [tilespmem:s21], [sflag:$0x1], $0x80, v4, vm0, $0xb8;
	[tilespmem:$0x10880] =	vst v63  }
0x2ac: {  	s23 =	simm.s32 $0xD080;
	v3 =	vperm.xlane v3, v2  }
0x2ad: {  	[hbm4b:s5+s2] =	stream.indirect_vreg.scatter [tilespmem:s23], [sflag:$0x1], $0x80, v4, vm0, $0xb8;
	[tilespmem:$0x10880] =	vst v63  }
0x2ae: {  	s0 =	simm.s32 $0xD880;
	v3 =	vadd.s32 v1, v3  }
0x2af: {  	[hbm4b:s6+s2] =	stream.indirect_vreg.scatter [tilespmem:s0], [sflag:$0x1], $0x80, v4, vm0, $0xb8;
	[tilespmem:$0x10880] =	vst v63  }
0x2b0: {  	s3 =	simm.s32 $0xE080  }
0x2b1: {  	[hbm4b:s7+s2] =	stream.indirect_vreg.scatter [tilespmem:s3], [sflag:$0x1], $0x80, v4, vm0, $0xb8;
	[tilespmem:$0x10880] =	vst v63  }
0x2b2: {  	s8 =	simm.s32 $0xE880  }
0x2b3: {  	[hbm4b:s4+s2] =	stream.indirect_vreg.scatter [tilespmem:s8], [sflag:$0x1], $0x80, v3, vm0, $0xb8;
	[tilespmem:$0x10880] =	vst v63  }
0x2b4: {  	s10 =	simm.s32 $0xF080  }
0x2b5: {  	[hbm4b:s5+s2] =	stream.indirect_vreg.scatter [tilespmem:s10], [sflag:$0x1], $0x80, v3, vm0, $0xb8;
	[tilespmem:$0x10880] =	vst v63  }
0x2b6: {  	s11 =	simm.s32 $0xF880  }
0x2b7: {  	[hbm4b:s6+s2] =	stream.indirect_vreg.scatter [tilespmem:s11], [sflag:$0x1], $0x80, v3, vm0, $0xb8;
	[tilespmem:$0x10880] =	vst v63  }
0x2b8: {  	s12 =	simm.s32 $0x10080  }
0x2b9: {  	[hbm4b:s7+s2] =	stream.indirect_vreg.scatter [tilespmem:s12], [sflag:$0x1], $0x80, v3, vm0, $0xb8;
	[tilespmem:$0x10880] =	vst v63  }
0x2ba: {  	_ =	swait.ge [sflag:s19], $0x10000  }
0x2bb: {  	[sflag:s19] =	ssyncset.done $0x0  }
0x2bc: {  	s18 =	rddreg [dreg:$0xc];
	[sflag:s19] =	ssyncadd.s32 $0xFFFF0000  }
0x2bd: {  	[tilespmem:s1], [sflag:$0x2] =	stream.linear.gather [hbm4b:s18+s2], $0x10000, $0x38;
	[tilespmem:$0x10880] =	vst v63  }
0x2be: {  	_ =	swait.ge [sflag:s9], $0x10000  }
0x2bf: {  	[sflag:s9] =	ssyncset.done $0x0  }
0x2c0: {  	[sflag:s9] =	ssyncadd.s32 $0xFFFF0000  }
0x2c1: {  	v3 =	vld [tilespmem:$0x780];
	_ =	sdelay $0x4  }
0x2c2: {  	v56 =	vshll.u32 v3, $0x3  }
0x2c3: {  	v3 =	vand.u32 $0x7, v3;
	v4 =	vand.u32 $0xFFFFFFC0, v56  }
0x2c4: {  	v3 =	vor.u32 v3, v4  }
0x2c5: {  	v4 =	vperm.xlane v3, v0;
	_ =	sdelay $0x1  }
0x2c6: {  	v4 =	vadd.s32 v1, v4;
	_ =	sdelay $0x4  }
0x2c7: {  	[hbm4b:s4+s2] =	stream.indirect_vreg.scatter [tilespmem:s1], [sflag:$0x1], $0x80, v4, vm0, $0xb8;
	[tilespmem:$0x10880] =	vst v63  }
0x2c8: {  	s20 =	simm.s32 $0x1080;
	v3 =	vperm.xlane v3, v2  }
0x2c9: {  	[hbm4b:s5+s2] =	stream.indirect_vreg.scatter [tilespmem:s20], [sflag:$0x1], $0x80, v4, vm0, $0xb8;
	[tilespmem:$0x10880] =	vst v63  }
0x2ca: {  	s25 =	simm.s32 $0x1880;
	v3 =	vadd.s32 v1, v3  }
0x2cb: {  	[hbm4b:s6+s2] =	stream.indirect_vreg.scatter [tilespmem:s25], [sflag:$0x1], $0x80, v4, vm0, $0xb8;
	[tilespmem:$0x10880] =	vst v63  }
0x2cc: {  	s21 =	simm.s32 $0x2080  }
0x2cd: {  	[hbm4b:s7+s2] =	stream.indirect_vreg.scatter [tilespmem:s21], [sflag:$0x1], $0x80, v4, vm0, $0xb8;
	[tilespmem:$0x10880] =	vst v63  }
0x2ce: {  	s23 =	simm.s32 $0x2880  }
0x2cf: {  	[hbm4b:s4+s2] =	stream.indirect_vreg.scatter [tilespmem:s23], [sflag:$0x1], $0x80, v3, vm0, $0xb8;
	[tilespmem:$0x10880] =	vst v63  }
0x2d0: {  	s25 =	simm.s32 $0x3080  }
0x2d1: {  	[hbm4b:s5+s2] =	stream.indirect_vreg.scatter [tilespmem:s25], [sflag:$0x1], $0x80, v3, vm0, $0xb8;
	[tilespmem:$0x10880] =	vst v63  }
0x2d2: {  	s17 =	simm.s32 $0x3880  }
0x2d3: {  	[hbm4b:s6+s2] =	stream.indirect_vreg.scatter [tilespmem:s17], [sflag:$0x1], $0x80, v3, vm0, $0xb8;
	[tilespmem:$0x10880] =	vst v63  }
0x2d4: {  	s18 =	simm.s32 $0x4080  }
0x2d5: {  	[hbm4b:s7+s2] =	stream.indirect_vreg.scatter [tilespmem:s18], [sflag:$0x1], $0x80, v3, vm0, $0xb8;
	[tilespmem:$0x10880] =	vst v63  }
0x2d6: {  	v3 =	vld [tilespmem:$0x790];
	_ =	sdelay $0x4  }
0x2d7: {  	v57 =	vshll.u32 v3, $0x3  }
0x2d8: {  	v3 =	vand.u32 $0x7, v3;
	v4 =	vand.u32 $0xFFFFFFC0, v57  }
0x2d9: {  	v3 =	vor.u32 v3, v4  }
0x2da: {  	v4 =	vperm.xlane v3, v0;
	_ =	sdelay $0x1  }
0x2db: {  	v4 =	vadd.s32 v1, v4;
	_ =	sdelay $0x3  }
0x2dc: {  	s20 =	simm.s32 $0x4880  }
0x2dd: {  	[hbm4b:s4+s2] =	stream.indirect_vreg.scatter [tilespmem:s20], [sflag:$0x1], $0x80, v4, vm0, $0xb8;
	[tilespmem:$0x10880] =	vst v63  }
0x2de: {  	s21 =	simm.s32 $0x5080;
	v3 =	vperm.xlane v3, v2  }
0x2df: {  	[hbm4b:s5+s2] =	stream.indirect_vreg.scatter [tilespmem:s21], [sflag:$0x1], $0x80, v4, vm0, $0xb8;
	[tilespmem:$0x10880] =	vst v63  }
0x2e0: {  	s23 =	simm.s32 $0x5880;
	v3 =	vadd.s32 v1, v3  }
0x2e1: {  	[hbm4b:s6+s2] =	stream.indirect_vreg.scatter [tilespmem:s23], [sflag:$0x1], $0x80, v4, vm0, $0xb8;
	[tilespmem:$0x10880] =	vst v63  }
0x2e2: {  	s22 =	simm.s32 $0x6080  }
0x2e3: {  	[hbm4b:s7+s2] =	stream.indirect_vreg.scatter [tilespmem:s22], [sflag:$0x1], $0x80, v4, vm0, $0xb8;
	[tilespmem:$0x10880] =	vst v63  }
0x2e4: {  	s24 =	simm.s32 $0x6880  }
0x2e5: {  	[hbm4b:s4+s2] =	stream.indirect_vreg.scatter [tilespmem:s24], [sflag:$0x1], $0x80, v3, vm0, $0xb8;
	[tilespmem:$0x10880] =	vst v63  }
0x2e6: {  	s24 =	simm.s32 $0x7080  }
0x2e7: {  	[hbm4b:s5+s2] =	stream.indirect_vreg.scatter [tilespmem:s24], [sflag:$0x1], $0x80, v3, vm0, $0xb8;
	[tilespmem:$0x10880] =	vst v63  }
0x2e8: {  	s15 =	simm.s32 $0x7880  }
0x2e9: {  	[hbm4b:s6+s2] =	stream.indirect_vreg.scatter [tilespmem:s15], [sflag:$0x1], $0x80, v3, vm0, $0xb8;
	[tilespmem:$0x10880] =	vst v63  }
0x2ea: {  	s13 =	simm.s32 $0x8080  }
0x2eb: {  	[hbm4b:s7+s2] =	stream.indirect_vreg.scatter [tilespmem:s13], [sflag:$0x1], $0x80, v3, vm0, $0xb8;
	[tilespmem:$0x10880] =	vst v63  }
0x2ec: {  	v3 =	vld [tilespmem:$0x7A0];
	_ =	sdelay $0x4  }
0x2ed: {  	v58 =	vshll.u32 v3, $0x3  }
0x2ee: {  	v3 =	vand.u32 $0x7, v3;
	v4 =	vand.u32 $0xFFFFFFC0, v58  }
0x2ef: {  	v3 =	vor.u32 v3, v4  }
0x2f0: {  	v4 =	vperm.xlane v3, v0;
	_ =	sdelay $0x1  }
0x2f1: {  	v4 =	vadd.s32 v1, v4;
	_ =	sdelay $0x3  }
0x2f2: {  	s26 =	simm.s32 $0x8880  }
0x2f3: {  	[hbm4b:s4+s2] =	stream.indirect_vreg.scatter [tilespmem:s26], [sflag:$0x1], $0x80, v4, vm0, $0xb8;
	[tilespmem:$0x10880] =	vst v63  }
0x2f4: {  	v3 =	vperm.xlane v3, v2;
	s26 =	simm.s32 $0x9080  }
0x2f5: {  	[hbm4b:s5+s2] =	stream.indirect_vreg.scatter [tilespmem:s26], [sflag:$0x1], $0x80, v4, vm0, $0xb8;
	[tilespmem:$0x10880] =	vst v63  }
0x2f6: {  	s28 =	simm.s32 $0x9880;
	v3 =	vadd.s32 v1, v3  }
0x2f7: {  	[hbm4b:s6+s2] =	stream.indirect_vreg.scatter [tilespmem:s28], [sflag:$0x1], $0x80, v4, vm0, $0xb8;
	[tilespmem:$0x10880] =	vst v63  }
0x2f8: {  	s29 =	simm.s32 $0xA080  }
0x2f9: {  	[hbm4b:s7+s2] =	stream.indirect_vreg.scatter [tilespmem:s29], [sflag:$0x1], $0x80, v4, vm0, $0xb8;
	[tilespmem:$0x10880] =	vst v63  }
0x2fa: {  	s30 =	simm.s32 $0xA880  }
0x2fb: {  	[hbm4b:s4+s2] =	stream.indirect_vreg.scatter [tilespmem:s30], [sflag:$0x1], $0x80, v3, vm0, $0xb8;
	[tilespmem:$0x10880] =	vst v63  }
0x2fc: {  	s15 =	simm.s32 $0xB080  }
0x2fd: {  	[hbm4b:s5+s2] =	stream.indirect_vreg.scatter [tilespmem:s15], [sflag:$0x1], $0x80, v3, vm0, $0xb8;
	[tilespmem:$0x10880] =	vst v63  }
0x2fe: {  	s16 =	simm.s32 $0xB880  }
0x2ff: {  	[hbm4b:s6+s2] =	stream.indirect_vreg.scatter [tilespmem:s16], [sflag:$0x1], $0x80, v3, vm0, $0xb8;
	[tilespmem:$0x10880] =	vst v63  }
0x300: {  	s16 =	simm.s32 $0xC080  }
0x301: {  	[hbm4b:s7+s2] =	stream.indirect_vreg.scatter [tilespmem:s16], [sflag:$0x1], $0x80, v3, vm0, $0xb8;
	[tilespmem:$0x10880] =	vst v63  }
0x302: {  	v3 =	vld [tilespmem:$0x7B0];
	_ =	sdelay $0x4  }
0x303: {  	v59 =	vshll.u32 v3, $0x3  }
0x304: {  	v3 =	vand.u32 $0x7, v3;
	v4 =	vand.u32 $0xFFFFFFC0, v59  }
0x305: {  	v3 =	vor.u32 v3, v4  }
0x306: {  	v4 =	vperm.xlane v3, v0;
	_ =	sdelay $0x1  }
0x307: {  	v4 =	vadd.s32 v1, v4;
	_ =	sdelay $0x3  }
0x308: {  	s20 =	simm.s32 $0xC880  }
0x309: {  	[hbm4b:s4+s2] =	stream.indirect_vreg.scatter [tilespmem:s20], [sflag:$0x1], $0x80, v4, vm0, $0xb8;
	[tilespmem:$0x10880] =	vst v63  }
0x30a: {  	s16 =	simm.s32 $0xD080;
	v3 =	vperm.xlane v3, v2  }
0x30b: {  	[hbm4b:s5+s2] =	stream.indirect_vreg.scatter [tilespmem:s16], [sflag:$0x1], $0x80, v4, vm0, $0xb8;
	[tilespmem:$0x10880] =	vst v63  }
0x30c: {  	s31 =	simm.s32 $0xD880;
	v3 =	vadd.s32 v1, v3  }
0x30d: {  	[hbm4b:s6+s2] =	stream.indirect_vreg.scatter [tilespmem:s31], [sflag:$0x1], $0x80, v4, vm0, $0xb8;
	[tilespmem:$0x10880] =	vst v63  }
0x30e: {  	s3 =	simm.s32 $0xE080  }
0x30f: {  	[hbm4b:s7+s2] =	stream.indirect_vreg.scatter [tilespmem:s3], [sflag:$0x1], $0x80, v4, vm0, $0xb8;
	[tilespmem:$0x10880] =	vst v63  }
0x310: {  	s8 =	simm.s32 $0xE880  }
0x311: {  	[hbm4b:s4+s2] =	stream.indirect_vreg.scatter [tilespmem:s8], [sflag:$0x1], $0x80, v3, vm0, $0xb8;
	[tilespmem:$0x10880] =	vst v63  }
0x312: {  	s10 =	simm.s32 $0xF080  }
0x313: {  	[hbm4b:s5+s2] =	stream.indirect_vreg.scatter [tilespmem:s10], [sflag:$0x1], $0x80, v3, vm0, $0xb8;
	[tilespmem:$0x10880] =	vst v63  }
0x314: {  	s11 =	simm.s32 $0xF880  }
0x315: {  	[hbm4b:s6+s2] =	stream.indirect_vreg.scatter [tilespmem:s11], [sflag:$0x1], $0x80, v3, vm0, $0xb8;
	[tilespmem:$0x10880] =	vst v63  }
0x316: {  	s20 =	simm.s32 $0x10080  }
0x317: {  	[hbm4b:s7+s2] =	stream.indirect_vreg.scatter [tilespmem:s20], [sflag:$0x1], $0x80, v3, vm0, $0xb8;
	[tilespmem:$0x10880] =	vst v63  }
0x318: {  	_ =	swait.ge [sflag:s19], $0x10000  }
0x319: {  	[sflag:s19] =	ssyncset.done $0x0  }
0x31a: {  	s31 =	rddreg [dreg:$0xd];
	[sflag:s19] =	ssyncadd.s32 $0xFFFF0000  }
0x31b: {  	[tilespmem:s1], [sflag:$0x2] =	stream.linear.gather [hbm4b:s31+s2], $0x10000, $0x38;
	[tilespmem:$0x10880] =	vst v63  }
0x31c: {  	_ =	swait.ge [sflag:s9], $0x10000  }
0x31d: {  	[sflag:s9] =	ssyncset.done $0x0  }
0x31e: {  	[sflag:s9] =	ssyncadd.s32 $0xFFFF0000  }
0x31f: {  	v3 =	vld [tilespmem:$0x800];
	_ =	sdelay $0x4  }
0x320: {  	v60 =	vshll.u32 v3, $0x3  }
0x321: {  	v3 =	vand.u32 $0x7, v3;
	v4 =	vand.u32 $0xFFFFFFC0, v60  }
0x322: {  	v3 =	vor.u32 v3, v4  }
0x323: {  	v4 =	vperm.xlane v3, v0;
	_ =	sdelay $0x1  }
0x324: {  	v4 =	vadd.s32 v1, v4;
	_ =	sdelay $0x4  }
0x325: {  	[hbm4b:s4+s2] =	stream.indirect_vreg.scatter [tilespmem:s1], [sflag:$0x1], $0x80, v4, vm0, $0xb8;
	[tilespmem:$0x10880] =	vst v63  }
0x326: {  	s31 =	simm.s32 $0x1080;
	v3 =	vperm.xlane v3, v2  }
0x327: {  	[hbm4b:s5+s2] =	stream.indirect_vreg.scatter [tilespmem:s31], [sflag:$0x1], $0x80, v4, vm0, $0xb8;
	[tilespmem:$0x10880] =	vst v63  }
0x328: {  	s0 =	simm.s32 $0x1880;
	v3 =	vadd.s32 v1, v3  }
0x329: {  	[hbm4b:s6+s2] =	stream.indirect_vreg.scatter [tilespmem:s0], [sflag:$0x1], $0x80, v4, vm0, $0xb8;
	[tilespmem:$0x10880] =	vst v63  }
0x32a: {  	s14 =	simm.s32 $0x2080  }
0x32b: {  	[hbm4b:s7+s2] =	stream.indirect_vreg.scatter [tilespmem:s14], [sflag:$0x1], $0x80, v4, vm0, $0xb8;
	[tilespmem:$0x10880] =	vst v63  }
0x32c: {  	s20 =	simm.s32 $0x2880  }
0x32d: {  	[hbm4b:s4+s2] =	stream.indirect_vreg.scatter [tilespmem:s20], [sflag:$0x1], $0x80, v3, vm0, $0xb8;
	[tilespmem:$0x10880] =	vst v63  }
0x32e: {  	s31 =	simm.s32 $0x3080  }
0x32f: {  	[hbm4b:s5+s2] =	stream.indirect_vreg.scatter [tilespmem:s31], [sflag:$0x1], $0x80, v3, vm0, $0xb8;
	[tilespmem:$0x10880] =	vst v63  }
0x330: {  	s1 =	simm.s32 $0x3880  }
0x331: {  	[hbm4b:s6+s2] =	stream.indirect_vreg.scatter [tilespmem:s1], [sflag:$0x1], $0x80, v3, vm0, $0xb8;
	[tilespmem:$0x10880] =	vst v63  }
0x332: {  	s14 =	simm.s32 $0x4080  }
0x333: {  	[hbm4b:s7+s2] =	stream.indirect_vreg.scatter [tilespmem:s14], [sflag:$0x1], $0x80, v3, vm0, $0xb8;
	[tilespmem:$0x10880] =	vst v63  }
0x334: {  	v3 =	vld [tilespmem:$0x810];
	_ =	sdelay $0x4  }
0x335: {  	v61 =	vshll.u32 v3, $0x3  }
0x336: {  	v3 =	vand.u32 $0x7, v3;
	v4 =	vand.u32 $0xFFFFFFC0, v61  }
0x337: {  	v3 =	vor.u32 v3, v4  }
0x338: {  	v4 =	vperm.xlane v3, v0;
	_ =	sdelay $0x1  }
0x339: {  	v4 =	vadd.s32 v1, v4;
	_ =	sdelay $0x3  }
0x33a: {  	s20 =	simm.s32 $0x4880  }
0x33b: {  	[hbm4b:s4+s2] =	stream.indirect_vreg.scatter [tilespmem:s20], [sflag:$0x1], $0x80, v4, vm0, $0xb8;
	[tilespmem:$0x10880] =	vst v63  }
0x33c: {  	s25 =	simm.s32 $0x5080;
	v3 =	vperm.xlane v3, v2  }
0x33d: {  	[hbm4b:s5+s2] =	stream.indirect_vreg.scatter [tilespmem:s25], [sflag:$0x1], $0x80, v4, vm0, $0xb8;
	[tilespmem:$0x10880] =	vst v63  }
0x33e: {  	v3 =	vadd.s32 v1, v3;
	s25 =	simm.s32 $0x5880  }
0x33f: {  	[hbm4b:s6+s2] =	stream.indirect_vreg.scatter [tilespmem:s25], [sflag:$0x1], $0x80, v4, vm0, $0xb8;
	[tilespmem:$0x10880] =	vst v63  }
0x340: {  	s12 =	simm.s32 $0x6080  }
0x341: {  	[hbm4b:s7+s2] =	stream.indirect_vreg.scatter [tilespmem:s12], [sflag:$0x1], $0x80, v4, vm0, $0xb8;
	[tilespmem:$0x10880] =	vst v63  }
0x342: {  	s21 =	simm.s32 $0x6880  }
0x343: {  	[hbm4b:s4+s2] =	stream.indirect_vreg.scatter [tilespmem:s21], [sflag:$0x1], $0x80, v3, vm0, $0xb8;
	[tilespmem:$0x10880] =	vst v63  }
0x344: {  	s18 =	simm.s32 $0x7080  }
0x345: {  	[hbm4b:s5+s2] =	stream.indirect_vreg.scatter [tilespmem:s18], [sflag:$0x1], $0x80, v3, vm0, $0xb8;
	[tilespmem:$0x10880] =	vst v63  }
0x346: {  	s24 =	simm.s32 $0x7880  }
0x347: {  	[hbm4b:s6+s2] =	stream.indirect_vreg.scatter [tilespmem:s24], [sflag:$0x1], $0x80, v3, vm0, $0xb8;
	[tilespmem:$0x10880] =	vst v63  }
0x348: {  	s22 =	simm.s32 $0x8080  }
0x349: {  	[hbm4b:s7+s2] =	stream.indirect_vreg.scatter [tilespmem:s22], [sflag:$0x1], $0x80, v3, vm0, $0xb8;
	[tilespmem:$0x10880] =	vst v63  }
0x34a: {  	v3 =	vld [tilespmem:$0x820];
	_ =	sdelay $0x4  }
0x34b: {  	v62 =	vshll.u32 v3, $0x3  }
0x34c: {  	v3 =	vand.u32 $0x7, v3;
	v4 =	vand.u32 $0xFFFFFFC0, v62  }
0x34d: {  	v3 =	vor.u32 v3, v4  }
0x34e: {  	v4 =	vperm.xlane v3, v0;
	_ =	sdelay $0x1  }
0x34f: {  	v4 =	vadd.s32 v1, v4;
	_ =	sdelay $0x3  }
0x350: {  	s17 =	simm.s32 $0x8880  }
0x351: {  	[hbm4b:s4+s2] =	stream.indirect_vreg.scatter [tilespmem:s17], [sflag:$0x1], $0x80, v4, vm0, $0xb8;
	[tilespmem:$0x10880] =	vst v63  }
0x352: {  	s23 =	simm.s32 $0x9080;
	v3 =	vperm.xlane v3, v2  }
0x353: {  	[hbm4b:s5+s2] =	stream.indirect_vreg.scatter [tilespmem:s23], [sflag:$0x1], $0x80, v4, vm0, $0xb8;
	[tilespmem:$0x10880] =	vst v63  }
0x354: {  	s26 =	simm.s32 $0x9880;
	v3 =	vadd.s32 v1, v3  }
0x355: {  	[hbm4b:s6+s2] =	stream.indirect_vreg.scatter [tilespmem:s26], [sflag:$0x1], $0x80, v4, vm0, $0xb8;
	[tilespmem:$0x10880] =	vst v63  }
0x356: {  	s28 =	simm.s32 $0xA080  }
0x357: {  	[hbm4b:s7+s2] =	stream.indirect_vreg.scatter [tilespmem:s28], [sflag:$0x1], $0x80, v4, vm0, $0xb8;
	[tilespmem:$0x10880] =	vst v63  }
0x358: {  	s29 =	simm.s32 $0xA880  }
0x359: {  	[hbm4b:s4+s2] =	stream.indirect_vreg.scatter [tilespmem:s29], [sflag:$0x1], $0x80, v3, vm0, $0xb8;
	[tilespmem:$0x10880] =	vst v63  }
0x35a: {  	s30 =	simm.s32 $0xB080  }
0x35b: {  	[hbm4b:s5+s2] =	stream.indirect_vreg.scatter [tilespmem:s30], [sflag:$0x1], $0x80, v3, vm0, $0xb8;
	[tilespmem:$0x10880] =	vst v63  }
0x35c: {  	s15 =	simm.s32 $0xB880  }
0x35d: {  	[hbm4b:s6+s2] =	stream.indirect_vreg.scatter [tilespmem:s15], [sflag:$0x1], $0x80, v3, vm0, $0xb8;
	[tilespmem:$0x10880] =	vst v63  }
0x35e: {  	s28 =	simm.s32 $0xC080  }
0x35f: {  	[hbm4b:s7+s2] =	stream.indirect_vreg.scatter [tilespmem:s28], [sflag:$0x1], $0x80, v3, vm0, $0xb8;
	[tilespmem:$0x10880] =	vst v63  }
0x360: {  	v3 =	vld [tilespmem:$0x830];
	_ =	sdelay $0x4  }
0x361: {  	v63 =	vshll.u32 v3, $0x3  }
0x362: {  	v3 =	vand.u32 $0x7, v3;
	v4 =	vand.u32 $0xFFFFFFC0, v63  }
0x363: {  	v3 =	vor.u32 v3, v4  }
0x364: {  	v4 =	vperm.xlane v3, v0;
	_ =	sdelay $0x1  }
0x365: {  	v4 =	vadd.s32 v1, v4;
	_ =	sdelay $0x3  }
0x366: {  	s29 =	simm.s32 $0xC880  }
0x367: {  	[hbm4b:s4+s2] =	stream.indirect_vreg.scatter [tilespmem:s29], [sflag:$0x1], $0x80, v4, vm0, $0xb8;
	[tilespmem:$0x10880] =	vst v63  }
0x368: {  	s30 =	simm.s32 $0xD080;
	v3 =	vperm.xlane v3, v2  }
0x369: {  	[hbm4b:s5+s2] =	stream.indirect_vreg.scatter [tilespmem:s30], [sflag:$0x1], $0x80, v4, vm0, $0xb8;
	[tilespmem:$0x10880] =	vst v63  }
0x36a: {  	s16 =	simm.s32 $0xD880;
	v3 =	vadd.s32 v1, v3  }
0x36b: {  	[hbm4b:s6+s2] =	stream.indirect_vreg.scatter [tilespmem:s16], [sflag:$0x1], $0x80, v4, vm0, $0xb8;
	[tilespmem:$0x10880] =	vst v63  }
0x36c: {  	s13 =	simm.s32 $0xE080  }
0x36d: {  	[hbm4b:s7+s2] =	stream.indirect_vreg.scatter [tilespmem:s13], [sflag:$0x1], $0x80, v4, vm0, $0xb8;
	[tilespmem:$0x10880] =	vst v63  }
0x36e: {  	s3 =	simm.s32 $0xE880  }
0x36f: {  	[hbm4b:s4+s2] =	stream.indirect_vreg.scatter [tilespmem:s3], [sflag:$0x1], $0x80, v3, vm0, $0xb8;
	[tilespmem:$0x10880] =	vst v63  }
0x370: {  	s8 =	simm.s32 $0xF080;
	s31 =	rddreg [dreg:$0x12]  }
0x371: {  	[hbm4b:s5+s2] =	stream.indirect_vreg.scatter [tilespmem:s8], [sflag:$0x1], $0x80, v3, vm0, $0xb8;
	[tilespmem:$0x10880] =	vst v63  }
0x372: {  	s10 =	simm.s32 $0xF880;
	p0 =	sne.s32 s31, $0x1  }
0x373: {  	[hbm4b:s6+s2] =	stream.indirect_vreg.scatter [tilespmem:s10], [sflag:$0x1], $0x80, v3, vm0, $0xb8;
	[tilespmem:$0x10880] =	vst v63  }
.Ltmp0:
0x374: {  	s11 =	simm.s32 $0x10080;
	(pc) =	sbr.rel @p0 .LBB2_1-.Ltmp0, $4  }
0x375: {  	[hbm4b:s7+s2] =	stream.indirect_vreg.scatter [tilespmem:s11], [sflag:$0x1], $0x80, v3, vm0, $0xb8;
	[tilespmem:$0x10880] =	vst v63  }
0x376: {  	_ =	swait.ge [sflag:s19], $0x10000  }
0x377: {  	[sflag:s19] =	ssyncset.done $0x0  }
0x378: {  	s1 =	sadd.s32 $0xFFFFFFFF, s31;
	[sflag:s19] =	ssyncadd.s32 $0xFFFF0000  }
0x379: {  	_ =	sfence.sel $0x180000  }
0x37a: {  	[bflag:$0x0] =	sbarrier.arrive $0xFFFF  }
0x37b: {  	_ =	strace $0x90000047  }
0x37c: {  	s0 =	stileid.u32;
	[bflag:$0x2] =	sbarrier.arrive $0xFFFF  }
0x37d: {  	p0 =	sne.s32 s0, $0x0;
	s0 =	rddreg [dreg:$0x2]  }
0x37e: {  	s0 =	sadd.s32 @!p0 $0x100000, s0  }
0x37f: {  	[sflag:s0] =	ssyncadd.tile.s32 @!p0 $0x1;
	_ =	shalt  }
.Lfunc_end2:
_tile_overlayer_lowered:
.L_overlay_start_2:
0x380: {  	(tag) =	ssettag $0x2  }
0x381: {  	s0 =	rddreg [dreg:$0x0];
	s2 =	stileid.u32  }
0x382: {  	s1 =	rddreg [dreg:$0x1];
	p0 =	sne.s32 s2, $0x0  }
0x383: {  	s3 =	rddreg [dreg:$0x2];
	[bflag:$0x3] =	sbarrier.arrive $0xFFFF;
	s2 =	simm.s32 @!p0 $0x1C02  }
0x384: {  	[timem:s3], [sflag:s2] =	dma.local @!p0 [hbm:s0], s1  }
0x385: {  	s0 =	simm.s32 @!p0 $0x2  }
0x386: {  	_ =	swait.ge @!p0 [sflag:s0], s1  }
0x387: {  	s1 =	ssub.s32 @!p0 $0x0, s1;
	[sflag:s0] =	ssyncset.done @!p0 $0x0  }
0x388: {  	[sflag:s0] =	ssyncadd.s32 @!p0 s1  }
0x389: {  	[bflag:$0x3] =	sbarrier.arrive $0xFFFF  }
0x38a: {  	_ =	shalt  }

</sc_bundles>
